<compile_context>
chip_gen: v7x
topology: tpu7x:2x2x1
jax: 0.10.2.dev20260603
libtpu: 0.0.44.dev20260713+nightly
codegen_flags: <defaults>
</compile_context>

<pallas_src>
import functools

import jax
import jax.numpy as jnp
from jax import lax
from jax.experimental import pallas as pl
from jax.experimental.pallas import tpu as pltpu
from jax.experimental.pallas import tpu_sc as plsc

_NC = 2
_NS = 16
_NW = _NC * _NS
_RB = 8


def kernel(token_ids, W):
    B, S = token_ids.shape
    dim = W.shape[1]
    padded = _gather_padded(token_ids, W)
    return padded[:, :S, :dim]


def _gather_padded(token_ids, W):
    B, S = token_ids.shape
    dim = W.shape[1]
    ps = -(-S // 8) * 8
    pd = 128
    rows_per_w = B // _NW
    rounds = rows_per_w // _RB

    mesh = plsc.VectorSubcoreMesh(core_axis_name="c", subcore_axis_name="s")

    @functools.partial(
        pl.kernel,
        mesh=mesh,
        out_type=jax.ShapeDtypeStruct((B, ps, pd), W.dtype),
        scratch_types=[
            pltpu.VMEM((rows_per_w * S // 100, 100), jnp.int32),
            pltpu.VMEM((_RB * S, dim), jnp.float32),
            pltpu.VMEM((_RB * S, dim), jnp.float32),
            pltpu.VMEM((_RB * S, dim), jnp.float32),
            pltpu.VMEM((_RB * S, dim), jnp.float32),
            pltpu.SemaphoreType.DMA,
            pltpu.SemaphoreType.DMA,
            pltpu.SemaphoreType.DMA,
            pltpu.SemaphoreType.DMA,
            pltpu.SemaphoreType.DMA,
            pltpu.SemaphoreType.DMA,
            pltpu.SemaphoreType.DMA,
            pltpu.SemaphoreType.DMA,
        ],
        compiler_params=pltpu.CompilerParams(use_tc_tiling_on_sc=False),
    )
    def gather_kernel(w_hbm, i_hbm, o_hbm, idx_v,
                      bufa0, bufa1, bufb0, bufb1,
                      gsa0, gsa1, gsb0, gsb1, wsa0, wsa1, wsb0, wsb1):
        wid = lax.axis_index("s") * _NC + lax.axis_index("c")
        base = wid * rows_per_w
        idx_rows = rows_per_w * S // 100
        pltpu.sync_copy(i_hbm.at[pl.ds(wid * idx_rows, idx_rows)], idx_v)

        half_rounds = rounds // 2
        spr = _RB * S // 100
        pipes = (
            dict(bufs=(bufa0, bufa1), gs=(gsa0, gsa1), ws=(wsa0, wsa1),
                 row0=base, idx0=0),
            dict(bufs=(bufb0, bufb1), gs=(gsb0, gsb1), ws=(wsb0, wsb1),
                 row0=base + half_rounds * _RB, idx0=half_rounds * spr),
        )

        def fire(p, r, slot):
            pp = pipes[p]
            for k in range(spr):
                pltpu.async_copy(
                    w_hbm.at[idx_v.at[pp["idx0"] + r * spr + k]],
                    pp["bufs"][slot].at[pl.ds(k * 100, 100)],
                    pp["gs"][slot],
                )

        def drain_g(p, slot):
            pp = pipes[p]
            pltpu.make_async_copy(
                w_hbm.at[pl.ds(0, _RB * S)], pp["bufs"][slot], pp["gs"][slot]
            ).wait()

        def start_wb(p, r, slot):
            pp = pipes[p]
            for b in range(_RB):
                pltpu.async_copy(
                    pp["bufs"][slot].at[pl.ds(b * S, S)],
                    o_hbm.at[pp["row0"] + r * _RB + b,
                             pl.ds(0, S), pl.ds(0, dim)],
                    pp["ws"][slot],
                )

        def drain_wb(p, slot):
            pp = pipes[p]
            pltpu.make_async_copy(
                w_hbm.at[pl.ds(0, _RB * S)], pp["bufs"][slot], pp["ws"][slot]
            ).wait()

        for p in (0, 1):
            fire(p, 0, 0)
        for p in (0, 1):
            drain_g(p, 0)
            fire(p, 1, 1)
            start_wb(p, 0, 0)
        for p in (0, 1):
            drain_g(p, 1)
            drain_wb(p, 0)
            fire(p, 2, 0)
            start_wb(p, 1, 1)

        @pl.loop(2, half_rounds - 2, step=2)
        def _(j):
            for p in (0, 1):
                drain_g(p, 0)
                drain_wb(p, 1)
                fire(p, j + 1, 1)
                start_wb(p, j, 0)
            for p in (0, 1):
                drain_g(p, 1)
                drain_wb(p, 0)
                fire(p, j + 2, 0)
                start_wb(p, j + 1, 1)

        for p in (0, 1):
            drain_g(p, 0)
            drain_wb(p, 1)
            fire(p, half_rounds - 1, 1)
            start_wb(p, half_rounds - 2, 0)
        for p in (0, 1):
            drain_g(p, 1)
            drain_wb(p, 0)
            start_wb(p, half_rounds - 1, 1)
            drain_wb(p, 1)

    return gather_kernel(W, token_ids.reshape(B * S // 100, 100))

# --- scband reference (transcript-rebuilt; emitter-appended) ---
"""Pipeline reference for scband-embedding-57397942943860 (READ-ONLY COPY).

The authoritative reference and input builder live on the scoring server;
editing this copy changes nothing except your own understanding.
"""

import jax, jax.numpy as jnp
import numpy as np

NUM_EMBEDDINGS = 100000
EMBEDDING_DIM = 64

def setup_inputs(seed: int = 0) -> dict:
    key = jax.random.key(seed)
    k1, k2 = jax.random.split(key)
    token_ids = jax.random.randint(k1, (4096, 50), 0, NUM_EMBEDDINGS, dtype=jnp.int64 if jax.config.read('jax_enable_x64') else jnp.int32)
    # truncated normal init, mean=0, std=1, a=-3, b=3
    W = jax.random.truncated_normal(k2, -3.0, 3.0, (NUM_EMBEDDINGS, EMBEDDING_DIM), dtype=jnp.float32)
    return {"token_ids": token_ids, "W": W}

def reference(token_ids, W):
    # Faithful translation of: return self.W[token_ids]
    return jnp.take(W, token_ids, axis=0)

if __name__ == "__main__":
    import jax
    _d = setup_inputs()
    print(jax.jit(kernel)(*tuple(_d.values())))

</pallas_src>

<mosaic_0001>
#map = affine_map<(d0, d1) -> (0, 0)>
#map1 = affine_map<(d0, d1) -> (0, 0, 0)>
module attributes {stable_mosaic.version = 14 : i64} {
  func.func @gather_kernel(%arg0: i32, %arg1: i32, %arg2: memref<100000x64xf32, #tpu.memory_space<hbm>>, %arg3: memref<2048x100xi32, #tpu.memory_space<hbm>>, %arg4: memref<4096x56x128xf32, #tpu.memory_space<hbm>>, %arg5: memref<64x100xi32, #tpu.memory_space<vmem>>, %arg6: memref<400x64xf32, #tpu.memory_space<vmem>>, %arg7: memref<400x64xf32, #tpu.memory_space<vmem>>, %arg8: memref<400x64xf32, #tpu.memory_space<vmem>>, %arg9: memref<400x64xf32, #tpu.memory_space<vmem>>, %arg10: memref<!tpu.dma_semaphore, #tpu.memory_space<semaphore_mem>>, %arg11: memref<!tpu.dma_semaphore, #tpu.memory_space<semaphore_mem>>, %arg12: memref<!tpu.dma_semaphore, #tpu.memory_space<semaphore_mem>>, %arg13: memref<!tpu.dma_semaphore, #tpu.memory_space<semaphore_mem>>, %arg14: memref<!tpu.dma_semaphore, #tpu.memory_space<semaphore_mem>>, %arg15: memref<!tpu.dma_semaphore, #tpu.memory_space<semaphore_mem>>, %arg16: memref<!tpu.dma_semaphore, #tpu.memory_space<semaphore_mem>>, %arg17: memref<!tpu.dma_semaphore, #tpu.memory_space<semaphore_mem>>) attributes {dimension_semantics = [#tpu.dimension_semantics<core_parallel>, #tpu.dimension_semantics<subcore_parallel>], iteration_bounds = array<i64: 2, 16>, scalar_prefetch = 0 : i64, scratch_operands = 13 : i64, tpu.core_type = #tpu.core_type<sc_vector_subcore>, window_params = [{transform_indices = #map}, {transform_indices = #map}, {transform_indices = #map1}]} {
    %mul3A = arith.constant 2 : i32
    %mul3A_0 = arith.muli %arg1, %mul3A : i32
    %add3A = arith.addi %mul3A_0, %arg0 : i32
    %mul3A_1 = arith.constant 128 : i32
    %mul3A_2 = arith.muli %add3A, %mul3A_1 : i32
    %mul3A_3 = arith.constant 64 : i32
    %mul3A_4 = arith.muli %add3A, %mul3A_3 : i32
    "tpu.region"() ({
      %run_scoped3A = tpu.sem_alloc : memref<!tpu.dma_semaphore, #tpu.memory_space<semaphore_mem>>
      %dma_start3A_1577 = arith.constant 0 : i32
      %dma_start3A_1578 = tpu.memref_slice %arg3[%mul3A_4, %dma_start3A_1577] : memref<2048x100xi32, #tpu.memory_space<hbm>> -> memref<64x100xi32, #tpu.memory_space<hbm>>
      %dma_start3A_1579 = arith.constant 0 : i32
      %dma_start3A_1580 = tpu.memref_slice %arg3[%mul3A_4, %dma_start3A_1579] : memref<2048x100xi32, #tpu.memory_space<hbm>> -> memref<64x100xi32, #tpu.memory_space<hbm>>
      tpu.enqueue_dma source(%dma_start3A_1580 : memref<64x100xi32, #tpu.memory_space<hbm>>) target(%arg5 : memref<64x100xi32, #tpu.memory_space<vmem>>) target_semaphore(%run_scoped3A : memref<!tpu.dma_semaphore, #tpu.memory_space<semaphore_mem>>)
      %dma_wait3A_1581 = arith.constant 0 : i32
      %dma_wait3A_1582 = tpu.memref_slice %arg3[%mul3A_4, %dma_wait3A_1581] : memref<2048x100xi32, #tpu.memory_space<hbm>> -> memref<64x100xi32, #tpu.memory_space<hbm>>
      %dma_wait3A_1583 = arith.constant 0 : i32
      %dma_wait3A_1584 = tpu.memref_slice %arg3[%mul3A_4, %dma_wait3A_1583] : memref<2048x100xi32, #tpu.memory_space<hbm>> -> memref<64x100xi32, #tpu.memory_space<hbm>>
      tpu.wait_dma2 semaphore(%run_scoped3A : memref<!tpu.dma_semaphore, #tpu.memory_space<semaphore_mem>>) src(%dma_wait3A_1584 : memref<64x100xi32, #tpu.memory_space<hbm>>) dst(%arg5 : memref<64x100xi32, #tpu.memory_space<vmem>>)
      tpu.yield
    }) : () -> ()
    %add3A_5 = arith.constant 64 : i32
    %add3A_6 = arith.addi %mul3A_2, %add3A_5 : i32
    %dma_start3A = arith.constant 0 : i32
    %dma_start3A_7 = arith.constant 0 : i32
    %dma_start3A_8 = arith.constant 0 : i32
    %dma_start3A_9 = tpu.memref_slice %arg6[%dma_start3A_7, %dma_start3A_8] : memref<400x64xf32, #tpu.memory_space<vmem>> -> memref<100x64xf32, #tpu.memory_space<vmem>>
    %dma_start3A_10 = arith.constant 0 : i32
    %dma_start3A_11 = tpu.memref_slice %arg5[%dma_start3A, %dma_start3A_10] : memref<64x100xi32, #tpu.memory_space<vmem>> -> memref<1x100xi32, #tpu.memory_space<vmem>>
    %dma_start3A_12 = tpu.memref_squeeze %dma_start3A_11 : memref<1x100xi32, #tpu.memory_space<vmem>> -> memref<100xi32, #tpu.memory_space<vmem>>
    %dma_start3A_13 = arith.constant 0 : i32
    %dma_start3A_14 = arith.constant 0 : i32
    %dma_start3A_15 = tpu.memref_slice %arg2[%dma_start3A_13, %dma_start3A_14] : memref<100000x64xf32, #tpu.memory_space<hbm>> -> memref<100000x64xf32, #tpu.memory_space<hbm>>
    tpu.enqueue_indirect_dma source(%dma_start3A_15 : memref<100000x64xf32, #tpu.memory_space<hbm>>) target(%dma_start3A_9 : memref<100x64xf32, #tpu.memory_space<vmem>>) offsets(%dma_start3A_12 : memref<100xi32, #tpu.memory_space<vmem>>) semaphore(%arg10 : memref<!tpu.dma_semaphore, #tpu.memory_space<semaphore_mem>>)
    %dma_start3A_16 = arith.constant 1 : i32
    %dma_start3A_17 = arith.constant 100 : i32
    %dma_start3A_18 = arith.constant 0 : i32
    %dma_start3A_19 = tpu.memref_slice %arg6[%dma_start3A_17, %dma_start3A_18] : memref<400x64xf32, #tpu.memory_space<vmem>> -> memref<100x64xf32, #tpu.memory_space<vmem>>
    %dma_start3A_20 = arith.constant 0 : i32
    %dma_start3A_21 = tpu.memref_slice %arg5[%dma_start3A_16, %dma_start3A_20] : memref<64x100xi32, #tpu.memory_space<vmem>> -> memref<1x100xi32, #tpu.memory_space<vmem>>
    %dma_start3A_22 = tpu.memref_squeeze %dma_start3A_21 : memref<1x100xi32, #tpu.memory_space<vmem>> -> memref<100xi32, #tpu.memory_space<vmem>>
    %dma_start3A_23 = arith.constant 0 : i32
    %dma_start3A_24 = arith.constant 0 : i32
    %dma_start3A_25 = tpu.memref_slice %arg2[%dma_start3A_23, %dma_start3A_24] : memref<100000x64xf32, #tpu.memory_space<hbm>> -> memref<100000x64xf32, #tpu.memory_space<hbm>>
    tpu.enqueue_indirect_dma source(%dma_start3A_25 : memref<100000x64xf32, #tpu.memory_space<hbm>>) target(%dma_start3A_19 : memref<100x64xf32, #tpu.memory_space<vmem>>) offsets(%dma_start3A_22 : memref<100xi32, #tpu.memory_space<vmem>>) semaphore(%arg10 : memref<!tpu.dma_semaphore, #tpu.memory_space<semaphore_mem>>)
    %dma_start3A_26 = arith.constant 2 : i32
    %dma_start3A_27 = arith.constant 200 : i32
    %dma_start3A_28 = arith.constant 0 : i32
    %dma_start3A_29 = tpu.memref_slice %arg6[%dma_start3A_27, %dma_start3A_28] : memref<400x64xf32, #tpu.memory_space<vmem>> -> memref<100x64xf32, #tpu.memory_space<vmem>>
    %dma_start3A_30 = arith.constant 0 : i32
    %dma_start3A_31 = tpu.memref_slice %arg5[%dma_start3A_26, %dma_start3A_30] : memref<64x100xi32, #tpu.memory_space<vmem>> -> memref<1x100xi32, #tpu.memory_space<vmem>>
    %dma_start3A_32 = tpu.memref_squeeze %dma_start3A_31 : memref<1x100xi32, #tpu.memory_space<vmem>> -> memref<100xi32, #tpu.memory_space<vmem>>
    %dma_start3A_33 = arith.constant 0 : i32
    %dma_start3A_34 = arith.constant 0 : i32
    %dma_start3A_35 = tpu.memref_slice %arg2[%dma_start3A_33, %dma_start3A_34] : memref<100000x64xf32, #tpu.memory_space<hbm>> -> memref<100000x64xf32, #tpu.memory_space<hbm>>
    tpu.enqueue_indirect_dma source(%dma_start3A_35 : memref<100000x64xf32, #tpu.memory_space<hbm>>) target(%dma_start3A_29 : memref<100x64xf32, #tpu.memory_space<vmem>>) offsets(%dma_start3A_32 : memref<100xi32, #tpu.memory_space<vmem>>) semaphore(%arg10 : memref<!tpu.dma_semaphore, #tpu.memory_space<semaphore_mem>>)
    %dma_start3A_36 = arith.constant 3 : i32
    %dma_start3A_37 = arith.constant 300 : i32
    %dma_start3A_38 = arith.constant 0 : i32
    %dma_start3A_39 = tpu.memref_slice %arg6[%dma_start3A_37, %dma_start3A_38] : memref<400x64xf32, #tpu.memory_space<vmem>> -> memref<100x64xf32, #tpu.memory_space<vmem>>
    %dma_start3A_40 = arith.constant 0 : i32
    %dma_start3A_41 = tpu.memref_slice %arg5[%dma_start3A_36, %dma_start3A_40] : memref<64x100xi32, #tpu.memory_space<vmem>> -> memref<1x100xi32, #tpu.memory_space<vmem>>
    %dma_start3A_42 = tpu.memref_squeeze %dma_start3A_41 : memref<1x100xi32, #tpu.memory_space<vmem>> -> memref<100xi32, #tpu.memory_space<vmem>>
    %dma_start3A_43 = arith.constant 0 : i32
    %dma_start3A_44 = arith.constant 0 : i32
    %dma_start3A_45 = tpu.memref_slice %arg2[%dma_start3A_43, %dma_start3A_44] : memref<100000x64xf32, #tpu.memory_space<hbm>> -> memref<100000x64xf32, #tpu.memory_space<hbm>>
    tpu.enqueue_indirect_dma source(%dma_start3A_45 : memref<100000x64xf32, #tpu.memory_space<hbm>>) target(%dma_start3A_39 : memref<100x64xf32, #tpu.memory_space<vmem>>) offsets(%dma_start3A_42 : memref<100xi32, #tpu.memory_space<vmem>>) semaphore(%arg10 : memref<!tpu.dma_semaphore, #tpu.memory_space<semaphore_mem>>)
    %dma_start3A_46 = arith.constant 32 : i32
    %dma_start3A_47 = arith.constant 0 : i32
    %dma_start3A_48 = arith.constant 0 : i32
    %dma_start3A_49 = tpu.memref_slice %arg8[%dma_start3A_47, %dma_start3A_48] : memref<400x64xf32, #tpu.memory_space<vmem>> -> memref<100x64xf32, #tpu.memory_space<vmem>>
    %dma_start3A_50 = arith.constant 0 : i32
    %dma_start3A_51 = tpu.memref_slice %arg5[%dma_start3A_46, %dma_start3A_50] : memref<64x100xi32, #tpu.memory_space<vmem>> -> memref<1x100xi32, #tpu.memory_space<vmem>>
    %dma_start3A_52 = tpu.memref_squeeze %dma_start3A_51 : memref<1x100xi32, #tpu.memory_space<vmem>> -> memref<100xi32, #tpu.memory_space<vmem>>
    %dma_start3A_53 = arith.constant 0 : i32
    %dma_start3A_54 = arith.constant 0 : i32
    %dma_start3A_55 = tpu.memref_slice %arg2[%dma_start3A_53, %dma_start3A_54] : memref<100000x64xf32, #tpu.memory_space<hbm>> -> memref<100000x64xf32, #tpu.memory_space<hbm>>
    tpu.enqueue_indirect_dma source(%dma_start3A_55 : memref<100000x64xf32, #tpu.memory_space<hbm>>) target(%dma_start3A_49 : memref<100x64xf32, #tpu.memory_space<vmem>>) offsets(%dma_start3A_52 : memref<100xi32, #tpu.memory_space<vmem>>) semaphore(%arg12 : memref<!tpu.dma_semaphore, #tpu.memory_space<semaphore_mem>>)
    %dma_start3A_56 = arith.constant 33 : i32
    %dma_start3A_57 = arith.constant 100 : i32
    %dma_start3A_58 = arith.constant 0 : i32
    %dma_start3A_59 = tpu.memref_slice %arg8[%dma_start3A_57, %dma_start3A_58] : memref<400x64xf32, #tpu.memory_space<vmem>> -> memref<100x64xf32, #tpu.memory_space<vmem>>
    %dma_start3A_60 = arith.constant 0 : i32
    %dma_start3A_61 = tpu.memref_slice %arg5[%dma_start3A_56, %dma_start3A_60] : memref<64x100xi32, #tpu.memory_space<vmem>> -> memref<1x100xi32, #tpu.memory_space<vmem>>
    %dma_start3A_62 = tpu.memref_squeeze %dma_start3A_61 : memref<1x100xi32, #tpu.memory_space<vmem>> -> memref<100xi32, #tpu.memory_space<vmem>>
    %dma_start3A_63 = arith.constant 0 : i32
    %dma_start3A_64 = arith.constant 0 : i32
    %dma_start3A_65 = tpu.memref_slice %arg2[%dma_start3A_63, %dma_start3A_64] : memref<100000x64xf32, #tpu.memory_space<hbm>> -> memref<100000x64xf32, #tpu.memory_space<hbm>>
    tpu.enqueue_indirect_dma source(%dma_start3A_65 : memref<100000x64xf32, #tpu.memory_space<hbm>>) target(%dma_start3A_59 : memref<100x64xf32, #tpu.memory_space<vmem>>) offsets(%dma_start3A_62 : memref<100xi32, #tpu.memory_space<vmem>>) semaphore(%arg12 : memref<!tpu.dma_semaphore, #tpu.memory_space<semaphore_mem>>)
    %dma_start3A_66 = arith.constant 34 : i32
    %dma_start3A_67 = arith.constant 200 : i32
    %dma_start3A_68 = arith.constant 0 : i32
    %dma_start3A_69 = tpu.memref_slice %arg8[%dma_start3A_67, %dma_start3A_68] : memref<400x64xf32, #tpu.memory_space<vmem>> -> memref<100x64xf32, #tpu.memory_space<vmem>>
    %dma_start3A_70 = arith.constant 0 : i32
    %dma_start3A_71 = tpu.memref_slice %arg5[%dma_start3A_66, %dma_start3A_70] : memref<64x100xi32, #tpu.memory_space<vmem>> -> memref<1x100xi32, #tpu.memory_space<vmem>>
    %dma_start3A_72 = tpu.memref_squeeze %dma_start3A_71 : memref<1x100xi32, #tpu.memory_space<vmem>> -> memref<100xi32, #tpu.memory_space<vmem>>
    %dma_start3A_73 = arith.constant 0 : i32
    %dma_start3A_74 = arith.constant 0 : i32
    %dma_start3A_75 = tpu.memref_slice %arg2[%dma_start3A_73, %dma_start3A_74] : memref<100000x64xf32, #tpu.memory_space<hbm>> -> memref<100000x64xf32, #tpu.memory_space<hbm>>
    tpu.enqueue_indirect_dma source(%dma_start3A_75 : memref<100000x64xf32, #tpu.memory_space<hbm>>) target(%dma_start3A_69 : memref<100x64xf32, #tpu.memory_space<vmem>>) offsets(%dma_start3A_72 : memref<100xi32, #tpu.memory_space<vmem>>) semaphore(%arg12 : memref<!tpu.dma_semaphore, #tpu.memory_space<semaphore_mem>>)
    %dma_start3A_76 = arith.constant 35 : i32
    %dma_start3A_77 = arith.constant 300 : i32
    %dma_start3A_78 = arith.constant 0 : i32
    %dma_start3A_79 = tpu.memref_slice %arg8[%dma_start3A_77, %dma_start3A_78] : memref<400x64xf32, #tpu.memory_space<vmem>> -> memref<100x64xf32, #tpu.memory_space<vmem>>
    %dma_start3A_80 = arith.constant 0 : i32
    %dma_start3A_81 = tpu.memref_slice %arg5[%dma_start3A_76, %dma_start3A_80] : memref<64x100xi32, #tpu.memory_space<vmem>> -> memref<1x100xi32, #tpu.memory_space<vmem>>
    %dma_start3A_82 = tpu.memref_squeeze %dma_start3A_81 : memref<1x100xi32, #tpu.memory_space<vmem>> -> memref<100xi32, #tpu.memory_space<vmem>>
    %dma_start3A_83 = arith.constant 0 : i32
    %dma_start3A_84 = arith.constant 0 : i32
    %dma_start3A_85 = tpu.memref_slice %arg2[%dma_start3A_83, %dma_start3A_84] : memref<100000x64xf32, #tpu.memory_space<hbm>> -> memref<100000x64xf32, #tpu.memory_space<hbm>>
    tpu.enqueue_indirect_dma source(%dma_start3A_85 : memref<100000x64xf32, #tpu.memory_space<hbm>>) target(%dma_start3A_79 : memref<100x64xf32, #tpu.memory_space<vmem>>) offsets(%dma_start3A_82 : memref<100xi32, #tpu.memory_space<vmem>>) semaphore(%arg12 : memref<!tpu.dma_semaphore, #tpu.memory_space<semaphore_mem>>)
    %dma_wait3A = arith.constant 0 : i32
    %dma_wait3A_86 = arith.constant 0 : i32
    %dma_wait3A_87 = tpu.memref_slice %arg2[%dma_wait3A, %dma_wait3A_86] : memref<100000x64xf32, #tpu.memory_space<hbm>> -> memref<400x64xf32, #tpu.memory_space<hbm>>
    %dma_wait3A_88 = arith.constant 0 : i32
    %dma_wait3A_89 = arith.constant 0 : i32
    %dma_wait3A_90 = tpu.memref_slice %arg2[%dma_wait3A_88, %dma_wait3A_89] : memref<100000x64xf32, #tpu.memory_space<hbm>> -> memref<400x64xf32, #tpu.memory_space<hbm>>
    tpu.wait_dma2 semaphore(%arg10 : memref<!tpu.dma_semaphore, #tpu.memory_space<semaphore_mem>>) src(%dma_wait3A_90 : memref<400x64xf32, #tpu.memory_space<hbm>>) dst(%arg6 : memref<400x64xf32, #tpu.memory_space<vmem>>)
    %dma_start3A_91 = arith.constant 4 : i32
    %dma_start3A_92 = arith.constant 0 : i32
    %dma_start3A_93 = arith.constant 0 : i32
    %dma_start3A_94 = tpu.memref_slice %arg7[%dma_start3A_92, %dma_start3A_93] : memref<400x64xf32, #tpu.memory_space<vmem>> -> memref<100x64xf32, #tpu.memory_space<vmem>>
    %dma_start3A_95 = arith.constant 0 : i32
    %dma_start3A_96 = tpu.memref_slice %arg5[%dma_start3A_91, %dma_start3A_95] : memref<64x100xi32, #tpu.memory_space<vmem>> -> memref<1x100xi32, #tpu.memory_space<vmem>>
    %dma_start3A_97 = tpu.memref_squeeze %dma_start3A_96 : memref<1x100xi32, #tpu.memory_space<vmem>> -> memref<100xi32, #tpu.memory_space<vmem>>
    %dma_start3A_98 = arith.constant 0 : i32
    %dma_start3A_99 = arith.constant 0 : i32
    %dma_start3A_100 = tpu.memref_slice %arg2[%dma_start3A_98, %dma_start3A_99] : memref<100000x64xf32, #tpu.memory_space<hbm>> -> memref<100000x64xf32, #tpu.memory_space<hbm>>
    tpu.enqueue_indirect_dma source(%dma_start3A_100 : memref<100000x64xf32, #tpu.memory_space<hbm>>) target(%dma_start3A_94 : memref<100x64xf32, #tpu.memory_space<vmem>>) offsets(%dma_start3A_97 : memref<100xi32, #tpu.memory_space<vmem>>) semaphore(%arg11 : memref<!tpu.dma_semaphore, #tpu.memory_space<semaphore_mem>>)
    %dma_start3A_101 = arith.constant 5 : i32
    %dma_start3A_102 = arith.constant 100 : i32
    %dma_start3A_103 = arith.constant 0 : i32
    %dma_start3A_104 = tpu.memref_slice %arg7[%dma_start3A_102, %dma_start3A_103] : memref<400x64xf32, #tpu.memory_space<vmem>> -> memref<100x64xf32, #tpu.memory_space<vmem>>
    %dma_start3A_105 = arith.constant 0 : i32
    %dma_start3A_106 = tpu.memref_slice %arg5[%dma_start3A_101, %dma_start3A_105] : memref<64x100xi32, #tpu.memory_space<vmem>> -> memref<1x100xi32, #tpu.memory_space<vmem>>
    %dma_start3A_107 = tpu.memref_squeeze %dma_start3A_106 : memref<1x100xi32, #tpu.memory_space<vmem>> -> memref<100xi32, #tpu.memory_space<vmem>>
    %dma_start3A_108 = arith.constant 0 : i32
    %dma_start3A_109 = arith.constant 0 : i32
    %dma_start3A_110 = tpu.memref_slice %arg2[%dma_start3A_108, %dma_start3A_109] : memref<100000x64xf32, #tpu.memory_space<hbm>> -> memref<100000x64xf32, #tpu.memory_space<hbm>>
    tpu.enqueue_indirect_dma source(%dma_start3A_110 : memref<100000x64xf32, #tpu.memory_space<hbm>>) target(%dma_start3A_104 : memref<100x64xf32, #tpu.memory_space<vmem>>) offsets(%dma_start3A_107 : memref<100xi32, #tpu.memory_space<vmem>>) semaphore(%arg11 : memref<!tpu.dma_semaphore, #tpu.memory_space<semaphore_mem>>)
    %dma_start3A_111 = arith.constant 6 : i32
    %dma_start3A_112 = arith.constant 200 : i32
    %dma_start3A_113 = arith.constant 0 : i32
    %dma_start3A_114 = tpu.memref_slice %arg7[%dma_start3A_112, %dma_start3A_113] : memref<400x64xf32, #tpu.memory_space<vmem>> -> memref<100x64xf32, #tpu.memory_space<vmem>>
    %dma_start3A_115 = arith.constant 0 : i32
    %dma_start3A_116 = tpu.memref_slice %arg5[%dma_start3A_111, %dma_start3A_115] : memref<64x100xi32, #tpu.memory_space<vmem>> -> memref<1x100xi32, #tpu.memory_space<vmem>>
    %dma_start3A_117 = tpu.memref_squeeze %dma_start3A_116 : memref<1x100xi32, #tpu.memory_space<vmem>> -> memref<100xi32, #tpu.memory_space<vmem>>
    %dma_start3A_118 = arith.constant 0 : i32
    %dma_start3A_119 = arith.constant 0 : i32
    %dma_start3A_120 = tpu.memref_slice %arg2[%dma_start3A_118, %dma_start3A_119] : memref<100000x64xf32, #tpu.memory_space<hbm>> -> memref<100000x64xf32, #tpu.memory_space<hbm>>
    tpu.enqueue_indirect_dma source(%dma_start3A_120 : memref<100000x64xf32, #tpu.memory_space<hbm>>) target(%dma_start3A_114 : memref<100x64xf32, #tpu.memory_space<vmem>>) offsets(%dma_start3A_117 : memref<100xi32, #tpu.memory_space<vmem>>) semaphore(%arg11 : memref<!tpu.dma_semaphore, #tpu.memory_space<semaphore_mem>>)
    %dma_start3A_121 = arith.constant 7 : i32
    %dma_start3A_122 = arith.constant 300 : i32
    %dma_start3A_123 = arith.constant 0 : i32
    %dma_start3A_124 = tpu.memref_slice %arg7[%dma_start3A_122, %dma_start3A_123] : memref<400x64xf32, #tpu.memory_space<vmem>> -> memref<100x64xf32, #tpu.memory_space<vmem>>
    %dma_start3A_125 = arith.constant 0 : i32
    %dma_start3A_126 = tpu.memref_slice %arg5[%dma_start3A_121, %dma_start3A_125] : memref<64x100xi32, #tpu.memory_space<vmem>> -> memref<1x100xi32, #tpu.memory_space<vmem>>
    %dma_start3A_127 = tpu.memref_squeeze %dma_start3A_126 : memref<1x100xi32, #tpu.memory_space<vmem>> -> memref<100xi32, #tpu.memory_space<vmem>>
    %dma_start3A_128 = arith.constant 0 : i32
    %dma_start3A_129 = arith.constant 0 : i32
    %dma_start3A_130 = tpu.memref_slice %arg2[%dma_start3A_128, %dma_start3A_129] : memref<100000x64xf32, #tpu.memory_space<hbm>> -> memref<100000x64xf32, #tpu.memory_space<hbm>>
    tpu.enqueue_indirect_dma source(%dma_start3A_130 : memref<100000x64xf32, #tpu.memory_space<hbm>>) target(%dma_start3A_124 : memref<100x64xf32, #tpu.memory_space<vmem>>) offsets(%dma_start3A_127 : memref<100xi32, #tpu.memory_space<vmem>>) semaphore(%arg11 : memref<!tpu.dma_semaphore, #tpu.memory_space<semaphore_mem>>)
    %add3A_131 = arith.constant 0 : i32
    %add3A_132 = arith.addi %mul3A_2, %add3A_131 : i32
    %add3A_133 = arith.constant 0 : i32
    %add3A_134 = arith.addi %add3A_132, %add3A_133 : i32
    %dma_start3A_135 = arith.constant 0 : i32
    %dma_start3A_136 = arith.constant 0 : i32
    %dma_start3A_137 = tpu.memref_slice %arg6[%dma_start3A_135, %dma_start3A_136] : memref<400x64xf32, #tpu.memory_space<vmem>> -> memref<50x64xf32, #tpu.memory_space<vmem>>
    %dma_start3A_138 = arith.constant 0 : i32
    %dma_start3A_139 = arith.constant 0 : i32
    %dma_start3A_140 = tpu.memref_slice %arg4[%add3A_134, %dma_start3A_138, %dma_start3A_139] : memref<4096x56x128xf32, #tpu.memory_space<hbm>> -> memref<1x50x64xf32, #tpu.memory_space<hbm>>
    %dma_start3A_141 = tpu.memref_squeeze %dma_start3A_140 : memref<1x50x64xf32, #tpu.memory_space<hbm>> -> memref<50x64xf32, #tpu.memory_space<hbm>>
    %dma_start3A_142 = arith.constant 0 : i32
    %dma_start3A_143 = arith.constant 0 : i32
    %dma_start3A_144 = tpu.memref_slice %arg4[%add3A_134, %dma_start3A_142, %dma_start3A_143] : memref<4096x56x128xf32, #tpu.memory_space<hbm>> -> memref<1x50x64xf32, #tpu.memory_space<hbm>>
    %dma_start3A_145 = tpu.memref_squeeze %dma_start3A_144 : memref<1x50x64xf32, #tpu.memory_space<hbm>> -> memref<50x64xf32, #tpu.memory_space<hbm>>
    %dma_start3A_146 = arith.constant 0 : i32
    %dma_start3A_147 = arith.constant 0 : i32
    %dma_start3A_148 = tpu.memref_slice %arg6[%dma_start3A_146, %dma_start3A_147] : memref<400x64xf32, #tpu.memory_space<vmem>> -> memref<50x64xf32, #tpu.memory_space<vmem>>
    tpu.enqueue_dma source(%dma_start3A_148 : memref<50x64xf32, #tpu.memory_space<vmem>>) target(%dma_start3A_145 : memref<50x64xf32, #tpu.memory_space<hbm>>) target_semaphore(%arg14 : memref<!tpu.dma_semaphore, #tpu.memory_space<semaphore_mem>>)
    %add3A_149 = arith.constant 0 : i32
    %add3A_150 = arith.addi %mul3A_2, %add3A_149 : i32
    %add3A_151 = arith.constant 1 : i32
    %add3A_152 = arith.addi %add3A_150, %add3A_151 : i32
    %dma_start3A_153 = arith.constant 50 : i32
    %dma_start3A_154 = arith.constant 0 : i32
    %dma_start3A_155 = tpu.memref_slice %arg6[%dma_start3A_153, %dma_start3A_154] : memref<400x64xf32, #tpu.memory_space<vmem>> -> memref<50x64xf32, #tpu.memory_space<vmem>>
    %dma_start3A_156 = arith.constant 0 : i32
    %dma_start3A_157 = arith.constant 0 : i32
    %dma_start3A_158 = tpu.memref_slice %arg4[%add3A_152, %dma_start3A_156, %dma_start3A_157] : memref<4096x56x128xf32, #tpu.memory_space<hbm>> -> memref<1x50x64xf32, #tpu.memory_space<hbm>>
    %dma_start3A_159 = tpu.memref_squeeze %dma_start3A_158 : memref<1x50x64xf32, #tpu.memory_space<hbm>> -> memref<50x64xf32, #tpu.memory_space<hbm>>
    %dma_start3A_160 = arith.constant 0 : i32
    %dma_start3A_161 = arith.constant 0 : i32
    %dma_start3A_162 = tpu.memref_slice %arg4[%add3A_152, %dma_start3A_160, %dma_start3A_161] : memref<4096x56x128xf32, #tpu.memory_space<hbm>> -> memref<1x50x64xf32, #tpu.memory_space<hbm>>
    %dma_start3A_163 = tpu.memref_squeeze %dma_start3A_162 : memref<1x50x64xf32, #tpu.memory_space<hbm>> -> memref<50x64xf32, #tpu.memory_space<hbm>>
    %dma_start3A_164 = arith.constant 50 : i32
    %dma_start3A_165 = arith.constant 0 : i32
    %dma_start3A_166 = tpu.memref_slice %arg6[%dma_start3A_164, %dma_start3A_165] : memref<400x64xf32, #tpu.memory_space<vmem>> -> memref<50x64xf32, #tpu.memory_space<vmem>>
    tpu.enqueue_dma source(%dma_start3A_166 : memref<50x64xf32, #tpu.memory_space<vmem>>) target(%dma_start3A_163 : memref<50x64xf32, #tpu.memory_space<hbm>>) target_semaphore(%arg14 : memref<!tpu.dma_semaphore, #tpu.memory_space<semaphore_mem>>)
    %add3A_167 = arith.constant 0 : i32
    %add3A_168 = arith.addi %mul3A_2, %add3A_167 : i32
    %add3A_169 = arith.constant 2 : i32
    %add3A_170 = arith.addi %add3A_168, %add3A_169 : i32
    %dma_start3A_171 = arith.constant 100 : i32
    %dma_start3A_172 = arith.constant 0 : i32
    %dma_start3A_173 = tpu.memref_slice %arg6[%dma_start3A_171, %dma_start3A_172] : memref<400x64xf32, #tpu.memory_space<vmem>> -> memref<50x64xf32, #tpu.memory_space<vmem>>
    %dma_start3A_174 = arith.constant 0 : i32
    %dma_start3A_175 = arith.constant 0 : i32
    %dma_start3A_176 = tpu.memref_slice %arg4[%add3A_170, %dma_start3A_174, %dma_start3A_175] : memref<4096x56x128xf32, #tpu.memory_space<hbm>> -> memref<1x50x64xf32, #tpu.memory_space<hbm>>
    %dma_start3A_177 = tpu.memref_squeeze %dma_start3A_176 : memref<1x50x64xf32, #tpu.memory_space<hbm>> -> memref<50x64xf32, #tpu.memory_space<hbm>>
    %dma_start3A_178 = arith.constant 0 : i32
    %dma_start3A_179 = arith.constant 0 : i32
    %dma_start3A_180 = tpu.memref_slice %arg4[%add3A_170, %dma_start3A_178, %dma_start3A_179] : memref<4096x56x128xf32, #tpu.memory_space<hbm>> -> memref<1x50x64xf32, #tpu.memory_space<hbm>>
    %dma_start3A_181 = tpu.memref_squeeze %dma_start3A_180 : memref<1x50x64xf32, #tpu.memory_space<hbm>> -> memref<50x64xf32, #tpu.memory_space<hbm>>
    %dma_start3A_182 = arith.constant 100 : i32
    %dma_start3A_183 = arith.constant 0 : i32
    %dma_start3A_184 = tpu.memref_slice %arg6[%dma_start3A_182, %dma_start3A_183] : memref<400x64xf32, #tpu.memory_space<vmem>> -> memref<50x64xf32, #tpu.memory_space<vmem>>
    tpu.enqueue_dma source(%dma_start3A_184 : memref<50x64xf32, #tpu.memory_space<vmem>>) target(%dma_start3A_181 : memref<50x64xf32, #tpu.memory_space<hbm>>) target_semaphore(%arg14 : memref<!tpu.dma_semaphore, #tpu.memory_space<semaphore_mem>>)
    %add3A_185 = arith.constant 0 : i32
    %add3A_186 = arith.addi %mul3A_2, %add3A_185 : i32
    %add3A_187 = arith.constant 3 : i32
    %add3A_188 = arith.addi %add3A_186, %add3A_187 : i32
    %dma_start3A_189 = arith.constant 150 : i32
    %dma_start3A_190 = arith.constant 0 : i32
    %dma_start3A_191 = tpu.memref_slice %arg6[%dma_start3A_189, %dma_start3A_190] : memref<400x64xf32, #tpu.memory_space<vmem>> -> memref<50x64xf32, #tpu.memory_space<vmem>>
    %dma_start3A_192 = arith.constant 0 : i32
    %dma_start3A_193 = arith.constant 0 : i32
    %dma_start3A_194 = tpu.memref_slice %arg4[%add3A_188, %dma_start3A_192, %dma_start3A_193] : memref<4096x56x128xf32, #tpu.memory_space<hbm>> -> memref<1x50x64xf32, #tpu.memory_space<hbm>>
    %dma_start3A_195 = tpu.memref_squeeze %dma_start3A_194 : memref<1x50x64xf32, #tpu.memory_space<hbm>> -> memref<50x64xf32, #tpu.memory_space<hbm>>
    %dma_start3A_196 = arith.constant 0 : i32
    %dma_start3A_197 = arith.constant 0 : i32
    %dma_start3A_198 = tpu.memref_slice %arg4[%add3A_188, %dma_start3A_196, %dma_start3A_197] : memref<4096x56x128xf32, #tpu.memory_space<hbm>> -> memref<1x50x64xf32, #tpu.memory_space<hbm>>
    %dma_start3A_199 = tpu.memref_squeeze %dma_start3A_198 : memref<1x50x64xf32, #tpu.memory_space<hbm>> -> memref<50x64xf32, #tpu.memory_space<hbm>>
    %dma_start3A_200 = arith.constant 150 : i32
    %dma_start3A_201 = arith.constant 0 : i32
    %dma_start3A_202 = tpu.memref_slice %arg6[%dma_start3A_200, %dma_start3A_201] : memref<400x64xf32, #tpu.memory_space<vmem>> -> memref<50x64xf32, #tpu.memory_space<vmem>>
    tpu.enqueue_dma source(%dma_start3A_202 : memref<50x64xf32, #tpu.memory_space<vmem>>) target(%dma_start3A_199 : memref<50x64xf32, #tpu.memory_space<hbm>>) target_semaphore(%arg14 : memref<!tpu.dma_semaphore, #tpu.memory_space<semaphore_mem>>)
    %add3A_203 = arith.constant 0 : i32
    %add3A_204 = arith.addi %mul3A_2, %add3A_203 : i32
    %add3A_205 = arith.constant 4 : i32
    %add3A_206 = arith.addi %add3A_204, %add3A_205 : i32
    %dma_start3A_207 = arith.constant 200 : i32
    %dma_start3A_208 = arith.constant 0 : i32
    %dma_start3A_209 = tpu.memref_slice %arg6[%dma_start3A_207, %dma_start3A_208] : memref<400x64xf32, #tpu.memory_space<vmem>> -> memref<50x64xf32, #tpu.memory_space<vmem>>
    %dma_start3A_210 = arith.constant 0 : i32
    %dma_start3A_211 = arith.constant 0 : i32
    %dma_start3A_212 = tpu.memref_slice %arg4[%add3A_206, %dma_start3A_210, %dma_start3A_211] : memref<4096x56x128xf32, #tpu.memory_space<hbm>> -> memref<1x50x64xf32, #tpu.memory_space<hbm>>
    %dma_start3A_213 = tpu.memref_squeeze %dma_start3A_212 : memref<1x50x64xf32, #tpu.memory_space<hbm>> -> memref<50x64xf32, #tpu.memory_space<hbm>>
    %dma_start3A_214 = arith.constant 0 : i32
    %dma_start3A_215 = arith.constant 0 : i32
    %dma_start3A_216 = tpu.memref_slice %arg4[%add3A_206, %dma_start3A_214, %dma_start3A_215] : memref<4096x56x128xf32, #tpu.memory_space<hbm>> -> memref<1x50x64xf32, #tpu.memory_space<hbm>>
    %dma_start3A_217 = tpu.memref_squeeze %dma_start3A_216 : memref<1x50x64xf32, #tpu.memory_space<hbm>> -> memref<50x64xf32, #tpu.memory_space<hbm>>
    %dma_start3A_218 = arith.constant 200 : i32
    %dma_start3A_219 = arith.constant 0 : i32
    %dma_start3A_220 = tpu.memref_slice %arg6[%dma_start3A_218, %dma_start3A_219] : memref<400x64xf32, #tpu.memory_space<vmem>> -> memref<50x64xf32, #tpu.memory_space<vmem>>
    tpu.enqueue_dma source(%dma_start3A_220 : memref<50x64xf32, #tpu.memory_space<vmem>>) target(%dma_start3A_217 : memref<50x64xf32, #tpu.memory_space<hbm>>) target_semaphore(%arg14 : memref<!tpu.dma_semaphore, #tpu.memory_space<semaphore_mem>>)
    %add3A_221 = arith.constant 0 : i32
    %add3A_222 = arith.addi %mul3A_2, %add3A_221 : i32
    %add3A_223 = arith.constant 5 : i32
    %add3A_224 = arith.addi %add3A_222, %add3A_223 : i32
    %dma_start3A_225 = arith.constant 250 : i32
    %dma_start3A_226 = arith.constant 0 : i32
    %dma_start3A_227 = tpu.memref_slice %arg6[%dma_start3A_225, %dma_start3A_226] : memref<400x64xf32, #tpu.memory_space<vmem>> -> memref<50x64xf32, #tpu.memory_space<vmem>>
    %dma_start3A_228 = arith.constant 0 : i32
    %dma_start3A_229 = arith.constant 0 : i32
    %dma_start3A_230 = tpu.memref_slice %arg4[%add3A_224, %dma_start3A_228, %dma_start3A_229] : memref<4096x56x128xf32, #tpu.memory_space<hbm>> -> memref<1x50x64xf32, #tpu.memory_space<hbm>>
    %dma_start3A_231 = tpu.memref_squeeze %dma_start3A_230 : memref<1x50x64xf32, #tpu.memory_space<hbm>> -> memref<50x64xf32, #tpu.memory_space<hbm>>
    %dma_start3A_232 = arith.constant 0 : i32
    %dma_start3A_233 = arith.constant 0 : i32
    %dma_start3A_234 = tpu.memref_slice %arg4[%add3A_224, %dma_start3A_232, %dma_start3A_233] : memref<4096x56x128xf32, #tpu.memory_space<hbm>> -> memref<1x50x64xf32, #tpu.memory_space<hbm>>
    %dma_start3A_235 = tpu.memref_squeeze %dma_start3A_234 : memref<1x50x64xf32, #tpu.memory_space<hbm>> -> memref<50x64xf32, #tpu.memory_space<hbm>>
    %dma_start3A_236 = arith.constant 250 : i32
    %dma_start3A_237 = arith.constant 0 : i32
    %dma_start3A_238 = tpu.memref_slice %arg6[%dma_start3A_236, %dma_start3A_237] : memref<400x64xf32, #tpu.memory_space<vmem>> -> memref<50x64xf32, #tpu.memory_space<vmem>>
    tpu.enqueue_dma source(%dma_start3A_238 : memref<50x64xf32, #tpu.memory_space<vmem>>) target(%dma_start3A_235 : memref<50x64xf32, #tpu.memory_space<hbm>>) target_semaphore(%arg14 : memref<!tpu.dma_semaphore, #tpu.memory_space<semaphore_mem>>)
    %add3A_239 = arith.constant 0 : i32
    %add3A_240 = arith.addi %mul3A_2, %add3A_239 : i32
    %add3A_241 = arith.constant 6 : i32
    %add3A_242 = arith.addi %add3A_240, %add3A_241 : i32
    %dma_start3A_243 = arith.constant 300 : i32
    %dma_start3A_244 = arith.constant 0 : i32
    %dma_start3A_245 = tpu.memref_slice %arg6[%dma_start3A_243, %dma_start3A_244] : memref<400x64xf32, #tpu.memory_space<vmem>> -> memref<50x64xf32, #tpu.memory_space<vmem>>
    %dma_start3A_246 = arith.constant 0 : i32
    %dma_start3A_247 = arith.constant 0 : i32
    %dma_start3A_248 = tpu.memref_slice %arg4[%add3A_242, %dma_start3A_246, %dma_start3A_247] : memref<4096x56x128xf32, #tpu.memory_space<hbm>> -> memref<1x50x64xf32, #tpu.memory_space<hbm>>
    %dma_start3A_249 = tpu.memref_squeeze %dma_start3A_248 : memref<1x50x64xf32, #tpu.memory_space<hbm>> -> memref<50x64xf32, #tpu.memory_space<hbm>>
    %dma_start3A_250 = arith.constant 0 : i32
    %dma_start3A_251 = arith.constant 0 : i32
    %dma_start3A_252 = tpu.memref_slice %arg4[%add3A_242, %dma_start3A_250, %dma_start3A_251] : memref<4096x56x128xf32, #tpu.memory_space<hbm>> -> memref<1x50x64xf32, #tpu.memory_space<hbm>>
    %dma_start3A_253 = tpu.memref_squeeze %dma_start3A_252 : memref<1x50x64xf32, #tpu.memory_space<hbm>> -> memref<50x64xf32, #tpu.memory_space<hbm>>
    %dma_start3A_254 = arith.constant 300 : i32
    %dma_start3A_255 = arith.constant 0 : i32
    %dma_start3A_256 = tpu.memref_slice %arg6[%dma_start3A_254, %dma_start3A_255] : memref<400x64xf32, #tpu.memory_space<vmem>> -> memref<50x64xf32, #tpu.memory_space<vmem>>
    tpu.enqueue_dma source(%dma_start3A_256 : memref<50x64xf32, #tpu.memory_space<vmem>>) target(%dma_start3A_253 : memref<50x64xf32, #tpu.memory_space<hbm>>) target_semaphore(%arg14 : memref<!tpu.dma_semaphore, #tpu.memory_space<semaphore_mem>>)
    %add3A_257 = arith.constant 0 : i32
    %add3A_258 = arith.addi %mul3A_2, %add3A_257 : i32
    %add3A_259 = arith.constant 7 : i32
    %add3A_260 = arith.addi %add3A_258, %add3A_259 : i32
    %dma_start3A_261 = arith.constant 350 : i32
    %dma_start3A_262 = arith.constant 0 : i32
    %dma_start3A_263 = tpu.memref_slice %arg6[%dma_start3A_261, %dma_start3A_262] : memref<400x64xf32, #tpu.memory_space<vmem>> -> memref<50x64xf32, #tpu.memory_space<vmem>>
    %dma_start3A_264 = arith.constant 0 : i32
    %dma_start3A_265 = arith.constant 0 : i32
    %dma_start3A_266 = tpu.memref_slice %arg4[%add3A_260, %dma_start3A_264, %dma_start3A_265] : memref<4096x56x128xf32, #tpu.memory_space<hbm>> -> memref<1x50x64xf32, #tpu.memory_space<hbm>>
    %dma_start3A_267 = tpu.memref_squeeze %dma_start3A_266 : memref<1x50x64xf32, #tpu.memory_space<hbm>> -> memref<50x64xf32, #tpu.memory_space<hbm>>
    %dma_start3A_268 = arith.constant 0 : i32
    %dma_start3A_269 = arith.constant 0 : i32
    %dma_start3A_270 = tpu.memref_slice %arg4[%add3A_260, %dma_start3A_268, %dma_start3A_269] : memref<4096x56x128xf32, #tpu.memory_space<hbm>> -> memref<1x50x64xf32, #tpu.memory_space<hbm>>
    %dma_start3A_271 = tpu.memref_squeeze %dma_start3A_270 : memref<1x50x64xf32, #tpu.memory_space<hbm>> -> memref<50x64xf32, #tpu.memory_space<hbm>>
    %dma_start3A_272 = arith.constant 350 : i32
    %dma_start3A_273 = arith.constant 0 : i32
    %dma_start3A_274 = tpu.memref_slice %arg6[%dma_start3A_272, %dma_start3A_273] : memref<400x64xf32, #tpu.memory_space<vmem>> -> memref<50x64xf32, #tpu.memory_space<vmem>>
    tpu.enqueue_dma source(%dma_start3A_274 : memref<50x64xf32, #tpu.memory_space<vmem>>) target(%dma_start3A_271 : memref<50x64xf32, #tpu.memory_space<hbm>>) target_semaphore(%arg14 : memref<!tpu.dma_semaphore, #tpu.memory_space<semaphore_mem>>)
    %dma_wait3A_275 = arith.constant 0 : i32
    %dma_wait3A_276 = arith.constant 0 : i32
    %dma_wait3A_277 = tpu.memref_slice %arg2[%dma_wait3A_275, %dma_wait3A_276] : memref<100000x64xf32, #tpu.memory_space<hbm>> -> memref<400x64xf32, #tpu.memory_space<hbm>>
    %dma_wait3A_278 = arith.constant 0 : i32
    %dma_wait3A_279 = arith.constant 0 : i32
    %dma_wait3A_280 = tpu.memref_slice %arg2[%dma_wait3A_278, %dma_wait3A_279] : memref<100000x64xf32, #tpu.memory_space<hbm>> -> memref<400x64xf32, #tpu.memory_space<hbm>>
    tpu.wait_dma2 semaphore(%arg12 : memref<!tpu.dma_semaphore, #tpu.memory_space<semaphore_mem>>) src(%dma_wait3A_280 : memref<400x64xf32, #tpu.memory_space<hbm>>) dst(%arg8 : memref<400x64xf32, #tpu.memory_space<vmem>>)
    %dma_start3A_281 = arith.constant 36 : i32
    %dma_start3A_282 = arith.constant 0 : i32
    %dma_start3A_283 = arith.constant 0 : i32
    %dma_start3A_284 = tpu.memref_slice %arg9[%dma_start3A_282, %dma_start3A_283] : memref<400x64xf32, #tpu.memory_space<vmem>> -> memref<100x64xf32, #tpu.memory_space<vmem>>
    %dma_start3A_285 = arith.constant 0 : i32
    %dma_start3A_286 = tpu.memref_slice %arg5[%dma_start3A_281, %dma_start3A_285] : memref<64x100xi32, #tpu.memory_space<vmem>> -> memref<1x100xi32, #tpu.memory_space<vmem>>
    %dma_start3A_287 = tpu.memref_squeeze %dma_start3A_286 : memref<1x100xi32, #tpu.memory_space<vmem>> -> memref<100xi32, #tpu.memory_space<vmem>>
    %dma_start3A_288 = arith.constant 0 : i32
    %dma_start3A_289 = arith.constant 0 : i32
    %dma_start3A_290 = tpu.memref_slice %arg2[%dma_start3A_288, %dma_start3A_289] : memref<100000x64xf32, #tpu.memory_space<hbm>> -> memref<100000x64xf32, #tpu.memory_space<hbm>>
    tpu.enqueue_indirect_dma source(%dma_start3A_290 : memref<100000x64xf32, #tpu.memory_space<hbm>>) target(%dma_start3A_284 : memref<100x64xf32, #tpu.memory_space<vmem>>) offsets(%dma_start3A_287 : memref<100xi32, #tpu.memory_space<vmem>>) semaphore(%arg13 : memref<!tpu.dma_semaphore, #tpu.memory_space<semaphore_mem>>)
    %dma_start3A_291 = arith.constant 37 : i32
    %dma_start3A_292 = arith.constant 100 : i32
    %dma_start3A_293 = arith.constant 0 : i32
    %dma_start3A_294 = tpu.memref_slice %arg9[%dma_start3A_292, %dma_start3A_293] : memref<400x64xf32, #tpu.memory_space<vmem>> -> memref<100x64xf32, #tpu.memory_space<vmem>>
    %dma_start3A_295 = arith.constant 0 : i32
    %dma_start3A_296 = tpu.memref_slice %arg5[%dma_start3A_291, %dma_start3A_295] : memref<64x100xi32, #tpu.memory_space<vmem>> -> memref<1x100xi32, #tpu.memory_space<vmem>>
    %dma_start3A_297 = tpu.memref_squeeze %dma_start3A_296 : memref<1x100xi32, #tpu.memory_space<vmem>> -> memref<100xi32, #tpu.memory_space<vmem>>
    %dma_start3A_298 = arith.constant 0 : i32
    %dma_start3A_299 = arith.constant 0 : i32
    %dma_start3A_300 = tpu.memref_slice %arg2[%dma_start3A_298, %dma_start3A_299] : memref<100000x64xf32, #tpu.memory_space<hbm>> -> memref<100000x64xf32, #tpu.memory_space<hbm>>
    tpu.enqueue_indirect_dma source(%dma_start3A_300 : memref<100000x64xf32, #tpu.memory_space<hbm>>) target(%dma_start3A_294 : memref<100x64xf32, #tpu.memory_space<vmem>>) offsets(%dma_start3A_297 : memref<100xi32, #tpu.memory_space<vmem>>) semaphore(%arg13 : memref<!tpu.dma_semaphore, #tpu.memory_space<semaphore_mem>>)
    %dma_start3A_301 = arith.constant 38 : i32
    %dma_start3A_302 = arith.constant 200 : i32
    %dma_start3A_303 = arith.constant 0 : i32
    %dma_start3A_304 = tpu.memref_slice %arg9[%dma_start3A_302, %dma_start3A_303] : memref<400x64xf32, #tpu.memory_space<vmem>> -> memref<100x64xf32, #tpu.memory_space<vmem>>
    %dma_start3A_305 = arith.constant 0 : i32
    %dma_start3A_306 = tpu.memref_slice %arg5[%dma_start3A_301, %dma_start3A_305] : memref<64x100xi32, #tpu.memory_space<vmem>> -> memref<1x100xi32, #tpu.memory_space<vmem>>
    %dma_start3A_307 = tpu.memref_squeeze %dma_start3A_306 : memref<1x100xi32, #tpu.memory_space<vmem>> -> memref<100xi32, #tpu.memory_space<vmem>>
    %dma_start3A_308 = arith.constant 0 : i32
    %dma_start3A_309 = arith.constant 0 : i32
    %dma_start3A_310 = tpu.memref_slice %arg2[%dma_start3A_308, %dma_start3A_309] : memref<100000x64xf32, #tpu.memory_space<hbm>> -> memref<100000x64xf32, #tpu.memory_space<hbm>>
    tpu.enqueue_indirect_dma source(%dma_start3A_310 : memref<100000x64xf32, #tpu.memory_space<hbm>>) target(%dma_start3A_304 : memref<100x64xf32, #tpu.memory_space<vmem>>) offsets(%dma_start3A_307 : memref<100xi32, #tpu.memory_space<vmem>>) semaphore(%arg13 : memref<!tpu.dma_semaphore, #tpu.memory_space<semaphore_mem>>)
    %dma_start3A_311 = arith.constant 39 : i32
    %dma_start3A_312 = arith.constant 300 : i32
    %dma_start3A_313 = arith.constant 0 : i32
    %dma_start3A_314 = tpu.memref_slice %arg9[%dma_start3A_312, %dma_start3A_313] : memref<400x64xf32, #tpu.memory_space<vmem>> -> memref<100x64xf32, #tpu.memory_space<vmem>>
    %dma_start3A_315 = arith.constant 0 : i32
    %dma_start3A_316 = tpu.memref_slice %arg5[%dma_start3A_311, %dma_start3A_315] : memref<64x100xi32, #tpu.memory_space<vmem>> -> memref<1x100xi32, #tpu.memory_space<vmem>>
    %dma_start3A_317 = tpu.memref_squeeze %dma_start3A_316 : memref<1x100xi32, #tpu.memory_space<vmem>> -> memref<100xi32, #tpu.memory_space<vmem>>
    %dma_start3A_318 = arith.constant 0 : i32
    %dma_start3A_319 = arith.constant 0 : i32
    %dma_start3A_320 = tpu.memref_slice %arg2[%dma_start3A_318, %dma_start3A_319] : memref<100000x64xf32, #tpu.memory_space<hbm>> -> memref<100000x64xf32, #tpu.memory_space<hbm>>
    tpu.enqueue_indirect_dma source(%dma_start3A_320 : memref<100000x64xf32, #tpu.memory_space<hbm>>) target(%dma_start3A_314 : memref<100x64xf32, #tpu.memory_space<vmem>>) offsets(%dma_start3A_317 : memref<100xi32, #tpu.memory_space<vmem>>) semaphore(%arg13 : memref<!tpu.dma_semaphore, #tpu.memory_space<semaphore_mem>>)
    %add3A_321 = arith.constant 0 : i32
    %add3A_322 = arith.addi %add3A_6, %add3A_321 : i32
    %add3A_323 = arith.constant 0 : i32
    %add3A_324 = arith.addi %add3A_322, %add3A_323 : i32
    %dma_start3A_325 = arith.constant 0 : i32
    %dma_start3A_326 = arith.constant 0 : i32
    %dma_start3A_327 = tpu.memref_slice %arg8[%dma_start3A_325, %dma_start3A_326] : memref<400x64xf32, #tpu.memory_space<vmem>> -> memref<50x64xf32, #tpu.memory_space<vmem>>
    %dma_start3A_328 = arith.constant 0 : i32
    %dma_start3A_329 = arith.constant 0 : i32
    %dma_start3A_330 = tpu.memref_slice %arg4[%add3A_324, %dma_start3A_328, %dma_start3A_329] : memref<4096x56x128xf32, #tpu.memory_space<hbm>> -> memref<1x50x64xf32, #tpu.memory_space<hbm>>
    %dma_start3A_331 = tpu.memref_squeeze %dma_start3A_330 : memref<1x50x64xf32, #tpu.memory_space<hbm>> -> memref<50x64xf32, #tpu.memory_space<hbm>>
    %dma_start3A_332 = arith.constant 0 : i32
    %dma_start3A_333 = arith.constant 0 : i32
    %dma_start3A_334 = tpu.memref_slice %arg4[%add3A_324, %dma_start3A_332, %dma_start3A_333] : memref<4096x56x128xf32, #tpu.memory_space<hbm>> -> memref<1x50x64xf32, #tpu.memory_space<hbm>>
    %dma_start3A_335 = tpu.memref_squeeze %dma_start3A_334 : memref<1x50x64xf32, #tpu.memory_space<hbm>> -> memref<50x64xf32, #tpu.memory_space<hbm>>
    %dma_start3A_336 = arith.constant 0 : i32
    %dma_start3A_337 = arith.constant 0 : i32
    %dma_start3A_338 = tpu.memref_slice %arg8[%dma_start3A_336, %dma_start3A_337] : memref<400x64xf32, #tpu.memory_space<vmem>> -> memref<50x64xf32, #tpu.memory_space<vmem>>
    tpu.enqueue_dma source(%dma_start3A_338 : memref<50x64xf32, #tpu.memory_space<vmem>>) target(%dma_start3A_335 : memref<50x64xf32, #tpu.memory_space<hbm>>) target_semaphore(%arg16 : memref<!tpu.dma_semaphore, #tpu.memory_space<semaphore_mem>>)
    %add3A_339 = arith.constant 0 : i32
    %add3A_340 = arith.addi %add3A_6, %add3A_339 : i32
    %add3A_341 = arith.constant 1 : i32
    %add3A_342 = arith.addi %add3A_340, %add3A_341 : i32
    %dma_start3A_343 = arith.constant 50 : i32
    %dma_start3A_344 = arith.constant 0 : i32
    %dma_start3A_345 = tpu.memref_slice %arg8[%dma_start3A_343, %dma_start3A_344] : memref<400x64xf32, #tpu.memory_space<vmem>> -> memref<50x64xf32, #tpu.memory_space<vmem>>
    %dma_start3A_346 = arith.constant 0 : i32
    %dma_start3A_347 = arith.constant 0 : i32
    %dma_start3A_348 = tpu.memref_slice %arg4[%add3A_342, %dma_start3A_346, %dma_start3A_347] : memref<4096x56x128xf32, #tpu.memory_space<hbm>> -> memref<1x50x64xf32, #tpu.memory_space<hbm>>
    %dma_start3A_349 = tpu.memref_squeeze %dma_start3A_348 : memref<1x50x64xf32, #tpu.memory_space<hbm>> -> memref<50x64xf32, #tpu.memory_space<hbm>>
    %dma_start3A_350 = arith.constant 0 : i32
    %dma_start3A_351 = arith.constant 0 : i32
    %dma_start3A_352 = tpu.memref_slice %arg4[%add3A_342, %dma_start3A_350, %dma_start3A_351] : memref<4096x56x128xf32, #tpu.memory_space<hbm>> -> memref<1x50x64xf32, #tpu.memory_space<hbm>>
    %dma_start3A_353 = tpu.memref_squeeze %dma_start3A_352 : memref<1x50x64xf32, #tpu.memory_space<hbm>> -> memref<50x64xf32, #tpu.memory_space<hbm>>
    %dma_start3A_354 = arith.constant 50 : i32
    %dma_start3A_355 = arith.constant 0 : i32
    %dma_start3A_356 = tpu.memref_slice %arg8[%dma_start3A_354, %dma_start3A_355] : memref<400x64xf32, #tpu.memory_space<vmem>> -> memref<50x64xf32, #tpu.memory_space<vmem>>
    tpu.enqueue_dma source(%dma_start3A_356 : memref<50x64xf32, #tpu.memory_space<vmem>>) target(%dma_start3A_353 : memref<50x64xf32, #tpu.memory_space<hbm>>) target_semaphore(%arg16 : memref<!tpu.dma_semaphore, #tpu.memory_space<semaphore_mem>>)
    %add3A_357 = arith.constant 0 : i32
    %add3A_358 = arith.addi %add3A_6, %add3A_357 : i32
    %add3A_359 = arith.constant 2 : i32
    %add3A_360 = arith.addi %add3A_358, %add3A_359 : i32
    %dma_start3A_361 = arith.constant 100 : i32
    %dma_start3A_362 = arith.constant 0 : i32
    %dma_start3A_363 = tpu.memref_slice %arg8[%dma_start3A_361, %dma_start3A_362] : memref<400x64xf32, #tpu.memory_space<vmem>> -> memref<50x64xf32, #tpu.memory_space<vmem>>
    %dma_start3A_364 = arith.constant 0 : i32
    %dma_start3A_365 = arith.constant 0 : i32
    %dma_start3A_366 = tpu.memref_slice %arg4[%add3A_360, %dma_start3A_364, %dma_start3A_365] : memref<4096x56x128xf32, #tpu.memory_space<hbm>> -> memref<1x50x64xf32, #tpu.memory_space<hbm>>
    %dma_start3A_367 = tpu.memref_squeeze %dma_start3A_366 : memref<1x50x64xf32, #tpu.memory_space<hbm>> -> memref<50x64xf32, #tpu.memory_space<hbm>>
    %dma_start3A_368 = arith.constant 0 : i32
    %dma_start3A_369 = arith.constant 0 : i32
    %dma_start3A_370 = tpu.memref_slice %arg4[%add3A_360, %dma_start3A_368, %dma_start3A_369] : memref<4096x56x128xf32, #tpu.memory_space<hbm>> -> memref<1x50x64xf32, #tpu.memory_space<hbm>>
    %dma_start3A_371 = tpu.memref_squeeze %dma_start3A_370 : memref<1x50x64xf32, #tpu.memory_space<hbm>> -> memref<50x64xf32, #tpu.memory_space<hbm>>
    %dma_start3A_372 = arith.constant 100 : i32
    %dma_start3A_373 = arith.constant 0 : i32
    %dma_start3A_374 = tpu.memref_slice %arg8[%dma_start3A_372, %dma_start3A_373] : memref<400x64xf32, #tpu.memory_space<vmem>> -> memref<50x64xf32, #tpu.memory_space<vmem>>
    tpu.enqueue_dma source(%dma_start3A_374 : memref<50x64xf32, #tpu.memory_space<vmem>>) target(%dma_start3A_371 : memref<50x64xf32, #tpu.memory_space<hbm>>) target_semaphore(%arg16 : memref<!tpu.dma_semaphore, #tpu.memory_space<semaphore_mem>>)
    %add3A_375 = arith.constant 0 : i32
    %add3A_376 = arith.addi %add3A_6, %add3A_375 : i32
    %add3A_377 = arith.constant 3 : i32
    %add3A_378 = arith.addi %add3A_376, %add3A_377 : i32
    %dma_start3A_379 = arith.constant 150 : i32
    %dma_start3A_380 = arith.constant 0 : i32
    %dma_start3A_381 = tpu.memref_slice %arg8[%dma_start3A_379, %dma_start3A_380] : memref<400x64xf32, #tpu.memory_space<vmem>> -> memref<50x64xf32, #tpu.memory_space<vmem>>
    %dma_start3A_382 = arith.constant 0 : i32
    %dma_start3A_383 = arith.constant 0 : i32
    %dma_start3A_384 = tpu.memref_slice %arg4[%add3A_378, %dma_start3A_382, %dma_start3A_383] : memref<4096x56x128xf32, #tpu.memory_space<hbm>> -> memref<1x50x64xf32, #tpu.memory_space<hbm>>
    %dma_start3A_385 = tpu.memref_squeeze %dma_start3A_384 : memref<1x50x64xf32, #tpu.memory_space<hbm>> -> memref<50x64xf32, #tpu.memory_space<hbm>>
    %dma_start3A_386 = arith.constant 0 : i32
    %dma_start3A_387 = arith.constant 0 : i32
    %dma_start3A_388 = tpu.memref_slice %arg4[%add3A_378, %dma_start3A_386, %dma_start3A_387] : memref<4096x56x128xf32, #tpu.memory_space<hbm>> -> memref<1x50x64xf32, #tpu.memory_space<hbm>>
    %dma_start3A_389 = tpu.memref_squeeze %dma_start3A_388 : memref<1x50x64xf32, #tpu.memory_space<hbm>> -> memref<50x64xf32, #tpu.memory_space<hbm>>
    %dma_start3A_390 = arith.constant 150 : i32
    %dma_start3A_391 = arith.constant 0 : i32
    %dma_start3A_392 = tpu.memref_slice %arg8[%dma_start3A_390, %dma_start3A_391] : memref<400x64xf32, #tpu.memory_space<vmem>> -> memref<50x64xf32, #tpu.memory_space<vmem>>
    tpu.enqueue_dma source(%dma_start3A_392 : memref<50x64xf32, #tpu.memory_space<vmem>>) target(%dma_start3A_389 : memref<50x64xf32, #tpu.memory_space<hbm>>) target_semaphore(%arg16 : memref<!tpu.dma_semaphore, #tpu.memory_space<semaphore_mem>>)
    %add3A_393 = arith.constant 0 : i32
    %add3A_394 = arith.addi %add3A_6, %add3A_393 : i32
    %add3A_395 = arith.constant 4 : i32
    %add3A_396 = arith.addi %add3A_394, %add3A_395 : i32
    %dma_start3A_397 = arith.constant 200 : i32
    %dma_start3A_398 = arith.constant 0 : i32
    %dma_start3A_399 = tpu.memref_slice %arg8[%dma_start3A_397, %dma_start3A_398] : memref<400x64xf32, #tpu.memory_space<vmem>> -> memref<50x64xf32, #tpu.memory_space<vmem>>
    %dma_start3A_400 = arith.constant 0 : i32
    %dma_start3A_401 = arith.constant 0 : i32
    %dma_start3A_402 = tpu.memref_slice %arg4[%add3A_396, %dma_start3A_400, %dma_start3A_401] : memref<4096x56x128xf32, #tpu.memory_space<hbm>> -> memref<1x50x64xf32, #tpu.memory_space<hbm>>
    %dma_start3A_403 = tpu.memref_squeeze %dma_start3A_402 : memref<1x50x64xf32, #tpu.memory_space<hbm>> -> memref<50x64xf32, #tpu.memory_space<hbm>>
    %dma_start3A_404 = arith.constant 0 : i32
    %dma_start3A_405 = arith.constant 0 : i32
    %dma_start3A_406 = tpu.memref_slice %arg4[%add3A_396, %dma_start3A_404, %dma_start3A_405] : memref<4096x56x128xf32, #tpu.memory_space<hbm>> -> memref<1x50x64xf32, #tpu.memory_space<hbm>>
    %dma_start3A_407 = tpu.memref_squeeze %dma_start3A_406 : memref<1x50x64xf32, #tpu.memory_space<hbm>> -> memref<50x64xf32, #tpu.memory_space<hbm>>
    %dma_start3A_408 = arith.constant 200 : i32
    %dma_start3A_409 = arith.constant 0 : i32
    %dma_start3A_410 = tpu.memref_slice %arg8[%dma_start3A_408, %dma_start3A_409] : memref<400x64xf32, #tpu.memory_space<vmem>> -> memref<50x64xf32, #tpu.memory_space<vmem>>
    tpu.enqueue_dma source(%dma_start3A_410 : memref<50x64xf32, #tpu.memory_space<vmem>>) target(%dma_start3A_407 : memref<50x64xf32, #tpu.memory_space<hbm>>) target_semaphore(%arg16 : memref<!tpu.dma_semaphore, #tpu.memory_space<semaphore_mem>>)
    %add3A_411 = arith.constant 0 : i32
    %add3A_412 = arith.addi %add3A_6, %add3A_411 : i32
    %add3A_413 = arith.constant 5 : i32
    %add3A_414 = arith.addi %add3A_412, %add3A_413 : i32
    %dma_start3A_415 = arith.constant 250 : i32
    %dma_start3A_416 = arith.constant 0 : i32
    %dma_start3A_417 = tpu.memref_slice %arg8[%dma_start3A_415, %dma_start3A_416] : memref<400x64xf32, #tpu.memory_space<vmem>> -> memref<50x64xf32, #tpu.memory_space<vmem>>
    %dma_start3A_418 = arith.constant 0 : i32
    %dma_start3A_419 = arith.constant 0 : i32
    %dma_start3A_420 = tpu.memref_slice %arg4[%add3A_414, %dma_start3A_418, %dma_start3A_419] : memref<4096x56x128xf32, #tpu.memory_space<hbm>> -> memref<1x50x64xf32, #tpu.memory_space<hbm>>
    %dma_start3A_421 = tpu.memref_squeeze %dma_start3A_420 : memref<1x50x64xf32, #tpu.memory_space<hbm>> -> memref<50x64xf32, #tpu.memory_space<hbm>>
    %dma_start3A_422 = arith.constant 0 : i32
    %dma_start3A_423 = arith.constant 0 : i32
    %dma_start3A_424 = tpu.memref_slice %arg4[%add3A_414, %dma_start3A_422, %dma_start3A_423] : memref<4096x56x128xf32, #tpu.memory_space<hbm>> -> memref<1x50x64xf32, #tpu.memory_space<hbm>>
    %dma_start3A_425 = tpu.memref_squeeze %dma_start3A_424 : memref<1x50x64xf32, #tpu.memory_space<hbm>> -> memref<50x64xf32, #tpu.memory_space<hbm>>
    %dma_start3A_426 = arith.constant 250 : i32
    %dma_start3A_427 = arith.constant 0 : i32
    %dma_start3A_428 = tpu.memref_slice %arg8[%dma_start3A_426, %dma_start3A_427] : memref<400x64xf32, #tpu.memory_space<vmem>> -> memref<50x64xf32, #tpu.memory_space<vmem>>
    tpu.enqueue_dma source(%dma_start3A_428 : memref<50x64xf32, #tpu.memory_space<vmem>>) target(%dma_start3A_425 : memref<50x64xf32, #tpu.memory_space<hbm>>) target_semaphore(%arg16 : memref<!tpu.dma_semaphore, #tpu.memory_space<semaphore_mem>>)
    %add3A_429 = arith.constant 0 : i32
    %add3A_430 = arith.addi %add3A_6, %add3A_429 : i32
    %add3A_431 = arith.constant 6 : i32
    %add3A_432 = arith.addi %add3A_430, %add3A_431 : i32
    %dma_start3A_433 = arith.constant 300 : i32
    %dma_start3A_434 = arith.constant 0 : i32
    %dma_start3A_435 = tpu.memref_slice %arg8[%dma_start3A_433, %dma_start3A_434] : memref<400x64xf32, #tpu.memory_space<vmem>> -> memref<50x64xf32, #tpu.memory_space<vmem>>
    %dma_start3A_436 = arith.constant 0 : i32
    %dma_start3A_437 = arith.constant 0 : i32
    %dma_start3A_438 = tpu.memref_slice %arg4[%add3A_432, %dma_start3A_436, %dma_start3A_437] : memref<4096x56x128xf32, #tpu.memory_space<hbm>> -> memref<1x50x64xf32, #tpu.memory_space<hbm>>
    %dma_start3A_439 = tpu.memref_squeeze %dma_start3A_438 : memref<1x50x64xf32, #tpu.memory_space<hbm>> -> memref<50x64xf32, #tpu.memory_space<hbm>>
    %dma_start3A_440 = arith.constant 0 : i32
    %dma_start3A_441 = arith.constant 0 : i32
    %dma_start3A_442 = tpu.memref_slice %arg4[%add3A_432, %dma_start3A_440, %dma_start3A_441] : memref<4096x56x128xf32, #tpu.memory_space<hbm>> -> memref<1x50x64xf32, #tpu.memory_space<hbm>>
    %dma_start3A_443 = tpu.memref_squeeze %dma_start3A_442 : memref<1x50x64xf32, #tpu.memory_space<hbm>> -> memref<50x64xf32, #tpu.memory_space<hbm>>
    %dma_start3A_444 = arith.constant 300 : i32
    %dma_start3A_445 = arith.constant 0 : i32
    %dma_start3A_446 = tpu.memref_slice %arg8[%dma_start3A_444, %dma_start3A_445] : memref<400x64xf32, #tpu.memory_space<vmem>> -> memref<50x64xf32, #tpu.memory_space<vmem>>
    tpu.enqueue_dma source(%dma_start3A_446 : memref<50x64xf32, #tpu.memory_space<vmem>>) target(%dma_start3A_443 : memref<50x64xf32, #tpu.memory_space<hbm>>) target_semaphore(%arg16 : memref<!tpu.dma_semaphore, #tpu.memory_space<semaphore_mem>>)
    %add3A_447 = arith.constant 0 : i32
    %add3A_448 = arith.addi %add3A_6, %add3A_447 : i32
    %add3A_449 = arith.constant 7 : i32
    %add3A_450 = arith.addi %add3A_448, %add3A_449 : i32
    %dma_start3A_451 = arith.constant 350 : i32
    %dma_start3A_452 = arith.constant 0 : i32
    %dma_start3A_453 = tpu.memref_slice %arg8[%dma_start3A_451, %dma_start3A_452] : memref<400x64xf32, #tpu.memory_space<vmem>> -> memref<50x64xf32, #tpu.memory_space<vmem>>
    %dma_start3A_454 = arith.constant 0 : i32
    %dma_start3A_455 = arith.constant 0 : i32
    %dma_start3A_456 = tpu.memref_slice %arg4[%add3A_450, %dma_start3A_454, %dma_start3A_455] : memref<4096x56x128xf32, #tpu.memory_space<hbm>> -> memref<1x50x64xf32, #tpu.memory_space<hbm>>
    %dma_start3A_457 = tpu.memref_squeeze %dma_start3A_456 : memref<1x50x64xf32, #tpu.memory_space<hbm>> -> memref<50x64xf32, #tpu.memory_space<hbm>>
    %dma_start3A_458 = arith.constant 0 : i32
    %dma_start3A_459 = arith.constant 0 : i32
    %dma_start3A_460 = tpu.memref_slice %arg4[%add3A_450, %dma_start3A_458, %dma_start3A_459] : memref<4096x56x128xf32, #tpu.memory_space<hbm>> -> memref<1x50x64xf32, #tpu.memory_space<hbm>>
    %dma_start3A_461 = tpu.memref_squeeze %dma_start3A_460 : memref<1x50x64xf32, #tpu.memory_space<hbm>> -> memref<50x64xf32, #tpu.memory_space<hbm>>
    %dma_start3A_462 = arith.constant 350 : i32
    %dma_start3A_463 = arith.constant 0 : i32
    %dma_start3A_464 = tpu.memref_slice %arg8[%dma_start3A_462, %dma_start3A_463] : memref<400x64xf32, #tpu.memory_space<vmem>> -> memref<50x64xf32, #tpu.memory_space<vmem>>
    tpu.enqueue_dma source(%dma_start3A_464 : memref<50x64xf32, #tpu.memory_space<vmem>>) target(%dma_start3A_461 : memref<50x64xf32, #tpu.memory_space<hbm>>) target_semaphore(%arg16 : memref<!tpu.dma_semaphore, #tpu.memory_space<semaphore_mem>>)
    %dma_wait3A_465 = arith.constant 0 : i32
    %dma_wait3A_466 = arith.constant 0 : i32
    %dma_wait3A_467 = tpu.memref_slice %arg2[%dma_wait3A_465, %dma_wait3A_466] : memref<100000x64xf32, #tpu.memory_space<hbm>> -> memref<400x64xf32, #tpu.memory_space<hbm>>
    %dma_wait3A_468 = arith.constant 0 : i32
    %dma_wait3A_469 = arith.constant 0 : i32
    %dma_wait3A_470 = tpu.memref_slice %arg2[%dma_wait3A_468, %dma_wait3A_469] : memref<100000x64xf32, #tpu.memory_space<hbm>> -> memref<400x64xf32, #tpu.memory_space<hbm>>
    tpu.wait_dma2 semaphore(%arg11 : memref<!tpu.dma_semaphore, #tpu.memory_space<semaphore_mem>>) src(%dma_wait3A_470 : memref<400x64xf32, #tpu.memory_space<hbm>>) dst(%arg7 : memref<400x64xf32, #tpu.memory_space<vmem>>)
    %dma_wait3A_471 = arith.constant 0 : i32
    %dma_wait3A_472 = arith.constant 0 : i32
    %dma_wait3A_473 = tpu.memref_slice %arg2[%dma_wait3A_471, %dma_wait3A_472] : memref<100000x64xf32, #tpu.memory_space<hbm>> -> memref<400x64xf32, #tpu.memory_space<hbm>>
    %dma_wait3A_474 = arith.constant 0 : i32
    %dma_wait3A_475 = arith.constant 0 : i32
    %dma_wait3A_476 = tpu.memref_slice %arg2[%dma_wait3A_474, %dma_wait3A_475] : memref<100000x64xf32, #tpu.memory_space<hbm>> -> memref<400x64xf32, #tpu.memory_space<hbm>>
    tpu.wait_dma2 semaphore(%arg14 : memref<!tpu.dma_semaphore, #tpu.memory_space<semaphore_mem>>) src(%dma_wait3A_476 : memref<400x64xf32, #tpu.memory_space<hbm>>) dst(%arg6 : memref<400x64xf32, #tpu.memory_space<vmem>>)
    %dma_start3A_477 = arith.constant 8 : i32
    %dma_start3A_478 = arith.constant 0 : i32
    %dma_start3A_479 = arith.constant 0 : i32
    %dma_start3A_480 = tpu.memref_slice %arg6[%dma_start3A_478, %dma_start3A_479] : memref<400x64xf32, #tpu.memory_space<vmem>> -> memref<100x64xf32, #tpu.memory_space<vmem>>
    %dma_start3A_481 = arith.constant 0 : i32
    %dma_start3A_482 = tpu.memref_slice %arg5[%dma_start3A_477, %dma_start3A_481] : memref<64x100xi32, #tpu.memory_space<vmem>> -> memref<1x100xi32, #tpu.memory_space<vmem>>
    %dma_start3A_483 = tpu.memref_squeeze %dma_start3A_482 : memref<1x100xi32, #tpu.memory_space<vmem>> -> memref<100xi32, #tpu.memory_space<vmem>>
    %dma_start3A_484 = arith.constant 0 : i32
    %dma_start3A_485 = arith.constant 0 : i32
    %dma_start3A_486 = tpu.memref_slice %arg2[%dma_start3A_484, %dma_start3A_485] : memref<100000x64xf32, #tpu.memory_space<hbm>> -> memref<100000x64xf32, #tpu.memory_space<hbm>>
    tpu.enqueue_indirect_dma source(%dma_start3A_486 : memref<100000x64xf32, #tpu.memory_space<hbm>>) target(%dma_start3A_480 : memref<100x64xf32, #tpu.memory_space<vmem>>) offsets(%dma_start3A_483 : memref<100xi32, #tpu.memory_space<vmem>>) semaphore(%arg10 : memref<!tpu.dma_semaphore, #tpu.memory_space<semaphore_mem>>)
    %dma_start3A_487 = arith.constant 9 : i32
    %dma_start3A_488 = arith.constant 100 : i32
    %dma_start3A_489 = arith.constant 0 : i32
    %dma_start3A_490 = tpu.memref_slice %arg6[%dma_start3A_488, %dma_start3A_489] : memref<400x64xf32, #tpu.memory_space<vmem>> -> memref<100x64xf32, #tpu.memory_space<vmem>>
    %dma_start3A_491 = arith.constant 0 : i32
    %dma_start3A_492 = tpu.memref_slice %arg5[%dma_start3A_487, %dma_start3A_491] : memref<64x100xi32, #tpu.memory_space<vmem>> -> memref<1x100xi32, #tpu.memory_space<vmem>>
    %dma_start3A_493 = tpu.memref_squeeze %dma_start3A_492 : memref<1x100xi32, #tpu.memory_space<vmem>> -> memref<100xi32, #tpu.memory_space<vmem>>
    %dma_start3A_494 = arith.constant 0 : i32
    %dma_start3A_495 = arith.constant 0 : i32
    %dma_start3A_496 = tpu.memref_slice %arg2[%dma_start3A_494, %dma_start3A_495] : memref<100000x64xf32, #tpu.memory_space<hbm>> -> memref<100000x64xf32, #tpu.memory_space<hbm>>
    tpu.enqueue_indirect_dma source(%dma_start3A_496 : memref<100000x64xf32, #tpu.memory_space<hbm>>) target(%dma_start3A_490 : memref<100x64xf32, #tpu.memory_space<vmem>>) offsets(%dma_start3A_493 : memref<100xi32, #tpu.memory_space<vmem>>) semaphore(%arg10 : memref<!tpu.dma_semaphore, #tpu.memory_space<semaphore_mem>>)
    %dma_start3A_497 = arith.constant 10 : i32
    %dma_start3A_498 = arith.constant 200 : i32
    %dma_start3A_499 = arith.constant 0 : i32
    %dma_start3A_500 = tpu.memref_slice %arg6[%dma_start3A_498, %dma_start3A_499] : memref<400x64xf32, #tpu.memory_space<vmem>> -> memref<100x64xf32, #tpu.memory_space<vmem>>
    %dma_start3A_501 = arith.constant 0 : i32
    %dma_start3A_502 = tpu.memref_slice %arg5[%dma_start3A_497, %dma_start3A_501] : memref<64x100xi32, #tpu.memory_space<vmem>> -> memref<1x100xi32, #tpu.memory_space<vmem>>
    %dma_start3A_503 = tpu.memref_squeeze %dma_start3A_502 : memref<1x100xi32, #tpu.memory_space<vmem>> -> memref<100xi32, #tpu.memory_space<vmem>>
    %dma_start3A_504 = arith.constant 0 : i32
    %dma_start3A_505 = arith.constant 0 : i32
    %dma_start3A_506 = tpu.memref_slice %arg2[%dma_start3A_504, %dma_start3A_505] : memref<100000x64xf32, #tpu.memory_space<hbm>> -> memref<100000x64xf32, #tpu.memory_space<hbm>>
    tpu.enqueue_indirect_dma source(%dma_start3A_506 : memref<100000x64xf32, #tpu.memory_space<hbm>>) target(%dma_start3A_500 : memref<100x64xf32, #tpu.memory_space<vmem>>) offsets(%dma_start3A_503 : memref<100xi32, #tpu.memory_space<vmem>>) semaphore(%arg10 : memref<!tpu.dma_semaphore, #tpu.memory_space<semaphore_mem>>)
    %dma_start3A_507 = arith.constant 11 : i32
    %dma_start3A_508 = arith.constant 300 : i32
    %dma_start3A_509 = arith.constant 0 : i32
    %dma_start3A_510 = tpu.memref_slice %arg6[%dma_start3A_508, %dma_start3A_509] : memref<400x64xf32, #tpu.memory_space<vmem>> -> memref<100x64xf32, #tpu.memory_space<vmem>>
    %dma_start3A_511 = arith.constant 0 : i32
    %dma_start3A_512 = tpu.memref_slice %arg5[%dma_start3A_507, %dma_start3A_511] : memref<64x100xi32, #tpu.memory_space<vmem>> -> memref<1x100xi32, #tpu.memory_space<vmem>>
    %dma_start3A_513 = tpu.memref_squeeze %dma_start3A_512 : memref<1x100xi32, #tpu.memory_space<vmem>> -> memref<100xi32, #tpu.memory_space<vmem>>
    %dma_start3A_514 = arith.constant 0 : i32
    %dma_start3A_515 = arith.constant 0 : i32
    %dma_start3A_516 = tpu.memref_slice %arg2[%dma_start3A_514, %dma_start3A_515] : memref<100000x64xf32, #tpu.memory_space<hbm>> -> memref<100000x64xf32, #tpu.memory_space<hbm>>
    tpu.enqueue_indirect_dma source(%dma_start3A_516 : memref<100000x64xf32, #tpu.memory_space<hbm>>) target(%dma_start3A_510 : memref<100x64xf32, #tpu.memory_space<vmem>>) offsets(%dma_start3A_513 : memref<100xi32, #tpu.memory_space<vmem>>) semaphore(%arg10 : memref<!tpu.dma_semaphore, #tpu.memory_space<semaphore_mem>>)
    %add3A_517 = arith.constant 8 : i32
    %add3A_518 = arith.addi %mul3A_2, %add3A_517 : i32
    %add3A_519 = arith.constant 0 : i32
    %add3A_520 = arith.addi %add3A_518, %add3A_519 : i32
    %dma_start3A_521 = arith.constant 0 : i32
    %dma_start3A_522 = arith.constant 0 : i32
    %dma_start3A_523 = tpu.memref_slice %arg7[%dma_start3A_521, %dma_start3A_522] : memref<400x64xf32, #tpu.memory_space<vmem>> -> memref<50x64xf32, #tpu.memory_space<vmem>>
    %dma_start3A_524 = arith.constant 0 : i32
    %dma_start3A_525 = arith.constant 0 : i32
    %dma_start3A_526 = tpu.memref_slice %arg4[%add3A_520, %dma_start3A_524, %dma_start3A_525] : memref<4096x56x128xf32, #tpu.memory_space<hbm>> -> memref<1x50x64xf32, #tpu.memory_space<hbm>>
    %dma_start3A_527 = tpu.memref_squeeze %dma_start3A_526 : memref<1x50x64xf32, #tpu.memory_space<hbm>> -> memref<50x64xf32, #tpu.memory_space<hbm>>
    %dma_start3A_528 = arith.constant 0 : i32
    %dma_start3A_529 = arith.constant 0 : i32
    %dma_start3A_530 = tpu.memref_slice %arg4[%add3A_520, %dma_start3A_528, %dma_start3A_529] : memref<4096x56x128xf32, #tpu.memory_space<hbm>> -> memref<1x50x64xf32, #tpu.memory_space<hbm>>
    %dma_start3A_531 = tpu.memref_squeeze %dma_start3A_530 : memref<1x50x64xf32, #tpu.memory_space<hbm>> -> memref<50x64xf32, #tpu.memory_space<hbm>>
    %dma_start3A_532 = arith.constant 0 : i32
    %dma_start3A_533 = arith.constant 0 : i32
    %dma_start3A_534 = tpu.memref_slice %arg7[%dma_start3A_532, %dma_start3A_533] : memref<400x64xf32, #tpu.memory_space<vmem>> -> memref<50x64xf32, #tpu.memory_space<vmem>>
    tpu.enqueue_dma source(%dma_start3A_534 : memref<50x64xf32, #tpu.memory_space<vmem>>) target(%dma_start3A_531 : memref<50x64xf32, #tpu.memory_space<hbm>>) target_semaphore(%arg15 : memref<!tpu.dma_semaphore, #tpu.memory_space<semaphore_mem>>)
    %add3A_535 = arith.constant 8 : i32
    %add3A_536 = arith.addi %mul3A_2, %add3A_535 : i32
    %add3A_537 = arith.constant 1 : i32
    %add3A_538 = arith.addi %add3A_536, %add3A_537 : i32
    %dma_start3A_539 = arith.constant 50 : i32
    %dma_start3A_540 = arith.constant 0 : i32
    %dma_start3A_541 = tpu.memref_slice %arg7[%dma_start3A_539, %dma_start3A_540] : memref<400x64xf32, #tpu.memory_space<vmem>> -> memref<50x64xf32, #tpu.memory_space<vmem>>
    %dma_start3A_542 = arith.constant 0 : i32
    %dma_start3A_543 = arith.constant 0 : i32
    %dma_start3A_544 = tpu.memref_slice %arg4[%add3A_538, %dma_start3A_542, %dma_start3A_543] : memref<4096x56x128xf32, #tpu.memory_space<hbm>> -> memref<1x50x64xf32, #tpu.memory_space<hbm>>
    %dma_start3A_545 = tpu.memref_squeeze %dma_start3A_544 : memref<1x50x64xf32, #tpu.memory_space<hbm>> -> memref<50x64xf32, #tpu.memory_space<hbm>>
    %dma_start3A_546 = arith.constant 0 : i32
    %dma_start3A_547 = arith.constant 0 : i32
    %dma_start3A_548 = tpu.memref_slice %arg4[%add3A_538, %dma_start3A_546, %dma_start3A_547] : memref<4096x56x128xf32, #tpu.memory_space<hbm>> -> memref<1x50x64xf32, #tpu.memory_space<hbm>>
    %dma_start3A_549 = tpu.memref_squeeze %dma_start3A_548 : memref<1x50x64xf32, #tpu.memory_space<hbm>> -> memref<50x64xf32, #tpu.memory_space<hbm>>
    %dma_start3A_550 = arith.constant 50 : i32
    %dma_start3A_551 = arith.constant 0 : i32
    %dma_start3A_552 = tpu.memref_slice %arg7[%dma_start3A_550, %dma_start3A_551] : memref<400x64xf32, #tpu.memory_space<vmem>> -> memref<50x64xf32, #tpu.memory_space<vmem>>
    tpu.enqueue_dma source(%dma_start3A_552 : memref<50x64xf32, #tpu.memory_space<vmem>>) target(%dma_start3A_549 : memref<50x64xf32, #tpu.memory_space<hbm>>) target_semaphore(%arg15 : memref<!tpu.dma_semaphore, #tpu.memory_space<semaphore_mem>>)
    %add3A_553 = arith.constant 8 : i32
    %add3A_554 = arith.addi %mul3A_2, %add3A_553 : i32
    %add3A_555 = arith.constant 2 : i32
    %add3A_556 = arith.addi %add3A_554, %add3A_555 : i32
    %dma_start3A_557 = arith.constant 100 : i32
    %dma_start3A_558 = arith.constant 0 : i32
    %dma_start3A_559 = tpu.memref_slice %arg7[%dma_start3A_557, %dma_start3A_558] : memref<400x64xf32, #tpu.memory_space<vmem>> -> memref<50x64xf32, #tpu.memory_space<vmem>>
    %dma_start3A_560 = arith.constant 0 : i32
    %dma_start3A_561 = arith.constant 0 : i32
    %dma_start3A_562 = tpu.memref_slice %arg4[%add3A_556, %dma_start3A_560, %dma_start3A_561] : memref<4096x56x128xf32, #tpu.memory_space<hbm>> -> memref<1x50x64xf32, #tpu.memory_space<hbm>>
    %dma_start3A_563 = tpu.memref_squeeze %dma_start3A_562 : memref<1x50x64xf32, #tpu.memory_space<hbm>> -> memref<50x64xf32, #tpu.memory_space<hbm>>
    %dma_start3A_564 = arith.constant 0 : i32
    %dma_start3A_565 = arith.constant 0 : i32
    %dma_start3A_566 = tpu.memref_slice %arg4[%add3A_556, %dma_start3A_564, %dma_start3A_565] : memref<4096x56x128xf32, #tpu.memory_space<hbm>> -> memref<1x50x64xf32, #tpu.memory_space<hbm>>
    %dma_start3A_567 = tpu.memref_squeeze %dma_start3A_566 : memref<1x50x64xf32, #tpu.memory_space<hbm>> -> memref<50x64xf32, #tpu.memory_space<hbm>>
    %dma_start3A_568 = arith.constant 100 : i32
    %dma_start3A_569 = arith.constant 0 : i32
    %dma_start3A_570 = tpu.memref_slice %arg7[%dma_start3A_568, %dma_start3A_569] : memref<400x64xf32, #tpu.memory_space<vmem>> -> memref<50x64xf32, #tpu.memory_space<vmem>>
    tpu.enqueue_dma source(%dma_start3A_570 : memref<50x64xf32, #tpu.memory_space<vmem>>) target(%dma_start3A_567 : memref<50x64xf32, #tpu.memory_space<hbm>>) target_semaphore(%arg15 : memref<!tpu.dma_semaphore, #tpu.memory_space<semaphore_mem>>)
    %add3A_571 = arith.constant 8 : i32
    %add3A_572 = arith.addi %mul3A_2, %add3A_571 : i32
    %add3A_573 = arith.constant 3 : i32
    %add3A_574 = arith.addi %add3A_572, %add3A_573 : i32
    %dma_start3A_575 = arith.constant 150 : i32
    %dma_start3A_576 = arith.constant 0 : i32
    %dma_start3A_577 = tpu.memref_slice %arg7[%dma_start3A_575, %dma_start3A_576] : memref<400x64xf32, #tpu.memory_space<vmem>> -> memref<50x64xf32, #tpu.memory_space<vmem>>
    %dma_start3A_578 = arith.constant 0 : i32
    %dma_start3A_579 = arith.constant 0 : i32
    %dma_start3A_580 = tpu.memref_slice %arg4[%add3A_574, %dma_start3A_578, %dma_start3A_579] : memref<4096x56x128xf32, #tpu.memory_space<hbm>> -> memref<1x50x64xf32, #tpu.memory_space<hbm>>
    %dma_start3A_581 = tpu.memref_squeeze %dma_start3A_580 : memref<1x50x64xf32, #tpu.memory_space<hbm>> -> memref<50x64xf32, #tpu.memory_space<hbm>>
    %dma_start3A_582 = arith.constant 0 : i32
    %dma_start3A_583 = arith.constant 0 : i32
    %dma_start3A_584 = tpu.memref_slice %arg4[%add3A_574, %dma_start3A_582, %dma_start3A_583] : memref<4096x56x128xf32, #tpu.memory_space<hbm>> -> memref<1x50x64xf32, #tpu.memory_space<hbm>>
    %dma_start3A_585 = tpu.memref_squeeze %dma_start3A_584 : memref<1x50x64xf32, #tpu.memory_space<hbm>> -> memref<50x64xf32, #tpu.memory_space<hbm>>
    %dma_start3A_586 = arith.constant 150 : i32
    %dma_start3A_587 = arith.constant 0 : i32
    %dma_start3A_588 = tpu.memref_slice %arg7[%dma_start3A_586, %dma_start3A_587] : memref<400x64xf32, #tpu.memory_space<vmem>> -> memref<50x64xf32, #tpu.memory_space<vmem>>
    tpu.enqueue_dma source(%dma_start3A_588 : memref<50x64xf32, #tpu.memory_space<vmem>>) target(%dma_start3A_585 : memref<50x64xf32, #tpu.memory_space<hbm>>) target_semaphore(%arg15 : memref<!tpu.dma_semaphore, #tpu.memory_space<semaphore_mem>>)
    %add3A_589 = arith.constant 8 : i32
    %add3A_590 = arith.addi %mul3A_2, %add3A_589 : i32
    %add3A_591 = arith.constant 4 : i32
    %add3A_592 = arith.addi %add3A_590, %add3A_591 : i32
    %dma_start3A_593 = arith.constant 200 : i32
    %dma_start3A_594 = arith.constant 0 : i32
    %dma_start3A_595 = tpu.memref_slice %arg7[%dma_start3A_593, %dma_start3A_594] : memref<400x64xf32, #tpu.memory_space<vmem>> -> memref<50x64xf32, #tpu.memory_space<vmem>>
    %dma_start3A_596 = arith.constant 0 : i32
    %dma_start3A_597 = arith.constant 0 : i32
    %dma_start3A_598 = tpu.memref_slice %arg4[%add3A_592, %dma_start3A_596, %dma_start3A_597] : memref<4096x56x128xf32, #tpu.memory_space<hbm>> -> memref<1x50x64xf32, #tpu.memory_space<hbm>>
    %dma_start3A_599 = tpu.memref_squeeze %dma_start3A_598 : memref<1x50x64xf32, #tpu.memory_space<hbm>> -> memref<50x64xf32, #tpu.memory_space<hbm>>
    %dma_start3A_600 = arith.constant 0 : i32
    %dma_start3A_601 = arith.constant 0 : i32
    %dma_start3A_602 = tpu.memref_slice %arg4[%add3A_592, %dma_start3A_600, %dma_start3A_601] : memref<4096x56x128xf32, #tpu.memory_space<hbm>> -> memref<1x50x64xf32, #tpu.memory_space<hbm>>
    %dma_start3A_603 = tpu.memref_squeeze %dma_start3A_602 : memref<1x50x64xf32, #tpu.memory_space<hbm>> -> memref<50x64xf32, #tpu.memory_space<hbm>>
    %dma_start3A_604 = arith.constant 200 : i32
    %dma_start3A_605 = arith.constant 0 : i32
    %dma_start3A_606 = tpu.memref_slice %arg7[%dma_start3A_604, %dma_start3A_605] : memref<400x64xf32, #tpu.memory_space<vmem>> -> memref<50x64xf32, #tpu.memory_space<vmem>>
    tpu.enqueue_dma source(%dma_start3A_606 : memref<50x64xf32, #tpu.memory_space<vmem>>) target(%dma_start3A_603 : memref<50x64xf32, #tpu.memory_space<hbm>>) target_semaphore(%arg15 : memref<!tpu.dma_semaphore, #tpu.memory_space<semaphore_mem>>)
    %add3A_607 = arith.constant 8 : i32
    %add3A_608 = arith.addi %mul3A_2, %add3A_607 : i32
    %add3A_609 = arith.constant 5 : i32
    %add3A_610 = arith.addi %add3A_608, %add3A_609 : i32
    %dma_start3A_611 = arith.constant 250 : i32
    %dma_start3A_612 = arith.constant 0 : i32
    %dma_start3A_613 = tpu.memref_slice %arg7[%dma_start3A_611, %dma_start3A_612] : memref<400x64xf32, #tpu.memory_space<vmem>> -> memref<50x64xf32, #tpu.memory_space<vmem>>
    %dma_start3A_614 = arith.constant 0 : i32
    %dma_start3A_615 = arith.constant 0 : i32
    %dma_start3A_616 = tpu.memref_slice %arg4[%add3A_610, %dma_start3A_614, %dma_start3A_615] : memref<4096x56x128xf32, #tpu.memory_space<hbm>> -> memref<1x50x64xf32, #tpu.memory_space<hbm>>
    %dma_start3A_617 = tpu.memref_squeeze %dma_start3A_616 : memref<1x50x64xf32, #tpu.memory_space<hbm>> -> memref<50x64xf32, #tpu.memory_space<hbm>>
    %dma_start3A_618 = arith.constant 0 : i32
    %dma_start3A_619 = arith.constant 0 : i32
    %dma_start3A_620 = tpu.memref_slice %arg4[%add3A_610, %dma_start3A_618, %dma_start3A_619] : memref<4096x56x128xf32, #tpu.memory_space<hbm>> -> memref<1x50x64xf32, #tpu.memory_space<hbm>>
    %dma_start3A_621 = tpu.memref_squeeze %dma_start3A_620 : memref<1x50x64xf32, #tpu.memory_space<hbm>> -> memref<50x64xf32, #tpu.memory_space<hbm>>
    %dma_start3A_622 = arith.constant 250 : i32
    %dma_start3A_623 = arith.constant 0 : i32
    %dma_start3A_624 = tpu.memref_slice %arg7[%dma_start3A_622, %dma_start3A_623] : memref<400x64xf32, #tpu.memory_space<vmem>> -> memref<50x64xf32, #tpu.memory_space<vmem>>
    tpu.enqueue_dma source(%dma_start3A_624 : memref<50x64xf32, #tpu.memory_space<vmem>>) target(%dma_start3A_621 : memref<50x64xf32, #tpu.memory_space<hbm>>) target_semaphore(%arg15 : memref<!tpu.dma_semaphore, #tpu.memory_space<semaphore_mem>>)
    %add3A_625 = arith.constant 8 : i32
    %add3A_626 = arith.addi %mul3A_2, %add3A_625 : i32
    %add3A_627 = arith.constant 6 : i32
    %add3A_628 = arith.addi %add3A_626, %add3A_627 : i32
    %dma_start3A_629 = arith.constant 300 : i32
    %dma_start3A_630 = arith.constant 0 : i32
    %dma_start3A_631 = tpu.memref_slice %arg7[%dma_start3A_629, %dma_start3A_630] : memref<400x64xf32, #tpu.memory_space<vmem>> -> memref<50x64xf32, #tpu.memory_space<vmem>>
    %dma_start3A_632 = arith.constant 0 : i32
    %dma_start3A_633 = arith.constant 0 : i32
    %dma_start3A_634 = tpu.memref_slice %arg4[%add3A_628, %dma_start3A_632, %dma_start3A_633] : memref<4096x56x128xf32, #tpu.memory_space<hbm>> -> memref<1x50x64xf32, #tpu.memory_space<hbm>>
    %dma_start3A_635 = tpu.memref_squeeze %dma_start3A_634 : memref<1x50x64xf32, #tpu.memory_space<hbm>> -> memref<50x64xf32, #tpu.memory_space<hbm>>
    %dma_start3A_636 = arith.constant 0 : i32
    %dma_start3A_637 = arith.constant 0 : i32
    %dma_start3A_638 = tpu.memref_slice %arg4[%add3A_628, %dma_start3A_636, %dma_start3A_637] : memref<4096x56x128xf32, #tpu.memory_space<hbm>> -> memref<1x50x64xf32, #tpu.memory_space<hbm>>
    %dma_start3A_639 = tpu.memref_squeeze %dma_start3A_638 : memref<1x50x64xf32, #tpu.memory_space<hbm>> -> memref<50x64xf32, #tpu.memory_space<hbm>>
    %dma_start3A_640 = arith.constant 300 : i32
    %dma_start3A_641 = arith.constant 0 : i32
    %dma_start3A_642 = tpu.memref_slice %arg7[%dma_start3A_640, %dma_start3A_641] : memref<400x64xf32, #tpu.memory_space<vmem>> -> memref<50x64xf32, #tpu.memory_space<vmem>>
    tpu.enqueue_dma source(%dma_start3A_642 : memref<50x64xf32, #tpu.memory_space<vmem>>) target(%dma_start3A_639 : memref<50x64xf32, #tpu.memory_space<hbm>>) target_semaphore(%arg15 : memref<!tpu.dma_semaphore, #tpu.memory_space<semaphore_mem>>)
    %add3A_643 = arith.constant 8 : i32
    %add3A_644 = arith.addi %mul3A_2, %add3A_643 : i32
    %add3A_645 = arith.constant 7 : i32
    %add3A_646 = arith.addi %add3A_644, %add3A_645 : i32
    %dma_start3A_647 = arith.constant 350 : i32
    %dma_start3A_648 = arith.constant 0 : i32
    %dma_start3A_649 = tpu.memref_slice %arg7[%dma_start3A_647, %dma_start3A_648] : memref<400x64xf32, #tpu.memory_space<vmem>> -> memref<50x64xf32, #tpu.memory_space<vmem>>
    %dma_start3A_650 = arith.constant 0 : i32
    %dma_start3A_651 = arith.constant 0 : i32
    %dma_start3A_652 = tpu.memref_slice %arg4[%add3A_646, %dma_start3A_650, %dma_start3A_651] : memref<4096x56x128xf32, #tpu.memory_space<hbm>> -> memref<1x50x64xf32, #tpu.memory_space<hbm>>
    %dma_start3A_653 = tpu.memref_squeeze %dma_start3A_652 : memref<1x50x64xf32, #tpu.memory_space<hbm>> -> memref<50x64xf32, #tpu.memory_space<hbm>>
    %dma_start3A_654 = arith.constant 0 : i32
    %dma_start3A_655 = arith.constant 0 : i32
    %dma_start3A_656 = tpu.memref_slice %arg4[%add3A_646, %dma_start3A_654, %dma_start3A_655] : memref<4096x56x128xf32, #tpu.memory_space<hbm>> -> memref<1x50x64xf32, #tpu.memory_space<hbm>>
    %dma_start3A_657 = tpu.memref_squeeze %dma_start3A_656 : memref<1x50x64xf32, #tpu.memory_space<hbm>> -> memref<50x64xf32, #tpu.memory_space<hbm>>
    %dma_start3A_658 = arith.constant 350 : i32
    %dma_start3A_659 = arith.constant 0 : i32
    %dma_start3A_660 = tpu.memref_slice %arg7[%dma_start3A_658, %dma_start3A_659] : memref<400x64xf32, #tpu.memory_space<vmem>> -> memref<50x64xf32, #tpu.memory_space<vmem>>
    tpu.enqueue_dma source(%dma_start3A_660 : memref<50x64xf32, #tpu.memory_space<vmem>>) target(%dma_start3A_657 : memref<50x64xf32, #tpu.memory_space<hbm>>) target_semaphore(%arg15 : memref<!tpu.dma_semaphore, #tpu.memory_space<semaphore_mem>>)
    %dma_wait3A_661 = arith.constant 0 : i32
    %dma_wait3A_662 = arith.constant 0 : i32
    %dma_wait3A_663 = tpu.memref_slice %arg2[%dma_wait3A_661, %dma_wait3A_662] : memref<100000x64xf32, #tpu.memory_space<hbm>> -> memref<400x64xf32, #tpu.memory_space<hbm>>
    %dma_wait3A_664 = arith.constant 0 : i32
    %dma_wait3A_665 = arith.constant 0 : i32
    %dma_wait3A_666 = tpu.memref_slice %arg2[%dma_wait3A_664, %dma_wait3A_665] : memref<100000x64xf32, #tpu.memory_space<hbm>> -> memref<400x64xf32, #tpu.memory_space<hbm>>
    tpu.wait_dma2 semaphore(%arg13 : memref<!tpu.dma_semaphore, #tpu.memory_space<semaphore_mem>>) src(%dma_wait3A_666 : memref<400x64xf32, #tpu.memory_space<hbm>>) dst(%arg9 : memref<400x64xf32, #tpu.memory_space<vmem>>)
    %dma_wait3A_667 = arith.constant 0 : i32
    %dma_wait3A_668 = arith.constant 0 : i32
    %dma_wait3A_669 = tpu.memref_slice %arg2[%dma_wait3A_667, %dma_wait3A_668] : memref<100000x64xf32, #tpu.memory_space<hbm>> -> memref<400x64xf32, #tpu.memory_space<hbm>>
    %dma_wait3A_670 = arith.constant 0 : i32
    %dma_wait3A_671 = arith.constant 0 : i32
    %dma_wait3A_672 = tpu.memref_slice %arg2[%dma_wait3A_670, %dma_wait3A_671] : memref<100000x64xf32, #tpu.memory_space<hbm>> -> memref<400x64xf32, #tpu.memory_space<hbm>>
    tpu.wait_dma2 semaphore(%arg16 : memref<!tpu.dma_semaphore, #tpu.memory_space<semaphore_mem>>) src(%dma_wait3A_672 : memref<400x64xf32, #tpu.memory_space<hbm>>) dst(%arg8 : memref<400x64xf32, #tpu.memory_space<vmem>>)
    %dma_start3A_673 = arith.constant 40 : i32
    %dma_start3A_674 = arith.constant 0 : i32
    %dma_start3A_675 = arith.constant 0 : i32
    %dma_start3A_676 = tpu.memref_slice %arg8[%dma_start3A_674, %dma_start3A_675] : memref<400x64xf32, #tpu.memory_space<vmem>> -> memref<100x64xf32, #tpu.memory_space<vmem>>
    %dma_start3A_677 = arith.constant 0 : i32
    %dma_start3A_678 = tpu.memref_slice %arg5[%dma_start3A_673, %dma_start3A_677] : memref<64x100xi32, #tpu.memory_space<vmem>> -> memref<1x100xi32, #tpu.memory_space<vmem>>
    %dma_start3A_679 = tpu.memref_squeeze %dma_start3A_678 : memref<1x100xi32, #tpu.memory_space<vmem>> -> memref<100xi32, #tpu.memory_space<vmem>>
    %dma_start3A_680 = arith.constant 0 : i32
    %dma_start3A_681 = arith.constant 0 : i32
    %dma_start3A_682 = tpu.memref_slice %arg2[%dma_start3A_680, %dma_start3A_681] : memref<100000x64xf32, #tpu.memory_space<hbm>> -> memref<100000x64xf32, #tpu.memory_space<hbm>>
    tpu.enqueue_indirect_dma source(%dma_start3A_682 : memref<100000x64xf32, #tpu.memory_space<hbm>>) target(%dma_start3A_676 : memref<100x64xf32, #tpu.memory_space<vmem>>) offsets(%dma_start3A_679 : memref<100xi32, #tpu.memory_space<vmem>>) semaphore(%arg12 : memref<!tpu.dma_semaphore, #tpu.memory_space<semaphore_mem>>)
    %dma_start3A_683 = arith.constant 41 : i32
    %dma_start3A_684 = arith.constant 100 : i32
    %dma_start3A_685 = arith.constant 0 : i32
    %dma_start3A_686 = tpu.memref_slice %arg8[%dma_start3A_684, %dma_start3A_685] : memref<400x64xf32, #tpu.memory_space<vmem>> -> memref<100x64xf32, #tpu.memory_space<vmem>>
    %dma_start3A_687 = arith.constant 0 : i32
    %dma_start3A_688 = tpu.memref_slice %arg5[%dma_start3A_683, %dma_start3A_687] : memref<64x100xi32, #tpu.memory_space<vmem>> -> memref<1x100xi32, #tpu.memory_space<vmem>>
    %dma_start3A_689 = tpu.memref_squeeze %dma_start3A_688 : memref<1x100xi32, #tpu.memory_space<vmem>> -> memref<100xi32, #tpu.memory_space<vmem>>
    %dma_start3A_690 = arith.constant 0 : i32
    %dma_start3A_691 = arith.constant 0 : i32
    %dma_start3A_692 = tpu.memref_slice %arg2[%dma_start3A_690, %dma_start3A_691] : memref<100000x64xf32, #tpu.memory_space<hbm>> -> memref<100000x64xf32, #tpu.memory_space<hbm>>
    tpu.enqueue_indirect_dma source(%dma_start3A_692 : memref<100000x64xf32, #tpu.memory_space<hbm>>) target(%dma_start3A_686 : memref<100x64xf32, #tpu.memory_space<vmem>>) offsets(%dma_start3A_689 : memref<100xi32, #tpu.memory_space<vmem>>) semaphore(%arg12 : memref<!tpu.dma_semaphore, #tpu.memory_space<semaphore_mem>>)
    %dma_start3A_693 = arith.constant 42 : i32
    %dma_start3A_694 = arith.constant 200 : i32
    %dma_start3A_695 = arith.constant 0 : i32
    %dma_start3A_696 = tpu.memref_slice %arg8[%dma_start3A_694, %dma_start3A_695] : memref<400x64xf32, #tpu.memory_space<vmem>> -> memref<100x64xf32, #tpu.memory_space<vmem>>
    %dma_start3A_697 = arith.constant 0 : i32
    %dma_start3A_698 = tpu.memref_slice %arg5[%dma_start3A_693, %dma_start3A_697] : memref<64x100xi32, #tpu.memory_space<vmem>> -> memref<1x100xi32, #tpu.memory_space<vmem>>
    %dma_start3A_699 = tpu.memref_squeeze %dma_start3A_698 : memref<1x100xi32, #tpu.memory_space<vmem>> -> memref<100xi32, #tpu.memory_space<vmem>>
    %dma_start3A_700 = arith.constant 0 : i32
    %dma_start3A_701 = arith.constant 0 : i32
    %dma_start3A_702 = tpu.memref_slice %arg2[%dma_start3A_700, %dma_start3A_701] : memref<100000x64xf32, #tpu.memory_space<hbm>> -> memref<100000x64xf32, #tpu.memory_space<hbm>>
    tpu.enqueue_indirect_dma source(%dma_start3A_702 : memref<100000x64xf32, #tpu.memory_space<hbm>>) target(%dma_start3A_696 : memref<100x64xf32, #tpu.memory_space<vmem>>) offsets(%dma_start3A_699 : memref<100xi32, #tpu.memory_space<vmem>>) semaphore(%arg12 : memref<!tpu.dma_semaphore, #tpu.memory_space<semaphore_mem>>)
    %dma_start3A_703 = arith.constant 43 : i32
    %dma_start3A_704 = arith.constant 300 : i32
    %dma_start3A_705 = arith.constant 0 : i32
    %dma_start3A_706 = tpu.memref_slice %arg8[%dma_start3A_704, %dma_start3A_705] : memref<400x64xf32, #tpu.memory_space<vmem>> -> memref<100x64xf32, #tpu.memory_space<vmem>>
    %dma_start3A_707 = arith.constant 0 : i32
    %dma_start3A_708 = tpu.memref_slice %arg5[%dma_start3A_703, %dma_start3A_707] : memref<64x100xi32, #tpu.memory_space<vmem>> -> memref<1x100xi32, #tpu.memory_space<vmem>>
    %dma_start3A_709 = tpu.memref_squeeze %dma_start3A_708 : memref<1x100xi32, #tpu.memory_space<vmem>> -> memref<100xi32, #tpu.memory_space<vmem>>
    %dma_start3A_710 = arith.constant 0 : i32
    %dma_start3A_711 = arith.constant 0 : i32
    %dma_start3A_712 = tpu.memref_slice %arg2[%dma_start3A_710, %dma_start3A_711] : memref<100000x64xf32, #tpu.memory_space<hbm>> -> memref<100000x64xf32, #tpu.memory_space<hbm>>
    tpu.enqueue_indirect_dma source(%dma_start3A_712 : memref<100000x64xf32, #tpu.memory_space<hbm>>) target(%dma_start3A_706 : memref<100x64xf32, #tpu.memory_space<vmem>>) offsets(%dma_start3A_709 : memref<100xi32, #tpu.memory_space<vmem>>) semaphore(%arg12 : memref<!tpu.dma_semaphore, #tpu.memory_space<semaphore_mem>>)
    %add3A_713 = arith.constant 8 : i32
    %add3A_714 = arith.addi %add3A_6, %add3A_713 : i32
    %add3A_715 = arith.constant 0 : i32
    %add3A_716 = arith.addi %add3A_714, %add3A_715 : i32
    %dma_start3A_717 = arith.constant 0 : i32
    %dma_start3A_718 = arith.constant 0 : i32
    %dma_start3A_719 = tpu.memref_slice %arg9[%dma_start3A_717, %dma_start3A_718] : memref<400x64xf32, #tpu.memory_space<vmem>> -> memref<50x64xf32, #tpu.memory_space<vmem>>
    %dma_start3A_720 = arith.constant 0 : i32
    %dma_start3A_721 = arith.constant 0 : i32
    %dma_start3A_722 = tpu.memref_slice %arg4[%add3A_716, %dma_start3A_720, %dma_start3A_721] : memref<4096x56x128xf32, #tpu.memory_space<hbm>> -> memref<1x50x64xf32, #tpu.memory_space<hbm>>
    %dma_start3A_723 = tpu.memref_squeeze %dma_start3A_722 : memref<1x50x64xf32, #tpu.memory_space<hbm>> -> memref<50x64xf32, #tpu.memory_space<hbm>>
    %dma_start3A_724 = arith.constant 0 : i32
    %dma_start3A_725 = arith.constant 0 : i32
    %dma_start3A_726 = tpu.memref_slice %arg4[%add3A_716, %dma_start3A_724, %dma_start3A_725] : memref<4096x56x128xf32, #tpu.memory_space<hbm>> -> memref<1x50x64xf32, #tpu.memory_space<hbm>>
    %dma_start3A_727 = tpu.memref_squeeze %dma_start3A_726 : memref<1x50x64xf32, #tpu.memory_space<hbm>> -> memref<50x64xf32, #tpu.memory_space<hbm>>
    %dma_start3A_728 = arith.constant 0 : i32
    %dma_start3A_729 = arith.constant 0 : i32
    %dma_start3A_730 = tpu.memref_slice %arg9[%dma_start3A_728, %dma_start3A_729] : memref<400x64xf32, #tpu.memory_space<vmem>> -> memref<50x64xf32, #tpu.memory_space<vmem>>
    tpu.enqueue_dma source(%dma_start3A_730 : memref<50x64xf32, #tpu.memory_space<vmem>>) target(%dma_start3A_727 : memref<50x64xf32, #tpu.memory_space<hbm>>) target_semaphore(%arg17 : memref<!tpu.dma_semaphore, #tpu.memory_space<semaphore_mem>>)
    %add3A_731 = arith.constant 8 : i32
    %add3A_732 = arith.addi %add3A_6, %add3A_731 : i32
    %add3A_733 = arith.constant 1 : i32
    %add3A_734 = arith.addi %add3A_732, %add3A_733 : i32
    %dma_start3A_735 = arith.constant 50 : i32
    %dma_start3A_736 = arith.constant 0 : i32
    %dma_start3A_737 = tpu.memref_slice %arg9[%dma_start3A_735, %dma_start3A_736] : memref<400x64xf32, #tpu.memory_space<vmem>> -> memref<50x64xf32, #tpu.memory_space<vmem>>
    %dma_start3A_738 = arith.constant 0 : i32
    %dma_start3A_739 = arith.constant 0 : i32
    %dma_start3A_740 = tpu.memref_slice %arg4[%add3A_734, %dma_start3A_738, %dma_start3A_739] : memref<4096x56x128xf32, #tpu.memory_space<hbm>> -> memref<1x50x64xf32, #tpu.memory_space<hbm>>
    %dma_start3A_741 = tpu.memref_squeeze %dma_start3A_740 : memref<1x50x64xf32, #tpu.memory_space<hbm>> -> memref<50x64xf32, #tpu.memory_space<hbm>>
    %dma_start3A_742 = arith.constant 0 : i32
    %dma_start3A_743 = arith.constant 0 : i32
    %dma_start3A_744 = tpu.memref_slice %arg4[%add3A_734, %dma_start3A_742, %dma_start3A_743] : memref<4096x56x128xf32, #tpu.memory_space<hbm>> -> memref<1x50x64xf32, #tpu.memory_space<hbm>>
    %dma_start3A_745 = tpu.memref_squeeze %dma_start3A_744 : memref<1x50x64xf32, #tpu.memory_space<hbm>> -> memref<50x64xf32, #tpu.memory_space<hbm>>
    %dma_start3A_746 = arith.constant 50 : i32
    %dma_start3A_747 = arith.constant 0 : i32
    %dma_start3A_748 = tpu.memref_slice %arg9[%dma_start3A_746, %dma_start3A_747] : memref<400x64xf32, #tpu.memory_space<vmem>> -> memref<50x64xf32, #tpu.memory_space<vmem>>
    tpu.enqueue_dma source(%dma_start3A_748 : memref<50x64xf32, #tpu.memory_space<vmem>>) target(%dma_start3A_745 : memref<50x64xf32, #tpu.memory_space<hbm>>) target_semaphore(%arg17 : memref<!tpu.dma_semaphore, #tpu.memory_space<semaphore_mem>>)
    %add3A_749 = arith.constant 8 : i32
    %add3A_750 = arith.addi %add3A_6, %add3A_749 : i32
    %add3A_751 = arith.constant 2 : i32
    %add3A_752 = arith.addi %add3A_750, %add3A_751 : i32
    %dma_start3A_753 = arith.constant 100 : i32
    %dma_start3A_754 = arith.constant 0 : i32
    %dma_start3A_755 = tpu.memref_slice %arg9[%dma_start3A_753, %dma_start3A_754] : memref<400x64xf32, #tpu.memory_space<vmem>> -> memref<50x64xf32, #tpu.memory_space<vmem>>
    %dma_start3A_756 = arith.constant 0 : i32
    %dma_start3A_757 = arith.constant 0 : i32
    %dma_start3A_758 = tpu.memref_slice %arg4[%add3A_752, %dma_start3A_756, %dma_start3A_757] : memref<4096x56x128xf32, #tpu.memory_space<hbm>> -> memref<1x50x64xf32, #tpu.memory_space<hbm>>
    %dma_start3A_759 = tpu.memref_squeeze %dma_start3A_758 : memref<1x50x64xf32, #tpu.memory_space<hbm>> -> memref<50x64xf32, #tpu.memory_space<hbm>>
    %dma_start3A_760 = arith.constant 0 : i32
    %dma_start3A_761 = arith.constant 0 : i32
    %dma_start3A_762 = tpu.memref_slice %arg4[%add3A_752, %dma_start3A_760, %dma_start3A_761] : memref<4096x56x128xf32, #tpu.memory_space<hbm>> -> memref<1x50x64xf32, #tpu.memory_space<hbm>>
    %dma_start3A_763 = tpu.memref_squeeze %dma_start3A_762 : memref<1x50x64xf32, #tpu.memory_space<hbm>> -> memref<50x64xf32, #tpu.memory_space<hbm>>
    %dma_start3A_764 = arith.constant 100 : i32
    %dma_start3A_765 = arith.constant 0 : i32
    %dma_start3A_766 = tpu.memref_slice %arg9[%dma_start3A_764, %dma_start3A_765] : memref<400x64xf32, #tpu.memory_space<vmem>> -> memref<50x64xf32, #tpu.memory_space<vmem>>
    tpu.enqueue_dma source(%dma_start3A_766 : memref<50x64xf32, #tpu.memory_space<vmem>>) target(%dma_start3A_763 : memref<50x64xf32, #tpu.memory_space<hbm>>) target_semaphore(%arg17 : memref<!tpu.dma_semaphore, #tpu.memory_space<semaphore_mem>>)
    %add3A_767 = arith.constant 8 : i32
    %add3A_768 = arith.addi %add3A_6, %add3A_767 : i32
    %add3A_769 = arith.constant 3 : i32
    %add3A_770 = arith.addi %add3A_768, %add3A_769 : i32
    %dma_start3A_771 = arith.constant 150 : i32
    %dma_start3A_772 = arith.constant 0 : i32
    %dma_start3A_773 = tpu.memref_slice %arg9[%dma_start3A_771, %dma_start3A_772] : memref<400x64xf32, #tpu.memory_space<vmem>> -> memref<50x64xf32, #tpu.memory_space<vmem>>
    %dma_start3A_774 = arith.constant 0 : i32
    %dma_start3A_775 = arith.constant 0 : i32
    %dma_start3A_776 = tpu.memref_slice %arg4[%add3A_770, %dma_start3A_774, %dma_start3A_775] : memref<4096x56x128xf32, #tpu.memory_space<hbm>> -> memref<1x50x64xf32, #tpu.memory_space<hbm>>
    %dma_start3A_777 = tpu.memref_squeeze %dma_start3A_776 : memref<1x50x64xf32, #tpu.memory_space<hbm>> -> memref<50x64xf32, #tpu.memory_space<hbm>>
    %dma_start3A_778 = arith.constant 0 : i32
    %dma_start3A_779 = arith.constant 0 : i32
    %dma_start3A_780 = tpu.memref_slice %arg4[%add3A_770, %dma_start3A_778, %dma_start3A_779] : memref<4096x56x128xf32, #tpu.memory_space<hbm>> -> memref<1x50x64xf32, #tpu.memory_space<hbm>>
    %dma_start3A_781 = tpu.memref_squeeze %dma_start3A_780 : memref<1x50x64xf32, #tpu.memory_space<hbm>> -> memref<50x64xf32, #tpu.memory_space<hbm>>
    %dma_start3A_782 = arith.constant 150 : i32
    %dma_start3A_783 = arith.constant 0 : i32
    %dma_start3A_784 = tpu.memref_slice %arg9[%dma_start3A_782, %dma_start3A_783] : memref<400x64xf32, #tpu.memory_space<vmem>> -> memref<50x64xf32, #tpu.memory_space<vmem>>
    tpu.enqueue_dma source(%dma_start3A_784 : memref<50x64xf32, #tpu.memory_space<vmem>>) target(%dma_start3A_781 : memref<50x64xf32, #tpu.memory_space<hbm>>) target_semaphore(%arg17 : memref<!tpu.dma_semaphore, #tpu.memory_space<semaphore_mem>>)
    %add3A_785 = arith.constant 8 : i32
    %add3A_786 = arith.addi %add3A_6, %add3A_785 : i32
    %add3A_787 = arith.constant 4 : i32
    %add3A_788 = arith.addi %add3A_786, %add3A_787 : i32
    %dma_start3A_789 = arith.constant 200 : i32
    %dma_start3A_790 = arith.constant 0 : i32
    %dma_start3A_791 = tpu.memref_slice %arg9[%dma_start3A_789, %dma_start3A_790] : memref<400x64xf32, #tpu.memory_space<vmem>> -> memref<50x64xf32, #tpu.memory_space<vmem>>
    %dma_start3A_792 = arith.constant 0 : i32
    %dma_start3A_793 = arith.constant 0 : i32
    %dma_start3A_794 = tpu.memref_slice %arg4[%add3A_788, %dma_start3A_792, %dma_start3A_793] : memref<4096x56x128xf32, #tpu.memory_space<hbm>> -> memref<1x50x64xf32, #tpu.memory_space<hbm>>
    %dma_start3A_795 = tpu.memref_squeeze %dma_start3A_794 : memref<1x50x64xf32, #tpu.memory_space<hbm>> -> memref<50x64xf32, #tpu.memory_space<hbm>>
    %dma_start3A_796 = arith.constant 0 : i32
    %dma_start3A_797 = arith.constant 0 : i32
    %dma_start3A_798 = tpu.memref_slice %arg4[%add3A_788, %dma_start3A_796, %dma_start3A_797] : memref<4096x56x128xf32, #tpu.memory_space<hbm>> -> memref<1x50x64xf32, #tpu.memory_space<hbm>>
    %dma_start3A_799 = tpu.memref_squeeze %dma_start3A_798 : memref<1x50x64xf32, #tpu.memory_space<hbm>> -> memref<50x64xf32, #tpu.memory_space<hbm>>
    %dma_start3A_800 = arith.constant 200 : i32
    %dma_start3A_801 = arith.constant 0 : i32
    %dma_start3A_802 = tpu.memref_slice %arg9[%dma_start3A_800, %dma_start3A_801] : memref<400x64xf32, #tpu.memory_space<vmem>> -> memref<50x64xf32, #tpu.memory_space<vmem>>
    tpu.enqueue_dma source(%dma_start3A_802 : memref<50x64xf32, #tpu.memory_space<vmem>>) target(%dma_start3A_799 : memref<50x64xf32, #tpu.memory_space<hbm>>) target_semaphore(%arg17 : memref<!tpu.dma_semaphore, #tpu.memory_space<semaphore_mem>>)
    %add3A_803 = arith.constant 8 : i32
    %add3A_804 = arith.addi %add3A_6, %add3A_803 : i32
    %add3A_805 = arith.constant 5 : i32
    %add3A_806 = arith.addi %add3A_804, %add3A_805 : i32
    %dma_start3A_807 = arith.constant 250 : i32
    %dma_start3A_808 = arith.constant 0 : i32
    %dma_start3A_809 = tpu.memref_slice %arg9[%dma_start3A_807, %dma_start3A_808] : memref<400x64xf32, #tpu.memory_space<vmem>> -> memref<50x64xf32, #tpu.memory_space<vmem>>
    %dma_start3A_810 = arith.constant 0 : i32
    %dma_start3A_811 = arith.constant 0 : i32
    %dma_start3A_812 = tpu.memref_slice %arg4[%add3A_806, %dma_start3A_810, %dma_start3A_811] : memref<4096x56x128xf32, #tpu.memory_space<hbm>> -> memref<1x50x64xf32, #tpu.memory_space<hbm>>
    %dma_start3A_813 = tpu.memref_squeeze %dma_start3A_812 : memref<1x50x64xf32, #tpu.memory_space<hbm>> -> memref<50x64xf32, #tpu.memory_space<hbm>>
    %dma_start3A_814 = arith.constant 0 : i32
    %dma_start3A_815 = arith.constant 0 : i32
    %dma_start3A_816 = tpu.memref_slice %arg4[%add3A_806, %dma_start3A_814, %dma_start3A_815] : memref<4096x56x128xf32, #tpu.memory_space<hbm>> -> memref<1x50x64xf32, #tpu.memory_space<hbm>>
    %dma_start3A_817 = tpu.memref_squeeze %dma_start3A_816 : memref<1x50x64xf32, #tpu.memory_space<hbm>> -> memref<50x64xf32, #tpu.memory_space<hbm>>
    %dma_start3A_818 = arith.constant 250 : i32
    %dma_start3A_819 = arith.constant 0 : i32
    %dma_start3A_820 = tpu.memref_slice %arg9[%dma_start3A_818, %dma_start3A_819] : memref<400x64xf32, #tpu.memory_space<vmem>> -> memref<50x64xf32, #tpu.memory_space<vmem>>
    tpu.enqueue_dma source(%dma_start3A_820 : memref<50x64xf32, #tpu.memory_space<vmem>>) target(%dma_start3A_817 : memref<50x64xf32, #tpu.memory_space<hbm>>) target_semaphore(%arg17 : memref<!tpu.dma_semaphore, #tpu.memory_space<semaphore_mem>>)
    %add3A_821 = arith.constant 8 : i32
    %add3A_822 = arith.addi %add3A_6, %add3A_821 : i32
    %add3A_823 = arith.constant 6 : i32
    %add3A_824 = arith.addi %add3A_822, %add3A_823 : i32
    %dma_start3A_825 = arith.constant 300 : i32
    %dma_start3A_826 = arith.constant 0 : i32
    %dma_start3A_827 = tpu.memref_slice %arg9[%dma_start3A_825, %dma_start3A_826] : memref<400x64xf32, #tpu.memory_space<vmem>> -> memref<50x64xf32, #tpu.memory_space<vmem>>
    %dma_start3A_828 = arith.constant 0 : i32
    %dma_start3A_829 = arith.constant 0 : i32
    %dma_start3A_830 = tpu.memref_slice %arg4[%add3A_824, %dma_start3A_828, %dma_start3A_829] : memref<4096x56x128xf32, #tpu.memory_space<hbm>> -> memref<1x50x64xf32, #tpu.memory_space<hbm>>
    %dma_start3A_831 = tpu.memref_squeeze %dma_start3A_830 : memref<1x50x64xf32, #tpu.memory_space<hbm>> -> memref<50x64xf32, #tpu.memory_space<hbm>>
    %dma_start3A_832 = arith.constant 0 : i32
    %dma_start3A_833 = arith.constant 0 : i32
    %dma_start3A_834 = tpu.memref_slice %arg4[%add3A_824, %dma_start3A_832, %dma_start3A_833] : memref<4096x56x128xf32, #tpu.memory_space<hbm>> -> memref<1x50x64xf32, #tpu.memory_space<hbm>>
    %dma_start3A_835 = tpu.memref_squeeze %dma_start3A_834 : memref<1x50x64xf32, #tpu.memory_space<hbm>> -> memref<50x64xf32, #tpu.memory_space<hbm>>
    %dma_start3A_836 = arith.constant 300 : i32
    %dma_start3A_837 = arith.constant 0 : i32
    %dma_start3A_838 = tpu.memref_slice %arg9[%dma_start3A_836, %dma_start3A_837] : memref<400x64xf32, #tpu.memory_space<vmem>> -> memref<50x64xf32, #tpu.memory_space<vmem>>
    tpu.enqueue_dma source(%dma_start3A_838 : memref<50x64xf32, #tpu.memory_space<vmem>>) target(%dma_start3A_835 : memref<50x64xf32, #tpu.memory_space<hbm>>) target_semaphore(%arg17 : memref<!tpu.dma_semaphore, #tpu.memory_space<semaphore_mem>>)
    %add3A_839 = arith.constant 8 : i32
    %add3A_840 = arith.addi %add3A_6, %add3A_839 : i32
    %add3A_841 = arith.constant 7 : i32
    %add3A_842 = arith.addi %add3A_840, %add3A_841 : i32
    %dma_start3A_843 = arith.constant 350 : i32
    %dma_start3A_844 = arith.constant 0 : i32
    %dma_start3A_845 = tpu.memref_slice %arg9[%dma_start3A_843, %dma_start3A_844] : memref<400x64xf32, #tpu.memory_space<vmem>> -> memref<50x64xf32, #tpu.memory_space<vmem>>
    %dma_start3A_846 = arith.constant 0 : i32
    %dma_start3A_847 = arith.constant 0 : i32
    %dma_start3A_848 = tpu.memref_slice %arg4[%add3A_842, %dma_start3A_846, %dma_start3A_847] : memref<4096x56x128xf32, #tpu.memory_space<hbm>> -> memref<1x50x64xf32, #tpu.memory_space<hbm>>
    %dma_start3A_849 = tpu.memref_squeeze %dma_start3A_848 : memref<1x50x64xf32, #tpu.memory_space<hbm>> -> memref<50x64xf32, #tpu.memory_space<hbm>>
    %dma_start3A_850 = arith.constant 0 : i32
    %dma_start3A_851 = arith.constant 0 : i32
    %dma_start3A_852 = tpu.memref_slice %arg4[%add3A_842, %dma_start3A_850, %dma_start3A_851] : memref<4096x56x128xf32, #tpu.memory_space<hbm>> -> memref<1x50x64xf32, #tpu.memory_space<hbm>>
    %dma_start3A_853 = tpu.memref_squeeze %dma_start3A_852 : memref<1x50x64xf32, #tpu.memory_space<hbm>> -> memref<50x64xf32, #tpu.memory_space<hbm>>
    %dma_start3A_854 = arith.constant 350 : i32
    %dma_start3A_855 = arith.constant 0 : i32
    %dma_start3A_856 = tpu.memref_slice %arg9[%dma_start3A_854, %dma_start3A_855] : memref<400x64xf32, #tpu.memory_space<vmem>> -> memref<50x64xf32, #tpu.memory_space<vmem>>
    tpu.enqueue_dma source(%dma_start3A_856 : memref<50x64xf32, #tpu.memory_space<vmem>>) target(%dma_start3A_853 : memref<50x64xf32, #tpu.memory_space<hbm>>) target_semaphore(%arg17 : memref<!tpu.dma_semaphore, #tpu.memory_space<semaphore_mem>>)
    %scan3A = arith.constant 0 : i32
    %scan3A_857 = arith.constant 2 : i32
    %scan3A_858 = arith.addi %scan3A, %scan3A_857 : i32
    %scan3A_859 = arith.constant 1 : i32
    scf.for %scan3A_1577 = %scan3A to %scan3A_858 step %scan3A_859  : i32 {
      %mul3A_1578 = arith.constant 2 : i32
      %mul3A_1579 = arith.muli %scan3A_1577, %mul3A_1578 : i32
      %add3A_1580 = arith.constant 2 : i32
      %add3A_1581 = arith.addi %add3A_1580, %mul3A_1579 : i32
      %dma_wait3A_1582 = arith.constant 0 : i32
      %dma_wait3A_1583 = arith.constant 0 : i32
      %dma_wait3A_1584 = tpu.memref_slice %arg2[%dma_wait3A_1582, %dma_wait3A_1583] : memref<100000x64xf32, #tpu.memory_space<hbm>> -> memref<400x64xf32, #tpu.memory_space<hbm>>
      %dma_wait3A_1585 = arith.constant 0 : i32
      %dma_wait3A_1586 = arith.constant 0 : i32
      %dma_wait3A_1587 = tpu.memref_slice %arg2[%dma_wait3A_1585, %dma_wait3A_1586] : memref<100000x64xf32, #tpu.memory_space<hbm>> -> memref<400x64xf32, #tpu.memory_space<hbm>>
      tpu.wait_dma2 semaphore(%arg10 : memref<!tpu.dma_semaphore, #tpu.memory_space<semaphore_mem>>) src(%dma_wait3A_1587 : memref<400x64xf32, #tpu.memory_space<hbm>>) dst(%arg6 : memref<400x64xf32, #tpu.memory_space<vmem>>)
      %dma_wait3A_1588 = arith.constant 0 : i32
      %dma_wait3A_1589 = arith.constant 0 : i32
      %dma_wait3A_1590 = tpu.memref_slice %arg2[%dma_wait3A_1588, %dma_wait3A_1589] : memref<100000x64xf32, #tpu.memory_space<hbm>> -> memref<400x64xf32, #tpu.memory_space<hbm>>
      %dma_wait3A_1591 = arith.constant 0 : i32
      %dma_wait3A_1592 = arith.constant 0 : i32
      %dma_wait3A_1593 = tpu.memref_slice %arg2[%dma_wait3A_1591, %dma_wait3A_1592] : memref<100000x64xf32, #tpu.memory_space<hbm>> -> memref<400x64xf32, #tpu.memory_space<hbm>>
      tpu.wait_dma2 semaphore(%arg15 : memref<!tpu.dma_semaphore, #tpu.memory_space<semaphore_mem>>) src(%dma_wait3A_1593 : memref<400x64xf32, #tpu.memory_space<hbm>>) dst(%arg7 : memref<400x64xf32, #tpu.memory_space<vmem>>)
      %add3A_1594 = arith.constant 1 : i32
      %add3A_1595 = arith.addi %add3A_1581, %add3A_1594 : i32
      %mul3A_1596 = arith.constant 4 : i32
      %mul3A_1597 = arith.muli %add3A_1595, %mul3A_1596 : i32
      %add3A_1598 = arith.constant 0 : i32
      %add3A_1599 = arith.addi %add3A_1598, %mul3A_1597 : i32
      %add3A_1600 = arith.constant 0 : i32
      %add3A_1601 = arith.addi %add3A_1599, %add3A_1600 : i32
      %dma_start3A_1602 = arith.constant 0 : i32
      %dma_start3A_1603 = arith.constant 0 : i32
      %dma_start3A_1604 = tpu.memref_slice %arg7[%dma_start3A_1602, %dma_start3A_1603] : memref<400x64xf32, #tpu.memory_space<vmem>> -> memref<100x64xf32, #tpu.memory_space<vmem>>
      %dma_start3A_1605 = arith.constant 0 : i32
      %dma_start3A_1606 = tpu.memref_slice %arg5[%add3A_1601, %dma_start3A_1605] : memref<64x100xi32, #tpu.memory_space<vmem>> -> memref<1x100xi32, #tpu.memory_space<vmem>>
      %dma_start3A_1607 = tpu.memref_squeeze %dma_start3A_1606 : memref<1x100xi32, #tpu.memory_space<vmem>> -> memref<100xi32, #tpu.memory_space<vmem>>
      %dma_start3A_1608 = arith.constant 0 : i32
      %dma_start3A_1609 = arith.constant 0 : i32
      %dma_start3A_1610 = tpu.memref_slice %arg2[%dma_start3A_1608, %dma_start3A_1609] : memref<100000x64xf32, #tpu.memory_space<hbm>> -> memref<100000x64xf32, #tpu.memory_space<hbm>>
      tpu.enqueue_indirect_dma source(%dma_start3A_1610 : memref<100000x64xf32, #tpu.memory_space<hbm>>) target(%dma_start3A_1604 : memref<100x64xf32, #tpu.memory_space<vmem>>) offsets(%dma_start3A_1607 : memref<100xi32, #tpu.memory_space<vmem>>) semaphore(%arg11 : memref<!tpu.dma_semaphore, #tpu.memory_space<semaphore_mem>>)
      %mul3A_1611 = arith.constant 4 : i32
      %mul3A_1612 = arith.muli %add3A_1595, %mul3A_1611 : i32
      %add3A_1613 = arith.constant 0 : i32
      %add3A_1614 = arith.addi %add3A_1613, %mul3A_1612 : i32
      %add3A_1615 = arith.constant 1 : i32
      %add3A_1616 = arith.addi %add3A_1614, %add3A_1615 : i32
      %dma_start3A_1617 = arith.constant 100 : i32
      %dma_start3A_1618 = arith.constant 0 : i32
      %dma_start3A_1619 = tpu.memref_slice %arg7[%dma_start3A_1617, %dma_start3A_1618] : memref<400x64xf32, #tpu.memory_space<vmem>> -> memref<100x64xf32, #tpu.memory_space<vmem>>
      %dma_start3A_1620 = arith.constant 0 : i32
      %dma_start3A_1621 = tpu.memref_slice %arg5[%add3A_1616, %dma_start3A_1620] : memref<64x100xi32, #tpu.memory_space<vmem>> -> memref<1x100xi32, #tpu.memory_space<vmem>>
      %dma_start3A_1622 = tpu.memref_squeeze %dma_start3A_1621 : memref<1x100xi32, #tpu.memory_space<vmem>> -> memref<100xi32, #tpu.memory_space<vmem>>
      %dma_start3A_1623 = arith.constant 0 : i32
      %dma_start3A_1624 = arith.constant 0 : i32
      %dma_start3A_1625 = tpu.memref_slice %arg2[%dma_start3A_1623, %dma_start3A_1624] : memref<100000x64xf32, #tpu.memory_space<hbm>> -> memref<100000x64xf32, #tpu.memory_space<hbm>>
      tpu.enqueue_indirect_dma source(%dma_start3A_1625 : memref<100000x64xf32, #tpu.memory_space<hbm>>) target(%dma_start3A_1619 : memref<100x64xf32, #tpu.memory_space<vmem>>) offsets(%dma_start3A_1622 : memref<100xi32, #tpu.memory_space<vmem>>) semaphore(%arg11 : memref<!tpu.dma_semaphore, #tpu.memory_space<semaphore_mem>>)
      %mul3A_1626 = arith.constant 4 : i32
      %mul3A_1627 = arith.muli %add3A_1595, %mul3A_1626 : i32
      %add3A_1628 = arith.constant 0 : i32
      %add3A_1629 = arith.addi %add3A_1628, %mul3A_1627 : i32
      %add3A_1630 = arith.constant 2 : i32
      %add3A_1631 = arith.addi %add3A_1629, %add3A_1630 : i32
      %dma_start3A_1632 = arith.constant 200 : i32
      %dma_start3A_1633 = arith.constant 0 : i32
      %dma_start3A_1634 = tpu.memref_slice %arg7[%dma_start3A_1632, %dma_start3A_1633] : memref<400x64xf32, #tpu.memory_space<vmem>> -> memref<100x64xf32, #tpu.memory_space<vmem>>
      %dma_start3A_1635 = arith.constant 0 : i32
      %dma_start3A_1636 = tpu.memref_slice %arg5[%add3A_1631, %dma_start3A_1635] : memref<64x100xi32, #tpu.memory_space<vmem>> -> memref<1x100xi32, #tpu.memory_space<vmem>>
      %dma_start3A_1637 = tpu.memref_squeeze %dma_start3A_1636 : memref<1x100xi32, #tpu.memory_space<vmem>> -> memref<100xi32, #tpu.memory_space<vmem>>
      %dma_start3A_1638 = arith.constant 0 : i32
      %dma_start3A_1639 = arith.constant 0 : i32
      %dma_start3A_1640 = tpu.memref_slice %arg2[%dma_start3A_1638, %dma_start3A_1639] : memref<100000x64xf32, #tpu.memory_space<hbm>> -> memref<100000x64xf32, #tpu.memory_space<hbm>>
      tpu.enqueue_indirect_dma source(%dma_start3A_1640 : memref<100000x64xf32, #tpu.memory_space<hbm>>) target(%dma_start3A_1634 : memref<100x64xf32, #tpu.memory_space<vmem>>) offsets(%dma_start3A_1637 : memref<100xi32, #tpu.memory_space<vmem>>) semaphore(%arg11 : memref<!tpu.dma_semaphore, #tpu.memory_space<semaphore_mem>>)
      %mul3A_1641 = arith.constant 4 : i32
      %mul3A_1642 = arith.muli %add3A_1595, %mul3A_1641 : i32
      %add3A_1643 = arith.constant 0 : i32
      %add3A_1644 = arith.addi %add3A_1643, %mul3A_1642 : i32
      %add3A_1645 = arith.constant 3 : i32
      %add3A_1646 = arith.addi %add3A_1644, %add3A_1645 : i32
      %dma_start3A_1647 = arith.constant 300 : i32
      %dma_start3A_1648 = arith.constant 0 : i32
      %dma_start3A_1649 = tpu.memref_slice %arg7[%dma_start3A_1647, %dma_start3A_1648] : memref<400x64xf32, #tpu.memory_space<vmem>> -> memref<100x64xf32, #tpu.memory_space<vmem>>
      %dma_start3A_1650 = arith.constant 0 : i32
      %dma_start3A_1651 = tpu.memref_slice %arg5[%add3A_1646, %dma_start3A_1650] : memref<64x100xi32, #tpu.memory_space<vmem>> -> memref<1x100xi32, #tpu.memory_space<vmem>>
      %dma_start3A_1652 = tpu.memref_squeeze %dma_start3A_1651 : memref<1x100xi32, #tpu.memory_space<vmem>> -> memref<100xi32, #tpu.memory_space<vmem>>
      %dma_start3A_1653 = arith.constant 0 : i32
      %dma_start3A_1654 = arith.constant 0 : i32
      %dma_start3A_1655 = tpu.memref_slice %arg2[%dma_start3A_1653, %dma_start3A_1654] : memref<100000x64xf32, #tpu.memory_space<hbm>> -> memref<100000x64xf32, #tpu.memory_space<hbm>>
      tpu.enqueue_indirect_dma source(%dma_start3A_1655 : memref<100000x64xf32, #tpu.memory_space<hbm>>) target(%dma_start3A_1649 : memref<100x64xf32, #tpu.memory_space<vmem>>) offsets(%dma_start3A_1652 : memref<100xi32, #tpu.memory_space<vmem>>) semaphore(%arg11 : memref<!tpu.dma_semaphore, #tpu.memory_space<semaphore_mem>>)
      %mul3A_1656 = arith.constant 8 : i32
      %mul3A_1657 = arith.muli %add3A_1581, %mul3A_1656 : i32
      %add3A_1658 = arith.addi %mul3A_2, %mul3A_1657 : i32
      %add3A_1659 = arith.constant 0 : i32
      %add3A_1660 = arith.addi %add3A_1658, %add3A_1659 : i32
      %dma_start3A_1661 = arith.constant 0 : i32
      %dma_start3A_1662 = arith.constant 0 : i32
      %dma_start3A_1663 = tpu.memref_slice %arg6[%dma_start3A_1661, %dma_start3A_1662] : memref<400x64xf32, #tpu.memory_space<vmem>> -> memref<50x64xf32, #tpu.memory_space<vmem>>
      %dma_start3A_1664 = arith.constant 0 : i32
      %dma_start3A_1665 = arith.constant 0 : i32
      %dma_start3A_1666 = tpu.memref_slice %arg4[%add3A_1660, %dma_start3A_1664, %dma_start3A_1665] : memref<4096x56x128xf32, #tpu.memory_space<hbm>> -> memref<1x50x64xf32, #tpu.memory_space<hbm>>
      %dma_start3A_1667 = tpu.memref_squeeze %dma_start3A_1666 : memref<1x50x64xf32, #tpu.memory_space<hbm>> -> memref<50x64xf32, #tpu.memory_space<hbm>>
      %dma_start3A_1668 = arith.constant 0 : i32
      %dma_start3A_1669 = arith.constant 0 : i32
      %dma_start3A_1670 = tpu.memref_slice %arg4[%add3A_1660, %dma_start3A_1668, %dma_start3A_1669] : memref<4096x56x128xf32, #tpu.memory_space<hbm>> -> memref<1x50x64xf32, #tpu.memory_space<hbm>>
      %dma_start3A_1671 = tpu.memref_squeeze %dma_start3A_1670 : memref<1x50x64xf32, #tpu.memory_space<hbm>> -> memref<50x64xf32, #tpu.memory_space<hbm>>
      %dma_start3A_1672 = arith.constant 0 : i32
      %dma_start3A_1673 = arith.constant 0 : i32
      %dma_start3A_1674 = tpu.memref_slice %arg6[%dma_start3A_1672, %dma_start3A_1673] : memref<400x64xf32, #tpu.memory_space<vmem>> -> memref<50x64xf32, #tpu.memory_space<vmem>>
      tpu.enqueue_dma source(%dma_start3A_1674 : memref<50x64xf32, #tpu.memory_space<vmem>>) target(%dma_start3A_1671 : memref<50x64xf32, #tpu.memory_space<hbm>>) target_semaphore(%arg14 : memref<!tpu.dma_semaphore, #tpu.memory_space<semaphore_mem>>)
      %mul3A_1675 = arith.constant 8 : i32
      %mul3A_1676 = arith.muli %add3A_1581, %mul3A_1675 : i32
      %add3A_1677 = arith.addi %mul3A_2, %mul3A_1676 : i32
      %add3A_1678 = arith.constant 1 : i32
      %add3A_1679 = arith.addi %add3A_1677, %add3A_1678 : i32
      %dma_start3A_1680 = arith.constant 50 : i32
      %dma_start3A_1681 = arith.constant 0 : i32
      %dma_start3A_1682 = tpu.memref_slice %arg6[%dma_start3A_1680, %dma_start3A_1681] : memref<400x64xf32, #tpu.memory_space<vmem>> -> memref<50x64xf32, #tpu.memory_space<vmem>>
      %dma_start3A_1683 = arith.constant 0 : i32
      %dma_start3A_1684 = arith.constant 0 : i32
      %dma_start3A_1685 = tpu.memref_slice %arg4[%add3A_1679, %dma_start3A_1683, %dma_start3A_1684] : memref<4096x56x128xf32, #tpu.memory_space<hbm>> -> memref<1x50x64xf32, #tpu.memory_space<hbm>>
      %dma_start3A_1686 = tpu.memref_squeeze %dma_start3A_1685 : memref<1x50x64xf32, #tpu.memory_space<hbm>> -> memref<50x64xf32, #tpu.memory_space<hbm>>
      %dma_start3A_1687 = arith.constant 0 : i32
      %dma_start3A_1688 = arith.constant 0 : i32
      %dma_start3A_1689 = tpu.memref_slice %arg4[%add3A_1679, %dma_start3A_1687, %dma_start3A_1688] : memref<4096x56x128xf32, #tpu.memory_space<hbm>> -> memref<1x50x64xf32, #tpu.memory_space<hbm>>
      %dma_start3A_1690 = tpu.memref_squeeze %dma_start3A_1689 : memref<1x50x64xf32, #tpu.memory_space<hbm>> -> memref<50x64xf32, #tpu.memory_space<hbm>>
      %dma_start3A_1691 = arith.constant 50 : i32
      %dma_start3A_1692 = arith.constant 0 : i32
      %dma_start3A_1693 = tpu.memref_slice %arg6[%dma_start3A_1691, %dma_start3A_1692] : memref<400x64xf32, #tpu.memory_space<vmem>> -> memref<50x64xf32, #tpu.memory_space<vmem>>
      tpu.enqueue_dma source(%dma_start3A_1693 : memref<50x64xf32, #tpu.memory_space<vmem>>) target(%dma_start3A_1690 : memref<50x64xf32, #tpu.memory_space<hbm>>) target_semaphore(%arg14 : memref<!tpu.dma_semaphore, #tpu.memory_space<semaphore_mem>>)
      %mul3A_1694 = arith.constant 8 : i32
      %mul3A_1695 = arith.muli %add3A_1581, %mul3A_1694 : i32
      %add3A_1696 = arith.addi %mul3A_2, %mul3A_1695 : i32
      %add3A_1697 = arith.constant 2 : i32
      %add3A_1698 = arith.addi %add3A_1696, %add3A_1697 : i32
      %dma_start3A_1699 = arith.constant 100 : i32
      %dma_start3A_1700 = arith.constant 0 : i32
      %dma_start3A_1701 = tpu.memref_slice %arg6[%dma_start3A_1699, %dma_start3A_1700] : memref<400x64xf32, #tpu.memory_space<vmem>> -> memref<50x64xf32, #tpu.memory_space<vmem>>
      %dma_start3A_1702 = arith.constant 0 : i32
      %dma_start3A_1703 = arith.constant 0 : i32
      %dma_start3A_1704 = tpu.memref_slice %arg4[%add3A_1698, %dma_start3A_1702, %dma_start3A_1703] : memref<4096x56x128xf32, #tpu.memory_space<hbm>> -> memref<1x50x64xf32, #tpu.memory_space<hbm>>
      %dma_start3A_1705 = tpu.memref_squeeze %dma_start3A_1704 : memref<1x50x64xf32, #tpu.memory_space<hbm>> -> memref<50x64xf32, #tpu.memory_space<hbm>>
      %dma_start3A_1706 = arith.constant 0 : i32
      %dma_start3A_1707 = arith.constant 0 : i32
      %dma_start3A_1708 = tpu.memref_slice %arg4[%add3A_1698, %dma_start3A_1706, %dma_start3A_1707] : memref<4096x56x128xf32, #tpu.memory_space<hbm>> -> memref<1x50x64xf32, #tpu.memory_space<hbm>>
      %dma_start3A_1709 = tpu.memref_squeeze %dma_start3A_1708 : memref<1x50x64xf32, #tpu.memory_space<hbm>> -> memref<50x64xf32, #tpu.memory_space<hbm>>
      %dma_start3A_1710 = arith.constant 100 : i32
      %dma_start3A_1711 = arith.constant 0 : i32
      %dma_start3A_1712 = tpu.memref_slice %arg6[%dma_start3A_1710, %dma_start3A_1711] : memref<400x64xf32, #tpu.memory_space<vmem>> -> memref<50x64xf32, #tpu.memory_space<vmem>>
      tpu.enqueue_dma source(%dma_start3A_1712 : memref<50x64xf32, #tpu.memory_space<vmem>>) target(%dma_start3A_1709 : memref<50x64xf32, #tpu.memory_space<hbm>>) target_semaphore(%arg14 : memref<!tpu.dma_semaphore, #tpu.memory_space<semaphore_mem>>)
      %mul3A_1713 = arith.constant 8 : i32
      %mul3A_1714 = arith.muli %add3A_1581, %mul3A_1713 : i32
      %add3A_1715 = arith.addi %mul3A_2, %mul3A_1714 : i32
      %add3A_1716 = arith.constant 3 : i32
      %add3A_1717 = arith.addi %add3A_1715, %add3A_1716 : i32
      %dma_start3A_1718 = arith.constant 150 : i32
      %dma_start3A_1719 = arith.constant 0 : i32
      %dma_start3A_1720 = tpu.memref_slice %arg6[%dma_start3A_1718, %dma_start3A_1719] : memref<400x64xf32, #tpu.memory_space<vmem>> -> memref<50x64xf32, #tpu.memory_space<vmem>>
      %dma_start3A_1721 = arith.constant 0 : i32
      %dma_start3A_1722 = arith.constant 0 : i32
      %dma_start3A_1723 = tpu.memref_slice %arg4[%add3A_1717, %dma_start3A_1721, %dma_start3A_1722] : memref<4096x56x128xf32, #tpu.memory_space<hbm>> -> memref<1x50x64xf32, #tpu.memory_space<hbm>>
      %dma_start3A_1724 = tpu.memref_squeeze %dma_start3A_1723 : memref<1x50x64xf32, #tpu.memory_space<hbm>> -> memref<50x64xf32, #tpu.memory_space<hbm>>
      %dma_start3A_1725 = arith.constant 0 : i32
      %dma_start3A_1726 = arith.constant 0 : i32
      %dma_start3A_1727 = tpu.memref_slice %arg4[%add3A_1717, %dma_start3A_1725, %dma_start3A_1726] : memref<4096x56x128xf32, #tpu.memory_space<hbm>> -> memref<1x50x64xf32, #tpu.memory_space<hbm>>
      %dma_start3A_1728 = tpu.memref_squeeze %dma_start3A_1727 : memref<1x50x64xf32, #tpu.memory_space<hbm>> -> memref<50x64xf32, #tpu.memory_space<hbm>>
      %dma_start3A_1729 = arith.constant 150 : i32
      %dma_start3A_1730 = arith.constant 0 : i32
      %dma_start3A_1731 = tpu.memref_slice %arg6[%dma_start3A_1729, %dma_start3A_1730] : memref<400x64xf32, #tpu.memory_space<vmem>> -> memref<50x64xf32, #tpu.memory_space<vmem>>
      tpu.enqueue_dma source(%dma_start3A_1731 : memref<50x64xf32, #tpu.memory_space<vmem>>) target(%dma_start3A_1728 : memref<50x64xf32, #tpu.memory_space<hbm>>) target_semaphore(%arg14 : memref<!tpu.dma_semaphore, #tpu.memory_space<semaphore_mem>>)
      %mul3A_1732 = arith.constant 8 : i32
      %mul3A_1733 = arith.muli %add3A_1581, %mul3A_1732 : i32
      %add3A_1734 = arith.addi %mul3A_2, %mul3A_1733 : i32
      %add3A_1735 = arith.constant 4 : i32
      %add3A_1736 = arith.addi %add3A_1734, %add3A_1735 : i32
      %dma_start3A_1737 = arith.constant 200 : i32
      %dma_start3A_1738 = arith.constant 0 : i32
      %dma_start3A_1739 = tpu.memref_slice %arg6[%dma_start3A_1737, %dma_start3A_1738] : memref<400x64xf32, #tpu.memory_space<vmem>> -> memref<50x64xf32, #tpu.memory_space<vmem>>
      %dma_start3A_1740 = arith.constant 0 : i32
      %dma_start3A_1741 = arith.constant 0 : i32
      %dma_start3A_1742 = tpu.memref_slice %arg4[%add3A_1736, %dma_start3A_1740, %dma_start3A_1741] : memref<4096x56x128xf32, #tpu.memory_space<hbm>> -> memref<1x50x64xf32, #tpu.memory_space<hbm>>
      %dma_start3A_1743 = tpu.memref_squeeze %dma_start3A_1742 : memref<1x50x64xf32, #tpu.memory_space<hbm>> -> memref<50x64xf32, #tpu.memory_space<hbm>>
      %dma_start3A_1744 = arith.constant 0 : i32
      %dma_start3A_1745 = arith.constant 0 : i32
      %dma_start3A_1746 = tpu.memref_slice %arg4[%add3A_1736, %dma_start3A_1744, %dma_start3A_1745] : memref<4096x56x128xf32, #tpu.memory_space<hbm>> -> memref<1x50x64xf32, #tpu.memory_space<hbm>>
      %dma_start3A_1747 = tpu.memref_squeeze %dma_start3A_1746 : memref<1x50x64xf32, #tpu.memory_space<hbm>> -> memref<50x64xf32, #tpu.memory_space<hbm>>
      %dma_start3A_1748 = arith.constant 200 : i32
      %dma_start3A_1749 = arith.constant 0 : i32
      %dma_start3A_1750 = tpu.memref_slice %arg6[%dma_start3A_1748, %dma_start3A_1749] : memref<400x64xf32, #tpu.memory_space<vmem>> -> memref<50x64xf32, #tpu.memory_space<vmem>>
      tpu.enqueue_dma source(%dma_start3A_1750 : memref<50x64xf32, #tpu.memory_space<vmem>>) target(%dma_start3A_1747 : memref<50x64xf32, #tpu.memory_space<hbm>>) target_semaphore(%arg14 : memref<!tpu.dma_semaphore, #tpu.memory_space<semaphore_mem>>)
      %mul3A_1751 = arith.constant 8 : i32
      %mul3A_1752 = arith.muli %add3A_1581, %mul3A_1751 : i32
      %add3A_1753 = arith.addi %mul3A_2, %mul3A_1752 : i32
      %add3A_1754 = arith.constant 5 : i32
      %add3A_1755 = arith.addi %add3A_1753, %add3A_1754 : i32
      %dma_start3A_1756 = arith.constant 250 : i32
      %dma_start3A_1757 = arith.constant 0 : i32
      %dma_start3A_1758 = tpu.memref_slice %arg6[%dma_start3A_1756, %dma_start3A_1757] : memref<400x64xf32, #tpu.memory_space<vmem>> -> memref<50x64xf32, #tpu.memory_space<vmem>>
      %dma_start3A_1759 = arith.constant 0 : i32
      %dma_start3A_1760 = arith.constant 0 : i32
      %dma_start3A_1761 = tpu.memref_slice %arg4[%add3A_1755, %dma_start3A_1759, %dma_start3A_1760] : memref<4096x56x128xf32, #tpu.memory_space<hbm>> -> memref<1x50x64xf32, #tpu.memory_space<hbm>>
      %dma_start3A_1762 = tpu.memref_squeeze %dma_start3A_1761 : memref<1x50x64xf32, #tpu.memory_space<hbm>> -> memref<50x64xf32, #tpu.memory_space<hbm>>
      %dma_start3A_1763 = arith.constant 0 : i32
      %dma_start3A_1764 = arith.constant 0 : i32
      %dma_start3A_1765 = tpu.memref_slice %arg4[%add3A_1755, %dma_start3A_1763, %dma_start3A_1764] : memref<4096x56x128xf32, #tpu.memory_space<hbm>> -> memref<1x50x64xf32, #tpu.memory_space<hbm>>
      %dma_start3A_1766 = tpu.memref_squeeze %dma_start3A_1765 : memref<1x50x64xf32, #tpu.memory_space<hbm>> -> memref<50x64xf32, #tpu.memory_space<hbm>>
      %dma_start3A_1767 = arith.constant 250 : i32
      %dma_start3A_1768 = arith.constant 0 : i32
      %dma_start3A_1769 = tpu.memref_slice %arg6[%dma_start3A_1767, %dma_start3A_1768] : memref<400x64xf32, #tpu.memory_space<vmem>> -> memref<50x64xf32, #tpu.memory_space<vmem>>
      tpu.enqueue_dma source(%dma_start3A_1769 : memref<50x64xf32, #tpu.memory_space<vmem>>) target(%dma_start3A_1766 : memref<50x64xf32, #tpu.memory_space<hbm>>) target_semaphore(%arg14 : memref<!tpu.dma_semaphore, #tpu.memory_space<semaphore_mem>>)
      %mul3A_1770 = arith.constant 8 : i32
      %mul3A_1771 = arith.muli %add3A_1581, %mul3A_1770 : i32
      %add3A_1772 = arith.addi %mul3A_2, %mul3A_1771 : i32
      %add3A_1773 = arith.constant 6 : i32
      %add3A_1774 = arith.addi %add3A_1772, %add3A_1773 : i32
      %dma_start3A_1775 = arith.constant 300 : i32
      %dma_start3A_1776 = arith.constant 0 : i32
      %dma_start3A_1777 = tpu.memref_slice %arg6[%dma_start3A_1775, %dma_start3A_1776] : memref<400x64xf32, #tpu.memory_space<vmem>> -> memref<50x64xf32, #tpu.memory_space<vmem>>
      %dma_start3A_1778 = arith.constant 0 : i32
      %dma_start3A_1779 = arith.constant 0 : i32
      %dma_start3A_1780 = tpu.memref_slice %arg4[%add3A_1774, %dma_start3A_1778, %dma_start3A_1779] : memref<4096x56x128xf32, #tpu.memory_space<hbm>> -> memref<1x50x64xf32, #tpu.memory_space<hbm>>
      %dma_start3A_1781 = tpu.memref_squeeze %dma_start3A_1780 : memref<1x50x64xf32, #tpu.memory_space<hbm>> -> memref<50x64xf32, #tpu.memory_space<hbm>>
      %dma_start3A_1782 = arith.constant 0 : i32
      %dma_start3A_1783 = arith.constant 0 : i32
      %dma_start3A_1784 = tpu.memref_slice %arg4[%add3A_1774, %dma_start3A_1782, %dma_start3A_1783] : memref<4096x56x128xf32, #tpu.memory_space<hbm>> -> memref<1x50x64xf32, #tpu.memory_space<hbm>>
      %dma_start3A_1785 = tpu.memref_squeeze %dma_start3A_1784 : memref<1x50x64xf32, #tpu.memory_space<hbm>> -> memref<50x64xf32, #tpu.memory_space<hbm>>
      %dma_start3A_1786 = arith.constant 300 : i32
      %dma_start3A_1787 = arith.constant 0 : i32
      %dma_start3A_1788 = tpu.memref_slice %arg6[%dma_start3A_1786, %dma_start3A_1787] : memref<400x64xf32, #tpu.memory_space<vmem>> -> memref<50x64xf32, #tpu.memory_space<vmem>>
      tpu.enqueue_dma source(%dma_start3A_1788 : memref<50x64xf32, #tpu.memory_space<vmem>>) target(%dma_start3A_1785 : memref<50x64xf32, #tpu.memory_space<hbm>>) target_semaphore(%arg14 : memref<!tpu.dma_semaphore, #tpu.memory_space<semaphore_mem>>)
      %mul3A_1789 = arith.constant 8 : i32
      %mul3A_1790 = arith.muli %add3A_1581, %mul3A_1789 : i32
      %add3A_1791 = arith.addi %mul3A_2, %mul3A_1790 : i32
      %add3A_1792 = arith.constant 7 : i32
      %add3A_1793 = arith.addi %add3A_1791, %add3A_1792 : i32
      %dma_start3A_1794 = arith.constant 350 : i32
      %dma_start3A_1795 = arith.constant 0 : i32
      %dma_start3A_1796 = tpu.memref_slice %arg6[%dma_start3A_1794, %dma_start3A_1795] : memref<400x64xf32, #tpu.memory_space<vmem>> -> memref<50x64xf32, #tpu.memory_space<vmem>>
      %dma_start3A_1797 = arith.constant 0 : i32
      %dma_start3A_1798 = arith.constant 0 : i32
      %dma_start3A_1799 = tpu.memref_slice %arg4[%add3A_1793, %dma_start3A_1797, %dma_start3A_1798] : memref<4096x56x128xf32, #tpu.memory_space<hbm>> -> memref<1x50x64xf32, #tpu.memory_space<hbm>>
      %dma_start3A_1800 = tpu.memref_squeeze %dma_start3A_1799 : memref<1x50x64xf32, #tpu.memory_space<hbm>> -> memref<50x64xf32, #tpu.memory_space<hbm>>
      %dma_start3A_1801 = arith.constant 0 : i32
      %dma_start3A_1802 = arith.constant 0 : i32
      %dma_start3A_1803 = tpu.memref_slice %arg4[%add3A_1793, %dma_start3A_1801, %dma_start3A_1802] : memref<4096x56x128xf32, #tpu.memory_space<hbm>> -> memref<1x50x64xf32, #tpu.memory_space<hbm>>
      %dma_start3A_1804 = tpu.memref_squeeze %dma_start3A_1803 : memref<1x50x64xf32, #tpu.memory_space<hbm>> -> memref<50x64xf32, #tpu.memory_space<hbm>>
      %dma_start3A_1805 = arith.constant 350 : i32
      %dma_start3A_1806 = arith.constant 0 : i32
      %dma_start3A_1807 = tpu.memref_slice %arg6[%dma_start3A_1805, %dma_start3A_1806] : memref<400x64xf32, #tpu.memory_space<vmem>> -> memref<50x64xf32, #tpu.memory_space<vmem>>
      tpu.enqueue_dma source(%dma_start3A_1807 : memref<50x64xf32, #tpu.memory_space<vmem>>) target(%dma_start3A_1804 : memref<50x64xf32, #tpu.memory_space<hbm>>) target_semaphore(%arg14 : memref<!tpu.dma_semaphore, #tpu.memory_space<semaphore_mem>>)
      %dma_wait3A_1808 = arith.constant 0 : i32
      %dma_wait3A_1809 = arith.constant 0 : i32
      %dma_wait3A_1810 = tpu.memref_slice %arg2[%dma_wait3A_1808, %dma_wait3A_1809] : memref<100000x64xf32, #tpu.memory_space<hbm>> -> memref<400x64xf32, #tpu.memory_space<hbm>>
      %dma_wait3A_1811 = arith.constant 0 : i32
      %dma_wait3A_1812 = arith.constant 0 : i32
      %dma_wait3A_1813 = tpu.memref_slice %arg2[%dma_wait3A_1811, %dma_wait3A_1812] : memref<100000x64xf32, #tpu.memory_space<hbm>> -> memref<400x64xf32, #tpu.memory_space<hbm>>
      tpu.wait_dma2 semaphore(%arg12 : memref<!tpu.dma_semaphore, #tpu.memory_space<semaphore_mem>>) src(%dma_wait3A_1813 : memref<400x64xf32, #tpu.memory_space<hbm>>) dst(%arg8 : memref<400x64xf32, #tpu.memory_space<vmem>>)
      %dma_wait3A_1814 = arith.constant 0 : i32
      %dma_wait3A_1815 = arith.constant 0 : i32
      %dma_wait3A_1816 = tpu.memref_slice %arg2[%dma_wait3A_1814, %dma_wait3A_1815] : memref<100000x64xf32, #tpu.memory_space<hbm>> -> memref<400x64xf32, #tpu.memory_space<hbm>>
      %dma_wait3A_1817 = arith.constant 0 : i32
      %dma_wait3A_1818 = arith.constant 0 : i32
      %dma_wait3A_1819 = tpu.memref_slice %arg2[%dma_wait3A_1817, %dma_wait3A_1818] : memref<100000x64xf32, #tpu.memory_space<hbm>> -> memref<400x64xf32, #tpu.memory_space<hbm>>
      tpu.wait_dma2 semaphore(%arg17 : memref<!tpu.dma_semaphore, #tpu.memory_space<semaphore_mem>>) src(%dma_wait3A_1819 : memref<400x64xf32, #tpu.memory_space<hbm>>) dst(%arg9 : memref<400x64xf32, #tpu.memory_space<vmem>>)
      %add3A_1820 = arith.constant 1 : i32
      %add3A_1821 = arith.addi %add3A_1581, %add3A_1820 : i32
      %mul3A_1822 = arith.constant 4 : i32
      %mul3A_1823 = arith.muli %add3A_1821, %mul3A_1822 : i32
      %add3A_1824 = arith.constant 32 : i32
      %add3A_1825 = arith.addi %add3A_1824, %mul3A_1823 : i32
      %add3A_1826 = arith.constant 0 : i32
      %add3A_1827 = arith.addi %add3A_1825, %add3A_1826 : i32
      %dma_start3A_1828 = arith.constant 0 : i32
      %dma_start3A_1829 = arith.constant 0 : i32
      %dma_start3A_1830 = tpu.memref_slice %arg9[%dma_start3A_1828, %dma_start3A_1829] : memref<400x64xf32, #tpu.memory_space<vmem>> -> memref<100x64xf32, #tpu.memory_space<vmem>>
      %dma_start3A_1831 = arith.constant 0 : i32
      %dma_start3A_1832 = tpu.memref_slice %arg5[%add3A_1827, %dma_start3A_1831] : memref<64x100xi32, #tpu.memory_space<vmem>> -> memref<1x100xi32, #tpu.memory_space<vmem>>
      %dma_start3A_1833 = tpu.memref_squeeze %dma_start3A_1832 : memref<1x100xi32, #tpu.memory_space<vmem>> -> memref<100xi32, #tpu.memory_space<vmem>>
      %dma_start3A_1834 = arith.constant 0 : i32
      %dma_start3A_1835 = arith.constant 0 : i32
      %dma_start3A_1836 = tpu.memref_slice %arg2[%dma_start3A_1834, %dma_start3A_1835] : memref<100000x64xf32, #tpu.memory_space<hbm>> -> memref<100000x64xf32, #tpu.memory_space<hbm>>
      tpu.enqueue_indirect_dma source(%dma_start3A_1836 : memref<100000x64xf32, #tpu.memory_space<hbm>>) target(%dma_start3A_1830 : memref<100x64xf32, #tpu.memory_space<vmem>>) offsets(%dma_start3A_1833 : memref<100xi32, #tpu.memory_space<vmem>>) semaphore(%arg13 : memref<!tpu.dma_semaphore, #tpu.memory_space<semaphore_mem>>)
      %mul3A_1837 = arith.constant 4 : i32
      %mul3A_1838 = arith.muli %add3A_1821, %mul3A_1837 : i32
      %add3A_1839 = arith.constant 32 : i32
      %add3A_1840 = arith.addi %add3A_1839, %mul3A_1838 : i32
      %add3A_1841 = arith.constant 1 : i32
      %add3A_1842 = arith.addi %add3A_1840, %add3A_1841 : i32
      %dma_start3A_1843 = arith.constant 100 : i32
      %dma_start3A_1844 = arith.constant 0 : i32
      %dma_start3A_1845 = tpu.memref_slice %arg9[%dma_start3A_1843, %dma_start3A_1844] : memref<400x64xf32, #tpu.memory_space<vmem>> -> memref<100x64xf32, #tpu.memory_space<vmem>>
      %dma_start3A_1846 = arith.constant 0 : i32
      %dma_start3A_1847 = tpu.memref_slice %arg5[%add3A_1842, %dma_start3A_1846] : memref<64x100xi32, #tpu.memory_space<vmem>> -> memref<1x100xi32, #tpu.memory_space<vmem>>
      %dma_start3A_1848 = tpu.memref_squeeze %dma_start3A_1847 : memref<1x100xi32, #tpu.memory_space<vmem>> -> memref<100xi32, #tpu.memory_space<vmem>>
      %dma_start3A_1849 = arith.constant 0 : i32
      %dma_start3A_1850 = arith.constant 0 : i32
      %dma_start3A_1851 = tpu.memref_slice %arg2[%dma_start3A_1849, %dma_start3A_1850] : memref<100000x64xf32, #tpu.memory_space<hbm>> -> memref<100000x64xf32, #tpu.memory_space<hbm>>
      tpu.enqueue_indirect_dma source(%dma_start3A_1851 : memref<100000x64xf32, #tpu.memory_space<hbm>>) target(%dma_start3A_1845 : memref<100x64xf32, #tpu.memory_space<vmem>>) offsets(%dma_start3A_1848 : memref<100xi32, #tpu.memory_space<vmem>>) semaphore(%arg13 : memref<!tpu.dma_semaphore, #tpu.memory_space<semaphore_mem>>)
      %mul3A_1852 = arith.constant 4 : i32
      %mul3A_1853 = arith.muli %add3A_1821, %mul3A_1852 : i32
      %add3A_1854 = arith.constant 32 : i32
      %add3A_1855 = arith.addi %add3A_1854, %mul3A_1853 : i32
      %add3A_1856 = arith.constant 2 : i32
      %add3A_1857 = arith.addi %add3A_1855, %add3A_1856 : i32
      %dma_start3A_1858 = arith.constant 200 : i32
      %dma_start3A_1859 = arith.constant 0 : i32
      %dma_start3A_1860 = tpu.memref_slice %arg9[%dma_start3A_1858, %dma_start3A_1859] : memref<400x64xf32, #tpu.memory_space<vmem>> -> memref<100x64xf32, #tpu.memory_space<vmem>>
      %dma_start3A_1861 = arith.constant 0 : i32
      %dma_start3A_1862 = tpu.memref_slice %arg5[%add3A_1857, %dma_start3A_1861] : memref<64x100xi32, #tpu.memory_space<vmem>> -> memref<1x100xi32, #tpu.memory_space<vmem>>
      %dma_start3A_1863 = tpu.memref_squeeze %dma_start3A_1862 : memref<1x100xi32, #tpu.memory_space<vmem>> -> memref<100xi32, #tpu.memory_space<vmem>>
      %dma_start3A_1864 = arith.constant 0 : i32
      %dma_start3A_1865 = arith.constant 0 : i32
      %dma_start3A_1866 = tpu.memref_slice %arg2[%dma_start3A_1864, %dma_start3A_1865] : memref<100000x64xf32, #tpu.memory_space<hbm>> -> memref<100000x64xf32, #tpu.memory_space<hbm>>
      tpu.enqueue_indirect_dma source(%dma_start3A_1866 : memref<100000x64xf32, #tpu.memory_space<hbm>>) target(%dma_start3A_1860 : memref<100x64xf32, #tpu.memory_space<vmem>>) offsets(%dma_start3A_1863 : memref<100xi32, #tpu.memory_space<vmem>>) semaphore(%arg13 : memref<!tpu.dma_semaphore, #tpu.memory_space<semaphore_mem>>)
      %mul3A_1867 = arith.constant 4 : i32
      %mul3A_1868 = arith.muli %add3A_1821, %mul3A_1867 : i32
      %add3A_1869 = arith.constant 32 : i32
      %add3A_1870 = arith.addi %add3A_1869, %mul3A_1868 : i32
      %add3A_1871 = arith.constant 3 : i32
      %add3A_1872 = arith.addi %add3A_1870, %add3A_1871 : i32
      %dma_start3A_1873 = arith.constant 300 : i32
      %dma_start3A_1874 = arith.constant 0 : i32
      %dma_start3A_1875 = tpu.memref_slice %arg9[%dma_start3A_1873, %dma_start3A_1874] : memref<400x64xf32, #tpu.memory_space<vmem>> -> memref<100x64xf32, #tpu.memory_space<vmem>>
      %dma_start3A_1876 = arith.constant 0 : i32
      %dma_start3A_1877 = tpu.memref_slice %arg5[%add3A_1872, %dma_start3A_1876] : memref<64x100xi32, #tpu.memory_space<vmem>> -> memref<1x100xi32, #tpu.memory_space<vmem>>
      %dma_start3A_1878 = tpu.memref_squeeze %dma_start3A_1877 : memref<1x100xi32, #tpu.memory_space<vmem>> -> memref<100xi32, #tpu.memory_space<vmem>>
      %dma_start3A_1879 = arith.constant 0 : i32
      %dma_start3A_1880 = arith.constant 0 : i32
      %dma_start3A_1881 = tpu.memref_slice %arg2[%dma_start3A_1879, %dma_start3A_1880] : memref<100000x64xf32, #tpu.memory_space<hbm>> -> memref<100000x64xf32, #tpu.memory_space<hbm>>
      tpu.enqueue_indirect_dma source(%dma_start3A_1881 : memref<100000x64xf32, #tpu.memory_space<hbm>>) target(%dma_start3A_1875 : memref<100x64xf32, #tpu.memory_space<vmem>>) offsets(%dma_start3A_1878 : memref<100xi32, #tpu.memory_space<vmem>>) semaphore(%arg13 : memref<!tpu.dma_semaphore, #tpu.memory_space<semaphore_mem>>)
      %mul3A_1882 = arith.constant 8 : i32
      %mul3A_1883 = arith.muli %add3A_1581, %mul3A_1882 : i32
      %add3A_1884 = arith.addi %add3A_6, %mul3A_1883 : i32
      %add3A_1885 = arith.constant 0 : i32
      %add3A_1886 = arith.addi %add3A_1884, %add3A_1885 : i32
      %dma_start3A_1887 = arith.constant 0 : i32
      %dma_start3A_1888 = arith.constant 0 : i32
      %dma_start3A_1889 = tpu.memref_slice %arg8[%dma_start3A_1887, %dma_start3A_1888] : memref<400x64xf32, #tpu.memory_space<vmem>> -> memref<50x64xf32, #tpu.memory_space<vmem>>
      %dma_start3A_1890 = arith.constant 0 : i32
      %dma_start3A_1891 = arith.constant 0 : i32
      %dma_start3A_1892 = tpu.memref_slice %arg4[%add3A_1886, %dma_start3A_1890, %dma_start3A_1891] : memref<4096x56x128xf32, #tpu.memory_space<hbm>> -> memref<1x50x64xf32, #tpu.memory_space<hbm>>
      %dma_start3A_1893 = tpu.memref_squeeze %dma_start3A_1892 : memref<1x50x64xf32, #tpu.memory_space<hbm>> -> memref<50x64xf32, #tpu.memory_space<hbm>>
      %dma_start3A_1894 = arith.constant 0 : i32
      %dma_start3A_1895 = arith.constant 0 : i32
      %dma_start3A_1896 = tpu.memref_slice %arg4[%add3A_1886, %dma_start3A_1894, %dma_start3A_1895] : memref<4096x56x128xf32, #tpu.memory_space<hbm>> -> memref<1x50x64xf32, #tpu.memory_space<hbm>>
      %dma_start3A_1897 = tpu.memref_squeeze %dma_start3A_1896 : memref<1x50x64xf32, #tpu.memory_space<hbm>> -> memref<50x64xf32, #tpu.memory_space<hbm>>
      %dma_start3A_1898 = arith.constant 0 : i32
      %dma_start3A_1899 = arith.constant 0 : i32
      %dma_start3A_1900 = tpu.memref_slice %arg8[%dma_start3A_1898, %dma_start3A_1899] : memref<400x64xf32, #tpu.memory_space<vmem>> -> memref<50x64xf32, #tpu.memory_space<vmem>>
      tpu.enqueue_dma source(%dma_start3A_1900 : memref<50x64xf32, #tpu.memory_space<vmem>>) target(%dma_start3A_1897 : memref<50x64xf32, #tpu.memory_space<hbm>>) target_semaphore(%arg16 : memref<!tpu.dma_semaphore, #tpu.memory_space<semaphore_mem>>)
      %mul3A_1901 = arith.constant 8 : i32
      %mul3A_1902 = arith.muli %add3A_1581, %mul3A_1901 : i32
      %add3A_1903 = arith.addi %add3A_6, %mul3A_1902 : i32
      %add3A_1904 = arith.constant 1 : i32
      %add3A_1905 = arith.addi %add3A_1903, %add3A_1904 : i32
      %dma_start3A_1906 = arith.constant 50 : i32
      %dma_start3A_1907 = arith.constant 0 : i32
      %dma_start3A_1908 = tpu.memref_slice %arg8[%dma_start3A_1906, %dma_start3A_1907] : memref<400x64xf32, #tpu.memory_space<vmem>> -> memref<50x64xf32, #tpu.memory_space<vmem>>
      %dma_start3A_1909 = arith.constant 0 : i32
      %dma_start3A_1910 = arith.constant 0 : i32
      %dma_start3A_1911 = tpu.memref_slice %arg4[%add3A_1905, %dma_start3A_1909, %dma_start3A_1910] : memref<4096x56x128xf32, #tpu.memory_space<hbm>> -> memref<1x50x64xf32, #tpu.memory_space<hbm>>
      %dma_start3A_1912 = tpu.memref_squeeze %dma_start3A_1911 : memref<1x50x64xf32, #tpu.memory_space<hbm>> -> memref<50x64xf32, #tpu.memory_space<hbm>>
      %dma_start3A_1913 = arith.constant 0 : i32
      %dma_start3A_1914 = arith.constant 0 : i32
      %dma_start3A_1915 = tpu.memref_slice %arg4[%add3A_1905, %dma_start3A_1913, %dma_start3A_1914] : memref<4096x56x128xf32, #tpu.memory_space<hbm>> -> memref<1x50x64xf32, #tpu.memory_space<hbm>>
      %dma_start3A_1916 = tpu.memref_squeeze %dma_start3A_1915 : memref<1x50x64xf32, #tpu.memory_space<hbm>> -> memref<50x64xf32, #tpu.memory_space<hbm>>
      %dma_start3A_1917 = arith.constant 50 : i32
      %dma_start3A_1918 = arith.constant 0 : i32
      %dma_start3A_1919 = tpu.memref_slice %arg8[%dma_start3A_1917, %dma_start3A_1918] : memref<400x64xf32, #tpu.memory_space<vmem>> -> memref<50x64xf32, #tpu.memory_space<vmem>>
      tpu.enqueue_dma source(%dma_start3A_1919 : memref<50x64xf32, #tpu.memory_space<vmem>>) target(%dma_start3A_1916 : memref<50x64xf32, #tpu.memory_space<hbm>>) target_semaphore(%arg16 : memref<!tpu.dma_semaphore, #tpu.memory_space<semaphore_mem>>)
      %mul3A_1920 = arith.constant 8 : i32
      %mul3A_1921 = arith.muli %add3A_1581, %mul3A_1920 : i32
      %add3A_1922 = arith.addi %add3A_6, %mul3A_1921 : i32
      %add3A_1923 = arith.constant 2 : i32
      %add3A_1924 = arith.addi %add3A_1922, %add3A_1923 : i32
      %dma_start3A_1925 = arith.constant 100 : i32
      %dma_start3A_1926 = arith.constant 0 : i32
      %dma_start3A_1927 = tpu.memref_slice %arg8[%dma_start3A_1925, %dma_start3A_1926] : memref<400x64xf32, #tpu.memory_space<vmem>> -> memref<50x64xf32, #tpu.memory_space<vmem>>
      %dma_start3A_1928 = arith.constant 0 : i32
      %dma_start3A_1929 = arith.constant 0 : i32
      %dma_start3A_1930 = tpu.memref_slice %arg4[%add3A_1924, %dma_start3A_1928, %dma_start3A_1929] : memref<4096x56x128xf32, #tpu.memory_space<hbm>> -> memref<1x50x64xf32, #tpu.memory_space<hbm>>
      %dma_start3A_1931 = tpu.memref_squeeze %dma_start3A_1930 : memref<1x50x64xf32, #tpu.memory_space<hbm>> -> memref<50x64xf32, #tpu.memory_space<hbm>>
      %dma_start3A_1932 = arith.constant 0 : i32
      %dma_start3A_1933 = arith.constant 0 : i32
      %dma_start3A_1934 = tpu.memref_slice %arg4[%add3A_1924, %dma_start3A_1932, %dma_start3A_1933] : memref<4096x56x128xf32, #tpu.memory_space<hbm>> -> memref<1x50x64xf32, #tpu.memory_space<hbm>>
      %dma_start3A_1935 = tpu.memref_squeeze %dma_start3A_1934 : memref<1x50x64xf32, #tpu.memory_space<hbm>> -> memref<50x64xf32, #tpu.memory_space<hbm>>
      %dma_start3A_1936 = arith.constant 100 : i32
      %dma_start3A_1937 = arith.constant 0 : i32
      %dma_start3A_1938 = tpu.memref_slice %arg8[%dma_start3A_1936, %dma_start3A_1937] : memref<400x64xf32, #tpu.memory_space<vmem>> -> memref<50x64xf32, #tpu.memory_space<vmem>>
      tpu.enqueue_dma source(%dma_start3A_1938 : memref<50x64xf32, #tpu.memory_space<vmem>>) target(%dma_start3A_1935 : memref<50x64xf32, #tpu.memory_space<hbm>>) target_semaphore(%arg16 : memref<!tpu.dma_semaphore, #tpu.memory_space<semaphore_mem>>)
      %mul3A_1939 = arith.constant 8 : i32
      %mul3A_1940 = arith.muli %add3A_1581, %mul3A_1939 : i32
      %add3A_1941 = arith.addi %add3A_6, %mul3A_1940 : i32
      %add3A_1942 = arith.constant 3 : i32
      %add3A_1943 = arith.addi %add3A_1941, %add3A_1942 : i32
      %dma_start3A_1944 = arith.constant 150 : i32
      %dma_start3A_1945 = arith.constant 0 : i32
      %dma_start3A_1946 = tpu.memref_slice %arg8[%dma_start3A_1944, %dma_start3A_1945] : memref<400x64xf32, #tpu.memory_space<vmem>> -> memref<50x64xf32, #tpu.memory_space<vmem>>
      %dma_start3A_1947 = arith.constant 0 : i32
      %dma_start3A_1948 = arith.constant 0 : i32
      %dma_start3A_1949 = tpu.memref_slice %arg4[%add3A_1943, %dma_start3A_1947, %dma_start3A_1948] : memref<4096x56x128xf32, #tpu.memory_space<hbm>> -> memref<1x50x64xf32, #tpu.memory_space<hbm>>
      %dma_start3A_1950 = tpu.memref_squeeze %dma_start3A_1949 : memref<1x50x64xf32, #tpu.memory_space<hbm>> -> memref<50x64xf32, #tpu.memory_space<hbm>>
      %dma_start3A_1951 = arith.constant 0 : i32
      %dma_start3A_1952 = arith.constant 0 : i32
      %dma_start3A_1953 = tpu.memref_slice %arg4[%add3A_1943, %dma_start3A_1951, %dma_start3A_1952] : memref<4096x56x128xf32, #tpu.memory_space<hbm>> -> memref<1x50x64xf32, #tpu.memory_space<hbm>>
      %dma_start3A_1954 = tpu.memref_squeeze %dma_start3A_1953 : memref<1x50x64xf32, #tpu.memory_space<hbm>> -> memref<50x64xf32, #tpu.memory_space<hbm>>
      %dma_start3A_1955 = arith.constant 150 : i32
      %dma_start3A_1956 = arith.constant 0 : i32
      %dma_start3A_1957 = tpu.memref_slice %arg8[%dma_start3A_1955, %dma_start3A_1956] : memref<400x64xf32, #tpu.memory_space<vmem>> -> memref<50x64xf32, #tpu.memory_space<vmem>>
      tpu.enqueue_dma source(%dma_start3A_1957 : memref<50x64xf32, #tpu.memory_space<vmem>>) target(%dma_start3A_1954 : memref<50x64xf32, #tpu.memory_space<hbm>>) target_semaphore(%arg16 : memref<!tpu.dma_semaphore, #tpu.memory_space<semaphore_mem>>)
      %mul3A_1958 = arith.constant 8 : i32
      %mul3A_1959 = arith.muli %add3A_1581, %mul3A_1958 : i32
      %add3A_1960 = arith.addi %add3A_6, %mul3A_1959 : i32
      %add3A_1961 = arith.constant 4 : i32
      %add3A_1962 = arith.addi %add3A_1960, %add3A_1961 : i32
      %dma_start3A_1963 = arith.constant 200 : i32
      %dma_start3A_1964 = arith.constant 0 : i32
      %dma_start3A_1965 = tpu.memref_slice %arg8[%dma_start3A_1963, %dma_start3A_1964] : memref<400x64xf32, #tpu.memory_space<vmem>> -> memref<50x64xf32, #tpu.memory_space<vmem>>
      %dma_start3A_1966 = arith.constant 0 : i32
      %dma_start3A_1967 = arith.constant 0 : i32
      %dma_start3A_1968 = tpu.memref_slice %arg4[%add3A_1962, %dma_start3A_1966, %dma_start3A_1967] : memref<4096x56x128xf32, #tpu.memory_space<hbm>> -> memref<1x50x64xf32, #tpu.memory_space<hbm>>
      %dma_start3A_1969 = tpu.memref_squeeze %dma_start3A_1968 : memref<1x50x64xf32, #tpu.memory_space<hbm>> -> memref<50x64xf32, #tpu.memory_space<hbm>>
      %dma_start3A_1970 = arith.constant 0 : i32
      %dma_start3A_1971 = arith.constant 0 : i32
      %dma_start3A_1972 = tpu.memref_slice %arg4[%add3A_1962, %dma_start3A_1970, %dma_start3A_1971] : memref<4096x56x128xf32, #tpu.memory_space<hbm>> -> memref<1x50x64xf32, #tpu.memory_space<hbm>>
      %dma_start3A_1973 = tpu.memref_squeeze %dma_start3A_1972 : memref<1x50x64xf32, #tpu.memory_space<hbm>> -> memref<50x64xf32, #tpu.memory_space<hbm>>
      %dma_start3A_1974 = arith.constant 200 : i32
      %dma_start3A_1975 = arith.constant 0 : i32
      %dma_start3A_1976 = tpu.memref_slice %arg8[%dma_start3A_1974, %dma_start3A_1975] : memref<400x64xf32, #tpu.memory_space<vmem>> -> memref<50x64xf32, #tpu.memory_space<vmem>>
      tpu.enqueue_dma source(%dma_start3A_1976 : memref<50x64xf32, #tpu.memory_space<vmem>>) target(%dma_start3A_1973 : memref<50x64xf32, #tpu.memory_space<hbm>>) target_semaphore(%arg16 : memref<!tpu.dma_semaphore, #tpu.memory_space<semaphore_mem>>)
      %mul3A_1977 = arith.constant 8 : i32
      %mul3A_1978 = arith.muli %add3A_1581, %mul3A_1977 : i32
      %add3A_1979 = arith.addi %add3A_6, %mul3A_1978 : i32
      %add3A_1980 = arith.constant 5 : i32
      %add3A_1981 = arith.addi %add3A_1979, %add3A_1980 : i32
      %dma_start3A_1982 = arith.constant 250 : i32
      %dma_start3A_1983 = arith.constant 0 : i32
      %dma_start3A_1984 = tpu.memref_slice %arg8[%dma_start3A_1982, %dma_start3A_1983] : memref<400x64xf32, #tpu.memory_space<vmem>> -> memref<50x64xf32, #tpu.memory_space<vmem>>
      %dma_start3A_1985 = arith.constant 0 : i32
      %dma_start3A_1986 = arith.constant 0 : i32
      %dma_start3A_1987 = tpu.memref_slice %arg4[%add3A_1981, %dma_start3A_1985, %dma_start3A_1986] : memref<4096x56x128xf32, #tpu.memory_space<hbm>> -> memref<1x50x64xf32, #tpu.memory_space<hbm>>
      %dma_start3A_1988 = tpu.memref_squeeze %dma_start3A_1987 : memref<1x50x64xf32, #tpu.memory_space<hbm>> -> memref<50x64xf32, #tpu.memory_space<hbm>>
      %dma_start3A_1989 = arith.constant 0 : i32
      %dma_start3A_1990 = arith.constant 0 : i32
      %dma_start3A_1991 = tpu.memref_slice %arg4[%add3A_1981, %dma_start3A_1989, %dma_start3A_1990] : memref<4096x56x128xf32, #tpu.memory_space<hbm>> -> memref<1x50x64xf32, #tpu.memory_space<hbm>>
      %dma_start3A_1992 = tpu.memref_squeeze %dma_start3A_1991 : memref<1x50x64xf32, #tpu.memory_space<hbm>> -> memref<50x64xf32, #tpu.memory_space<hbm>>
      %dma_start3A_1993 = arith.constant 250 : i32
      %dma_start3A_1994 = arith.constant 0 : i32
      %dma_start3A_1995 = tpu.memref_slice %arg8[%dma_start3A_1993, %dma_start3A_1994] : memref<400x64xf32, #tpu.memory_space<vmem>> -> memref<50x64xf32, #tpu.memory_space<vmem>>
      tpu.enqueue_dma source(%dma_start3A_1995 : memref<50x64xf32, #tpu.memory_space<vmem>>) target(%dma_start3A_1992 : memref<50x64xf32, #tpu.memory_space<hbm>>) target_semaphore(%arg16 : memref<!tpu.dma_semaphore, #tpu.memory_space<semaphore_mem>>)
      %mul3A_1996 = arith.constant 8 : i32
      %mul3A_1997 = arith.muli %add3A_1581, %mul3A_1996 : i32
      %add3A_1998 = arith.addi %add3A_6, %mul3A_1997 : i32
      %add3A_1999 = arith.constant 6 : i32
      %add3A_2000 = arith.addi %add3A_1998, %add3A_1999 : i32
      %dma_start3A_2001 = arith.constant 300 : i32
      %dma_start3A_2002 = arith.constant 0 : i32
      %dma_start3A_2003 = tpu.memref_slice %arg8[%dma_start3A_2001, %dma_start3A_2002] : memref<400x64xf32, #tpu.memory_space<vmem>> -> memref<50x64xf32, #tpu.memory_space<vmem>>
      %dma_start3A_2004 = arith.constant 0 : i32
      %dma_start3A_2005 = arith.constant 0 : i32
      %dma_start3A_2006 = tpu.memref_slice %arg4[%add3A_2000, %dma_start3A_2004, %dma_start3A_2005] : memref<4096x56x128xf32, #tpu.memory_space<hbm>> -> memref<1x50x64xf32, #tpu.memory_space<hbm>>
      %dma_start3A_2007 = tpu.memref_squeeze %dma_start3A_2006 : memref<1x50x64xf32, #tpu.memory_space<hbm>> -> memref<50x64xf32, #tpu.memory_space<hbm>>
      %dma_start3A_2008 = arith.constant 0 : i32
      %dma_start3A_2009 = arith.constant 0 : i32
      %dma_start3A_2010 = tpu.memref_slice %arg4[%add3A_2000, %dma_start3A_2008, %dma_start3A_2009] : memref<4096x56x128xf32, #tpu.memory_space<hbm>> -> memref<1x50x64xf32, #tpu.memory_space<hbm>>
      %dma_start3A_2011 = tpu.memref_squeeze %dma_start3A_2010 : memref<1x50x64xf32, #tpu.memory_space<hbm>> -> memref<50x64xf32, #tpu.memory_space<hbm>>
      %dma_start3A_2012 = arith.constant 300 : i32
      %dma_start3A_2013 = arith.constant 0 : i32
      %dma_start3A_2014 = tpu.memref_slice %arg8[%dma_start3A_2012, %dma_start3A_2013] : memref<400x64xf32, #tpu.memory_space<vmem>> -> memref<50x64xf32, #tpu.memory_space<vmem>>
      tpu.enqueue_dma source(%dma_start3A_2014 : memref<50x64xf32, #tpu.memory_space<vmem>>) target(%dma_start3A_2011 : memref<50x64xf32, #tpu.memory_space<hbm>>) target_semaphore(%arg16 : memref<!tpu.dma_semaphore, #tpu.memory_space<semaphore_mem>>)
      %mul3A_2015 = arith.constant 8 : i32
      %mul3A_2016 = arith.muli %add3A_1581, %mul3A_2015 : i32
      %add3A_2017 = arith.addi %add3A_6, %mul3A_2016 : i32
      %add3A_2018 = arith.constant 7 : i32
      %add3A_2019 = arith.addi %add3A_2017, %add3A_2018 : i32
      %dma_start3A_2020 = arith.constant 350 : i32
      %dma_start3A_2021 = arith.constant 0 : i32
      %dma_start3A_2022 = tpu.memref_slice %arg8[%dma_start3A_2020, %dma_start3A_2021] : memref<400x64xf32, #tpu.memory_space<vmem>> -> memref<50x64xf32, #tpu.memory_space<vmem>>
      %dma_start3A_2023 = arith.constant 0 : i32
      %dma_start3A_2024 = arith.constant 0 : i32
      %dma_start3A_2025 = tpu.memref_slice %arg4[%add3A_2019, %dma_start3A_2023, %dma_start3A_2024] : memref<4096x56x128xf32, #tpu.memory_space<hbm>> -> memref<1x50x64xf32, #tpu.memory_space<hbm>>
      %dma_start3A_2026 = tpu.memref_squeeze %dma_start3A_2025 : memref<1x50x64xf32, #tpu.memory_space<hbm>> -> memref<50x64xf32, #tpu.memory_space<hbm>>
      %dma_start3A_2027 = arith.constant 0 : i32
      %dma_start3A_2028 = arith.constant 0 : i32
      %dma_start3A_2029 = tpu.memref_slice %arg4[%add3A_2019, %dma_start3A_2027, %dma_start3A_2028] : memref<4096x56x128xf32, #tpu.memory_space<hbm>> -> memref<1x50x64xf32, #tpu.memory_space<hbm>>
      %dma_start3A_2030 = tpu.memref_squeeze %dma_start3A_2029 : memref<1x50x64xf32, #tpu.memory_space<hbm>> -> memref<50x64xf32, #tpu.memory_space<hbm>>
      %dma_start3A_2031 = arith.constant 350 : i32
      %dma_start3A_2032 = arith.constant 0 : i32
      %dma_start3A_2033 = tpu.memref_slice %arg8[%dma_start3A_2031, %dma_start3A_2032] : memref<400x64xf32, #tpu.memory_space<vmem>> -> memref<50x64xf32, #tpu.memory_space<vmem>>
      tpu.enqueue_dma source(%dma_start3A_2033 : memref<50x64xf32, #tpu.memory_space<vmem>>) target(%dma_start3A_2030 : memref<50x64xf32, #tpu.memory_space<hbm>>) target_semaphore(%arg16 : memref<!tpu.dma_semaphore, #tpu.memory_space<semaphore_mem>>)
      %dma_wait3A_2034 = arith.constant 0 : i32
      %dma_wait3A_2035 = arith.constant 0 : i32
      %dma_wait3A_2036 = tpu.memref_slice %arg2[%dma_wait3A_2034, %dma_wait3A_2035] : memref<100000x64xf32, #tpu.memory_space<hbm>> -> memref<400x64xf32, #tpu.memory_space<hbm>>
      %dma_wait3A_2037 = arith.constant 0 : i32
      %dma_wait3A_2038 = arith.constant 0 : i32
      %dma_wait3A_2039 = tpu.memref_slice %arg2[%dma_wait3A_2037, %dma_wait3A_2038] : memref<100000x64xf32, #tpu.memory_space<hbm>> -> memref<400x64xf32, #tpu.memory_space<hbm>>
      tpu.wait_dma2 semaphore(%arg11 : memref<!tpu.dma_semaphore, #tpu.memory_space<semaphore_mem>>) src(%dma_wait3A_2039 : memref<400x64xf32, #tpu.memory_space<hbm>>) dst(%arg7 : memref<400x64xf32, #tpu.memory_space<vmem>>)
      %dma_wait3A_2040 = arith.constant 0 : i32
      %dma_wait3A_2041 = arith.constant 0 : i32
      %dma_wait3A_2042 = tpu.memref_slice %arg2[%dma_wait3A_2040, %dma_wait3A_2041] : memref<100000x64xf32, #tpu.memory_space<hbm>> -> memref<400x64xf32, #tpu.memory_space<hbm>>
      %dma_wait3A_2043 = arith.constant 0 : i32
      %dma_wait3A_2044 = arith.constant 0 : i32
      %dma_wait3A_2045 = tpu.memref_slice %arg2[%dma_wait3A_2043, %dma_wait3A_2044] : memref<100000x64xf32, #tpu.memory_space<hbm>> -> memref<400x64xf32, #tpu.memory_space<hbm>>
      tpu.wait_dma2 semaphore(%arg14 : memref<!tpu.dma_semaphore, #tpu.memory_space<semaphore_mem>>) src(%dma_wait3A_2045 : memref<400x64xf32, #tpu.memory_space<hbm>>) dst(%arg6 : memref<400x64xf32, #tpu.memory_space<vmem>>)
      %add3A_2046 = arith.constant 2 : i32
      %add3A_2047 = arith.addi %add3A_1581, %add3A_2046 : i32
      %mul3A_2048 = arith.constant 4 : i32
      %mul3A_2049 = arith.muli %add3A_2047, %mul3A_2048 : i32
      %add3A_2050 = arith.constant 0 : i32
      %add3A_2051 = arith.addi %add3A_2050, %mul3A_2049 : i32
      %add3A_2052 = arith.constant 0 : i32
      %add3A_2053 = arith.addi %add3A_2051, %add3A_2052 : i32
      %dma_start3A_2054 = arith.constant 0 : i32
      %dma_start3A_2055 = arith.constant 0 : i32
      %dma_start3A_2056 = tpu.memref_slice %arg6[%dma_start3A_2054, %dma_start3A_2055] : memref<400x64xf32, #tpu.memory_space<vmem>> -> memref<100x64xf32, #tpu.memory_space<vmem>>
      %dma_start3A_2057 = arith.constant 0 : i32
      %dma_start3A_2058 = tpu.memref_slice %arg5[%add3A_2053, %dma_start3A_2057] : memref<64x100xi32, #tpu.memory_space<vmem>> -> memref<1x100xi32, #tpu.memory_space<vmem>>
      %dma_start3A_2059 = tpu.memref_squeeze %dma_start3A_2058 : memref<1x100xi32, #tpu.memory_space<vmem>> -> memref<100xi32, #tpu.memory_space<vmem>>
      %dma_start3A_2060 = arith.constant 0 : i32
      %dma_start3A_2061 = arith.constant 0 : i32
      %dma_start3A_2062 = tpu.memref_slice %arg2[%dma_start3A_2060, %dma_start3A_2061] : memref<100000x64xf32, #tpu.memory_space<hbm>> -> memref<100000x64xf32, #tpu.memory_space<hbm>>
      tpu.enqueue_indirect_dma source(%dma_start3A_2062 : memref<100000x64xf32, #tpu.memory_space<hbm>>) target(%dma_start3A_2056 : memref<100x64xf32, #tpu.memory_space<vmem>>) offsets(%dma_start3A_2059 : memref<100xi32, #tpu.memory_space<vmem>>) semaphore(%arg10 : memref<!tpu.dma_semaphore, #tpu.memory_space<semaphore_mem>>)
      %mul3A_2063 = arith.constant 4 : i32
      %mul3A_2064 = arith.muli %add3A_2047, %mul3A_2063 : i32
      %add3A_2065 = arith.constant 0 : i32
      %add3A_2066 = arith.addi %add3A_2065, %mul3A_2064 : i32
      %add3A_2067 = arith.constant 1 : i32
      %add3A_2068 = arith.addi %add3A_2066, %add3A_2067 : i32
      %dma_start3A_2069 = arith.constant 100 : i32
      %dma_start3A_2070 = arith.constant 0 : i32
      %dma_start3A_2071 = tpu.memref_slice %arg6[%dma_start3A_2069, %dma_start3A_2070] : memref<400x64xf32, #tpu.memory_space<vmem>> -> memref<100x64xf32, #tpu.memory_space<vmem>>
      %dma_start3A_2072 = arith.constant 0 : i32
      %dma_start3A_2073 = tpu.memref_slice %arg5[%add3A_2068, %dma_start3A_2072] : memref<64x100xi32, #tpu.memory_space<vmem>> -> memref<1x100xi32, #tpu.memory_space<vmem>>
      %dma_start3A_2074 = tpu.memref_squeeze %dma_start3A_2073 : memref<1x100xi32, #tpu.memory_space<vmem>> -> memref<100xi32, #tpu.memory_space<vmem>>
      %dma_start3A_2075 = arith.constant 0 : i32
      %dma_start3A_2076 = arith.constant 0 : i32
      %dma_start3A_2077 = tpu.memref_slice %arg2[%dma_start3A_2075, %dma_start3A_2076] : memref<100000x64xf32, #tpu.memory_space<hbm>> -> memref<100000x64xf32, #tpu.memory_space<hbm>>
      tpu.enqueue_indirect_dma source(%dma_start3A_2077 : memref<100000x64xf32, #tpu.memory_space<hbm>>) target(%dma_start3A_2071 : memref<100x64xf32, #tpu.memory_space<vmem>>) offsets(%dma_start3A_2074 : memref<100xi32, #tpu.memory_space<vmem>>) semaphore(%arg10 : memref<!tpu.dma_semaphore, #tpu.memory_space<semaphore_mem>>)
      %mul3A_2078 = arith.constant 4 : i32
      %mul3A_2079 = arith.muli %add3A_2047, %mul3A_2078 : i32
      %add3A_2080 = arith.constant 0 : i32
      %add3A_2081 = arith.addi %add3A_2080, %mul3A_2079 : i32
      %add3A_2082 = arith.constant 2 : i32
      %add3A_2083 = arith.addi %add3A_2081, %add3A_2082 : i32
      %dma_start3A_2084 = arith.constant 200 : i32
      %dma_start3A_2085 = arith.constant 0 : i32
      %dma_start3A_2086 = tpu.memref_slice %arg6[%dma_start3A_2084, %dma_start3A_2085] : memref<400x64xf32, #tpu.memory_space<vmem>> -> memref<100x64xf32, #tpu.memory_space<vmem>>
      %dma_start3A_2087 = arith.constant 0 : i32
      %dma_start3A_2088 = tpu.memref_slice %arg5[%add3A_2083, %dma_start3A_2087] : memref<64x100xi32, #tpu.memory_space<vmem>> -> memref<1x100xi32, #tpu.memory_space<vmem>>
      %dma_start3A_2089 = tpu.memref_squeeze %dma_start3A_2088 : memref<1x100xi32, #tpu.memory_space<vmem>> -> memref<100xi32, #tpu.memory_space<vmem>>
      %dma_start3A_2090 = arith.constant 0 : i32
      %dma_start3A_2091 = arith.constant 0 : i32
      %dma_start3A_2092 = tpu.memref_slice %arg2[%dma_start3A_2090, %dma_start3A_2091] : memref<100000x64xf32, #tpu.memory_space<hbm>> -> memref<100000x64xf32, #tpu.memory_space<hbm>>
      tpu.enqueue_indirect_dma source(%dma_start3A_2092 : memref<100000x64xf32, #tpu.memory_space<hbm>>) target(%dma_start3A_2086 : memref<100x64xf32, #tpu.memory_space<vmem>>) offsets(%dma_start3A_2089 : memref<100xi32, #tpu.memory_space<vmem>>) semaphore(%arg10 : memref<!tpu.dma_semaphore, #tpu.memory_space<semaphore_mem>>)
      %mul3A_2093 = arith.constant 4 : i32
      %mul3A_2094 = arith.muli %add3A_2047, %mul3A_2093 : i32
      %add3A_2095 = arith.constant 0 : i32
      %add3A_2096 = arith.addi %add3A_2095, %mul3A_2094 : i32
      %add3A_2097 = arith.constant 3 : i32
      %add3A_2098 = arith.addi %add3A_2096, %add3A_2097 : i32
      %dma_start3A_2099 = arith.constant 300 : i32
      %dma_start3A_2100 = arith.constant 0 : i32
      %dma_start3A_2101 = tpu.memref_slice %arg6[%dma_start3A_2099, %dma_start3A_2100] : memref<400x64xf32, #tpu.memory_space<vmem>> -> memref<100x64xf32, #tpu.memory_space<vmem>>
      %dma_start3A_2102 = arith.constant 0 : i32
      %dma_start3A_2103 = tpu.memref_slice %arg5[%add3A_2098, %dma_start3A_2102] : memref<64x100xi32, #tpu.memory_space<vmem>> -> memref<1x100xi32, #tpu.memory_space<vmem>>
      %dma_start3A_2104 = tpu.memref_squeeze %dma_start3A_2103 : memref<1x100xi32, #tpu.memory_space<vmem>> -> memref<100xi32, #tpu.memory_space<vmem>>
      %dma_start3A_2105 = arith.constant 0 : i32
      %dma_start3A_2106 = arith.constant 0 : i32
      %dma_start3A_2107 = tpu.memref_slice %arg2[%dma_start3A_2105, %dma_start3A_2106] : memref<100000x64xf32, #tpu.memory_space<hbm>> -> memref<100000x64xf32, #tpu.memory_space<hbm>>
      tpu.enqueue_indirect_dma source(%dma_start3A_2107 : memref<100000x64xf32, #tpu.memory_space<hbm>>) target(%dma_start3A_2101 : memref<100x64xf32, #tpu.memory_space<vmem>>) offsets(%dma_start3A_2104 : memref<100xi32, #tpu.memory_space<vmem>>) semaphore(%arg10 : memref<!tpu.dma_semaphore, #tpu.memory_space<semaphore_mem>>)
      %add3A_2108 = arith.constant 1 : i32
      %add3A_2109 = arith.addi %add3A_1581, %add3A_2108 : i32
      %mul3A_2110 = arith.constant 8 : i32
      %mul3A_2111 = arith.muli %add3A_2109, %mul3A_2110 : i32
      %add3A_2112 = arith.addi %mul3A_2, %mul3A_2111 : i32
      %add3A_2113 = arith.constant 0 : i32
      %add3A_2114 = arith.addi %add3A_2112, %add3A_2113 : i32
      %dma_start3A_2115 = arith.constant 0 : i32
      %dma_start3A_2116 = arith.constant 0 : i32
      %dma_start3A_2117 = tpu.memref_slice %arg7[%dma_start3A_2115, %dma_start3A_2116] : memref<400x64xf32, #tpu.memory_space<vmem>> -> memref<50x64xf32, #tpu.memory_space<vmem>>
      %dma_start3A_2118 = arith.constant 0 : i32
      %dma_start3A_2119 = arith.constant 0 : i32
      %dma_start3A_2120 = tpu.memref_slice %arg4[%add3A_2114, %dma_start3A_2118, %dma_start3A_2119] : memref<4096x56x128xf32, #tpu.memory_space<hbm>> -> memref<1x50x64xf32, #tpu.memory_space<hbm>>
      %dma_start3A_2121 = tpu.memref_squeeze %dma_start3A_2120 : memref<1x50x64xf32, #tpu.memory_space<hbm>> -> memref<50x64xf32, #tpu.memory_space<hbm>>
      %dma_start3A_2122 = arith.constant 0 : i32
      %dma_start3A_2123 = arith.constant 0 : i32
      %dma_start3A_2124 = tpu.memref_slice %arg4[%add3A_2114, %dma_start3A_2122, %dma_start3A_2123] : memref<4096x56x128xf32, #tpu.memory_space<hbm>> -> memref<1x50x64xf32, #tpu.memory_space<hbm>>
      %dma_start3A_2125 = tpu.memref_squeeze %dma_start3A_2124 : memref<1x50x64xf32, #tpu.memory_space<hbm>> -> memref<50x64xf32, #tpu.memory_space<hbm>>
      %dma_start3A_2126 = arith.constant 0 : i32
      %dma_start3A_2127 = arith.constant 0 : i32
      %dma_start3A_2128 = tpu.memref_slice %arg7[%dma_start3A_2126, %dma_start3A_2127] : memref<400x64xf32, #tpu.memory_space<vmem>> -> memref<50x64xf32, #tpu.memory_space<vmem>>
      tpu.enqueue_dma source(%dma_start3A_2128 : memref<50x64xf32, #tpu.memory_space<vmem>>) target(%dma_start3A_2125 : memref<50x64xf32, #tpu.memory_space<hbm>>) target_semaphore(%arg15 : memref<!tpu.dma_semaphore, #tpu.memory_space<semaphore_mem>>)
      %mul3A_2129 = arith.constant 8 : i32
      %mul3A_2130 = arith.muli %add3A_2109, %mul3A_2129 : i32
      %add3A_2131 = arith.addi %mul3A_2, %mul3A_2130 : i32
      %add3A_2132 = arith.constant 1 : i32
      %add3A_2133 = arith.addi %add3A_2131, %add3A_2132 : i32
      %dma_start3A_2134 = arith.constant 50 : i32
      %dma_start3A_2135 = arith.constant 0 : i32
      %dma_start3A_2136 = tpu.memref_slice %arg7[%dma_start3A_2134, %dma_start3A_2135] : memref<400x64xf32, #tpu.memory_space<vmem>> -> memref<50x64xf32, #tpu.memory_space<vmem>>
      %dma_start3A_2137 = arith.constant 0 : i32
      %dma_start3A_2138 = arith.constant 0 : i32
      %dma_start3A_2139 = tpu.memref_slice %arg4[%add3A_2133, %dma_start3A_2137, %dma_start3A_2138] : memref<4096x56x128xf32, #tpu.memory_space<hbm>> -> memref<1x50x64xf32, #tpu.memory_space<hbm>>
      %dma_start3A_2140 = tpu.memref_squeeze %dma_start3A_2139 : memref<1x50x64xf32, #tpu.memory_space<hbm>> -> memref<50x64xf32, #tpu.memory_space<hbm>>
      %dma_start3A_2141 = arith.constant 0 : i32
      %dma_start3A_2142 = arith.constant 0 : i32
      %dma_start3A_2143 = tpu.memref_slice %arg4[%add3A_2133, %dma_start3A_2141, %dma_start3A_2142] : memref<4096x56x128xf32, #tpu.memory_space<hbm>> -> memref<1x50x64xf32, #tpu.memory_space<hbm>>
      %dma_start3A_2144 = tpu.memref_squeeze %dma_start3A_2143 : memref<1x50x64xf32, #tpu.memory_space<hbm>> -> memref<50x64xf32, #tpu.memory_space<hbm>>
      %dma_start3A_2145 = arith.constant 50 : i32
      %dma_start3A_2146 = arith.constant 0 : i32
      %dma_start3A_2147 = tpu.memref_slice %arg7[%dma_start3A_2145, %dma_start3A_2146] : memref<400x64xf32, #tpu.memory_space<vmem>> -> memref<50x64xf32, #tpu.memory_space<vmem>>
      tpu.enqueue_dma source(%dma_start3A_2147 : memref<50x64xf32, #tpu.memory_space<vmem>>) target(%dma_start3A_2144 : memref<50x64xf32, #tpu.memory_space<hbm>>) target_semaphore(%arg15 : memref<!tpu.dma_semaphore, #tpu.memory_space<semaphore_mem>>)
      %mul3A_2148 = arith.constant 8 : i32
      %mul3A_2149 = arith.muli %add3A_2109, %mul3A_2148 : i32
      %add3A_2150 = arith.addi %mul3A_2, %mul3A_2149 : i32
      %add3A_2151 = arith.constant 2 : i32
      %add3A_2152 = arith.addi %add3A_2150, %add3A_2151 : i32
      %dma_start3A_2153 = arith.constant 100 : i32
      %dma_start3A_2154 = arith.constant 0 : i32
      %dma_start3A_2155 = tpu.memref_slice %arg7[%dma_start3A_2153, %dma_start3A_2154] : memref<400x64xf32, #tpu.memory_space<vmem>> -> memref<50x64xf32, #tpu.memory_space<vmem>>
      %dma_start3A_2156 = arith.constant 0 : i32
      %dma_start3A_2157 = arith.constant 0 : i32
      %dma_start3A_2158 = tpu.memref_slice %arg4[%add3A_2152, %dma_start3A_2156, %dma_start3A_2157] : memref<4096x56x128xf32, #tpu.memory_space<hbm>> -> memref<1x50x64xf32, #tpu.memory_space<hbm>>
      %dma_start3A_2159 = tpu.memref_squeeze %dma_start3A_2158 : memref<1x50x64xf32, #tpu.memory_space<hbm>> -> memref<50x64xf32, #tpu.memory_space<hbm>>
      %dma_start3A_2160 = arith.constant 0 : i32
      %dma_start3A_2161 = arith.constant 0 : i32
      %dma_start3A_2162 = tpu.memref_slice %arg4[%add3A_2152, %dma_start3A_2160, %dma_start3A_2161] : memref<4096x56x128xf32, #tpu.memory_space<hbm>> -> memref<1x50x64xf32, #tpu.memory_space<hbm>>
      %dma_start3A_2163 = tpu.memref_squeeze %dma_start3A_2162 : memref<1x50x64xf32, #tpu.memory_space<hbm>> -> memref<50x64xf32, #tpu.memory_space<hbm>>
      %dma_start3A_2164 = arith.constant 100 : i32
      %dma_start3A_2165 = arith.constant 0 : i32
      %dma_start3A_2166 = tpu.memref_slice %arg7[%dma_start3A_2164, %dma_start3A_2165] : memref<400x64xf32, #tpu.memory_space<vmem>> -> memref<50x64xf32, #tpu.memory_space<vmem>>
      tpu.enqueue_dma source(%dma_start3A_2166 : memref<50x64xf32, #tpu.memory_space<vmem>>) target(%dma_start3A_2163 : memref<50x64xf32, #tpu.memory_space<hbm>>) target_semaphore(%arg15 : memref<!tpu.dma_semaphore, #tpu.memory_space<semaphore_mem>>)
      %mul3A_2167 = arith.constant 8 : i32
      %mul3A_2168 = arith.muli %add3A_2109, %mul3A_2167 : i32
      %add3A_2169 = arith.addi %mul3A_2, %mul3A_2168 : i32
      %add3A_2170 = arith.constant 3 : i32
      %add3A_2171 = arith.addi %add3A_2169, %add3A_2170 : i32
      %dma_start3A_2172 = arith.constant 150 : i32
      %dma_start3A_2173 = arith.constant 0 : i32
      %dma_start3A_2174 = tpu.memref_slice %arg7[%dma_start3A_2172, %dma_start3A_2173] : memref<400x64xf32, #tpu.memory_space<vmem>> -> memref<50x64xf32, #tpu.memory_space<vmem>>
      %dma_start3A_2175 = arith.constant 0 : i32
      %dma_start3A_2176 = arith.constant 0 : i32
      %dma_start3A_2177 = tpu.memref_slice %arg4[%add3A_2171, %dma_start3A_2175, %dma_start3A_2176] : memref<4096x56x128xf32, #tpu.memory_space<hbm>> -> memref<1x50x64xf32, #tpu.memory_space<hbm>>
      %dma_start3A_2178 = tpu.memref_squeeze %dma_start3A_2177 : memref<1x50x64xf32, #tpu.memory_space<hbm>> -> memref<50x64xf32, #tpu.memory_space<hbm>>
      %dma_start3A_2179 = arith.constant 0 : i32
      %dma_start3A_2180 = arith.constant 0 : i32
      %dma_start3A_2181 = tpu.memref_slice %arg4[%add3A_2171, %dma_start3A_2179, %dma_start3A_2180] : memref<4096x56x128xf32, #tpu.memory_space<hbm>> -> memref<1x50x64xf32, #tpu.memory_space<hbm>>
      %dma_start3A_2182 = tpu.memref_squeeze %dma_start3A_2181 : memref<1x50x64xf32, #tpu.memory_space<hbm>> -> memref<50x64xf32, #tpu.memory_space<hbm>>
      %dma_start3A_2183 = arith.constant 150 : i32
      %dma_start3A_2184 = arith.constant 0 : i32
      %dma_start3A_2185 = tpu.memref_slice %arg7[%dma_start3A_2183, %dma_start3A_2184] : memref<400x64xf32, #tpu.memory_space<vmem>> -> memref<50x64xf32, #tpu.memory_space<vmem>>
      tpu.enqueue_dma source(%dma_start3A_2185 : memref<50x64xf32, #tpu.memory_space<vmem>>) target(%dma_start3A_2182 : memref<50x64xf32, #tpu.memory_space<hbm>>) target_semaphore(%arg15 : memref<!tpu.dma_semaphore, #tpu.memory_space<semaphore_mem>>)
      %mul3A_2186 = arith.constant 8 : i32
      %mul3A_2187 = arith.muli %add3A_2109, %mul3A_2186 : i32
      %add3A_2188 = arith.addi %mul3A_2, %mul3A_2187 : i32
      %add3A_2189 = arith.constant 4 : i32
      %add3A_2190 = arith.addi %add3A_2188, %add3A_2189 : i32
      %dma_start3A_2191 = arith.constant 200 : i32
      %dma_start3A_2192 = arith.constant 0 : i32
      %dma_start3A_2193 = tpu.memref_slice %arg7[%dma_start3A_2191, %dma_start3A_2192] : memref<400x64xf32, #tpu.memory_space<vmem>> -> memref<50x64xf32, #tpu.memory_space<vmem>>
      %dma_start3A_2194 = arith.constant 0 : i32
      %dma_start3A_2195 = arith.constant 0 : i32
      %dma_start3A_2196 = tpu.memref_slice %arg4[%add3A_2190, %dma_start3A_2194, %dma_start3A_2195] : memref<4096x56x128xf32, #tpu.memory_space<hbm>> -> memref<1x50x64xf32, #tpu.memory_space<hbm>>
      %dma_start3A_2197 = tpu.memref_squeeze %dma_start3A_2196 : memref<1x50x64xf32, #tpu.memory_space<hbm>> -> memref<50x64xf32, #tpu.memory_space<hbm>>
      %dma_start3A_2198 = arith.constant 0 : i32
      %dma_start3A_2199 = arith.constant 0 : i32
      %dma_start3A_2200 = tpu.memref_slice %arg4[%add3A_2190, %dma_start3A_2198, %dma_start3A_2199] : memref<4096x56x128xf32, #tpu.memory_space<hbm>> -> memref<1x50x64xf32, #tpu.memory_space<hbm>>
      %dma_start3A_2201 = tpu.memref_squeeze %dma_start3A_2200 : memref<1x50x64xf32, #tpu.memory_space<hbm>> -> memref<50x64xf32, #tpu.memory_space<hbm>>
      %dma_start3A_2202 = arith.constant 200 : i32
      %dma_start3A_2203 = arith.constant 0 : i32
      %dma_start3A_2204 = tpu.memref_slice %arg7[%dma_start3A_2202, %dma_start3A_2203] : memref<400x64xf32, #tpu.memory_space<vmem>> -> memref<50x64xf32, #tpu.memory_space<vmem>>
      tpu.enqueue_dma source(%dma_start3A_2204 : memref<50x64xf32, #tpu.memory_space<vmem>>) target(%dma_start3A_2201 : memref<50x64xf32, #tpu.memory_space<hbm>>) target_semaphore(%arg15 : memref<!tpu.dma_semaphore, #tpu.memory_space<semaphore_mem>>)
      %mul3A_2205 = arith.constant 8 : i32
      %mul3A_2206 = arith.muli %add3A_2109, %mul3A_2205 : i32
      %add3A_2207 = arith.addi %mul3A_2, %mul3A_2206 : i32
      %add3A_2208 = arith.constant 5 : i32
      %add3A_2209 = arith.addi %add3A_2207, %add3A_2208 : i32
      %dma_start3A_2210 = arith.constant 250 : i32
      %dma_start3A_2211 = arith.constant 0 : i32
      %dma_start3A_2212 = tpu.memref_slice %arg7[%dma_start3A_2210, %dma_start3A_2211] : memref<400x64xf32, #tpu.memory_space<vmem>> -> memref<50x64xf32, #tpu.memory_space<vmem>>
      %dma_start3A_2213 = arith.constant 0 : i32
      %dma_start3A_2214 = arith.constant 0 : i32
      %dma_start3A_2215 = tpu.memref_slice %arg4[%add3A_2209, %dma_start3A_2213, %dma_start3A_2214] : memref<4096x56x128xf32, #tpu.memory_space<hbm>> -> memref<1x50x64xf32, #tpu.memory_space<hbm>>
      %dma_start3A_2216 = tpu.memref_squeeze %dma_start3A_2215 : memref<1x50x64xf32, #tpu.memory_space<hbm>> -> memref<50x64xf32, #tpu.memory_space<hbm>>
      %dma_start3A_2217 = arith.constant 0 : i32
      %dma_start3A_2218 = arith.constant 0 : i32
      %dma_start3A_2219 = tpu.memref_slice %arg4[%add3A_2209, %dma_start3A_2217, %dma_start3A_2218] : memref<4096x56x128xf32, #tpu.memory_space<hbm>> -> memref<1x50x64xf32, #tpu.memory_space<hbm>>
      %dma_start3A_2220 = tpu.memref_squeeze %dma_start3A_2219 : memref<1x50x64xf32, #tpu.memory_space<hbm>> -> memref<50x64xf32, #tpu.memory_space<hbm>>
      %dma_start3A_2221 = arith.constant 250 : i32
      %dma_start3A_2222 = arith.constant 0 : i32
      %dma_start3A_2223 = tpu.memref_slice %arg7[%dma_start3A_2221, %dma_start3A_2222] : memref<400x64xf32, #tpu.memory_space<vmem>> -> memref<50x64xf32, #tpu.memory_space<vmem>>
      tpu.enqueue_dma source(%dma_start3A_2223 : memref<50x64xf32, #tpu.memory_space<vmem>>) target(%dma_start3A_2220 : memref<50x64xf32, #tpu.memory_space<hbm>>) target_semaphore(%arg15 : memref<!tpu.dma_semaphore, #tpu.memory_space<semaphore_mem>>)
      %mul3A_2224 = arith.constant 8 : i32
      %mul3A_2225 = arith.muli %add3A_2109, %mul3A_2224 : i32
      %add3A_2226 = arith.addi %mul3A_2, %mul3A_2225 : i32
      %add3A_2227 = arith.constant 6 : i32
      %add3A_2228 = arith.addi %add3A_2226, %add3A_2227 : i32
      %dma_start3A_2229 = arith.constant 300 : i32
      %dma_start3A_2230 = arith.constant 0 : i32
      %dma_start3A_2231 = tpu.memref_slice %arg7[%dma_start3A_2229, %dma_start3A_2230] : memref<400x64xf32, #tpu.memory_space<vmem>> -> memref<50x64xf32, #tpu.memory_space<vmem>>
      %dma_start3A_2232 = arith.constant 0 : i32
      %dma_start3A_2233 = arith.constant 0 : i32
      %dma_start3A_2234 = tpu.memref_slice %arg4[%add3A_2228, %dma_start3A_2232, %dma_start3A_2233] : memref<4096x56x128xf32, #tpu.memory_space<hbm>> -> memref<1x50x64xf32, #tpu.memory_space<hbm>>
      %dma_start3A_2235 = tpu.memref_squeeze %dma_start3A_2234 : memref<1x50x64xf32, #tpu.memory_space<hbm>> -> memref<50x64xf32, #tpu.memory_space<hbm>>
      %dma_start3A_2236 = arith.constant 0 : i32
      %dma_start3A_2237 = arith.constant 0 : i32
      %dma_start3A_2238 = tpu.memref_slice %arg4[%add3A_2228, %dma_start3A_2236, %dma_start3A_2237] : memref<4096x56x128xf32, #tpu.memory_space<hbm>> -> memref<1x50x64xf32, #tpu.memory_space<hbm>>
      %dma_start3A_2239 = tpu.memref_squeeze %dma_start3A_2238 : memref<1x50x64xf32, #tpu.memory_space<hbm>> -> memref<50x64xf32, #tpu.memory_space<hbm>>
      %dma_start3A_2240 = arith.constant 300 : i32
      %dma_start3A_2241 = arith.constant 0 : i32
      %dma_start3A_2242 = tpu.memref_slice %arg7[%dma_start3A_2240, %dma_start3A_2241] : memref<400x64xf32, #tpu.memory_space<vmem>> -> memref<50x64xf32, #tpu.memory_space<vmem>>
      tpu.enqueue_dma source(%dma_start3A_2242 : memref<50x64xf32, #tpu.memory_space<vmem>>) target(%dma_start3A_2239 : memref<50x64xf32, #tpu.memory_space<hbm>>) target_semaphore(%arg15 : memref<!tpu.dma_semaphore, #tpu.memory_space<semaphore_mem>>)
      %mul3A_2243 = arith.constant 8 : i32
      %mul3A_2244 = arith.muli %add3A_2109, %mul3A_2243 : i32
      %add3A_2245 = arith.addi %mul3A_2, %mul3A_2244 : i32
      %add3A_2246 = arith.constant 7 : i32
      %add3A_2247 = arith.addi %add3A_2245, %add3A_2246 : i32
      %dma_start3A_2248 = arith.constant 350 : i32
      %dma_start3A_2249 = arith.constant 0 : i32
      %dma_start3A_2250 = tpu.memref_slice %arg7[%dma_start3A_2248, %dma_start3A_2249] : memref<400x64xf32, #tpu.memory_space<vmem>> -> memref<50x64xf32, #tpu.memory_space<vmem>>
      %dma_start3A_2251 = arith.constant 0 : i32
      %dma_start3A_2252 = arith.constant 0 : i32
      %dma_start3A_2253 = tpu.memref_slice %arg4[%add3A_2247, %dma_start3A_2251, %dma_start3A_2252] : memref<4096x56x128xf32, #tpu.memory_space<hbm>> -> memref<1x50x64xf32, #tpu.memory_space<hbm>>
      %dma_start3A_2254 = tpu.memref_squeeze %dma_start3A_2253 : memref<1x50x64xf32, #tpu.memory_space<hbm>> -> memref<50x64xf32, #tpu.memory_space<hbm>>
      %dma_start3A_2255 = arith.constant 0 : i32
      %dma_start3A_2256 = arith.constant 0 : i32
      %dma_start3A_2257 = tpu.memref_slice %arg4[%add3A_2247, %dma_start3A_2255, %dma_start3A_2256] : memref<4096x56x128xf32, #tpu.memory_space<hbm>> -> memref<1x50x64xf32, #tpu.memory_space<hbm>>
      %dma_start3A_2258 = tpu.memref_squeeze %dma_start3A_2257 : memref<1x50x64xf32, #tpu.memory_space<hbm>> -> memref<50x64xf32, #tpu.memory_space<hbm>>
      %dma_start3A_2259 = arith.constant 350 : i32
      %dma_start3A_2260 = arith.constant 0 : i32
      %dma_start3A_2261 = tpu.memref_slice %arg7[%dma_start3A_2259, %dma_start3A_2260] : memref<400x64xf32, #tpu.memory_space<vmem>> -> memref<50x64xf32, #tpu.memory_space<vmem>>
      tpu.enqueue_dma source(%dma_start3A_2261 : memref<50x64xf32, #tpu.memory_space<vmem>>) target(%dma_start3A_2258 : memref<50x64xf32, #tpu.memory_space<hbm>>) target_semaphore(%arg15 : memref<!tpu.dma_semaphore, #tpu.memory_space<semaphore_mem>>)
      %dma_wait3A_2262 = arith.constant 0 : i32
      %dma_wait3A_2263 = arith.constant 0 : i32
      %dma_wait3A_2264 = tpu.memref_slice %arg2[%dma_wait3A_2262, %dma_wait3A_2263] : memref<100000x64xf32, #tpu.memory_space<hbm>> -> memref<400x64xf32, #tpu.memory_space<hbm>>
      %dma_wait3A_2265 = arith.constant 0 : i32
      %dma_wait3A_2266 = arith.constant 0 : i32
      %dma_wait3A_2267 = tpu.memref_slice %arg2[%dma_wait3A_2265, %dma_wait3A_2266] : memref<100000x64xf32, #tpu.memory_space<hbm>> -> memref<400x64xf32, #tpu.memory_space<hbm>>
      tpu.wait_dma2 semaphore(%arg13 : memref<!tpu.dma_semaphore, #tpu.memory_space<semaphore_mem>>) src(%dma_wait3A_2267 : memref<400x64xf32, #tpu.memory_space<hbm>>) dst(%arg9 : memref<400x64xf32, #tpu.memory_space<vmem>>)
      %dma_wait3A_2268 = arith.constant 0 : i32
      %dma_wait3A_2269 = arith.constant 0 : i32
      %dma_wait3A_2270 = tpu.memref_slice %arg2[%dma_wait3A_2268, %dma_wait3A_2269] : memref<100000x64xf32, #tpu.memory_space<hbm>> -> memref<400x64xf32, #tpu.memory_space<hbm>>
      %dma_wait3A_2271 = arith.constant 0 : i32
      %dma_wait3A_2272 = arith.constant 0 : i32
      %dma_wait3A_2273 = tpu.memref_slice %arg2[%dma_wait3A_2271, %dma_wait3A_2272] : memref<100000x64xf32, #tpu.memory_space<hbm>> -> memref<400x64xf32, #tpu.memory_space<hbm>>
      tpu.wait_dma2 semaphore(%arg16 : memref<!tpu.dma_semaphore, #tpu.memory_space<semaphore_mem>>) src(%dma_wait3A_2273 : memref<400x64xf32, #tpu.memory_space<hbm>>) dst(%arg8 : memref<400x64xf32, #tpu.memory_space<vmem>>)
      %add3A_2274 = arith.constant 2 : i32
      %add3A_2275 = arith.addi %add3A_1581, %add3A_2274 : i32
      %mul3A_2276 = arith.constant 4 : i32
      %mul3A_2277 = arith.muli %add3A_2275, %mul3A_2276 : i32
      %add3A_2278 = arith.constant 32 : i32
      %add3A_2279 = arith.addi %add3A_2278, %mul3A_2277 : i32
      %add3A_2280 = arith.constant 0 : i32
      %add3A_2281 = arith.addi %add3A_2279, %add3A_2280 : i32
      %dma_start3A_2282 = arith.constant 0 : i32
      %dma_start3A_2283 = arith.constant 0 : i32
      %dma_start3A_2284 = tpu.memref_slice %arg8[%dma_start3A_2282, %dma_start3A_2283] : memref<400x64xf32, #tpu.memory_space<vmem>> -> memref<100x64xf32, #tpu.memory_space<vmem>>
      %dma_start3A_2285 = arith.constant 0 : i32
      %dma_start3A_2286 = tpu.memref_slice %arg5[%add3A_2281, %dma_start3A_2285] : memref<64x100xi32, #tpu.memory_space<vmem>> -> memref<1x100xi32, #tpu.memory_space<vmem>>
      %dma_start3A_2287 = tpu.memref_squeeze %dma_start3A_2286 : memref<1x100xi32, #tpu.memory_space<vmem>> -> memref<100xi32, #tpu.memory_space<vmem>>
      %dma_start3A_2288 = arith.constant 0 : i32
      %dma_start3A_2289 = arith.constant 0 : i32
      %dma_start3A_2290 = tpu.memref_slice %arg2[%dma_start3A_2288, %dma_start3A_2289] : memref<100000x64xf32, #tpu.memory_space<hbm>> -> memref<100000x64xf32, #tpu.memory_space<hbm>>
      tpu.enqueue_indirect_dma source(%dma_start3A_2290 : memref<100000x64xf32, #tpu.memory_space<hbm>>) target(%dma_start3A_2284 : memref<100x64xf32, #tpu.memory_space<vmem>>) offsets(%dma_start3A_2287 : memref<100xi32, #tpu.memory_space<vmem>>) semaphore(%arg12 : memref<!tpu.dma_semaphore, #tpu.memory_space<semaphore_mem>>)
      %mul3A_2291 = arith.constant 4 : i32
      %mul3A_2292 = arith.muli %add3A_2275, %mul3A_2291 : i32
      %add3A_2293 = arith.constant 32 : i32
      %add3A_2294 = arith.addi %add3A_2293, %mul3A_2292 : i32
      %add3A_2295 = arith.constant 1 : i32
      %add3A_2296 = arith.addi %add3A_2294, %add3A_2295 : i32
      %dma_start3A_2297 = arith.constant 100 : i32
      %dma_start3A_2298 = arith.constant 0 : i32
      %dma_start3A_2299 = tpu.memref_slice %arg8[%dma_start3A_2297, %dma_start3A_2298] : memref<400x64xf32, #tpu.memory_space<vmem>> -> memref<100x64xf32, #tpu.memory_space<vmem>>
      %dma_start3A_2300 = arith.constant 0 : i32
      %dma_start3A_2301 = tpu.memref_slice %arg5[%add3A_2296, %dma_start3A_2300] : memref<64x100xi32, #tpu.memory_space<vmem>> -> memref<1x100xi32, #tpu.memory_space<vmem>>
      %dma_start3A_2302 = tpu.memref_squeeze %dma_start3A_2301 : memref<1x100xi32, #tpu.memory_space<vmem>> -> memref<100xi32, #tpu.memory_space<vmem>>
      %dma_start3A_2303 = arith.constant 0 : i32
      %dma_start3A_2304 = arith.constant 0 : i32
      %dma_start3A_2305 = tpu.memref_slice %arg2[%dma_start3A_2303, %dma_start3A_2304] : memref<100000x64xf32, #tpu.memory_space<hbm>> -> memref<100000x64xf32, #tpu.memory_space<hbm>>
      tpu.enqueue_indirect_dma source(%dma_start3A_2305 : memref<100000x64xf32, #tpu.memory_space<hbm>>) target(%dma_start3A_2299 : memref<100x64xf32, #tpu.memory_space<vmem>>) offsets(%dma_start3A_2302 : memref<100xi32, #tpu.memory_space<vmem>>) semaphore(%arg12 : memref<!tpu.dma_semaphore, #tpu.memory_space<semaphore_mem>>)
      %mul3A_2306 = arith.constant 4 : i32
      %mul3A_2307 = arith.muli %add3A_2275, %mul3A_2306 : i32
      %add3A_2308 = arith.constant 32 : i32
      %add3A_2309 = arith.addi %add3A_2308, %mul3A_2307 : i32
      %add3A_2310 = arith.constant 2 : i32
      %add3A_2311 = arith.addi %add3A_2309, %add3A_2310 : i32
      %dma_start3A_2312 = arith.constant 200 : i32
      %dma_start3A_2313 = arith.constant 0 : i32
      %dma_start3A_2314 = tpu.memref_slice %arg8[%dma_start3A_2312, %dma_start3A_2313] : memref<400x64xf32, #tpu.memory_space<vmem>> -> memref<100x64xf32, #tpu.memory_space<vmem>>
      %dma_start3A_2315 = arith.constant 0 : i32
      %dma_start3A_2316 = tpu.memref_slice %arg5[%add3A_2311, %dma_start3A_2315] : memref<64x100xi32, #tpu.memory_space<vmem>> -> memref<1x100xi32, #tpu.memory_space<vmem>>
      %dma_start3A_2317 = tpu.memref_squeeze %dma_start3A_2316 : memref<1x100xi32, #tpu.memory_space<vmem>> -> memref<100xi32, #tpu.memory_space<vmem>>
      %dma_start3A_2318 = arith.constant 0 : i32
      %dma_start3A_2319 = arith.constant 0 : i32
      %dma_start3A_2320 = tpu.memref_slice %arg2[%dma_start3A_2318, %dma_start3A_2319] : memref<100000x64xf32, #tpu.memory_space<hbm>> -> memref<100000x64xf32, #tpu.memory_space<hbm>>
      tpu.enqueue_indirect_dma source(%dma_start3A_2320 : memref<100000x64xf32, #tpu.memory_space<hbm>>) target(%dma_start3A_2314 : memref<100x64xf32, #tpu.memory_space<vmem>>) offsets(%dma_start3A_2317 : memref<100xi32, #tpu.memory_space<vmem>>) semaphore(%arg12 : memref<!tpu.dma_semaphore, #tpu.memory_space<semaphore_mem>>)
      %mul3A_2321 = arith.constant 4 : i32
      %mul3A_2322 = arith.muli %add3A_2275, %mul3A_2321 : i32
      %add3A_2323 = arith.constant 32 : i32
      %add3A_2324 = arith.addi %add3A_2323, %mul3A_2322 : i32
      %add3A_2325 = arith.constant 3 : i32
      %add3A_2326 = arith.addi %add3A_2324, %add3A_2325 : i32
      %dma_start3A_2327 = arith.constant 300 : i32
      %dma_start3A_2328 = arith.constant 0 : i32
      %dma_start3A_2329 = tpu.memref_slice %arg8[%dma_start3A_2327, %dma_start3A_2328] : memref<400x64xf32, #tpu.memory_space<vmem>> -> memref<100x64xf32, #tpu.memory_space<vmem>>
      %dma_start3A_2330 = arith.constant 0 : i32
      %dma_start3A_2331 = tpu.memref_slice %arg5[%add3A_2326, %dma_start3A_2330] : memref<64x100xi32, #tpu.memory_space<vmem>> -> memref<1x100xi32, #tpu.memory_space<vmem>>
      %dma_start3A_2332 = tpu.memref_squeeze %dma_start3A_2331 : memref<1x100xi32, #tpu.memory_space<vmem>> -> memref<100xi32, #tpu.memory_space<vmem>>
      %dma_start3A_2333 = arith.constant 0 : i32
      %dma_start3A_2334 = arith.constant 0 : i32
      %dma_start3A_2335 = tpu.memref_slice %arg2[%dma_start3A_2333, %dma_start3A_2334] : memref<100000x64xf32, #tpu.memory_space<hbm>> -> memref<100000x64xf32, #tpu.memory_space<hbm>>
      tpu.enqueue_indirect_dma source(%dma_start3A_2335 : memref<100000x64xf32, #tpu.memory_space<hbm>>) target(%dma_start3A_2329 : memref<100x64xf32, #tpu.memory_space<vmem>>) offsets(%dma_start3A_2332 : memref<100xi32, #tpu.memory_space<vmem>>) semaphore(%arg12 : memref<!tpu.dma_semaphore, #tpu.memory_space<semaphore_mem>>)
      %add3A_2336 = arith.constant 1 : i32
      %add3A_2337 = arith.addi %add3A_1581, %add3A_2336 : i32
      %mul3A_2338 = arith.constant 8 : i32
      %mul3A_2339 = arith.muli %add3A_2337, %mul3A_2338 : i32
      %add3A_2340 = arith.addi %add3A_6, %mul3A_2339 : i32
      %add3A_2341 = arith.constant 0 : i32
      %add3A_2342 = arith.addi %add3A_2340, %add3A_2341 : i32
      %dma_start3A_2343 = arith.constant 0 : i32
      %dma_start3A_2344 = arith.constant 0 : i32
      %dma_start3A_2345 = tpu.memref_slice %arg9[%dma_start3A_2343, %dma_start3A_2344] : memref<400x64xf32, #tpu.memory_space<vmem>> -> memref<50x64xf32, #tpu.memory_space<vmem>>
      %dma_start3A_2346 = arith.constant 0 : i32
      %dma_start3A_2347 = arith.constant 0 : i32
      %dma_start3A_2348 = tpu.memref_slice %arg4[%add3A_2342, %dma_start3A_2346, %dma_start3A_2347] : memref<4096x56x128xf32, #tpu.memory_space<hbm>> -> memref<1x50x64xf32, #tpu.memory_space<hbm>>
      %dma_start3A_2349 = tpu.memref_squeeze %dma_start3A_2348 : memref<1x50x64xf32, #tpu.memory_space<hbm>> -> memref<50x64xf32, #tpu.memory_space<hbm>>
      %dma_start3A_2350 = arith.constant 0 : i32
      %dma_start3A_2351 = arith.constant 0 : i32
      %dma_start3A_2352 = tpu.memref_slice %arg4[%add3A_2342, %dma_start3A_2350, %dma_start3A_2351] : memref<4096x56x128xf32, #tpu.memory_space<hbm>> -> memref<1x50x64xf32, #tpu.memory_space<hbm>>
      %dma_start3A_2353 = tpu.memref_squeeze %dma_start3A_2352 : memref<1x50x64xf32, #tpu.memory_space<hbm>> -> memref<50x64xf32, #tpu.memory_space<hbm>>
      %dma_start3A_2354 = arith.constant 0 : i32
      %dma_start3A_2355 = arith.constant 0 : i32
      %dma_start3A_2356 = tpu.memref_slice %arg9[%dma_start3A_2354, %dma_start3A_2355] : memref<400x64xf32, #tpu.memory_space<vmem>> -> memref<50x64xf32, #tpu.memory_space<vmem>>
      tpu.enqueue_dma source(%dma_start3A_2356 : memref<50x64xf32, #tpu.memory_space<vmem>>) target(%dma_start3A_2353 : memref<50x64xf32, #tpu.memory_space<hbm>>) target_semaphore(%arg17 : memref<!tpu.dma_semaphore, #tpu.memory_space<semaphore_mem>>)
      %mul3A_2357 = arith.constant 8 : i32
      %mul3A_2358 = arith.muli %add3A_2337, %mul3A_2357 : i32
      %add3A_2359 = arith.addi %add3A_6, %mul3A_2358 : i32
      %add3A_2360 = arith.constant 1 : i32
      %add3A_2361 = arith.addi %add3A_2359, %add3A_2360 : i32
      %dma_start3A_2362 = arith.constant 50 : i32
      %dma_start3A_2363 = arith.constant 0 : i32
      %dma_start3A_2364 = tpu.memref_slice %arg9[%dma_start3A_2362, %dma_start3A_2363] : memref<400x64xf32, #tpu.memory_space<vmem>> -> memref<50x64xf32, #tpu.memory_space<vmem>>
      %dma_start3A_2365 = arith.constant 0 : i32
      %dma_start3A_2366 = arith.constant 0 : i32
      %dma_start3A_2367 = tpu.memref_slice %arg4[%add3A_2361, %dma_start3A_2365, %dma_start3A_2366] : memref<4096x56x128xf32, #tpu.memory_space<hbm>> -> memref<1x50x64xf32, #tpu.memory_space<hbm>>
      %dma_start3A_2368 = tpu.memref_squeeze %dma_start3A_2367 : memref<1x50x64xf32, #tpu.memory_space<hbm>> -> memref<50x64xf32, #tpu.memory_space<hbm>>
      %dma_start3A_2369 = arith.constant 0 : i32
      %dma_start3A_2370 = arith.constant 0 : i32
      %dma_start3A_2371 = tpu.memref_slice %arg4[%add3A_2361, %dma_start3A_2369, %dma_start3A_2370] : memref<4096x56x128xf32, #tpu.memory_space<hbm>> -> memref<1x50x64xf32, #tpu.memory_space<hbm>>
      %dma_start3A_2372 = tpu.memref_squeeze %dma_start3A_2371 : memref<1x50x64xf32, #tpu.memory_space<hbm>> -> memref<50x64xf32, #tpu.memory_space<hbm>>
      %dma_start3A_2373 = arith.constant 50 : i32
      %dma_start3A_2374 = arith.constant 0 : i32
      %dma_start3A_2375 = tpu.memref_slice %arg9[%dma_start3A_2373, %dma_start3A_2374] : memref<400x64xf32, #tpu.memory_space<vmem>> -> memref<50x64xf32, #tpu.memory_space<vmem>>
      tpu.enqueue_dma source(%dma_start3A_2375 : memref<50x64xf32, #tpu.memory_space<vmem>>) target(%dma_start3A_2372 : memref<50x64xf32, #tpu.memory_space<hbm>>) target_semaphore(%arg17 : memref<!tpu.dma_semaphore, #tpu.memory_space<semaphore_mem>>)
      %mul3A_2376 = arith.constant 8 : i32
      %mul3A_2377 = arith.muli %add3A_2337, %mul3A_2376 : i32
      %add3A_2378 = arith.addi %add3A_6, %mul3A_2377 : i32
      %add3A_2379 = arith.constant 2 : i32
      %add3A_2380 = arith.addi %add3A_2378, %add3A_2379 : i32
      %dma_start3A_2381 = arith.constant 100 : i32
      %dma_start3A_2382 = arith.constant 0 : i32
      %dma_start3A_2383 = tpu.memref_slice %arg9[%dma_start3A_2381, %dma_start3A_2382] : memref<400x64xf32, #tpu.memory_space<vmem>> -> memref<50x64xf32, #tpu.memory_space<vmem>>
      %dma_start3A_2384 = arith.constant 0 : i32
      %dma_start3A_2385 = arith.constant 0 : i32
      %dma_start3A_2386 = tpu.memref_slice %arg4[%add3A_2380, %dma_start3A_2384, %dma_start3A_2385] : memref<4096x56x128xf32, #tpu.memory_space<hbm>> -> memref<1x50x64xf32, #tpu.memory_space<hbm>>
      %dma_start3A_2387 = tpu.memref_squeeze %dma_start3A_2386 : memref<1x50x64xf32, #tpu.memory_space<hbm>> -> memref<50x64xf32, #tpu.memory_space<hbm>>
      %dma_start3A_2388 = arith.constant 0 : i32
      %dma_start3A_2389 = arith.constant 0 : i32
      %dma_start3A_2390 = tpu.memref_slice %arg4[%add3A_2380, %dma_start3A_2388, %dma_start3A_2389] : memref<4096x56x128xf32, #tpu.memory_space<hbm>> -> memref<1x50x64xf32, #tpu.memory_space<hbm>>
      %dma_start3A_2391 = tpu.memref_squeeze %dma_start3A_2390 : memref<1x50x64xf32, #tpu.memory_space<hbm>> -> memref<50x64xf32, #tpu.memory_space<hbm>>
      %dma_start3A_2392 = arith.constant 100 : i32
      %dma_start3A_2393 = arith.constant 0 : i32
      %dma_start3A_2394 = tpu.memref_slice %arg9[%dma_start3A_2392, %dma_start3A_2393] : memref<400x64xf32, #tpu.memory_space<vmem>> -> memref<50x64xf32, #tpu.memory_space<vmem>>
      tpu.enqueue_dma source(%dma_start3A_2394 : memref<50x64xf32, #tpu.memory_space<vmem>>) target(%dma_start3A_2391 : memref<50x64xf32, #tpu.memory_space<hbm>>) target_semaphore(%arg17 : memref<!tpu.dma_semaphore, #tpu.memory_space<semaphore_mem>>)
      %mul3A_2395 = arith.constant 8 : i32
      %mul3A_2396 = arith.muli %add3A_2337, %mul3A_2395 : i32
      %add3A_2397 = arith.addi %add3A_6, %mul3A_2396 : i32
      %add3A_2398 = arith.constant 3 : i32
      %add3A_2399 = arith.addi %add3A_2397, %add3A_2398 : i32
      %dma_start3A_2400 = arith.constant 150 : i32
      %dma_start3A_2401 = arith.constant 0 : i32
      %dma_start3A_2402 = tpu.memref_slice %arg9[%dma_start3A_2400, %dma_start3A_2401] : memref<400x64xf32, #tpu.memory_space<vmem>> -> memref<50x64xf32, #tpu.memory_space<vmem>>
      %dma_start3A_2403 = arith.constant 0 : i32
      %dma_start3A_2404 = arith.constant 0 : i32
      %dma_start3A_2405 = tpu.memref_slice %arg4[%add3A_2399, %dma_start3A_2403, %dma_start3A_2404] : memref<4096x56x128xf32, #tpu.memory_space<hbm>> -> memref<1x50x64xf32, #tpu.memory_space<hbm>>
      %dma_start3A_2406 = tpu.memref_squeeze %dma_start3A_2405 : memref<1x50x64xf32, #tpu.memory_space<hbm>> -> memref<50x64xf32, #tpu.memory_space<hbm>>
      %dma_start3A_2407 = arith.constant 0 : i32
      %dma_start3A_2408 = arith.constant 0 : i32
      %dma_start3A_2409 = tpu.memref_slice %arg4[%add3A_2399, %dma_start3A_2407, %dma_start3A_2408] : memref<4096x56x128xf32, #tpu.memory_space<hbm>> -> memref<1x50x64xf32, #tpu.memory_space<hbm>>
      %dma_start3A_2410 = tpu.memref_squeeze %dma_start3A_2409 : memref<1x50x64xf32, #tpu.memory_space<hbm>> -> memref<50x64xf32, #tpu.memory_space<hbm>>
      %dma_start3A_2411 = arith.constant 150 : i32
      %dma_start3A_2412 = arith.constant 0 : i32
      %dma_start3A_2413 = tpu.memref_slice %arg9[%dma_start3A_2411, %dma_start3A_2412] : memref<400x64xf32, #tpu.memory_space<vmem>> -> memref<50x64xf32, #tpu.memory_space<vmem>>
      tpu.enqueue_dma source(%dma_start3A_2413 : memref<50x64xf32, #tpu.memory_space<vmem>>) target(%dma_start3A_2410 : memref<50x64xf32, #tpu.memory_space<hbm>>) target_semaphore(%arg17 : memref<!tpu.dma_semaphore, #tpu.memory_space<semaphore_mem>>)
      %mul3A_2414 = arith.constant 8 : i32
      %mul3A_2415 = arith.muli %add3A_2337, %mul3A_2414 : i32
      %add3A_2416 = arith.addi %add3A_6, %mul3A_2415 : i32
      %add3A_2417 = arith.constant 4 : i32
      %add3A_2418 = arith.addi %add3A_2416, %add3A_2417 : i32
      %dma_start3A_2419 = arith.constant 200 : i32
      %dma_start3A_2420 = arith.constant 0 : i32
      %dma_start3A_2421 = tpu.memref_slice %arg9[%dma_start3A_2419, %dma_start3A_2420] : memref<400x64xf32, #tpu.memory_space<vmem>> -> memref<50x64xf32, #tpu.memory_space<vmem>>
      %dma_start3A_2422 = arith.constant 0 : i32
      %dma_start3A_2423 = arith.constant 0 : i32
      %dma_start3A_2424 = tpu.memref_slice %arg4[%add3A_2418, %dma_start3A_2422, %dma_start3A_2423] : memref<4096x56x128xf32, #tpu.memory_space<hbm>> -> memref<1x50x64xf32, #tpu.memory_space<hbm>>
      %dma_start3A_2425 = tpu.memref_squeeze %dma_start3A_2424 : memref<1x50x64xf32, #tpu.memory_space<hbm>> -> memref<50x64xf32, #tpu.memory_space<hbm>>
      %dma_start3A_2426 = arith.constant 0 : i32
      %dma_start3A_2427 = arith.constant 0 : i32
      %dma_start3A_2428 = tpu.memref_slice %arg4[%add3A_2418, %dma_start3A_2426, %dma_start3A_2427] : memref<4096x56x128xf32, #tpu.memory_space<hbm>> -> memref<1x50x64xf32, #tpu.memory_space<hbm>>
      %dma_start3A_2429 = tpu.memref_squeeze %dma_start3A_2428 : memref<1x50x64xf32, #tpu.memory_space<hbm>> -> memref<50x64xf32, #tpu.memory_space<hbm>>
      %dma_start3A_2430 = arith.constant 200 : i32
      %dma_start3A_2431 = arith.constant 0 : i32
      %dma_start3A_2432 = tpu.memref_slice %arg9[%dma_start3A_2430, %dma_start3A_2431] : memref<400x64xf32, #tpu.memory_space<vmem>> -> memref<50x64xf32, #tpu.memory_space<vmem>>
      tpu.enqueue_dma source(%dma_start3A_2432 : memref<50x64xf32, #tpu.memory_space<vmem>>) target(%dma_start3A_2429 : memref<50x64xf32, #tpu.memory_space<hbm>>) target_semaphore(%arg17 : memref<!tpu.dma_semaphore, #tpu.memory_space<semaphore_mem>>)
      %mul3A_2433 = arith.constant 8 : i32
      %mul3A_2434 = arith.muli %add3A_2337, %mul3A_2433 : i32
      %add3A_2435 = arith.addi %add3A_6, %mul3A_2434 : i32
      %add3A_2436 = arith.constant 5 : i32
      %add3A_2437 = arith.addi %add3A_2435, %add3A_2436 : i32
      %dma_start3A_2438 = arith.constant 250 : i32
      %dma_start3A_2439 = arith.constant 0 : i32
      %dma_start3A_2440 = tpu.memref_slice %arg9[%dma_start3A_2438, %dma_start3A_2439] : memref<400x64xf32, #tpu.memory_space<vmem>> -> memref<50x64xf32, #tpu.memory_space<vmem>>
      %dma_start3A_2441 = arith.constant 0 : i32
      %dma_start3A_2442 = arith.constant 0 : i32
      %dma_start3A_2443 = tpu.memref_slice %arg4[%add3A_2437, %dma_start3A_2441, %dma_start3A_2442] : memref<4096x56x128xf32, #tpu.memory_space<hbm>> -> memref<1x50x64xf32, #tpu.memory_space<hbm>>
      %dma_start3A_2444 = tpu.memref_squeeze %dma_start3A_2443 : memref<1x50x64xf32, #tpu.memory_space<hbm>> -> memref<50x64xf32, #tpu.memory_space<hbm>>
      %dma_start3A_2445 = arith.constant 0 : i32
      %dma_start3A_2446 = arith.constant 0 : i32
      %dma_start3A_2447 = tpu.memref_slice %arg4[%add3A_2437, %dma_start3A_2445, %dma_start3A_2446] : memref<4096x56x128xf32, #tpu.memory_space<hbm>> -> memref<1x50x64xf32, #tpu.memory_space<hbm>>
      %dma_start3A_2448 = tpu.memref_squeeze %dma_start3A_2447 : memref<1x50x64xf32, #tpu.memory_space<hbm>> -> memref<50x64xf32, #tpu.memory_space<hbm>>
      %dma_start3A_2449 = arith.constant 250 : i32
      %dma_start3A_2450 = arith.constant 0 : i32
      %dma_start3A_2451 = tpu.memref_slice %arg9[%dma_start3A_2449, %dma_start3A_2450] : memref<400x64xf32, #tpu.memory_space<vmem>> -> memref<50x64xf32, #tpu.memory_space<vmem>>
      tpu.enqueue_dma source(%dma_start3A_2451 : memref<50x64xf32, #tpu.memory_space<vmem>>) target(%dma_start3A_2448 : memref<50x64xf32, #tpu.memory_space<hbm>>) target_semaphore(%arg17 : memref<!tpu.dma_semaphore, #tpu.memory_space<semaphore_mem>>)
      %mul3A_2452 = arith.constant 8 : i32
      %mul3A_2453 = arith.muli %add3A_2337, %mul3A_2452 : i32
      %add3A_2454 = arith.addi %add3A_6, %mul3A_2453 : i32
      %add3A_2455 = arith.constant 6 : i32
      %add3A_2456 = arith.addi %add3A_2454, %add3A_2455 : i32
      %dma_start3A_2457 = arith.constant 300 : i32
      %dma_start3A_2458 = arith.constant 0 : i32
      %dma_start3A_2459 = tpu.memref_slice %arg9[%dma_start3A_2457, %dma_start3A_2458] : memref<400x64xf32, #tpu.memory_space<vmem>> -> memref<50x64xf32, #tpu.memory_space<vmem>>
      %dma_start3A_2460 = arith.constant 0 : i32
      %dma_start3A_2461 = arith.constant 0 : i32
      %dma_start3A_2462 = tpu.memref_slice %arg4[%add3A_2456, %dma_start3A_2460, %dma_start3A_2461] : memref<4096x56x128xf32, #tpu.memory_space<hbm>> -> memref<1x50x64xf32, #tpu.memory_space<hbm>>
      %dma_start3A_2463 = tpu.memref_squeeze %dma_start3A_2462 : memref<1x50x64xf32, #tpu.memory_space<hbm>> -> memref<50x64xf32, #tpu.memory_space<hbm>>
      %dma_start3A_2464 = arith.constant 0 : i32
      %dma_start3A_2465 = arith.constant 0 : i32
      %dma_start3A_2466 = tpu.memref_slice %arg4[%add3A_2456, %dma_start3A_2464, %dma_start3A_2465] : memref<4096x56x128xf32, #tpu.memory_space<hbm>> -> memref<1x50x64xf32, #tpu.memory_space<hbm>>
      %dma_start3A_2467 = tpu.memref_squeeze %dma_start3A_2466 : memref<1x50x64xf32, #tpu.memory_space<hbm>> -> memref<50x64xf32, #tpu.memory_space<hbm>>
      %dma_start3A_2468 = arith.constant 300 : i32
      %dma_start3A_2469 = arith.constant 0 : i32
      %dma_start3A_2470 = tpu.memref_slice %arg9[%dma_start3A_2468, %dma_start3A_2469] : memref<400x64xf32, #tpu.memory_space<vmem>> -> memref<50x64xf32, #tpu.memory_space<vmem>>
      tpu.enqueue_dma source(%dma_start3A_2470 : memref<50x64xf32, #tpu.memory_space<vmem>>) target(%dma_start3A_2467 : memref<50x64xf32, #tpu.memory_space<hbm>>) target_semaphore(%arg17 : memref<!tpu.dma_semaphore, #tpu.memory_space<semaphore_mem>>)
      %mul3A_2471 = arith.constant 8 : i32
      %mul3A_2472 = arith.muli %add3A_2337, %mul3A_2471 : i32
      %add3A_2473 = arith.addi %add3A_6, %mul3A_2472 : i32
      %add3A_2474 = arith.constant 7 : i32
      %add3A_2475 = arith.addi %add3A_2473, %add3A_2474 : i32
      %dma_start3A_2476 = arith.constant 350 : i32
      %dma_start3A_2477 = arith.constant 0 : i32
      %dma_start3A_2478 = tpu.memref_slice %arg9[%dma_start3A_2476, %dma_start3A_2477] : memref<400x64xf32, #tpu.memory_space<vmem>> -> memref<50x64xf32, #tpu.memory_space<vmem>>
      %dma_start3A_2479 = arith.constant 0 : i32
      %dma_start3A_2480 = arith.constant 0 : i32
      %dma_start3A_2481 = tpu.memref_slice %arg4[%add3A_2475, %dma_start3A_2479, %dma_start3A_2480] : memref<4096x56x128xf32, #tpu.memory_space<hbm>> -> memref<1x50x64xf32, #tpu.memory_space<hbm>>
      %dma_start3A_2482 = tpu.memref_squeeze %dma_start3A_2481 : memref<1x50x64xf32, #tpu.memory_space<hbm>> -> memref<50x64xf32, #tpu.memory_space<hbm>>
      %dma_start3A_2483 = arith.constant 0 : i32
      %dma_start3A_2484 = arith.constant 0 : i32
      %dma_start3A_2485 = tpu.memref_slice %arg4[%add3A_2475, %dma_start3A_2483, %dma_start3A_2484] : memref<4096x56x128xf32, #tpu.memory_space<hbm>> -> memref<1x50x64xf32, #tpu.memory_space<hbm>>
      %dma_start3A_2486 = tpu.memref_squeeze %dma_start3A_2485 : memref<1x50x64xf32, #tpu.memory_space<hbm>> -> memref<50x64xf32, #tpu.memory_space<hbm>>
      %dma_start3A_2487 = arith.constant 350 : i32
      %dma_start3A_2488 = arith.constant 0 : i32
      %dma_start3A_2489 = tpu.memref_slice %arg9[%dma_start3A_2487, %dma_start3A_2488] : memref<400x64xf32, #tpu.memory_space<vmem>> -> memref<50x64xf32, #tpu.memory_space<vmem>>
      tpu.enqueue_dma source(%dma_start3A_2489 : memref<50x64xf32, #tpu.memory_space<vmem>>) target(%dma_start3A_2486 : memref<50x64xf32, #tpu.memory_space<hbm>>) target_semaphore(%arg17 : memref<!tpu.dma_semaphore, #tpu.memory_space<semaphore_mem>>)
    }
    %scan3A_860 = arith.constant 2 : i32
    %dma_wait3A_861 = arith.constant 0 : i32
    %dma_wait3A_862 = arith.constant 0 : i32
    %dma_wait3A_863 = tpu.memref_slice %arg2[%dma_wait3A_861, %dma_wait3A_862] : memref<100000x64xf32, #tpu.memory_space<hbm>> -> memref<400x64xf32, #tpu.memory_space<hbm>>
    %dma_wait3A_864 = arith.constant 0 : i32
    %dma_wait3A_865 = arith.constant 0 : i32
    %dma_wait3A_866 = tpu.memref_slice %arg2[%dma_wait3A_864, %dma_wait3A_865] : memref<100000x64xf32, #tpu.memory_space<hbm>> -> memref<400x64xf32, #tpu.memory_space<hbm>>
    tpu.wait_dma2 semaphore(%arg10 : memref<!tpu.dma_semaphore, #tpu.memory_space<semaphore_mem>>) src(%dma_wait3A_866 : memref<400x64xf32, #tpu.memory_space<hbm>>) dst(%arg6 : memref<400x64xf32, #tpu.memory_space<vmem>>)
    %dma_wait3A_867 = arith.constant 0 : i32
    %dma_wait3A_868 = arith.constant 0 : i32
    %dma_wait3A_869 = tpu.memref_slice %arg2[%dma_wait3A_867, %dma_wait3A_868] : memref<100000x64xf32, #tpu.memory_space<hbm>> -> memref<400x64xf32, #tpu.memory_space<hbm>>
    %dma_wait3A_870 = arith.constant 0 : i32
    %dma_wait3A_871 = arith.constant 0 : i32
    %dma_wait3A_872 = tpu.memref_slice %arg2[%dma_wait3A_870, %dma_wait3A_871] : memref<100000x64xf32, #tpu.memory_space<hbm>> -> memref<400x64xf32, #tpu.memory_space<hbm>>
    tpu.wait_dma2 semaphore(%arg15 : memref<!tpu.dma_semaphore, #tpu.memory_space<semaphore_mem>>) src(%dma_wait3A_872 : memref<400x64xf32, #tpu.memory_space<hbm>>) dst(%arg7 : memref<400x64xf32, #tpu.memory_space<vmem>>)
    %dma_start3A_873 = arith.constant 28 : i32
    %dma_start3A_874 = arith.constant 0 : i32
    %dma_start3A_875 = arith.constant 0 : i32
    %dma_start3A_876 = tpu.memref_slice %arg7[%dma_start3A_874, %dma_start3A_875] : memref<400x64xf32, #tpu.memory_space<vmem>> -> memref<100x64xf32, #tpu.memory_space<vmem>>
    %dma_start3A_877 = arith.constant 0 : i32
    %dma_start3A_878 = tpu.memref_slice %arg5[%dma_start3A_873, %dma_start3A_877] : memref<64x100xi32, #tpu.memory_space<vmem>> -> memref<1x100xi32, #tpu.memory_space<vmem>>
    %dma_start3A_879 = tpu.memref_squeeze %dma_start3A_878 : memref<1x100xi32, #tpu.memory_space<vmem>> -> memref<100xi32, #tpu.memory_space<vmem>>
    %dma_start3A_880 = arith.constant 0 : i32
    %dma_start3A_881 = arith.constant 0 : i32
    %dma_start3A_882 = tpu.memref_slice %arg2[%dma_start3A_880, %dma_start3A_881] : memref<100000x64xf32, #tpu.memory_space<hbm>> -> memref<100000x64xf32, #tpu.memory_space<hbm>>
    tpu.enqueue_indirect_dma source(%dma_start3A_882 : memref<100000x64xf32, #tpu.memory_space<hbm>>) target(%dma_start3A_876 : memref<100x64xf32, #tpu.memory_space<vmem>>) offsets(%dma_start3A_879 : memref<100xi32, #tpu.memory_space<vmem>>) semaphore(%arg11 : memref<!tpu.dma_semaphore, #tpu.memory_space<semaphore_mem>>)
    %dma_start3A_883 = arith.constant 29 : i32
    %dma_start3A_884 = arith.constant 100 : i32
    %dma_start3A_885 = arith.constant 0 : i32
    %dma_start3A_886 = tpu.memref_slice %arg7[%dma_start3A_884, %dma_start3A_885] : memref<400x64xf32, #tpu.memory_space<vmem>> -> memref<100x64xf32, #tpu.memory_space<vmem>>
    %dma_start3A_887 = arith.constant 0 : i32
    %dma_start3A_888 = tpu.memref_slice %arg5[%dma_start3A_883, %dma_start3A_887] : memref<64x100xi32, #tpu.memory_space<vmem>> -> memref<1x100xi32, #tpu.memory_space<vmem>>
    %dma_start3A_889 = tpu.memref_squeeze %dma_start3A_888 : memref<1x100xi32, #tpu.memory_space<vmem>> -> memref<100xi32, #tpu.memory_space<vmem>>
    %dma_start3A_890 = arith.constant 0 : i32
    %dma_start3A_891 = arith.constant 0 : i32
    %dma_start3A_892 = tpu.memref_slice %arg2[%dma_start3A_890, %dma_start3A_891] : memref<100000x64xf32, #tpu.memory_space<hbm>> -> memref<100000x64xf32, #tpu.memory_space<hbm>>
    tpu.enqueue_indirect_dma source(%dma_start3A_892 : memref<100000x64xf32, #tpu.memory_space<hbm>>) target(%dma_start3A_886 : memref<100x64xf32, #tpu.memory_space<vmem>>) offsets(%dma_start3A_889 : memref<100xi32, #tpu.memory_space<vmem>>) semaphore(%arg11 : memref<!tpu.dma_semaphore, #tpu.memory_space<semaphore_mem>>)
    %dma_start3A_893 = arith.constant 30 : i32
    %dma_start3A_894 = arith.constant 200 : i32
    %dma_start3A_895 = arith.constant 0 : i32
    %dma_start3A_896 = tpu.memref_slice %arg7[%dma_start3A_894, %dma_start3A_895] : memref<400x64xf32, #tpu.memory_space<vmem>> -> memref<100x64xf32, #tpu.memory_space<vmem>>
    %dma_start3A_897 = arith.constant 0 : i32
    %dma_start3A_898 = tpu.memref_slice %arg5[%dma_start3A_893, %dma_start3A_897] : memref<64x100xi32, #tpu.memory_space<vmem>> -> memref<1x100xi32, #tpu.memory_space<vmem>>
    %dma_start3A_899 = tpu.memref_squeeze %dma_start3A_898 : memref<1x100xi32, #tpu.memory_space<vmem>> -> memref<100xi32, #tpu.memory_space<vmem>>
    %dma_start3A_900 = arith.constant 0 : i32
    %dma_start3A_901 = arith.constant 0 : i32
    %dma_start3A_902 = tpu.memref_slice %arg2[%dma_start3A_900, %dma_start3A_901] : memref<100000x64xf32, #tpu.memory_space<hbm>> -> memref<100000x64xf32, #tpu.memory_space<hbm>>
    tpu.enqueue_indirect_dma source(%dma_start3A_902 : memref<100000x64xf32, #tpu.memory_space<hbm>>) target(%dma_start3A_896 : memref<100x64xf32, #tpu.memory_space<vmem>>) offsets(%dma_start3A_899 : memref<100xi32, #tpu.memory_space<vmem>>) semaphore(%arg11 : memref<!tpu.dma_semaphore, #tpu.memory_space<semaphore_mem>>)
    %dma_start3A_903 = arith.constant 31 : i32
    %dma_start3A_904 = arith.constant 300 : i32
    %dma_start3A_905 = arith.constant 0 : i32
    %dma_start3A_906 = tpu.memref_slice %arg7[%dma_start3A_904, %dma_start3A_905] : memref<400x64xf32, #tpu.memory_space<vmem>> -> memref<100x64xf32, #tpu.memory_space<vmem>>
    %dma_start3A_907 = arith.constant 0 : i32
    %dma_start3A_908 = tpu.memref_slice %arg5[%dma_start3A_903, %dma_start3A_907] : memref<64x100xi32, #tpu.memory_space<vmem>> -> memref<1x100xi32, #tpu.memory_space<vmem>>
    %dma_start3A_909 = tpu.memref_squeeze %dma_start3A_908 : memref<1x100xi32, #tpu.memory_space<vmem>> -> memref<100xi32, #tpu.memory_space<vmem>>
    %dma_start3A_910 = arith.constant 0 : i32
    %dma_start3A_911 = arith.constant 0 : i32
    %dma_start3A_912 = tpu.memref_slice %arg2[%dma_start3A_910, %dma_start3A_911] : memref<100000x64xf32, #tpu.memory_space<hbm>> -> memref<100000x64xf32, #tpu.memory_space<hbm>>
    tpu.enqueue_indirect_dma source(%dma_start3A_912 : memref<100000x64xf32, #tpu.memory_space<hbm>>) target(%dma_start3A_906 : memref<100x64xf32, #tpu.memory_space<vmem>>) offsets(%dma_start3A_909 : memref<100xi32, #tpu.memory_space<vmem>>) semaphore(%arg11 : memref<!tpu.dma_semaphore, #tpu.memory_space<semaphore_mem>>)
    %add3A_913 = arith.constant 48 : i32
    %add3A_914 = arith.addi %mul3A_2, %add3A_913 : i32
    %add3A_915 = arith.constant 0 : i32
    %add3A_916 = arith.addi %add3A_914, %add3A_915 : i32
    %dma_start3A_917 = arith.constant 0 : i32
    %dma_start3A_918 = arith.constant 0 : i32
    %dma_start3A_919 = tpu.memref_slice %arg6[%dma_start3A_917, %dma_start3A_918] : memref<400x64xf32, #tpu.memory_space<vmem>> -> memref<50x64xf32, #tpu.memory_space<vmem>>
    %dma_start3A_920 = arith.constant 0 : i32
    %dma_start3A_921 = arith.constant 0 : i32
    %dma_start3A_922 = tpu.memref_slice %arg4[%add3A_916, %dma_start3A_920, %dma_start3A_921] : memref<4096x56x128xf32, #tpu.memory_space<hbm>> -> memref<1x50x64xf32, #tpu.memory_space<hbm>>
    %dma_start3A_923 = tpu.memref_squeeze %dma_start3A_922 : memref<1x50x64xf32, #tpu.memory_space<hbm>> -> memref<50x64xf32, #tpu.memory_space<hbm>>
    %dma_start3A_924 = arith.constant 0 : i32
    %dma_start3A_925 = arith.constant 0 : i32
    %dma_start3A_926 = tpu.memref_slice %arg4[%add3A_916, %dma_start3A_924, %dma_start3A_925] : memref<4096x56x128xf32, #tpu.memory_space<hbm>> -> memref<1x50x64xf32, #tpu.memory_space<hbm>>
    %dma_start3A_927 = tpu.memref_squeeze %dma_start3A_926 : memref<1x50x64xf32, #tpu.memory_space<hbm>> -> memref<50x64xf32, #tpu.memory_space<hbm>>
    %dma_start3A_928 = arith.constant 0 : i32
    %dma_start3A_929 = arith.constant 0 : i32
    %dma_start3A_930 = tpu.memref_slice %arg6[%dma_start3A_928, %dma_start3A_929] : memref<400x64xf32, #tpu.memory_space<vmem>> -> memref<50x64xf32, #tpu.memory_space<vmem>>
    tpu.enqueue_dma source(%dma_start3A_930 : memref<50x64xf32, #tpu.memory_space<vmem>>) target(%dma_start3A_927 : memref<50x64xf32, #tpu.memory_space<hbm>>) target_semaphore(%arg14 : memref<!tpu.dma_semaphore, #tpu.memory_space<semaphore_mem>>)
    %add3A_931 = arith.constant 48 : i32
    %add3A_932 = arith.addi %mul3A_2, %add3A_931 : i32
    %add3A_933 = arith.constant 1 : i32
    %add3A_934 = arith.addi %add3A_932, %add3A_933 : i32
    %dma_start3A_935 = arith.constant 50 : i32
    %dma_start3A_936 = arith.constant 0 : i32
    %dma_start3A_937 = tpu.memref_slice %arg6[%dma_start3A_935, %dma_start3A_936] : memref<400x64xf32, #tpu.memory_space<vmem>> -> memref<50x64xf32, #tpu.memory_space<vmem>>
    %dma_start3A_938 = arith.constant 0 : i32
    %dma_start3A_939 = arith.constant 0 : i32
    %dma_start3A_940 = tpu.memref_slice %arg4[%add3A_934, %dma_start3A_938, %dma_start3A_939] : memref<4096x56x128xf32, #tpu.memory_space<hbm>> -> memref<1x50x64xf32, #tpu.memory_space<hbm>>
    %dma_start3A_941 = tpu.memref_squeeze %dma_start3A_940 : memref<1x50x64xf32, #tpu.memory_space<hbm>> -> memref<50x64xf32, #tpu.memory_space<hbm>>
    %dma_start3A_942 = arith.constant 0 : i32
    %dma_start3A_943 = arith.constant 0 : i32
    %dma_start3A_944 = tpu.memref_slice %arg4[%add3A_934, %dma_start3A_942, %dma_start3A_943] : memref<4096x56x128xf32, #tpu.memory_space<hbm>> -> memref<1x50x64xf32, #tpu.memory_space<hbm>>
    %dma_start3A_945 = tpu.memref_squeeze %dma_start3A_944 : memref<1x50x64xf32, #tpu.memory_space<hbm>> -> memref<50x64xf32, #tpu.memory_space<hbm>>
    %dma_start3A_946 = arith.constant 50 : i32
    %dma_start3A_947 = arith.constant 0 : i32
    %dma_start3A_948 = tpu.memref_slice %arg6[%dma_start3A_946, %dma_start3A_947] : memref<400x64xf32, #tpu.memory_space<vmem>> -> memref<50x64xf32, #tpu.memory_space<vmem>>
    tpu.enqueue_dma source(%dma_start3A_948 : memref<50x64xf32, #tpu.memory_space<vmem>>) target(%dma_start3A_945 : memref<50x64xf32, #tpu.memory_space<hbm>>) target_semaphore(%arg14 : memref<!tpu.dma_semaphore, #tpu.memory_space<semaphore_mem>>)
    %add3A_949 = arith.constant 48 : i32
    %add3A_950 = arith.addi %mul3A_2, %add3A_949 : i32
    %add3A_951 = arith.constant 2 : i32
    %add3A_952 = arith.addi %add3A_950, %add3A_951 : i32
    %dma_start3A_953 = arith.constant 100 : i32
    %dma_start3A_954 = arith.constant 0 : i32
    %dma_start3A_955 = tpu.memref_slice %arg6[%dma_start3A_953, %dma_start3A_954] : memref<400x64xf32, #tpu.memory_space<vmem>> -> memref<50x64xf32, #tpu.memory_space<vmem>>
    %dma_start3A_956 = arith.constant 0 : i32
    %dma_start3A_957 = arith.constant 0 : i32
    %dma_start3A_958 = tpu.memref_slice %arg4[%add3A_952, %dma_start3A_956, %dma_start3A_957] : memref<4096x56x128xf32, #tpu.memory_space<hbm>> -> memref<1x50x64xf32, #tpu.memory_space<hbm>>
    %dma_start3A_959 = tpu.memref_squeeze %dma_start3A_958 : memref<1x50x64xf32, #tpu.memory_space<hbm>> -> memref<50x64xf32, #tpu.memory_space<hbm>>
    %dma_start3A_960 = arith.constant 0 : i32
    %dma_start3A_961 = arith.constant 0 : i32
    %dma_start3A_962 = tpu.memref_slice %arg4[%add3A_952, %dma_start3A_960, %dma_start3A_961] : memref<4096x56x128xf32, #tpu.memory_space<hbm>> -> memref<1x50x64xf32, #tpu.memory_space<hbm>>
    %dma_start3A_963 = tpu.memref_squeeze %dma_start3A_962 : memref<1x50x64xf32, #tpu.memory_space<hbm>> -> memref<50x64xf32, #tpu.memory_space<hbm>>
    %dma_start3A_964 = arith.constant 100 : i32
    %dma_start3A_965 = arith.constant 0 : i32
    %dma_start3A_966 = tpu.memref_slice %arg6[%dma_start3A_964, %dma_start3A_965] : memref<400x64xf32, #tpu.memory_space<vmem>> -> memref<50x64xf32, #tpu.memory_space<vmem>>
    tpu.enqueue_dma source(%dma_start3A_966 : memref<50x64xf32, #tpu.memory_space<vmem>>) target(%dma_start3A_963 : memref<50x64xf32, #tpu.memory_space<hbm>>) target_semaphore(%arg14 : memref<!tpu.dma_semaphore, #tpu.memory_space<semaphore_mem>>)
    %add3A_967 = arith.constant 48 : i32
    %add3A_968 = arith.addi %mul3A_2, %add3A_967 : i32
    %add3A_969 = arith.constant 3 : i32
    %add3A_970 = arith.addi %add3A_968, %add3A_969 : i32
    %dma_start3A_971 = arith.constant 150 : i32
    %dma_start3A_972 = arith.constant 0 : i32
    %dma_start3A_973 = tpu.memref_slice %arg6[%dma_start3A_971, %dma_start3A_972] : memref<400x64xf32, #tpu.memory_space<vmem>> -> memref<50x64xf32, #tpu.memory_space<vmem>>
    %dma_start3A_974 = arith.constant 0 : i32
    %dma_start3A_975 = arith.constant 0 : i32
    %dma_start3A_976 = tpu.memref_slice %arg4[%add3A_970, %dma_start3A_974, %dma_start3A_975] : memref<4096x56x128xf32, #tpu.memory_space<hbm>> -> memref<1x50x64xf32, #tpu.memory_space<hbm>>
    %dma_start3A_977 = tpu.memref_squeeze %dma_start3A_976 : memref<1x50x64xf32, #tpu.memory_space<hbm>> -> memref<50x64xf32, #tpu.memory_space<hbm>>
    %dma_start3A_978 = arith.constant 0 : i32
    %dma_start3A_979 = arith.constant 0 : i32
    %dma_start3A_980 = tpu.memref_slice %arg4[%add3A_970, %dma_start3A_978, %dma_start3A_979] : memref<4096x56x128xf32, #tpu.memory_space<hbm>> -> memref<1x50x64xf32, #tpu.memory_space<hbm>>
    %dma_start3A_981 = tpu.memref_squeeze %dma_start3A_980 : memref<1x50x64xf32, #tpu.memory_space<hbm>> -> memref<50x64xf32, #tpu.memory_space<hbm>>
    %dma_start3A_982 = arith.constant 150 : i32
    %dma_start3A_983 = arith.constant 0 : i32
    %dma_start3A_984 = tpu.memref_slice %arg6[%dma_start3A_982, %dma_start3A_983] : memref<400x64xf32, #tpu.memory_space<vmem>> -> memref<50x64xf32, #tpu.memory_space<vmem>>
    tpu.enqueue_dma source(%dma_start3A_984 : memref<50x64xf32, #tpu.memory_space<vmem>>) target(%dma_start3A_981 : memref<50x64xf32, #tpu.memory_space<hbm>>) target_semaphore(%arg14 : memref<!tpu.dma_semaphore, #tpu.memory_space<semaphore_mem>>)
    %add3A_985 = arith.constant 48 : i32
    %add3A_986 = arith.addi %mul3A_2, %add3A_985 : i32
    %add3A_987 = arith.constant 4 : i32
    %add3A_988 = arith.addi %add3A_986, %add3A_987 : i32
    %dma_start3A_989 = arith.constant 200 : i32
    %dma_start3A_990 = arith.constant 0 : i32
    %dma_start3A_991 = tpu.memref_slice %arg6[%dma_start3A_989, %dma_start3A_990] : memref<400x64xf32, #tpu.memory_space<vmem>> -> memref<50x64xf32, #tpu.memory_space<vmem>>
    %dma_start3A_992 = arith.constant 0 : i32
    %dma_start3A_993 = arith.constant 0 : i32
    %dma_start3A_994 = tpu.memref_slice %arg4[%add3A_988, %dma_start3A_992, %dma_start3A_993] : memref<4096x56x128xf32, #tpu.memory_space<hbm>> -> memref<1x50x64xf32, #tpu.memory_space<hbm>>
    %dma_start3A_995 = tpu.memref_squeeze %dma_start3A_994 : memref<1x50x64xf32, #tpu.memory_space<hbm>> -> memref<50x64xf32, #tpu.memory_space<hbm>>
    %dma_start3A_996 = arith.constant 0 : i32
    %dma_start3A_997 = arith.constant 0 : i32
    %dma_start3A_998 = tpu.memref_slice %arg4[%add3A_988, %dma_start3A_996, %dma_start3A_997] : memref<4096x56x128xf32, #tpu.memory_space<hbm>> -> memref<1x50x64xf32, #tpu.memory_space<hbm>>
    %dma_start3A_999 = tpu.memref_squeeze %dma_start3A_998 : memref<1x50x64xf32, #tpu.memory_space<hbm>> -> memref<50x64xf32, #tpu.memory_space<hbm>>
    %dma_start3A_1000 = arith.constant 200 : i32
    %dma_start3A_1001 = arith.constant 0 : i32
    %dma_start3A_1002 = tpu.memref_slice %arg6[%dma_start3A_1000, %dma_start3A_1001] : memref<400x64xf32, #tpu.memory_space<vmem>> -> memref<50x64xf32, #tpu.memory_space<vmem>>
    tpu.enqueue_dma source(%dma_start3A_1002 : memref<50x64xf32, #tpu.memory_space<vmem>>) target(%dma_start3A_999 : memref<50x64xf32, #tpu.memory_space<hbm>>) target_semaphore(%arg14 : memref<!tpu.dma_semaphore, #tpu.memory_space<semaphore_mem>>)
    %add3A_1003 = arith.constant 48 : i32
    %add3A_1004 = arith.addi %mul3A_2, %add3A_1003 : i32
    %add3A_1005 = arith.constant 5 : i32
    %add3A_1006 = arith.addi %add3A_1004, %add3A_1005 : i32
    %dma_start3A_1007 = arith.constant 250 : i32
    %dma_start3A_1008 = arith.constant 0 : i32
    %dma_start3A_1009 = tpu.memref_slice %arg6[%dma_start3A_1007, %dma_start3A_1008] : memref<400x64xf32, #tpu.memory_space<vmem>> -> memref<50x64xf32, #tpu.memory_space<vmem>>
    %dma_start3A_1010 = arith.constant 0 : i32
    %dma_start3A_1011 = arith.constant 0 : i32
    %dma_start3A_1012 = tpu.memref_slice %arg4[%add3A_1006, %dma_start3A_1010, %dma_start3A_1011] : memref<4096x56x128xf32, #tpu.memory_space<hbm>> -> memref<1x50x64xf32, #tpu.memory_space<hbm>>
    %dma_start3A_1013 = tpu.memref_squeeze %dma_start3A_1012 : memref<1x50x64xf32, #tpu.memory_space<hbm>> -> memref<50x64xf32, #tpu.memory_space<hbm>>
    %dma_start3A_1014 = arith.constant 0 : i32
    %dma_start3A_1015 = arith.constant 0 : i32
    %dma_start3A_1016 = tpu.memref_slice %arg4[%add3A_1006, %dma_start3A_1014, %dma_start3A_1015] : memref<4096x56x128xf32, #tpu.memory_space<hbm>> -> memref<1x50x64xf32, #tpu.memory_space<hbm>>
    %dma_start3A_1017 = tpu.memref_squeeze %dma_start3A_1016 : memref<1x50x64xf32, #tpu.memory_space<hbm>> -> memref<50x64xf32, #tpu.memory_space<hbm>>
    %dma_start3A_1018 = arith.constant 250 : i32
    %dma_start3A_1019 = arith.constant 0 : i32
    %dma_start3A_1020 = tpu.memref_slice %arg6[%dma_start3A_1018, %dma_start3A_1019] : memref<400x64xf32, #tpu.memory_space<vmem>> -> memref<50x64xf32, #tpu.memory_space<vmem>>
    tpu.enqueue_dma source(%dma_start3A_1020 : memref<50x64xf32, #tpu.memory_space<vmem>>) target(%dma_start3A_1017 : memref<50x64xf32, #tpu.memory_space<hbm>>) target_semaphore(%arg14 : memref<!tpu.dma_semaphore, #tpu.memory_space<semaphore_mem>>)
    %add3A_1021 = arith.constant 48 : i32
    %add3A_1022 = arith.addi %mul3A_2, %add3A_1021 : i32
    %add3A_1023 = arith.constant 6 : i32
    %add3A_1024 = arith.addi %add3A_1022, %add3A_1023 : i32
    %dma_start3A_1025 = arith.constant 300 : i32
    %dma_start3A_1026 = arith.constant 0 : i32
    %dma_start3A_1027 = tpu.memref_slice %arg6[%dma_start3A_1025, %dma_start3A_1026] : memref<400x64xf32, #tpu.memory_space<vmem>> -> memref<50x64xf32, #tpu.memory_space<vmem>>
    %dma_start3A_1028 = arith.constant 0 : i32
    %dma_start3A_1029 = arith.constant 0 : i32
    %dma_start3A_1030 = tpu.memref_slice %arg4[%add3A_1024, %dma_start3A_1028, %dma_start3A_1029] : memref<4096x56x128xf32, #tpu.memory_space<hbm>> -> memref<1x50x64xf32, #tpu.memory_space<hbm>>
    %dma_start3A_1031 = tpu.memref_squeeze %dma_start3A_1030 : memref<1x50x64xf32, #tpu.memory_space<hbm>> -> memref<50x64xf32, #tpu.memory_space<hbm>>
    %dma_start3A_1032 = arith.constant 0 : i32
    %dma_start3A_1033 = arith.constant 0 : i32
    %dma_start3A_1034 = tpu.memref_slice %arg4[%add3A_1024, %dma_start3A_1032, %dma_start3A_1033] : memref<4096x56x128xf32, #tpu.memory_space<hbm>> -> memref<1x50x64xf32, #tpu.memory_space<hbm>>
    %dma_start3A_1035 = tpu.memref_squeeze %dma_start3A_1034 : memref<1x50x64xf32, #tpu.memory_space<hbm>> -> memref<50x64xf32, #tpu.memory_space<hbm>>
    %dma_start3A_1036 = arith.constant 300 : i32
    %dma_start3A_1037 = arith.constant 0 : i32
    %dma_start3A_1038 = tpu.memref_slice %arg6[%dma_start3A_1036, %dma_start3A_1037] : memref<400x64xf32, #tpu.memory_space<vmem>> -> memref<50x64xf32, #tpu.memory_space<vmem>>
    tpu.enqueue_dma source(%dma_start3A_1038 : memref<50x64xf32, #tpu.memory_space<vmem>>) target(%dma_start3A_1035 : memref<50x64xf32, #tpu.memory_space<hbm>>) target_semaphore(%arg14 : memref<!tpu.dma_semaphore, #tpu.memory_space<semaphore_mem>>)
    %add3A_1039 = arith.constant 48 : i32
    %add3A_1040 = arith.addi %mul3A_2, %add3A_1039 : i32
    %add3A_1041 = arith.constant 7 : i32
    %add3A_1042 = arith.addi %add3A_1040, %add3A_1041 : i32
    %dma_start3A_1043 = arith.constant 350 : i32
    %dma_start3A_1044 = arith.constant 0 : i32
    %dma_start3A_1045 = tpu.memref_slice %arg6[%dma_start3A_1043, %dma_start3A_1044] : memref<400x64xf32, #tpu.memory_space<vmem>> -> memref<50x64xf32, #tpu.memory_space<vmem>>
    %dma_start3A_1046 = arith.constant 0 : i32
    %dma_start3A_1047 = arith.constant 0 : i32
    %dma_start3A_1048 = tpu.memref_slice %arg4[%add3A_1042, %dma_start3A_1046, %dma_start3A_1047] : memref<4096x56x128xf32, #tpu.memory_space<hbm>> -> memref<1x50x64xf32, #tpu.memory_space<hbm>>
    %dma_start3A_1049 = tpu.memref_squeeze %dma_start3A_1048 : memref<1x50x64xf32, #tpu.memory_space<hbm>> -> memref<50x64xf32, #tpu.memory_space<hbm>>
    %dma_start3A_1050 = arith.constant 0 : i32
    %dma_start3A_1051 = arith.constant 0 : i32
    %dma_start3A_1052 = tpu.memref_slice %arg4[%add3A_1042, %dma_start3A_1050, %dma_start3A_1051] : memref<4096x56x128xf32, #tpu.memory_space<hbm>> -> memref<1x50x64xf32, #tpu.memory_space<hbm>>
    %dma_start3A_1053 = tpu.memref_squeeze %dma_start3A_1052 : memref<1x50x64xf32, #tpu.memory_space<hbm>> -> memref<50x64xf32, #tpu.memory_space<hbm>>
    %dma_start3A_1054 = arith.constant 350 : i32
    %dma_start3A_1055 = arith.constant 0 : i32
    %dma_start3A_1056 = tpu.memref_slice %arg6[%dma_start3A_1054, %dma_start3A_1055] : memref<400x64xf32, #tpu.memory_space<vmem>> -> memref<50x64xf32, #tpu.memory_space<vmem>>
    tpu.enqueue_dma source(%dma_start3A_1056 : memref<50x64xf32, #tpu.memory_space<vmem>>) target(%dma_start3A_1053 : memref<50x64xf32, #tpu.memory_space<hbm>>) target_semaphore(%arg14 : memref<!tpu.dma_semaphore, #tpu.memory_space<semaphore_mem>>)
    %dma_wait3A_1057 = arith.constant 0 : i32
    %dma_wait3A_1058 = arith.constant 0 : i32
    %dma_wait3A_1059 = tpu.memref_slice %arg2[%dma_wait3A_1057, %dma_wait3A_1058] : memref<100000x64xf32, #tpu.memory_space<hbm>> -> memref<400x64xf32, #tpu.memory_space<hbm>>
    %dma_wait3A_1060 = arith.constant 0 : i32
    %dma_wait3A_1061 = arith.constant 0 : i32
    %dma_wait3A_1062 = tpu.memref_slice %arg2[%dma_wait3A_1060, %dma_wait3A_1061] : memref<100000x64xf32, #tpu.memory_space<hbm>> -> memref<400x64xf32, #tpu.memory_space<hbm>>
    tpu.wait_dma2 semaphore(%arg12 : memref<!tpu.dma_semaphore, #tpu.memory_space<semaphore_mem>>) src(%dma_wait3A_1062 : memref<400x64xf32, #tpu.memory_space<hbm>>) dst(%arg8 : memref<400x64xf32, #tpu.memory_space<vmem>>)
    %dma_wait3A_1063 = arith.constant 0 : i32
    %dma_wait3A_1064 = arith.constant 0 : i32
    %dma_wait3A_1065 = tpu.memref_slice %arg2[%dma_wait3A_1063, %dma_wait3A_1064] : memref<100000x64xf32, #tpu.memory_space<hbm>> -> memref<400x64xf32, #tpu.memory_space<hbm>>
    %dma_wait3A_1066 = arith.constant 0 : i32
    %dma_wait3A_1067 = arith.constant 0 : i32
    %dma_wait3A_1068 = tpu.memref_slice %arg2[%dma_wait3A_1066, %dma_wait3A_1067] : memref<100000x64xf32, #tpu.memory_space<hbm>> -> memref<400x64xf32, #tpu.memory_space<hbm>>
    tpu.wait_dma2 semaphore(%arg17 : memref<!tpu.dma_semaphore, #tpu.memory_space<semaphore_mem>>) src(%dma_wait3A_1068 : memref<400x64xf32, #tpu.memory_space<hbm>>) dst(%arg9 : memref<400x64xf32, #tpu.memory_space<vmem>>)
    %dma_start3A_1069 = arith.constant 60 : i32
    %dma_start3A_1070 = arith.constant 0 : i32
    %dma_start3A_1071 = arith.constant 0 : i32
    %dma_start3A_1072 = tpu.memref_slice %arg9[%dma_start3A_1070, %dma_start3A_1071] : memref<400x64xf32, #tpu.memory_space<vmem>> -> memref<100x64xf32, #tpu.memory_space<vmem>>
    %dma_start3A_1073 = arith.constant 0 : i32
    %dma_start3A_1074 = tpu.memref_slice %arg5[%dma_start3A_1069, %dma_start3A_1073] : memref<64x100xi32, #tpu.memory_space<vmem>> -> memref<1x100xi32, #tpu.memory_space<vmem>>
    %dma_start3A_1075 = tpu.memref_squeeze %dma_start3A_1074 : memref<1x100xi32, #tpu.memory_space<vmem>> -> memref<100xi32, #tpu.memory_space<vmem>>
    %dma_start3A_1076 = arith.constant 0 : i32
    %dma_start3A_1077 = arith.constant 0 : i32
    %dma_start3A_1078 = tpu.memref_slice %arg2[%dma_start3A_1076, %dma_start3A_1077] : memref<100000x64xf32, #tpu.memory_space<hbm>> -> memref<100000x64xf32, #tpu.memory_space<hbm>>
    tpu.enqueue_indirect_dma source(%dma_start3A_1078 : memref<100000x64xf32, #tpu.memory_space<hbm>>) target(%dma_start3A_1072 : memref<100x64xf32, #tpu.memory_space<vmem>>) offsets(%dma_start3A_1075 : memref<100xi32, #tpu.memory_space<vmem>>) semaphore(%arg13 : memref<!tpu.dma_semaphore, #tpu.memory_space<semaphore_mem>>)
    %dma_start3A_1079 = arith.constant 61 : i32
    %dma_start3A_1080 = arith.constant 100 : i32
    %dma_start3A_1081 = arith.constant 0 : i32
    %dma_start3A_1082 = tpu.memref_slice %arg9[%dma_start3A_1080, %dma_start3A_1081] : memref<400x64xf32, #tpu.memory_space<vmem>> -> memref<100x64xf32, #tpu.memory_space<vmem>>
    %dma_start3A_1083 = arith.constant 0 : i32
    %dma_start3A_1084 = tpu.memref_slice %arg5[%dma_start3A_1079, %dma_start3A_1083] : memref<64x100xi32, #tpu.memory_space<vmem>> -> memref<1x100xi32, #tpu.memory_space<vmem>>
    %dma_start3A_1085 = tpu.memref_squeeze %dma_start3A_1084 : memref<1x100xi32, #tpu.memory_space<vmem>> -> memref<100xi32, #tpu.memory_space<vmem>>
    %dma_start3A_1086 = arith.constant 0 : i32
    %dma_start3A_1087 = arith.constant 0 : i32
    %dma_start3A_1088 = tpu.memref_slice %arg2[%dma_start3A_1086, %dma_start3A_1087] : memref<100000x64xf32, #tpu.memory_space<hbm>> -> memref<100000x64xf32, #tpu.memory_space<hbm>>
    tpu.enqueue_indirect_dma source(%dma_start3A_1088 : memref<100000x64xf32, #tpu.memory_space<hbm>>) target(%dma_start3A_1082 : memref<100x64xf32, #tpu.memory_space<vmem>>) offsets(%dma_start3A_1085 : memref<100xi32, #tpu.memory_space<vmem>>) semaphore(%arg13 : memref<!tpu.dma_semaphore, #tpu.memory_space<semaphore_mem>>)
    %dma_start3A_1089 = arith.constant 62 : i32
    %dma_start3A_1090 = arith.constant 200 : i32
    %dma_start3A_1091 = arith.constant 0 : i32
    %dma_start3A_1092 = tpu.memref_slice %arg9[%dma_start3A_1090, %dma_start3A_1091] : memref<400x64xf32, #tpu.memory_space<vmem>> -> memref<100x64xf32, #tpu.memory_space<vmem>>
    %dma_start3A_1093 = arith.constant 0 : i32
    %dma_start3A_1094 = tpu.memref_slice %arg5[%dma_start3A_1089, %dma_start3A_1093] : memref<64x100xi32, #tpu.memory_space<vmem>> -> memref<1x100xi32, #tpu.memory_space<vmem>>
    %dma_start3A_1095 = tpu.memref_squeeze %dma_start3A_1094 : memref<1x100xi32, #tpu.memory_space<vmem>> -> memref<100xi32, #tpu.memory_space<vmem>>
    %dma_start3A_1096 = arith.constant 0 : i32
    %dma_start3A_1097 = arith.constant 0 : i32
    %dma_start3A_1098 = tpu.memref_slice %arg2[%dma_start3A_1096, %dma_start3A_1097] : memref<100000x64xf32, #tpu.memory_space<hbm>> -> memref<100000x64xf32, #tpu.memory_space<hbm>>
    tpu.enqueue_indirect_dma source(%dma_start3A_1098 : memref<100000x64xf32, #tpu.memory_space<hbm>>) target(%dma_start3A_1092 : memref<100x64xf32, #tpu.memory_space<vmem>>) offsets(%dma_start3A_1095 : memref<100xi32, #tpu.memory_space<vmem>>) semaphore(%arg13 : memref<!tpu.dma_semaphore, #tpu.memory_space<semaphore_mem>>)
    %dma_start3A_1099 = arith.constant 63 : i32
    %dma_start3A_1100 = arith.constant 300 : i32
    %dma_start3A_1101 = arith.constant 0 : i32
    %dma_start3A_1102 = tpu.memref_slice %arg9[%dma_start3A_1100, %dma_start3A_1101] : memref<400x64xf32, #tpu.memory_space<vmem>> -> memref<100x64xf32, #tpu.memory_space<vmem>>
    %dma_start3A_1103 = arith.constant 0 : i32
    %dma_start3A_1104 = tpu.memref_slice %arg5[%dma_start3A_1099, %dma_start3A_1103] : memref<64x100xi32, #tpu.memory_space<vmem>> -> memref<1x100xi32, #tpu.memory_space<vmem>>
    %dma_start3A_1105 = tpu.memref_squeeze %dma_start3A_1104 : memref<1x100xi32, #tpu.memory_space<vmem>> -> memref<100xi32, #tpu.memory_space<vmem>>
    %dma_start3A_1106 = arith.constant 0 : i32
    %dma_start3A_1107 = arith.constant 0 : i32
    %dma_start3A_1108 = tpu.memref_slice %arg2[%dma_start3A_1106, %dma_start3A_1107] : memref<100000x64xf32, #tpu.memory_space<hbm>> -> memref<100000x64xf32, #tpu.memory_space<hbm>>
    tpu.enqueue_indirect_dma source(%dma_start3A_1108 : memref<100000x64xf32, #tpu.memory_space<hbm>>) target(%dma_start3A_1102 : memref<100x64xf32, #tpu.memory_space<vmem>>) offsets(%dma_start3A_1105 : memref<100xi32, #tpu.memory_space<vmem>>) semaphore(%arg13 : memref<!tpu.dma_semaphore, #tpu.memory_space<semaphore_mem>>)
    %add3A_1109 = arith.constant 48 : i32
    %add3A_1110 = arith.addi %add3A_6, %add3A_1109 : i32
    %add3A_1111 = arith.constant 0 : i32
    %add3A_1112 = arith.addi %add3A_1110, %add3A_1111 : i32
    %dma_start3A_1113 = arith.constant 0 : i32
    %dma_start3A_1114 = arith.constant 0 : i32
    %dma_start3A_1115 = tpu.memref_slice %arg8[%dma_start3A_1113, %dma_start3A_1114] : memref<400x64xf32, #tpu.memory_space<vmem>> -> memref<50x64xf32, #tpu.memory_space<vmem>>
    %dma_start3A_1116 = arith.constant 0 : i32
    %dma_start3A_1117 = arith.constant 0 : i32
    %dma_start3A_1118 = tpu.memref_slice %arg4[%add3A_1112, %dma_start3A_1116, %dma_start3A_1117] : memref<4096x56x128xf32, #tpu.memory_space<hbm>> -> memref<1x50x64xf32, #tpu.memory_space<hbm>>
    %dma_start3A_1119 = tpu.memref_squeeze %dma_start3A_1118 : memref<1x50x64xf32, #tpu.memory_space<hbm>> -> memref<50x64xf32, #tpu.memory_space<hbm>>
    %dma_start3A_1120 = arith.constant 0 : i32
    %dma_start3A_1121 = arith.constant 0 : i32
    %dma_start3A_1122 = tpu.memref_slice %arg4[%add3A_1112, %dma_start3A_1120, %dma_start3A_1121] : memref<4096x56x128xf32, #tpu.memory_space<hbm>> -> memref<1x50x64xf32, #tpu.memory_space<hbm>>
    %dma_start3A_1123 = tpu.memref_squeeze %dma_start3A_1122 : memref<1x50x64xf32, #tpu.memory_space<hbm>> -> memref<50x64xf32, #tpu.memory_space<hbm>>
    %dma_start3A_1124 = arith.constant 0 : i32
    %dma_start3A_1125 = arith.constant 0 : i32
    %dma_start3A_1126 = tpu.memref_slice %arg8[%dma_start3A_1124, %dma_start3A_1125] : memref<400x64xf32, #tpu.memory_space<vmem>> -> memref<50x64xf32, #tpu.memory_space<vmem>>
    tpu.enqueue_dma source(%dma_start3A_1126 : memref<50x64xf32, #tpu.memory_space<vmem>>) target(%dma_start3A_1123 : memref<50x64xf32, #tpu.memory_space<hbm>>) target_semaphore(%arg16 : memref<!tpu.dma_semaphore, #tpu.memory_space<semaphore_mem>>)
    %add3A_1127 = arith.constant 48 : i32
    %add3A_1128 = arith.addi %add3A_6, %add3A_1127 : i32
    %add3A_1129 = arith.constant 1 : i32
    %add3A_1130 = arith.addi %add3A_1128, %add3A_1129 : i32
    %dma_start3A_1131 = arith.constant 50 : i32
    %dma_start3A_1132 = arith.constant 0 : i32
    %dma_start3A_1133 = tpu.memref_slice %arg8[%dma_start3A_1131, %dma_start3A_1132] : memref<400x64xf32, #tpu.memory_space<vmem>> -> memref<50x64xf32, #tpu.memory_space<vmem>>
    %dma_start3A_1134 = arith.constant 0 : i32
    %dma_start3A_1135 = arith.constant 0 : i32
    %dma_start3A_1136 = tpu.memref_slice %arg4[%add3A_1130, %dma_start3A_1134, %dma_start3A_1135] : memref<4096x56x128xf32, #tpu.memory_space<hbm>> -> memref<1x50x64xf32, #tpu.memory_space<hbm>>
    %dma_start3A_1137 = tpu.memref_squeeze %dma_start3A_1136 : memref<1x50x64xf32, #tpu.memory_space<hbm>> -> memref<50x64xf32, #tpu.memory_space<hbm>>
    %dma_start3A_1138 = arith.constant 0 : i32
    %dma_start3A_1139 = arith.constant 0 : i32
    %dma_start3A_1140 = tpu.memref_slice %arg4[%add3A_1130, %dma_start3A_1138, %dma_start3A_1139] : memref<4096x56x128xf32, #tpu.memory_space<hbm>> -> memref<1x50x64xf32, #tpu.memory_space<hbm>>
    %dma_start3A_1141 = tpu.memref_squeeze %dma_start3A_1140 : memref<1x50x64xf32, #tpu.memory_space<hbm>> -> memref<50x64xf32, #tpu.memory_space<hbm>>
    %dma_start3A_1142 = arith.constant 50 : i32
    %dma_start3A_1143 = arith.constant 0 : i32
    %dma_start3A_1144 = tpu.memref_slice %arg8[%dma_start3A_1142, %dma_start3A_1143] : memref<400x64xf32, #tpu.memory_space<vmem>> -> memref<50x64xf32, #tpu.memory_space<vmem>>
    tpu.enqueue_dma source(%dma_start3A_1144 : memref<50x64xf32, #tpu.memory_space<vmem>>) target(%dma_start3A_1141 : memref<50x64xf32, #tpu.memory_space<hbm>>) target_semaphore(%arg16 : memref<!tpu.dma_semaphore, #tpu.memory_space<semaphore_mem>>)
    %add3A_1145 = arith.constant 48 : i32
    %add3A_1146 = arith.addi %add3A_6, %add3A_1145 : i32
    %add3A_1147 = arith.constant 2 : i32
    %add3A_1148 = arith.addi %add3A_1146, %add3A_1147 : i32
    %dma_start3A_1149 = arith.constant 100 : i32
    %dma_start3A_1150 = arith.constant 0 : i32
    %dma_start3A_1151 = tpu.memref_slice %arg8[%dma_start3A_1149, %dma_start3A_1150] : memref<400x64xf32, #tpu.memory_space<vmem>> -> memref<50x64xf32, #tpu.memory_space<vmem>>
    %dma_start3A_1152 = arith.constant 0 : i32
    %dma_start3A_1153 = arith.constant 0 : i32
    %dma_start3A_1154 = tpu.memref_slice %arg4[%add3A_1148, %dma_start3A_1152, %dma_start3A_1153] : memref<4096x56x128xf32, #tpu.memory_space<hbm>> -> memref<1x50x64xf32, #tpu.memory_space<hbm>>
    %dma_start3A_1155 = tpu.memref_squeeze %dma_start3A_1154 : memref<1x50x64xf32, #tpu.memory_space<hbm>> -> memref<50x64xf32, #tpu.memory_space<hbm>>
    %dma_start3A_1156 = arith.constant 0 : i32
    %dma_start3A_1157 = arith.constant 0 : i32
    %dma_start3A_1158 = tpu.memref_slice %arg4[%add3A_1148, %dma_start3A_1156, %dma_start3A_1157] : memref<4096x56x128xf32, #tpu.memory_space<hbm>> -> memref<1x50x64xf32, #tpu.memory_space<hbm>>
    %dma_start3A_1159 = tpu.memref_squeeze %dma_start3A_1158 : memref<1x50x64xf32, #tpu.memory_space<hbm>> -> memref<50x64xf32, #tpu.memory_space<hbm>>
    %dma_start3A_1160 = arith.constant 100 : i32
    %dma_start3A_1161 = arith.constant 0 : i32
    %dma_start3A_1162 = tpu.memref_slice %arg8[%dma_start3A_1160, %dma_start3A_1161] : memref<400x64xf32, #tpu.memory_space<vmem>> -> memref<50x64xf32, #tpu.memory_space<vmem>>
    tpu.enqueue_dma source(%dma_start3A_1162 : memref<50x64xf32, #tpu.memory_space<vmem>>) target(%dma_start3A_1159 : memref<50x64xf32, #tpu.memory_space<hbm>>) target_semaphore(%arg16 : memref<!tpu.dma_semaphore, #tpu.memory_space<semaphore_mem>>)
    %add3A_1163 = arith.constant 48 : i32
    %add3A_1164 = arith.addi %add3A_6, %add3A_1163 : i32
    %add3A_1165 = arith.constant 3 : i32
    %add3A_1166 = arith.addi %add3A_1164, %add3A_1165 : i32
    %dma_start3A_1167 = arith.constant 150 : i32
    %dma_start3A_1168 = arith.constant 0 : i32
    %dma_start3A_1169 = tpu.memref_slice %arg8[%dma_start3A_1167, %dma_start3A_1168] : memref<400x64xf32, #tpu.memory_space<vmem>> -> memref<50x64xf32, #tpu.memory_space<vmem>>
    %dma_start3A_1170 = arith.constant 0 : i32
    %dma_start3A_1171 = arith.constant 0 : i32
    %dma_start3A_1172 = tpu.memref_slice %arg4[%add3A_1166, %dma_start3A_1170, %dma_start3A_1171] : memref<4096x56x128xf32, #tpu.memory_space<hbm>> -> memref<1x50x64xf32, #tpu.memory_space<hbm>>
    %dma_start3A_1173 = tpu.memref_squeeze %dma_start3A_1172 : memref<1x50x64xf32, #tpu.memory_space<hbm>> -> memref<50x64xf32, #tpu.memory_space<hbm>>
    %dma_start3A_1174 = arith.constant 0 : i32
    %dma_start3A_1175 = arith.constant 0 : i32
    %dma_start3A_1176 = tpu.memref_slice %arg4[%add3A_1166, %dma_start3A_1174, %dma_start3A_1175] : memref<4096x56x128xf32, #tpu.memory_space<hbm>> -> memref<1x50x64xf32, #tpu.memory_space<hbm>>
    %dma_start3A_1177 = tpu.memref_squeeze %dma_start3A_1176 : memref<1x50x64xf32, #tpu.memory_space<hbm>> -> memref<50x64xf32, #tpu.memory_space<hbm>>
    %dma_start3A_1178 = arith.constant 150 : i32
    %dma_start3A_1179 = arith.constant 0 : i32
    %dma_start3A_1180 = tpu.memref_slice %arg8[%dma_start3A_1178, %dma_start3A_1179] : memref<400x64xf32, #tpu.memory_space<vmem>> -> memref<50x64xf32, #tpu.memory_space<vmem>>
    tpu.enqueue_dma source(%dma_start3A_1180 : memref<50x64xf32, #tpu.memory_space<vmem>>) target(%dma_start3A_1177 : memref<50x64xf32, #tpu.memory_space<hbm>>) target_semaphore(%arg16 : memref<!tpu.dma_semaphore, #tpu.memory_space<semaphore_mem>>)
    %add3A_1181 = arith.constant 48 : i32
    %add3A_1182 = arith.addi %add3A_6, %add3A_1181 : i32
    %add3A_1183 = arith.constant 4 : i32
    %add3A_1184 = arith.addi %add3A_1182, %add3A_1183 : i32
    %dma_start3A_1185 = arith.constant 200 : i32
    %dma_start3A_1186 = arith.constant 0 : i32
    %dma_start3A_1187 = tpu.memref_slice %arg8[%dma_start3A_1185, %dma_start3A_1186] : memref<400x64xf32, #tpu.memory_space<vmem>> -> memref<50x64xf32, #tpu.memory_space<vmem>>
    %dma_start3A_1188 = arith.constant 0 : i32
    %dma_start3A_1189 = arith.constant 0 : i32
    %dma_start3A_1190 = tpu.memref_slice %arg4[%add3A_1184, %dma_start3A_1188, %dma_start3A_1189] : memref<4096x56x128xf32, #tpu.memory_space<hbm>> -> memref<1x50x64xf32, #tpu.memory_space<hbm>>
    %dma_start3A_1191 = tpu.memref_squeeze %dma_start3A_1190 : memref<1x50x64xf32, #tpu.memory_space<hbm>> -> memref<50x64xf32, #tpu.memory_space<hbm>>
    %dma_start3A_1192 = arith.constant 0 : i32
    %dma_start3A_1193 = arith.constant 0 : i32
    %dma_start3A_1194 = tpu.memref_slice %arg4[%add3A_1184, %dma_start3A_1192, %dma_start3A_1193] : memref<4096x56x128xf32, #tpu.memory_space<hbm>> -> memref<1x50x64xf32, #tpu.memory_space<hbm>>
    %dma_start3A_1195 = tpu.memref_squeeze %dma_start3A_1194 : memref<1x50x64xf32, #tpu.memory_space<hbm>> -> memref<50x64xf32, #tpu.memory_space<hbm>>
    %dma_start3A_1196 = arith.constant 200 : i32
    %dma_start3A_1197 = arith.constant 0 : i32
    %dma_start3A_1198 = tpu.memref_slice %arg8[%dma_start3A_1196, %dma_start3A_1197] : memref<400x64xf32, #tpu.memory_space<vmem>> -> memref<50x64xf32, #tpu.memory_space<vmem>>
    tpu.enqueue_dma source(%dma_start3A_1198 : memref<50x64xf32, #tpu.memory_space<vmem>>) target(%dma_start3A_1195 : memref<50x64xf32, #tpu.memory_space<hbm>>) target_semaphore(%arg16 : memref<!tpu.dma_semaphore, #tpu.memory_space<semaphore_mem>>)
    %add3A_1199 = arith.constant 48 : i32
    %add3A_1200 = arith.addi %add3A_6, %add3A_1199 : i32
    %add3A_1201 = arith.constant 5 : i32
    %add3A_1202 = arith.addi %add3A_1200, %add3A_1201 : i32
    %dma_start3A_1203 = arith.constant 250 : i32
    %dma_start3A_1204 = arith.constant 0 : i32
    %dma_start3A_1205 = tpu.memref_slice %arg8[%dma_start3A_1203, %dma_start3A_1204] : memref<400x64xf32, #tpu.memory_space<vmem>> -> memref<50x64xf32, #tpu.memory_space<vmem>>
    %dma_start3A_1206 = arith.constant 0 : i32
    %dma_start3A_1207 = arith.constant 0 : i32
    %dma_start3A_1208 = tpu.memref_slice %arg4[%add3A_1202, %dma_start3A_1206, %dma_start3A_1207] : memref<4096x56x128xf32, #tpu.memory_space<hbm>> -> memref<1x50x64xf32, #tpu.memory_space<hbm>>
    %dma_start3A_1209 = tpu.memref_squeeze %dma_start3A_1208 : memref<1x50x64xf32, #tpu.memory_space<hbm>> -> memref<50x64xf32, #tpu.memory_space<hbm>>
    %dma_start3A_1210 = arith.constant 0 : i32
    %dma_start3A_1211 = arith.constant 0 : i32
    %dma_start3A_1212 = tpu.memref_slice %arg4[%add3A_1202, %dma_start3A_1210, %dma_start3A_1211] : memref<4096x56x128xf32, #tpu.memory_space<hbm>> -> memref<1x50x64xf32, #tpu.memory_space<hbm>>
    %dma_start3A_1213 = tpu.memref_squeeze %dma_start3A_1212 : memref<1x50x64xf32, #tpu.memory_space<hbm>> -> memref<50x64xf32, #tpu.memory_space<hbm>>
    %dma_start3A_1214 = arith.constant 250 : i32
    %dma_start3A_1215 = arith.constant 0 : i32
    %dma_start3A_1216 = tpu.memref_slice %arg8[%dma_start3A_1214, %dma_start3A_1215] : memref<400x64xf32, #tpu.memory_space<vmem>> -> memref<50x64xf32, #tpu.memory_space<vmem>>
    tpu.enqueue_dma source(%dma_start3A_1216 : memref<50x64xf32, #tpu.memory_space<vmem>>) target(%dma_start3A_1213 : memref<50x64xf32, #tpu.memory_space<hbm>>) target_semaphore(%arg16 : memref<!tpu.dma_semaphore, #tpu.memory_space<semaphore_mem>>)
    %add3A_1217 = arith.constant 48 : i32
    %add3A_1218 = arith.addi %add3A_6, %add3A_1217 : i32
    %add3A_1219 = arith.constant 6 : i32
    %add3A_1220 = arith.addi %add3A_1218, %add3A_1219 : i32
    %dma_start3A_1221 = arith.constant 300 : i32
    %dma_start3A_1222 = arith.constant 0 : i32
    %dma_start3A_1223 = tpu.memref_slice %arg8[%dma_start3A_1221, %dma_start3A_1222] : memref<400x64xf32, #tpu.memory_space<vmem>> -> memref<50x64xf32, #tpu.memory_space<vmem>>
    %dma_start3A_1224 = arith.constant 0 : i32
    %dma_start3A_1225 = arith.constant 0 : i32
    %dma_start3A_1226 = tpu.memref_slice %arg4[%add3A_1220, %dma_start3A_1224, %dma_start3A_1225] : memref<4096x56x128xf32, #tpu.memory_space<hbm>> -> memref<1x50x64xf32, #tpu.memory_space<hbm>>
    %dma_start3A_1227 = tpu.memref_squeeze %dma_start3A_1226 : memref<1x50x64xf32, #tpu.memory_space<hbm>> -> memref<50x64xf32, #tpu.memory_space<hbm>>
    %dma_start3A_1228 = arith.constant 0 : i32
    %dma_start3A_1229 = arith.constant 0 : i32
    %dma_start3A_1230 = tpu.memref_slice %arg4[%add3A_1220, %dma_start3A_1228, %dma_start3A_1229] : memref<4096x56x128xf32, #tpu.memory_space<hbm>> -> memref<1x50x64xf32, #tpu.memory_space<hbm>>
    %dma_start3A_1231 = tpu.memref_squeeze %dma_start3A_1230 : memref<1x50x64xf32, #tpu.memory_space<hbm>> -> memref<50x64xf32, #tpu.memory_space<hbm>>
    %dma_start3A_1232 = arith.constant 300 : i32
    %dma_start3A_1233 = arith.constant 0 : i32
    %dma_start3A_1234 = tpu.memref_slice %arg8[%dma_start3A_1232, %dma_start3A_1233] : memref<400x64xf32, #tpu.memory_space<vmem>> -> memref<50x64xf32, #tpu.memory_space<vmem>>
    tpu.enqueue_dma source(%dma_start3A_1234 : memref<50x64xf32, #tpu.memory_space<vmem>>) target(%dma_start3A_1231 : memref<50x64xf32, #tpu.memory_space<hbm>>) target_semaphore(%arg16 : memref<!tpu.dma_semaphore, #tpu.memory_space<semaphore_mem>>)
    %add3A_1235 = arith.constant 48 : i32
    %add3A_1236 = arith.addi %add3A_6, %add3A_1235 : i32
    %add3A_1237 = arith.constant 7 : i32
    %add3A_1238 = arith.addi %add3A_1236, %add3A_1237 : i32
    %dma_start3A_1239 = arith.constant 350 : i32
    %dma_start3A_1240 = arith.constant 0 : i32
    %dma_start3A_1241 = tpu.memref_slice %arg8[%dma_start3A_1239, %dma_start3A_1240] : memref<400x64xf32, #tpu.memory_space<vmem>> -> memref<50x64xf32, #tpu.memory_space<vmem>>
    %dma_start3A_1242 = arith.constant 0 : i32
    %dma_start3A_1243 = arith.constant 0 : i32
    %dma_start3A_1244 = tpu.memref_slice %arg4[%add3A_1238, %dma_start3A_1242, %dma_start3A_1243] : memref<4096x56x128xf32, #tpu.memory_space<hbm>> -> memref<1x50x64xf32, #tpu.memory_space<hbm>>
    %dma_start3A_1245 = tpu.memref_squeeze %dma_start3A_1244 : memref<1x50x64xf32, #tpu.memory_space<hbm>> -> memref<50x64xf32, #tpu.memory_space<hbm>>
    %dma_start3A_1246 = arith.constant 0 : i32
    %dma_start3A_1247 = arith.constant 0 : i32
    %dma_start3A_1248 = tpu.memref_slice %arg4[%add3A_1238, %dma_start3A_1246, %dma_start3A_1247] : memref<4096x56x128xf32, #tpu.memory_space<hbm>> -> memref<1x50x64xf32, #tpu.memory_space<hbm>>
    %dma_start3A_1249 = tpu.memref_squeeze %dma_start3A_1248 : memref<1x50x64xf32, #tpu.memory_space<hbm>> -> memref<50x64xf32, #tpu.memory_space<hbm>>
    %dma_start3A_1250 = arith.constant 350 : i32
    %dma_start3A_1251 = arith.constant 0 : i32
    %dma_start3A_1252 = tpu.memref_slice %arg8[%dma_start3A_1250, %dma_start3A_1251] : memref<400x64xf32, #tpu.memory_space<vmem>> -> memref<50x64xf32, #tpu.memory_space<vmem>>
    tpu.enqueue_dma source(%dma_start3A_1252 : memref<50x64xf32, #tpu.memory_space<vmem>>) target(%dma_start3A_1249 : memref<50x64xf32, #tpu.memory_space<hbm>>) target_semaphore(%arg16 : memref<!tpu.dma_semaphore, #tpu.memory_space<semaphore_mem>>)
    %dma_wait3A_1253 = arith.constant 0 : i32
    %dma_wait3A_1254 = arith.constant 0 : i32
    %dma_wait3A_1255 = tpu.memref_slice %arg2[%dma_wait3A_1253, %dma_wait3A_1254] : memref<100000x64xf32, #tpu.memory_space<hbm>> -> memref<400x64xf32, #tpu.memory_space<hbm>>
    %dma_wait3A_1256 = arith.constant 0 : i32
    %dma_wait3A_1257 = arith.constant 0 : i32
    %dma_wait3A_1258 = tpu.memref_slice %arg2[%dma_wait3A_1256, %dma_wait3A_1257] : memref<100000x64xf32, #tpu.memory_space<hbm>> -> memref<400x64xf32, #tpu.memory_space<hbm>>
    tpu.wait_dma2 semaphore(%arg11 : memref<!tpu.dma_semaphore, #tpu.memory_space<semaphore_mem>>) src(%dma_wait3A_1258 : memref<400x64xf32, #tpu.memory_space<hbm>>) dst(%arg7 : memref<400x64xf32, #tpu.memory_space<vmem>>)
    %dma_wait3A_1259 = arith.constant 0 : i32
    %dma_wait3A_1260 = arith.constant 0 : i32
    %dma_wait3A_1261 = tpu.memref_slice %arg2[%dma_wait3A_1259, %dma_wait3A_1260] : memref<100000x64xf32, #tpu.memory_space<hbm>> -> memref<400x64xf32, #tpu.memory_space<hbm>>
    %dma_wait3A_1262 = arith.constant 0 : i32
    %dma_wait3A_1263 = arith.constant 0 : i32
    %dma_wait3A_1264 = tpu.memref_slice %arg2[%dma_wait3A_1262, %dma_wait3A_1263] : memref<100000x64xf32, #tpu.memory_space<hbm>> -> memref<400x64xf32, #tpu.memory_space<hbm>>
    tpu.wait_dma2 semaphore(%arg14 : memref<!tpu.dma_semaphore, #tpu.memory_space<semaphore_mem>>) src(%dma_wait3A_1264 : memref<400x64xf32, #tpu.memory_space<hbm>>) dst(%arg6 : memref<400x64xf32, #tpu.memory_space<vmem>>)
    %add3A_1265 = arith.constant 56 : i32
    %add3A_1266 = arith.addi %mul3A_2, %add3A_1265 : i32
    %add3A_1267 = arith.constant 0 : i32
    %add3A_1268 = arith.addi %add3A_1266, %add3A_1267 : i32
    %dma_start3A_1269 = arith.constant 0 : i32
    %dma_start3A_1270 = arith.constant 0 : i32
    %dma_start3A_1271 = tpu.memref_slice %arg7[%dma_start3A_1269, %dma_start3A_1270] : memref<400x64xf32, #tpu.memory_space<vmem>> -> memref<50x64xf32, #tpu.memory_space<vmem>>
    %dma_start3A_1272 = arith.constant 0 : i32
    %dma_start3A_1273 = arith.constant 0 : i32
    %dma_start3A_1274 = tpu.memref_slice %arg4[%add3A_1268, %dma_start3A_1272, %dma_start3A_1273] : memref<4096x56x128xf32, #tpu.memory_space<hbm>> -> memref<1x50x64xf32, #tpu.memory_space<hbm>>
    %dma_start3A_1275 = tpu.memref_squeeze %dma_start3A_1274 : memref<1x50x64xf32, #tpu.memory_space<hbm>> -> memref<50x64xf32, #tpu.memory_space<hbm>>
    %dma_start3A_1276 = arith.constant 0 : i32
    %dma_start3A_1277 = arith.constant 0 : i32
    %dma_start3A_1278 = tpu.memref_slice %arg4[%add3A_1268, %dma_start3A_1276, %dma_start3A_1277] : memref<4096x56x128xf32, #tpu.memory_space<hbm>> -> memref<1x50x64xf32, #tpu.memory_space<hbm>>
    %dma_start3A_1279 = tpu.memref_squeeze %dma_start3A_1278 : memref<1x50x64xf32, #tpu.memory_space<hbm>> -> memref<50x64xf32, #tpu.memory_space<hbm>>
    %dma_start3A_1280 = arith.constant 0 : i32
    %dma_start3A_1281 = arith.constant 0 : i32
    %dma_start3A_1282 = tpu.memref_slice %arg7[%dma_start3A_1280, %dma_start3A_1281] : memref<400x64xf32, #tpu.memory_space<vmem>> -> memref<50x64xf32, #tpu.memory_space<vmem>>
    tpu.enqueue_dma source(%dma_start3A_1282 : memref<50x64xf32, #tpu.memory_space<vmem>>) target(%dma_start3A_1279 : memref<50x64xf32, #tpu.memory_space<hbm>>) target_semaphore(%arg15 : memref<!tpu.dma_semaphore, #tpu.memory_space<semaphore_mem>>)
    %add3A_1283 = arith.constant 56 : i32
    %add3A_1284 = arith.addi %mul3A_2, %add3A_1283 : i32
    %add3A_1285 = arith.constant 1 : i32
    %add3A_1286 = arith.addi %add3A_1284, %add3A_1285 : i32
    %dma_start3A_1287 = arith.constant 50 : i32
    %dma_start3A_1288 = arith.constant 0 : i32
    %dma_start3A_1289 = tpu.memref_slice %arg7[%dma_start3A_1287, %dma_start3A_1288] : memref<400x64xf32, #tpu.memory_space<vmem>> -> memref<50x64xf32, #tpu.memory_space<vmem>>
    %dma_start3A_1290 = arith.constant 0 : i32
    %dma_start3A_1291 = arith.constant 0 : i32
    %dma_start3A_1292 = tpu.memref_slice %arg4[%add3A_1286, %dma_start3A_1290, %dma_start3A_1291] : memref<4096x56x128xf32, #tpu.memory_space<hbm>> -> memref<1x50x64xf32, #tpu.memory_space<hbm>>
    %dma_start3A_1293 = tpu.memref_squeeze %dma_start3A_1292 : memref<1x50x64xf32, #tpu.memory_space<hbm>> -> memref<50x64xf32, #tpu.memory_space<hbm>>
    %dma_start3A_1294 = arith.constant 0 : i32
    %dma_start3A_1295 = arith.constant 0 : i32
    %dma_start3A_1296 = tpu.memref_slice %arg4[%add3A_1286, %dma_start3A_1294, %dma_start3A_1295] : memref<4096x56x128xf32, #tpu.memory_space<hbm>> -> memref<1x50x64xf32, #tpu.memory_space<hbm>>
    %dma_start3A_1297 = tpu.memref_squeeze %dma_start3A_1296 : memref<1x50x64xf32, #tpu.memory_space<hbm>> -> memref<50x64xf32, #tpu.memory_space<hbm>>
    %dma_start3A_1298 = arith.constant 50 : i32
    %dma_start3A_1299 = arith.constant 0 : i32
    %dma_start3A_1300 = tpu.memref_slice %arg7[%dma_start3A_1298, %dma_start3A_1299] : memref<400x64xf32, #tpu.memory_space<vmem>> -> memref<50x64xf32, #tpu.memory_space<vmem>>
    tpu.enqueue_dma source(%dma_start3A_1300 : memref<50x64xf32, #tpu.memory_space<vmem>>) target(%dma_start3A_1297 : memref<50x64xf32, #tpu.memory_space<hbm>>) target_semaphore(%arg15 : memref<!tpu.dma_semaphore, #tpu.memory_space<semaphore_mem>>)
    %add3A_1301 = arith.constant 56 : i32
    %add3A_1302 = arith.addi %mul3A_2, %add3A_1301 : i32
    %add3A_1303 = arith.constant 2 : i32
    %add3A_1304 = arith.addi %add3A_1302, %add3A_1303 : i32
    %dma_start3A_1305 = arith.constant 100 : i32
    %dma_start3A_1306 = arith.constant 0 : i32
    %dma_start3A_1307 = tpu.memref_slice %arg7[%dma_start3A_1305, %dma_start3A_1306] : memref<400x64xf32, #tpu.memory_space<vmem>> -> memref<50x64xf32, #tpu.memory_space<vmem>>
    %dma_start3A_1308 = arith.constant 0 : i32
    %dma_start3A_1309 = arith.constant 0 : i32
    %dma_start3A_1310 = tpu.memref_slice %arg4[%add3A_1304, %dma_start3A_1308, %dma_start3A_1309] : memref<4096x56x128xf32, #tpu.memory_space<hbm>> -> memref<1x50x64xf32, #tpu.memory_space<hbm>>
    %dma_start3A_1311 = tpu.memref_squeeze %dma_start3A_1310 : memref<1x50x64xf32, #tpu.memory_space<hbm>> -> memref<50x64xf32, #tpu.memory_space<hbm>>
    %dma_start3A_1312 = arith.constant 0 : i32
    %dma_start3A_1313 = arith.constant 0 : i32
    %dma_start3A_1314 = tpu.memref_slice %arg4[%add3A_1304, %dma_start3A_1312, %dma_start3A_1313] : memref<4096x56x128xf32, #tpu.memory_space<hbm>> -> memref<1x50x64xf32, #tpu.memory_space<hbm>>
    %dma_start3A_1315 = tpu.memref_squeeze %dma_start3A_1314 : memref<1x50x64xf32, #tpu.memory_space<hbm>> -> memref<50x64xf32, #tpu.memory_space<hbm>>
    %dma_start3A_1316 = arith.constant 100 : i32
    %dma_start3A_1317 = arith.constant 0 : i32
    %dma_start3A_1318 = tpu.memref_slice %arg7[%dma_start3A_1316, %dma_start3A_1317] : memref<400x64xf32, #tpu.memory_space<vmem>> -> memref<50x64xf32, #tpu.memory_space<vmem>>
    tpu.enqueue_dma source(%dma_start3A_1318 : memref<50x64xf32, #tpu.memory_space<vmem>>) target(%dma_start3A_1315 : memref<50x64xf32, #tpu.memory_space<hbm>>) target_semaphore(%arg15 : memref<!tpu.dma_semaphore, #tpu.memory_space<semaphore_mem>>)
    %add3A_1319 = arith.constant 56 : i32
    %add3A_1320 = arith.addi %mul3A_2, %add3A_1319 : i32
    %add3A_1321 = arith.constant 3 : i32
    %add3A_1322 = arith.addi %add3A_1320, %add3A_1321 : i32
    %dma_start3A_1323 = arith.constant 150 : i32
    %dma_start3A_1324 = arith.constant 0 : i32
    %dma_start3A_1325 = tpu.memref_slice %arg7[%dma_start3A_1323, %dma_start3A_1324] : memref<400x64xf32, #tpu.memory_space<vmem>> -> memref<50x64xf32, #tpu.memory_space<vmem>>
    %dma_start3A_1326 = arith.constant 0 : i32
    %dma_start3A_1327 = arith.constant 0 : i32
    %dma_start3A_1328 = tpu.memref_slice %arg4[%add3A_1322, %dma_start3A_1326, %dma_start3A_1327] : memref<4096x56x128xf32, #tpu.memory_space<hbm>> -> memref<1x50x64xf32, #tpu.memory_space<hbm>>
    %dma_start3A_1329 = tpu.memref_squeeze %dma_start3A_1328 : memref<1x50x64xf32, #tpu.memory_space<hbm>> -> memref<50x64xf32, #tpu.memory_space<hbm>>
    %dma_start3A_1330 = arith.constant 0 : i32
    %dma_start3A_1331 = arith.constant 0 : i32
    %dma_start3A_1332 = tpu.memref_slice %arg4[%add3A_1322, %dma_start3A_1330, %dma_start3A_1331] : memref<4096x56x128xf32, #tpu.memory_space<hbm>> -> memref<1x50x64xf32, #tpu.memory_space<hbm>>
    %dma_start3A_1333 = tpu.memref_squeeze %dma_start3A_1332 : memref<1x50x64xf32, #tpu.memory_space<hbm>> -> memref<50x64xf32, #tpu.memory_space<hbm>>
    %dma_start3A_1334 = arith.constant 150 : i32
    %dma_start3A_1335 = arith.constant 0 : i32
    %dma_start3A_1336 = tpu.memref_slice %arg7[%dma_start3A_1334, %dma_start3A_1335] : memref<400x64xf32, #tpu.memory_space<vmem>> -> memref<50x64xf32, #tpu.memory_space<vmem>>
    tpu.enqueue_dma source(%dma_start3A_1336 : memref<50x64xf32, #tpu.memory_space<vmem>>) target(%dma_start3A_1333 : memref<50x64xf32, #tpu.memory_space<hbm>>) target_semaphore(%arg15 : memref<!tpu.dma_semaphore, #tpu.memory_space<semaphore_mem>>)
    %add3A_1337 = arith.constant 56 : i32
    %add3A_1338 = arith.addi %mul3A_2, %add3A_1337 : i32
    %add3A_1339 = arith.constant 4 : i32
    %add3A_1340 = arith.addi %add3A_1338, %add3A_1339 : i32
    %dma_start3A_1341 = arith.constant 200 : i32
    %dma_start3A_1342 = arith.constant 0 : i32
    %dma_start3A_1343 = tpu.memref_slice %arg7[%dma_start3A_1341, %dma_start3A_1342] : memref<400x64xf32, #tpu.memory_space<vmem>> -> memref<50x64xf32, #tpu.memory_space<vmem>>
    %dma_start3A_1344 = arith.constant 0 : i32
    %dma_start3A_1345 = arith.constant 0 : i32
    %dma_start3A_1346 = tpu.memref_slice %arg4[%add3A_1340, %dma_start3A_1344, %dma_start3A_1345] : memref<4096x56x128xf32, #tpu.memory_space<hbm>> -> memref<1x50x64xf32, #tpu.memory_space<hbm>>
    %dma_start3A_1347 = tpu.memref_squeeze %dma_start3A_1346 : memref<1x50x64xf32, #tpu.memory_space<hbm>> -> memref<50x64xf32, #tpu.memory_space<hbm>>
    %dma_start3A_1348 = arith.constant 0 : i32
    %dma_start3A_1349 = arith.constant 0 : i32
    %dma_start3A_1350 = tpu.memref_slice %arg4[%add3A_1340, %dma_start3A_1348, %dma_start3A_1349] : memref<4096x56x128xf32, #tpu.memory_space<hbm>> -> memref<1x50x64xf32, #tpu.memory_space<hbm>>
    %dma_start3A_1351 = tpu.memref_squeeze %dma_start3A_1350 : memref<1x50x64xf32, #tpu.memory_space<hbm>> -> memref<50x64xf32, #tpu.memory_space<hbm>>
    %dma_start3A_1352 = arith.constant 200 : i32
    %dma_start3A_1353 = arith.constant 0 : i32
    %dma_start3A_1354 = tpu.memref_slice %arg7[%dma_start3A_1352, %dma_start3A_1353] : memref<400x64xf32, #tpu.memory_space<vmem>> -> memref<50x64xf32, #tpu.memory_space<vmem>>
    tpu.enqueue_dma source(%dma_start3A_1354 : memref<50x64xf32, #tpu.memory_space<vmem>>) target(%dma_start3A_1351 : memref<50x64xf32, #tpu.memory_space<hbm>>) target_semaphore(%arg15 : memref<!tpu.dma_semaphore, #tpu.memory_space<semaphore_mem>>)
    %add3A_1355 = arith.constant 56 : i32
    %add3A_1356 = arith.addi %mul3A_2, %add3A_1355 : i32
    %add3A_1357 = arith.constant 5 : i32
    %add3A_1358 = arith.addi %add3A_1356, %add3A_1357 : i32
    %dma_start3A_1359 = arith.constant 250 : i32
    %dma_start3A_1360 = arith.constant 0 : i32
    %dma_start3A_1361 = tpu.memref_slice %arg7[%dma_start3A_1359, %dma_start3A_1360] : memref<400x64xf32, #tpu.memory_space<vmem>> -> memref<50x64xf32, #tpu.memory_space<vmem>>
    %dma_start3A_1362 = arith.constant 0 : i32
    %dma_start3A_1363 = arith.constant 0 : i32
    %dma_start3A_1364 = tpu.memref_slice %arg4[%add3A_1358, %dma_start3A_1362, %dma_start3A_1363] : memref<4096x56x128xf32, #tpu.memory_space<hbm>> -> memref<1x50x64xf32, #tpu.memory_space<hbm>>
    %dma_start3A_1365 = tpu.memref_squeeze %dma_start3A_1364 : memref<1x50x64xf32, #tpu.memory_space<hbm>> -> memref<50x64xf32, #tpu.memory_space<hbm>>
    %dma_start3A_1366 = arith.constant 0 : i32
    %dma_start3A_1367 = arith.constant 0 : i32
    %dma_start3A_1368 = tpu.memref_slice %arg4[%add3A_1358, %dma_start3A_1366, %dma_start3A_1367] : memref<4096x56x128xf32, #tpu.memory_space<hbm>> -> memref<1x50x64xf32, #tpu.memory_space<hbm>>
    %dma_start3A_1369 = tpu.memref_squeeze %dma_start3A_1368 : memref<1x50x64xf32, #tpu.memory_space<hbm>> -> memref<50x64xf32, #tpu.memory_space<hbm>>
    %dma_start3A_1370 = arith.constant 250 : i32
    %dma_start3A_1371 = arith.constant 0 : i32
    %dma_start3A_1372 = tpu.memref_slice %arg7[%dma_start3A_1370, %dma_start3A_1371] : memref<400x64xf32, #tpu.memory_space<vmem>> -> memref<50x64xf32, #tpu.memory_space<vmem>>
    tpu.enqueue_dma source(%dma_start3A_1372 : memref<50x64xf32, #tpu.memory_space<vmem>>) target(%dma_start3A_1369 : memref<50x64xf32, #tpu.memory_space<hbm>>) target_semaphore(%arg15 : memref<!tpu.dma_semaphore, #tpu.memory_space<semaphore_mem>>)
    %add3A_1373 = arith.constant 56 : i32
    %add3A_1374 = arith.addi %mul3A_2, %add3A_1373 : i32
    %add3A_1375 = arith.constant 6 : i32
    %add3A_1376 = arith.addi %add3A_1374, %add3A_1375 : i32
    %dma_start3A_1377 = arith.constant 300 : i32
    %dma_start3A_1378 = arith.constant 0 : i32
    %dma_start3A_1379 = tpu.memref_slice %arg7[%dma_start3A_1377, %dma_start3A_1378] : memref<400x64xf32, #tpu.memory_space<vmem>> -> memref<50x64xf32, #tpu.memory_space<vmem>>
    %dma_start3A_1380 = arith.constant 0 : i32
    %dma_start3A_1381 = arith.constant 0 : i32
    %dma_start3A_1382 = tpu.memref_slice %arg4[%add3A_1376, %dma_start3A_1380, %dma_start3A_1381] : memref<4096x56x128xf32, #tpu.memory_space<hbm>> -> memref<1x50x64xf32, #tpu.memory_space<hbm>>
    %dma_start3A_1383 = tpu.memref_squeeze %dma_start3A_1382 : memref<1x50x64xf32, #tpu.memory_space<hbm>> -> memref<50x64xf32, #tpu.memory_space<hbm>>
    %dma_start3A_1384 = arith.constant 0 : i32
    %dma_start3A_1385 = arith.constant 0 : i32
    %dma_start3A_1386 = tpu.memref_slice %arg4[%add3A_1376, %dma_start3A_1384, %dma_start3A_1385] : memref<4096x56x128xf32, #tpu.memory_space<hbm>> -> memref<1x50x64xf32, #tpu.memory_space<hbm>>
    %dma_start3A_1387 = tpu.memref_squeeze %dma_start3A_1386 : memref<1x50x64xf32, #tpu.memory_space<hbm>> -> memref<50x64xf32, #tpu.memory_space<hbm>>
    %dma_start3A_1388 = arith.constant 300 : i32
    %dma_start3A_1389 = arith.constant 0 : i32
    %dma_start3A_1390 = tpu.memref_slice %arg7[%dma_start3A_1388, %dma_start3A_1389] : memref<400x64xf32, #tpu.memory_space<vmem>> -> memref<50x64xf32, #tpu.memory_space<vmem>>
    tpu.enqueue_dma source(%dma_start3A_1390 : memref<50x64xf32, #tpu.memory_space<vmem>>) target(%dma_start3A_1387 : memref<50x64xf32, #tpu.memory_space<hbm>>) target_semaphore(%arg15 : memref<!tpu.dma_semaphore, #tpu.memory_space<semaphore_mem>>)
    %add3A_1391 = arith.constant 56 : i32
    %add3A_1392 = arith.addi %mul3A_2, %add3A_1391 : i32
    %add3A_1393 = arith.constant 7 : i32
    %add3A_1394 = arith.addi %add3A_1392, %add3A_1393 : i32
    %dma_start3A_1395 = arith.constant 350 : i32
    %dma_start3A_1396 = arith.constant 0 : i32
    %dma_start3A_1397 = tpu.memref_slice %arg7[%dma_start3A_1395, %dma_start3A_1396] : memref<400x64xf32, #tpu.memory_space<vmem>> -> memref<50x64xf32, #tpu.memory_space<vmem>>
    %dma_start3A_1398 = arith.constant 0 : i32
    %dma_start3A_1399 = arith.constant 0 : i32
    %dma_start3A_1400 = tpu.memref_slice %arg4[%add3A_1394, %dma_start3A_1398, %dma_start3A_1399] : memref<4096x56x128xf32, #tpu.memory_space<hbm>> -> memref<1x50x64xf32, #tpu.memory_space<hbm>>
    %dma_start3A_1401 = tpu.memref_squeeze %dma_start3A_1400 : memref<1x50x64xf32, #tpu.memory_space<hbm>> -> memref<50x64xf32, #tpu.memory_space<hbm>>
    %dma_start3A_1402 = arith.constant 0 : i32
    %dma_start3A_1403 = arith.constant 0 : i32
    %dma_start3A_1404 = tpu.memref_slice %arg4[%add3A_1394, %dma_start3A_1402, %dma_start3A_1403] : memref<4096x56x128xf32, #tpu.memory_space<hbm>> -> memref<1x50x64xf32, #tpu.memory_space<hbm>>
    %dma_start3A_1405 = tpu.memref_squeeze %dma_start3A_1404 : memref<1x50x64xf32, #tpu.memory_space<hbm>> -> memref<50x64xf32, #tpu.memory_space<hbm>>
    %dma_start3A_1406 = arith.constant 350 : i32
    %dma_start3A_1407 = arith.constant 0 : i32
    %dma_start3A_1408 = tpu.memref_slice %arg7[%dma_start3A_1406, %dma_start3A_1407] : memref<400x64xf32, #tpu.memory_space<vmem>> -> memref<50x64xf32, #tpu.memory_space<vmem>>
    tpu.enqueue_dma source(%dma_start3A_1408 : memref<50x64xf32, #tpu.memory_space<vmem>>) target(%dma_start3A_1405 : memref<50x64xf32, #tpu.memory_space<hbm>>) target_semaphore(%arg15 : memref<!tpu.dma_semaphore, #tpu.memory_space<semaphore_mem>>)
    %dma_wait3A_1409 = arith.constant 0 : i32
    %dma_wait3A_1410 = arith.constant 0 : i32
    %dma_wait3A_1411 = tpu.memref_slice %arg2[%dma_wait3A_1409, %dma_wait3A_1410] : memref<100000x64xf32, #tpu.memory_space<hbm>> -> memref<400x64xf32, #tpu.memory_space<hbm>>
    %dma_wait3A_1412 = arith.constant 0 : i32
    %dma_wait3A_1413 = arith.constant 0 : i32
    %dma_wait3A_1414 = tpu.memref_slice %arg2[%dma_wait3A_1412, %dma_wait3A_1413] : memref<100000x64xf32, #tpu.memory_space<hbm>> -> memref<400x64xf32, #tpu.memory_space<hbm>>
    tpu.wait_dma2 semaphore(%arg15 : memref<!tpu.dma_semaphore, #tpu.memory_space<semaphore_mem>>) src(%dma_wait3A_1414 : memref<400x64xf32, #tpu.memory_space<hbm>>) dst(%arg7 : memref<400x64xf32, #tpu.memory_space<vmem>>)
    %dma_wait3A_1415 = arith.constant 0 : i32
    %dma_wait3A_1416 = arith.constant 0 : i32
    %dma_wait3A_1417 = tpu.memref_slice %arg2[%dma_wait3A_1415, %dma_wait3A_1416] : memref<100000x64xf32, #tpu.memory_space<hbm>> -> memref<400x64xf32, #tpu.memory_space<hbm>>
    %dma_wait3A_1418 = arith.constant 0 : i32
    %dma_wait3A_1419 = arith.constant 0 : i32
    %dma_wait3A_1420 = tpu.memref_slice %arg2[%dma_wait3A_1418, %dma_wait3A_1419] : memref<100000x64xf32, #tpu.memory_space<hbm>> -> memref<400x64xf32, #tpu.memory_space<hbm>>
    tpu.wait_dma2 semaphore(%arg13 : memref<!tpu.dma_semaphore, #tpu.memory_space<semaphore_mem>>) src(%dma_wait3A_1420 : memref<400x64xf32, #tpu.memory_space<hbm>>) dst(%arg9 : memref<400x64xf32, #tpu.memory_space<vmem>>)
    %dma_wait3A_1421 = arith.constant 0 : i32
    %dma_wait3A_1422 = arith.constant 0 : i32
    %dma_wait3A_1423 = tpu.memref_slice %arg2[%dma_wait3A_1421, %dma_wait3A_1422] : memref<100000x64xf32, #tpu.memory_space<hbm>> -> memref<400x64xf32, #tpu.memory_space<hbm>>
    %dma_wait3A_1424 = arith.constant 0 : i32
    %dma_wait3A_1425 = arith.constant 0 : i32
    %dma_wait3A_1426 = tpu.memref_slice %arg2[%dma_wait3A_1424, %dma_wait3A_1425] : memref<100000x64xf32, #tpu.memory_space<hbm>> -> memref<400x64xf32, #tpu.memory_space<hbm>>
    tpu.wait_dma2 semaphore(%arg16 : memref<!tpu.dma_semaphore, #tpu.memory_space<semaphore_mem>>) src(%dma_wait3A_1426 : memref<400x64xf32, #tpu.memory_space<hbm>>) dst(%arg8 : memref<400x64xf32, #tpu.memory_space<vmem>>)
    %add3A_1427 = arith.constant 56 : i32
    %add3A_1428 = arith.addi %add3A_6, %add3A_1427 : i32
    %add3A_1429 = arith.constant 0 : i32
    %add3A_1430 = arith.addi %add3A_1428, %add3A_1429 : i32
    %dma_start3A_1431 = arith.constant 0 : i32
    %dma_start3A_1432 = arith.constant 0 : i32
    %dma_start3A_1433 = tpu.memref_slice %arg9[%dma_start3A_1431, %dma_start3A_1432] : memref<400x64xf32, #tpu.memory_space<vmem>> -> memref<50x64xf32, #tpu.memory_space<vmem>>
    %dma_start3A_1434 = arith.constant 0 : i32
    %dma_start3A_1435 = arith.constant 0 : i32
    %dma_start3A_1436 = tpu.memref_slice %arg4[%add3A_1430, %dma_start3A_1434, %dma_start3A_1435] : memref<4096x56x128xf32, #tpu.memory_space<hbm>> -> memref<1x50x64xf32, #tpu.memory_space<hbm>>
    %dma_start3A_1437 = tpu.memref_squeeze %dma_start3A_1436 : memref<1x50x64xf32, #tpu.memory_space<hbm>> -> memref<50x64xf32, #tpu.memory_space<hbm>>
    %dma_start3A_1438 = arith.constant 0 : i32
    %dma_start3A_1439 = arith.constant 0 : i32
    %dma_start3A_1440 = tpu.memref_slice %arg4[%add3A_1430, %dma_start3A_1438, %dma_start3A_1439] : memref<4096x56x128xf32, #tpu.memory_space<hbm>> -> memref<1x50x64xf32, #tpu.memory_space<hbm>>
    %dma_start3A_1441 = tpu.memref_squeeze %dma_start3A_1440 : memref<1x50x64xf32, #tpu.memory_space<hbm>> -> memref<50x64xf32, #tpu.memory_space<hbm>>
    %dma_start3A_1442 = arith.constant 0 : i32
    %dma_start3A_1443 = arith.constant 0 : i32
    %dma_start3A_1444 = tpu.memref_slice %arg9[%dma_start3A_1442, %dma_start3A_1443] : memref<400x64xf32, #tpu.memory_space<vmem>> -> memref<50x64xf32, #tpu.memory_space<vmem>>
    tpu.enqueue_dma source(%dma_start3A_1444 : memref<50x64xf32, #tpu.memory_space<vmem>>) target(%dma_start3A_1441 : memref<50x64xf32, #tpu.memory_space<hbm>>) target_semaphore(%arg17 : memref<!tpu.dma_semaphore, #tpu.memory_space<semaphore_mem>>)
    %add3A_1445 = arith.constant 56 : i32
    %add3A_1446 = arith.addi %add3A_6, %add3A_1445 : i32
    %add3A_1447 = arith.constant 1 : i32
    %add3A_1448 = arith.addi %add3A_1446, %add3A_1447 : i32
    %dma_start3A_1449 = arith.constant 50 : i32
    %dma_start3A_1450 = arith.constant 0 : i32
    %dma_start3A_1451 = tpu.memref_slice %arg9[%dma_start3A_1449, %dma_start3A_1450] : memref<400x64xf32, #tpu.memory_space<vmem>> -> memref<50x64xf32, #tpu.memory_space<vmem>>
    %dma_start3A_1452 = arith.constant 0 : i32
    %dma_start3A_1453 = arith.constant 0 : i32
    %dma_start3A_1454 = tpu.memref_slice %arg4[%add3A_1448, %dma_start3A_1452, %dma_start3A_1453] : memref<4096x56x128xf32, #tpu.memory_space<hbm>> -> memref<1x50x64xf32, #tpu.memory_space<hbm>>
    %dma_start3A_1455 = tpu.memref_squeeze %dma_start3A_1454 : memref<1x50x64xf32, #tpu.memory_space<hbm>> -> memref<50x64xf32, #tpu.memory_space<hbm>>
    %dma_start3A_1456 = arith.constant 0 : i32
    %dma_start3A_1457 = arith.constant 0 : i32
    %dma_start3A_1458 = tpu.memref_slice %arg4[%add3A_1448, %dma_start3A_1456, %dma_start3A_1457] : memref<4096x56x128xf32, #tpu.memory_space<hbm>> -> memref<1x50x64xf32, #tpu.memory_space<hbm>>
    %dma_start3A_1459 = tpu.memref_squeeze %dma_start3A_1458 : memref<1x50x64xf32, #tpu.memory_space<hbm>> -> memref<50x64xf32, #tpu.memory_space<hbm>>
    %dma_start3A_1460 = arith.constant 50 : i32
    %dma_start3A_1461 = arith.constant 0 : i32
    %dma_start3A_1462 = tpu.memref_slice %arg9[%dma_start3A_1460, %dma_start3A_1461] : memref<400x64xf32, #tpu.memory_space<vmem>> -> memref<50x64xf32, #tpu.memory_space<vmem>>
    tpu.enqueue_dma source(%dma_start3A_1462 : memref<50x64xf32, #tpu.memory_space<vmem>>) target(%dma_start3A_1459 : memref<50x64xf32, #tpu.memory_space<hbm>>) target_semaphore(%arg17 : memref<!tpu.dma_semaphore, #tpu.memory_space<semaphore_mem>>)
    %add3A_1463 = arith.constant 56 : i32
    %add3A_1464 = arith.addi %add3A_6, %add3A_1463 : i32
    %add3A_1465 = arith.constant 2 : i32
    %add3A_1466 = arith.addi %add3A_1464, %add3A_1465 : i32
    %dma_start3A_1467 = arith.constant 100 : i32
    %dma_start3A_1468 = arith.constant 0 : i32
    %dma_start3A_1469 = tpu.memref_slice %arg9[%dma_start3A_1467, %dma_start3A_1468] : memref<400x64xf32, #tpu.memory_space<vmem>> -> memref<50x64xf32, #tpu.memory_space<vmem>>
    %dma_start3A_1470 = arith.constant 0 : i32
    %dma_start3A_1471 = arith.constant 0 : i32
    %dma_start3A_1472 = tpu.memref_slice %arg4[%add3A_1466, %dma_start3A_1470, %dma_start3A_1471] : memref<4096x56x128xf32, #tpu.memory_space<hbm>> -> memref<1x50x64xf32, #tpu.memory_space<hbm>>
    %dma_start3A_1473 = tpu.memref_squeeze %dma_start3A_1472 : memref<1x50x64xf32, #tpu.memory_space<hbm>> -> memref<50x64xf32, #tpu.memory_space<hbm>>
    %dma_start3A_1474 = arith.constant 0 : i32
    %dma_start3A_1475 = arith.constant 0 : i32
    %dma_start3A_1476 = tpu.memref_slice %arg4[%add3A_1466, %dma_start3A_1474, %dma_start3A_1475] : memref<4096x56x128xf32, #tpu.memory_space<hbm>> -> memref<1x50x64xf32, #tpu.memory_space<hbm>>
    %dma_start3A_1477 = tpu.memref_squeeze %dma_start3A_1476 : memref<1x50x64xf32, #tpu.memory_space<hbm>> -> memref<50x64xf32, #tpu.memory_space<hbm>>
    %dma_start3A_1478 = arith.constant 100 : i32
    %dma_start3A_1479 = arith.constant 0 : i32
    %dma_start3A_1480 = tpu.memref_slice %arg9[%dma_start3A_1478, %dma_start3A_1479] : memref<400x64xf32, #tpu.memory_space<vmem>> -> memref<50x64xf32, #tpu.memory_space<vmem>>
    tpu.enqueue_dma source(%dma_start3A_1480 : memref<50x64xf32, #tpu.memory_space<vmem>>) target(%dma_start3A_1477 : memref<50x64xf32, #tpu.memory_space<hbm>>) target_semaphore(%arg17 : memref<!tpu.dma_semaphore, #tpu.memory_space<semaphore_mem>>)
    %add3A_1481 = arith.constant 56 : i32
    %add3A_1482 = arith.addi %add3A_6, %add3A_1481 : i32
    %add3A_1483 = arith.constant 3 : i32
    %add3A_1484 = arith.addi %add3A_1482, %add3A_1483 : i32
    %dma_start3A_1485 = arith.constant 150 : i32
    %dma_start3A_1486 = arith.constant 0 : i32
    %dma_start3A_1487 = tpu.memref_slice %arg9[%dma_start3A_1485, %dma_start3A_1486] : memref<400x64xf32, #tpu.memory_space<vmem>> -> memref<50x64xf32, #tpu.memory_space<vmem>>
    %dma_start3A_1488 = arith.constant 0 : i32
    %dma_start3A_1489 = arith.constant 0 : i32
    %dma_start3A_1490 = tpu.memref_slice %arg4[%add3A_1484, %dma_start3A_1488, %dma_start3A_1489] : memref<4096x56x128xf32, #tpu.memory_space<hbm>> -> memref<1x50x64xf32, #tpu.memory_space<hbm>>
    %dma_start3A_1491 = tpu.memref_squeeze %dma_start3A_1490 : memref<1x50x64xf32, #tpu.memory_space<hbm>> -> memref<50x64xf32, #tpu.memory_space<hbm>>
    %dma_start3A_1492 = arith.constant 0 : i32
    %dma_start3A_1493 = arith.constant 0 : i32
    %dma_start3A_1494 = tpu.memref_slice %arg4[%add3A_1484, %dma_start3A_1492, %dma_start3A_1493] : memref<4096x56x128xf32, #tpu.memory_space<hbm>> -> memref<1x50x64xf32, #tpu.memory_space<hbm>>
    %dma_start3A_1495 = tpu.memref_squeeze %dma_start3A_1494 : memref<1x50x64xf32, #tpu.memory_space<hbm>> -> memref<50x64xf32, #tpu.memory_space<hbm>>
    %dma_start3A_1496 = arith.constant 150 : i32
    %dma_start3A_1497 = arith.constant 0 : i32
    %dma_start3A_1498 = tpu.memref_slice %arg9[%dma_start3A_1496, %dma_start3A_1497] : memref<400x64xf32, #tpu.memory_space<vmem>> -> memref<50x64xf32, #tpu.memory_space<vmem>>
    tpu.enqueue_dma source(%dma_start3A_1498 : memref<50x64xf32, #tpu.memory_space<vmem>>) target(%dma_start3A_1495 : memref<50x64xf32, #tpu.memory_space<hbm>>) target_semaphore(%arg17 : memref<!tpu.dma_semaphore, #tpu.memory_space<semaphore_mem>>)
    %add3A_1499 = arith.constant 56 : i32
    %add3A_1500 = arith.addi %add3A_6, %add3A_1499 : i32
    %add3A_1501 = arith.constant 4 : i32
    %add3A_1502 = arith.addi %add3A_1500, %add3A_1501 : i32
    %dma_start3A_1503 = arith.constant 200 : i32
    %dma_start3A_1504 = arith.constant 0 : i32
    %dma_start3A_1505 = tpu.memref_slice %arg9[%dma_start3A_1503, %dma_start3A_1504] : memref<400x64xf32, #tpu.memory_space<vmem>> -> memref<50x64xf32, #tpu.memory_space<vmem>>
    %dma_start3A_1506 = arith.constant 0 : i32
    %dma_start3A_1507 = arith.constant 0 : i32
    %dma_start3A_1508 = tpu.memref_slice %arg4[%add3A_1502, %dma_start3A_1506, %dma_start3A_1507] : memref<4096x56x128xf32, #tpu.memory_space<hbm>> -> memref<1x50x64xf32, #tpu.memory_space<hbm>>
    %dma_start3A_1509 = tpu.memref_squeeze %dma_start3A_1508 : memref<1x50x64xf32, #tpu.memory_space<hbm>> -> memref<50x64xf32, #tpu.memory_space<hbm>>
    %dma_start3A_1510 = arith.constant 0 : i32
    %dma_start3A_1511 = arith.constant 0 : i32
    %dma_start3A_1512 = tpu.memref_slice %arg4[%add3A_1502, %dma_start3A_1510, %dma_start3A_1511] : memref<4096x56x128xf32, #tpu.memory_space<hbm>> -> memref<1x50x64xf32, #tpu.memory_space<hbm>>
    %dma_start3A_1513 = tpu.memref_squeeze %dma_start3A_1512 : memref<1x50x64xf32, #tpu.memory_space<hbm>> -> memref<50x64xf32, #tpu.memory_space<hbm>>
    %dma_start3A_1514 = arith.constant 200 : i32
    %dma_start3A_1515 = arith.constant 0 : i32
    %dma_start3A_1516 = tpu.memref_slice %arg9[%dma_start3A_1514, %dma_start3A_1515] : memref<400x64xf32, #tpu.memory_space<vmem>> -> memref<50x64xf32, #tpu.memory_space<vmem>>
    tpu.enqueue_dma source(%dma_start3A_1516 : memref<50x64xf32, #tpu.memory_space<vmem>>) target(%dma_start3A_1513 : memref<50x64xf32, #tpu.memory_space<hbm>>) target_semaphore(%arg17 : memref<!tpu.dma_semaphore, #tpu.memory_space<semaphore_mem>>)
    %add3A_1517 = arith.constant 56 : i32
    %add3A_1518 = arith.addi %add3A_6, %add3A_1517 : i32
    %add3A_1519 = arith.constant 5 : i32
    %add3A_1520 = arith.addi %add3A_1518, %add3A_1519 : i32
    %dma_start3A_1521 = arith.constant 250 : i32
    %dma_start3A_1522 = arith.constant 0 : i32
    %dma_start3A_1523 = tpu.memref_slice %arg9[%dma_start3A_1521, %dma_start3A_1522] : memref<400x64xf32, #tpu.memory_space<vmem>> -> memref<50x64xf32, #tpu.memory_space<vmem>>
    %dma_start3A_1524 = arith.constant 0 : i32
    %dma_start3A_1525 = arith.constant 0 : i32
    %dma_start3A_1526 = tpu.memref_slice %arg4[%add3A_1520, %dma_start3A_1524, %dma_start3A_1525] : memref<4096x56x128xf32, #tpu.memory_space<hbm>> -> memref<1x50x64xf32, #tpu.memory_space<hbm>>
    %dma_start3A_1527 = tpu.memref_squeeze %dma_start3A_1526 : memref<1x50x64xf32, #tpu.memory_space<hbm>> -> memref<50x64xf32, #tpu.memory_space<hbm>>
    %dma_start3A_1528 = arith.constant 0 : i32
    %dma_start3A_1529 = arith.constant 0 : i32
    %dma_start3A_1530 = tpu.memref_slice %arg4[%add3A_1520, %dma_start3A_1528, %dma_start3A_1529] : memref<4096x56x128xf32, #tpu.memory_space<hbm>> -> memref<1x50x64xf32, #tpu.memory_space<hbm>>
    %dma_start3A_1531 = tpu.memref_squeeze %dma_start3A_1530 : memref<1x50x64xf32, #tpu.memory_space<hbm>> -> memref<50x64xf32, #tpu.memory_space<hbm>>
    %dma_start3A_1532 = arith.constant 250 : i32
    %dma_start3A_1533 = arith.constant 0 : i32
    %dma_start3A_1534 = tpu.memref_slice %arg9[%dma_start3A_1532, %dma_start3A_1533] : memref<400x64xf32, #tpu.memory_space<vmem>> -> memref<50x64xf32, #tpu.memory_space<vmem>>
    tpu.enqueue_dma source(%dma_start3A_1534 : memref<50x64xf32, #tpu.memory_space<vmem>>) target(%dma_start3A_1531 : memref<50x64xf32, #tpu.memory_space<hbm>>) target_semaphore(%arg17 : memref<!tpu.dma_semaphore, #tpu.memory_space<semaphore_mem>>)
    %add3A_1535 = arith.constant 56 : i32
    %add3A_1536 = arith.addi %add3A_6, %add3A_1535 : i32
    %add3A_1537 = arith.constant 6 : i32
    %add3A_1538 = arith.addi %add3A_1536, %add3A_1537 : i32
    %dma_start3A_1539 = arith.constant 300 : i32
    %dma_start3A_1540 = arith.constant 0 : i32
    %dma_start3A_1541 = tpu.memref_slice %arg9[%dma_start3A_1539, %dma_start3A_1540] : memref<400x64xf32, #tpu.memory_space<vmem>> -> memref<50x64xf32, #tpu.memory_space<vmem>>
    %dma_start3A_1542 = arith.constant 0 : i32
    %dma_start3A_1543 = arith.constant 0 : i32
    %dma_start3A_1544 = tpu.memref_slice %arg4[%add3A_1538, %dma_start3A_1542, %dma_start3A_1543] : memref<4096x56x128xf32, #tpu.memory_space<hbm>> -> memref<1x50x64xf32, #tpu.memory_space<hbm>>
    %dma_start3A_1545 = tpu.memref_squeeze %dma_start3A_1544 : memref<1x50x64xf32, #tpu.memory_space<hbm>> -> memref<50x64xf32, #tpu.memory_space<hbm>>
    %dma_start3A_1546 = arith.constant 0 : i32
    %dma_start3A_1547 = arith.constant 0 : i32
    %dma_start3A_1548 = tpu.memref_slice %arg4[%add3A_1538, %dma_start3A_1546, %dma_start3A_1547] : memref<4096x56x128xf32, #tpu.memory_space<hbm>> -> memref<1x50x64xf32, #tpu.memory_space<hbm>>
    %dma_start3A_1549 = tpu.memref_squeeze %dma_start3A_1548 : memref<1x50x64xf32, #tpu.memory_space<hbm>> -> memref<50x64xf32, #tpu.memory_space<hbm>>
    %dma_start3A_1550 = arith.constant 300 : i32
    %dma_start3A_1551 = arith.constant 0 : i32
    %dma_start3A_1552 = tpu.memref_slice %arg9[%dma_start3A_1550, %dma_start3A_1551] : memref<400x64xf32, #tpu.memory_space<vmem>> -> memref<50x64xf32, #tpu.memory_space<vmem>>
    tpu.enqueue_dma source(%dma_start3A_1552 : memref<50x64xf32, #tpu.memory_space<vmem>>) target(%dma_start3A_1549 : memref<50x64xf32, #tpu.memory_space<hbm>>) target_semaphore(%arg17 : memref<!tpu.dma_semaphore, #tpu.memory_space<semaphore_mem>>)
    %add3A_1553 = arith.constant 56 : i32
    %add3A_1554 = arith.addi %add3A_6, %add3A_1553 : i32
    %add3A_1555 = arith.constant 7 : i32
    %add3A_1556 = arith.addi %add3A_1554, %add3A_1555 : i32
    %dma_start3A_1557 = arith.constant 350 : i32
    %dma_start3A_1558 = arith.constant 0 : i32
    %dma_start3A_1559 = tpu.memref_slice %arg9[%dma_start3A_1557, %dma_start3A_1558] : memref<400x64xf32, #tpu.memory_space<vmem>> -> memref<50x64xf32, #tpu.memory_space<vmem>>
    %dma_start3A_1560 = arith.constant 0 : i32
    %dma_start3A_1561 = arith.constant 0 : i32
    %dma_start3A_1562 = tpu.memref_slice %arg4[%add3A_1556, %dma_start3A_1560, %dma_start3A_1561] : memref<4096x56x128xf32, #tpu.memory_space<hbm>> -> memref<1x50x64xf32, #tpu.memory_space<hbm>>
    %dma_start3A_1563 = tpu.memref_squeeze %dma_start3A_1562 : memref<1x50x64xf32, #tpu.memory_space<hbm>> -> memref<50x64xf32, #tpu.memory_space<hbm>>
    %dma_start3A_1564 = arith.constant 0 : i32
    %dma_start3A_1565 = arith.constant 0 : i32
    %dma_start3A_1566 = tpu.memref_slice %arg4[%add3A_1556, %dma_start3A_1564, %dma_start3A_1565] : memref<4096x56x128xf32, #tpu.memory_space<hbm>> -> memref<1x50x64xf32, #tpu.memory_space<hbm>>
    %dma_start3A_1567 = tpu.memref_squeeze %dma_start3A_1566 : memref<1x50x64xf32, #tpu.memory_space<hbm>> -> memref<50x64xf32, #tpu.memory_space<hbm>>
    %dma_start3A_1568 = arith.constant 350 : i32
    %dma_start3A_1569 = arith.constant 0 : i32
    %dma_start3A_1570 = tpu.memref_slice %arg9[%dma_start3A_1568, %dma_start3A_1569] : memref<400x64xf32, #tpu.memory_space<vmem>> -> memref<50x64xf32, #tpu.memory_space<vmem>>
    tpu.enqueue_dma source(%dma_start3A_1570 : memref<50x64xf32, #tpu.memory_space<vmem>>) target(%dma_start3A_1567 : memref<50x64xf32, #tpu.memory_space<hbm>>) target_semaphore(%arg17 : memref<!tpu.dma_semaphore, #tpu.memory_space<semaphore_mem>>)
    %dma_wait3A_1571 = arith.constant 0 : i32
    %dma_wait3A_1572 = arith.constant 0 : i32
    %dma_wait3A_1573 = tpu.memref_slice %arg2[%dma_wait3A_1571, %dma_wait3A_1572] : memref<100000x64xf32, #tpu.memory_space<hbm>> -> memref<400x64xf32, #tpu.memory_space<hbm>>
    %dma_wait3A_1574 = arith.constant 0 : i32
    %dma_wait3A_1575 = arith.constant 0 : i32
    %dma_wait3A_1576 = tpu.memref_slice %arg2[%dma_wait3A_1574, %dma_wait3A_1575] : memref<100000x64xf32, #tpu.memory_space<hbm>> -> memref<400x64xf32, #tpu.memory_space<hbm>>
    tpu.wait_dma2 semaphore(%arg17 : memref<!tpu.dma_semaphore, #tpu.memory_space<semaphore_mem>>) src(%dma_wait3A_1576 : memref<400x64xf32, #tpu.memory_space<hbm>>) dst(%arg9 : memref<400x64xf32, #tpu.memory_space<vmem>>)
    return
  }
}

</mosaic_0001>

<sc_bundles>
// kernel: kernel.3.cloned.1.call-start
scs
__scs_entry_jumppad:
0x0: {  	(pc) =	sbr.rel $0x88, $3  }
0x1: {  	(tag) =	ssettag $0x0;
	lr =	simm.s32 $0x1  }
0x2: {  	[smem:$0x3F9F] =	sst lr;
	_ =	strace $0xD0000000  }
0x3: {  	_ = 	snop  }
0x4: {  	_ = 	snop  }
0x5: {  	_ = 	snop  }
0x6: {  	_ = 	snop  }
0x7: {  	_ = 	snop  }
__scs_overlays_trampoline_lowered:
0x8: {  	[smem:$0x3FAE] =	sst s0  }
0x9: {  	[smem:$0x3FAF] =	sst s1  }
0xa: {  	[smem:$0x3FB0] =	sst s2  }
0xb: {  	[smem:$0x3FB1] =	sst s3  }
0xc: {  	[smem:$0x3FB2] =	sst s4  }
0xd: {  	[smem:$0x3FB3] =	sst s5  }
0xe: {  	[smem:$0x3FB4] =	sst s6  }
0xf: {  	[smem:$0x3FB5] =	sst s7  }
0x10: {  	[smem:$0x3FB6] =	sst s8  }
0x11: {  	[smem:$0x3FB7] =	sst s9;
	s0 =	simm.s32 @!p0 $0x0  }
0x12: {  	s1 =	sld [smem:$0x3F9D];
	s0 =	simm.s32 @p0 $0x1  }
0x13: {  	[smem:$0x3FB8] =	sst s0;
	s0 =	simm.s32 @!p1 $0x0  }
0x14: {  	s2 =	sld [smem:$0x3F9C];
	s0 =	simm.s32 @p1 $0x1  }
0x15: {  	[smem:$0x3FB9] =	sst s0;
	s0 =	simm.s32 @!p2 $0x0  }
0x16: {  	s3 =	sld [smem:$0x3FDB];
	s0 =	simm.s32 @p2 $0x1  }
0x17: {  	s4 =	simm.s32 $0x1BF5;
	[smem:$0x3FBB] =	sst s0  }
0x18: {  	s0 =	sld [smem:$0x3F9E];
	_ =	swait.ge [sflag:s4], $0x0  }
0x19: {  	s7 =	sld [smem:$0x3F9F]  }
0x1a: {  	s8 =	sadd.s32 $0xFFFFE003, lr  }
0x1b: {  	s9 =	sadd.s32 $0xFFFFFEF7, lr;
	s5 =	simm.s32 $0xFFFFFFFF;
	p2 =	slt.u32 s8, $0xFFFFF086  }
0x1c: {  	p1 =	slt.u32 s9, $0xF7A;
	s5 =	simm.s32 @!p2 $0x0  }
0x1d: {  	s5 =	simm.s32 @p1 $0x1;
	p0 =	seq.s32 s7, s2  }
0x1e: {  	s7 =	smul.u32 @!p0 $0xF7A, s2;
	p2 =	seq.s32 @!p0 s5, $0x0  }
0x1f: {  	s9 =	smul.u32 $0xF7A, s1;
	s8 =	simm.s32 @!p0 $0x1BF5;
	p2 =	por !p2, p0  }
0x20: {  	[sflag:s8] =	ssyncset.s32 @!p0 $0xFFFFF086;
	s6 =	sadd.s32 @!p0 s3, s7;
	s7 =	simm.s32 @!p0 $0x108  }
0x21: {  	s3 =	sadd.s32 s3, s9;
	s6 =	sadd.s32 @!p0 $0x88, s6;
	s7 =	simm.s32 @p2 $0x1082  }
0x22: {  	[simem:s7], [sflag:s8] =	dma.local @!p0 [hbm:s6], $0xF7A  }
0x23: {  	s9 =	sor.u32 $0xD0000000, s2;
	s6 =	simm.s32 $0x108;
	_ =	swait.ge @!p0 [sflag:s8], $0x0  }
0x24: {  	s3 =	sadd.s32 $0x88, s3;
	s6 =	simm.s32 @!p1 $0x1082;
	[sflag:s4] =	ssyncset.s32 $0xFFFFF086  }
0x25: {  	[simem:s6], [sflag:s4] =	dma.local [hbm:s3], $0xF7A  }
0x26: {  	[smem:$0x3F9F] =	sst s1;
	(tag) =	ssettag s2;
	_ =	strace s9  }
0x27: {  	s1 =	sld [smem:$0x3FAF]  }
0x28: {  	s2 =	sld [smem:$0x3FB0]  }
0x29: {  	s4 =	sld [smem:$0x3FB2]  }
0x2a: {  	p0 =	seq.s32 s5, $0x0;
	s5 =	sld [smem:$0x3FB3]  }
0x2b: {  	s6 =	sld [smem:$0x3FB4]  }
0x2c: {  	s7 =	sld [smem:$0x3FB5]  }
0x2d: {  	s3 =	simm.s32 $0x108;
	s8 =	sld [smem:$0x3FB6]  }
0x2e: {  	s3 =	simm.s32 @!p0 $0x1082;
	s9 =	sld [smem:$0x3FB7]  }
0x2f: {  	lr =	sadd.s32 s0, s3;
	s0 =	sld [smem:$0x3FAE]  }
0x30: {  	s3 =	sld [smem:$0x3FB1]  }
0x31: {  	[smem:$0x3FBA] =	sst s10  }
0x32: {  	s10 =	sld [smem:$0x3FB8];
	_ =	sdelay $0x3  }
0x33: {  	p0 =	seq.s32 s10, $0x1;
	s10 =	sld [smem:$0x3FBA];
	_ =	sdelay $0x3  }
0x34: {  	[smem:$0x3FBA] =	sst s10  }
0x35: {  	s10 =	sld [smem:$0x3FB9];
	_ =	sdelay $0x3  }
0x36: {  	p1 =	seq.s32 s10, $0x1;
	s10 =	sld [smem:$0x3FBA];
	_ =	sdelay $0x3  }
0x37: {  	[smem:$0x3FBA] =	sst s10  }
0x38: {  	s10 =	sld [smem:$0x3FBB]  }
0x39: {  	_ = 	snop;
	(pc) =	sbr.ind lr, $3  }
0x3a: {  	_ = 	snop  }
0x3b: {  	_ = 	snop  }
0x3c: {  	p2 =	seq.s32 s10, $0x1;
	s10 =	sld [smem:$0x3FBA]  }
0x3d: {  	_ =	shalt  }
0x3e: {  	_ =	shalt  }
0x3f: {  	_ =	shalt  }
0x40: {  	_ =	shalt  }
0x41: {  	_ =	shalt  }
0x42: {  	_ =	shalt  }
0x43: {  	_ =	shalt  }
0x44: {  	_ =	shalt  }
0x45: {  	_ =	shalt  }
0x46: {  	_ =	shalt  }
0x47: {  	_ =	shalt  }
0x48: {  	_ =	shalt  }
0x49: {  	_ =	shalt  }
0x4a: {  	_ =	shalt  }
0x4b: {  	_ =	shalt  }
0x4c: {  	_ =	shalt  }
0x4d: {  	_ =	shalt  }
0x4e: {  	_ =	shalt  }
0x4f: {  	_ =	shalt  }
0x50: {  	_ =	shalt  }
0x51: {  	_ =	shalt  }
0x52: {  	_ =	shalt  }
0x53: {  	_ =	shalt  }
0x54: {  	_ =	shalt  }
0x55: {  	_ =	shalt  }
0x56: {  	_ =	shalt  }
0x57: {  	_ =	shalt  }
0x58: {  	_ =	shalt  }
0x59: {  	_ =	shalt  }
0x5a: {  	_ =	shalt  }
0x5b: {  	_ =	shalt  }
0x5c: {  	_ =	shalt  }
0x5d: {  	_ =	shalt  }
0x5e: {  	_ =	shalt  }
0x5f: {  	_ =	shalt  }
0x60: {  	_ =	shalt  }
0x61: {  	_ =	shalt  }
0x62: {  	_ =	shalt  }
0x63: {  	_ =	shalt  }
0x64: {  	_ =	shalt  }
0x65: {  	_ =	shalt  }
0x66: {  	_ =	shalt  }
0x67: {  	_ =	shalt  }
0x68: {  	_ =	shalt  }
0x69: {  	_ =	shalt  }
0x6a: {  	_ =	shalt  }
0x6b: {  	_ =	shalt  }
0x6c: {  	_ =	shalt  }
0x6d: {  	_ =	shalt  }
0x6e: {  	_ =	shalt  }
0x6f: {  	_ =	shalt  }
0x70: {  	_ =	shalt  }
0x71: {  	_ =	shalt  }
0x72: {  	_ =	shalt  }
0x73: {  	_ =	shalt  }
0x74: {  	_ =	shalt  }
0x75: {  	_ =	shalt  }
0x76: {  	_ =	shalt  }
0x77: {  	_ =	shalt  }
0x78: {  	_ =	shalt  }
0x79: {  	_ =	shalt  }
0x7a: {  	_ =	shalt  }
0x7b: {  	_ =	shalt  }
0x7c: {  	_ =	shalt  }
0x7d: {  	_ =	shalt  }
0x7e: {  	_ =	shalt  }
0x7f: {  	_ =	shalt  }
0x80: {  	_ =	shalt  }
0x81: {  	_ =	shalt  }
0x82: {  	_ =	shalt  }
0x83: {  	_ =	shalt  }
0x84: {  	_ =	shalt  }
0x85: {  	_ =	shalt  }
0x86: {  	_ =	shalt  }
0x87: {  	_ =	shalt  }
.Lfunc_end0:
.L_simem_size_0:
called_computation.1_lowered:
.L_overlay_start_0:
0x88: {  	s2 =	sld [smem:$0x3FD9]  }
0x89: {  	s3 =	sld [smem:$0x3FFE];
	_ =	sdelay $0x1  }
0x8a: {  	s1 =	srdreg.scid  }
0x8b: {  	s0 =	sand.u32 $0x1, s1  }
0x8c: {  	s16 =	sshll.u32 s0, $0xA;
	s2 =	sadd.s32 s3, s2  }
0x8d: {  	s2 =	sadd.s32 s2, s16  }
0x8e: {  	[smem:$0x3FC6] =	sst s2  }
0x8f: {  	_ = 	snop  }
0x90: {  	(tm) =	ssettm $0x1  }
0x91: {  	s17 =	sld [smem:$0x3FFB];
	_ =	sdelay $0x3  }
0x92: {  	_ =	strace s17  }
0x93: {  	s2 =	sld [smem:$0x3FFC];
	_ =	sdelay $0x3  }
0x94: {  	_ =	strace s2  }
0x95: {  	s2 =	sld [smem:$0x3FFD];
	_ =	sdelay $0x3  }
0x96: {  	_ =	strace s2  }
0x97: {  	_ =	strace $0x8FFFFFFF  }
0x98: {  	s18 =	sld [smem:$0x3FDB];
	_ =	sdelay $0x1  }
0x99: {  	s19 =	simm.s32 $_scs_section_size  }
0x9a: {  	s4 =	simm.s32 $_size__tile_overlayer_lowered;
	s5 =	simm.s32 $_tile_overlayer_lowered  }
0x9b: {  	s22 =	simm.s32 $0x1BFF;
	s21 =	sshll.u32 s5, $0x1;
	s2 =	sadd.s32 s19, s18  }
0x9c: {  	s6 =	simm.s32 $0x0;
	s20 =	sshll.u32 s4, $0x1;
	s4 =	sadd.s32 s21, s2  }
0x9d: {  	[timem:s6], [sflag:s22] =	dma.local [hbm:s4], s20  }
0x9e: {  	_ =	swait.ge [sflag:s22], s20  }
0x9f: {  	s3 =	ssub.s32 $0x0, s20;
	[sflag:s22] =	ssyncset.done $0x0  }
0xa0: {  	[sflag:s22] =	ssyncadd.s32 s3;
	_ =	sdelay $0x1  }
0xa1: {  	s23 =	simm.s32 $0x1B8B  }
0xa2: {  	_ =	swait.ge [sflag:s23], $0x1  }
0xa3: {  	[sflag:s23] =	ssyncset.done $0x0  }
0xa4: {  	s25 =	simm.s32 $0x1B8E;
	s24 =	sld [smem:$0x3FFE];
	[sflag:s23] =	ssyncadd.s32 $0xFFFFFFFF  }
0xa5: {  	s26 =	simm.s32 $execute0_lowered;
	[smem:$0x3FD2] =	sst s25  }
0xa6: {  	s4 =	sshll.u32 s26, $0x1;
	_ =	strace $0x80000046;
	[dreg:$0x1] =	wrdreg $0xFFFFFFFF  }
0xa7: {  	s28 =	simm.s32 $_size_execute0_lowered;
	s2 =	sadd.s32 s2, s4;
	[dreg:$0x0] =	wrdreg $0x0  }
0xa8: {  	s4 =	sshll.u32 s28, $0x1;
	[dreg:$0x2] =	wrdreg s2  }
0xa9: {  	[dreg:$0x3] =	wrdreg s4  }
0xaa: {  	[dreg:$0x4] =	wrdreg $0xC0  }
0xab: {  	_ =	task [dreg:s6], $0x5FFFF  }
0xac: {  	[dreg:$0x1] =	wrdreg $0xFFFFFFFF  }
0xad: {  	[dreg:$0x0] =	wrdreg $0x60  }
0xae: {  	[dreg:$0x2] =	wrdreg s24  }
0xaf: {  	[dreg:$0x3] =	wrdreg $0x9  }
0xb0: {  	_ =	task.clear_ibuf [dreg:s6], $0x4FFFF;
	_ =	strace $0x90000046  }
0xb1: {  	s29 =	simm.s32 $0x9;
	_ =	strace $0x80000048  }
0xb2: {  	_ =	swait.ge [sflag:s29], $0x1  }
0xb3: {  	[sflag:s29] =	ssyncadd.s32 $0xFFFFFFFF  }
0xb4: {  	_ =	strace $0x90000048  }
0xb5: {  	_ =	sfence  }
0xb6: {  	s30 =	sld [smem:$0x0];
	_ =	sdelay $0x2  }
0xb7: {  	s31 =	sshll.u32 s1, $0xD;
	s1 =	sshrl.u32 s1, $0x2  }
0xb8: {  	s3 =	sand.u32 $0x4000, s31;
	s1 =	sadd.s32 s1, s30  }
0xb9: {  	s0 =	sor.u32 s3, s0;
	s1 =	sshll.u32 s1, $0x11  }
0xba: {  	s0 =	sor.u32 s1, s0  }
0xbb: {  	s0 =	sadd.s32 $0x8F2B, s0  }
0xbc: {  	[sflag:s0] =	ssyncadd.remote.s32 $0x1  }
0xbd: {  	_ =	sfence.sel $0xFFFF  }
0xbe: {  	[dreg:$0x0] =	wrdreg $0xFFFFFFFF;
	(pc) =	sbr.abs _section_cstart, $3  }
0xbf: {  	[dreg:$0x1] =	wrdreg $0xFFFFFFFF  }
0xc0: {  	_ =	task.clear_ibuf [dreg:s6], $0x2FFFF;
	_ =	strace $0x9FFFFFFF  }
0xc1: {  	(tm) =	ssettm $0x7FFFFFFF  }
tec
execute0_lowered:
.L_overlay_start_1:
0x0: {  	(tag) =	ssettag $0x1  }
0x1: {  	s0 =	srdreg.scid;
	s2 =	stileid.u32  }
0x2: {  	s1 =	rddreg [dreg:$0x0];
	s3 =	simm.s32 $0x0;
	s0 =	sand.u32 $0x1, s0  }
0x3: {  	s2 =	sshll.u32 s2, $0x1;
	[smem:$0x7FF] =	sst s3;
	s3 =	sadd.s32 $0x7000, s1  }
0x4: {  	s24 =	sadd.s32 $0xCA980, s1;
	s10 =	sadd.s32 $0xCAD00, s1;
	s2 =	sor.u32 s0, s2  }
0x5: {  	_ =	strace $0x80000047;
	s0 =	ssub.s32 $0x2, s0;
	s4 =	smul.u32 $0x340, s2  }
0x6: {  	s5 =	sshrl.u32 s0, $0x1;
	s8 =	smul.u32 $0x1C000, s2;
	s26 =	sshll.u32 s2, $0x7  }
0x7: {  	s2 =	smul.u32 $0xE0000, s2;
	s0 =	ssub.s32 s0, s5;
	s7 =	sor.u32 $0x40, s26  }
0x8: {  	s6 =	sadd.s32 s4, s1;
	s4 =	sadd.s32 $0xCA600, s1;
	s11 =	sadd.s32 s8, s24  }
0x9: {  	s19 =	smul.u32 $0x380, s7;
	s0 =	smax.u32 s0, $0x1;
	[dreg:$0x4] =	wrdreg s11  }
0xa: {  	s2 =	sshrl.u32 s2, $0x3;
	s6 =	sadd.s32 $0x800, s6;
	[smem:$0x7F0] =	sst s0  }
0xb: {  	[dreg:$0x2] =	wrdreg s6;
	s6 =	sadd.s32 s4, s8;
	s8 =	sadd.s32 s8, s10  }
0xc: {  	s2 =	sadd.s32 s4, s2;
	s1 =	sadd.s32 s4, s19;
	[dreg:$0x5] =	wrdreg s8  }
0xd: {  	s20 =	sadd.s32 $0xE380, s2;
	[dreg:$0x6] =	wrdreg s1  }
0xe: {  	s21 =	sadd.s32 $0xE700, s2;
	[dreg:$0x7] =	wrdreg s20  }
0xf: {  	s22 =	sadd.s32 $0xEA80, s2;
	[dreg:$0x8] =	wrdreg s21  }
0x10: {  	s23 =	sadd.s32 $0xEE00, s2;
	[dreg:$0x9] =	wrdreg s22  }
0x11: {  	s25 =	sadd.s32 $0xF180, s2;
	[dreg:$0xa] =	wrdreg s23  }
0x12: {  	s31 =	sadd.s32 $0xF500, s2;
	[dreg:$0xb] =	wrdreg s25  }
0x13: {  	s5 =	sadd.s32 $0xF880, s2;
	[dreg:$0xc] =	wrdreg s31  }
0x14: {  	s9 =	sadd.s32 $0xFF80, s2;
	[dreg:$0xd] =	wrdreg s5  }
0x15: {  	s11 =	sadd.s32 $0x10300, s2;
	[dreg:$0xf] =	wrdreg s9  }
0x16: {  	s12 =	sadd.s32 $0x10680, s2;
	[dreg:$0x10] =	wrdreg s11  }
0x17: {  	s13 =	sadd.s32 $0x10A00, s2;
	[dreg:$0x11] =	wrdreg s12  }
0x18: {  	s14 =	sadd.s32 $0x10D80, s2;
	[dreg:$0x12] =	wrdreg s13  }
0x19: {  	s15 =	sadd.s32 $0x11100, s2;
	[dreg:$0x13] =	wrdreg s14  }
0x1a: {  	s16 =	sadd.s32 $0x11480, s2;
	[dreg:$0x14] =	wrdreg s15  }
0x1b: {  	s17 =	sadd.s32 $0xA800, s2;
	[dreg:$0x15] =	wrdreg s16  }
0x1c: {  	s18 =	sadd.s32 $0xAB80, s2;
	[dreg:$0x16] =	wrdreg s17  }
0x1d: {  	s19 =	sadd.s32 $0xAF00, s2;
	[dreg:$0x17] =	wrdreg s18  }
0x1e: {  	[dreg:$0x18] =	wrdreg s19  }
0x1f: {  	s8 =	sadd.s32 $0xFC00, s2;
	[dreg:$0x3] =	wrdreg s6  }
0x20: {  	s20 =	sadd.s32 $0xB280, s2;
	[dreg:$0xe] =	wrdreg s8  }
0x21: {  	s21 =	sadd.s32 $0xB600, s2;
	[dreg:$0x19] =	wrdreg s20  }
0x22: {  	s22 =	sadd.s32 $0xB980, s2;
	[dreg:$0x1a] =	wrdreg s21  }
0x23: {  	s23 =	sadd.s32 $0xBD00, s2;
	[dreg:$0x1b] =	wrdreg s22  }
0x24: {  	s25 =	sadd.s32 $0xC080, s2;
	[dreg:$0x1c] =	wrdreg s23  }
0x25: {  	s31 =	sadd.s32 $0x18800, s2;
	[dreg:$0x1d] =	wrdreg s25  }
0x26: {  	s5 =	sadd.s32 $0x18B80, s2;
	[dreg:$0x1e] =	wrdreg s31  }
0x27: {  	s9 =	sadd.s32 $0x19280, s2;
	[dreg:$0x1f] =	wrdreg s5  }
0x28: {  	s11 =	sadd.s32 $0x19600, s2;
	[smem:$0x7DB] =	sst s9  }
0x29: {  	s12 =	sadd.s32 $0x19980, s2;
	[smem:$0x7DC] =	sst s11  }
0x2a: {  	s13 =	sadd.s32 $0x19D00, s2;
	[smem:$0x7DD] =	sst s12  }
0x2b: {  	s14 =	sadd.s32 $0x1A080, s2;
	[smem:$0x7DE] =	sst s13  }
0x2c: {  	s15 =	sadd.s32 $0xC400, s2;
	[smem:$0x7DF] =	sst s14  }
0x2d: {  	s16 =	sadd.s32 $0xC780, s2;
	[smem:$0x7E0] =	sst s15  }
0x2e: {  	s17 =	sadd.s32 $0xCB00, s2;
	[smem:$0x7E1] =	sst s16  }
0x2f: {  	s18 =	sadd.s32 $0xCE80, s2;
	[smem:$0x7E2] =	sst s17  }
0x30: {  	s19 =	sadd.s32 $0xD200, s2;
	[smem:$0x7E3] =	sst s18  }
0x31: {  	s8 =	sadd.s32 $0x18F00, s2;
	[smem:$0x7E4] =	sst s19  }
0x32: {  	s20 =	sadd.s32 $0xD580, s2;
	[smem:$0x7DA] =	sst s8  }
0x33: {  	s21 =	sadd.s32 $0xD900, s2;
	[smem:$0x7E5] =	sst s20  }
0x34: {  	s22 =	sadd.s32 $0xDC80, s2;
	[smem:$0x7E6] =	sst s21  }
0x35: {  	s23 =	sadd.s32 $0x1A400, s2;
	[smem:$0x7E7] =	sst s22  }
0x36: {  	s25 =	sadd.s32 $0x1A780, s2;
	[smem:$0x7E8] =	sst s23  }
0x37: {  	s31 =	sadd.s32 $0x1AB00, s2;
	[smem:$0x7E9] =	sst s25  }
0x38: {  	s5 =	sadd.s32 $0x1AE80, s2;
	[smem:$0x7EA] =	sst s31  }
0x39: {  	s9 =	sadd.s32 $0x1B580, s2;
	[smem:$0x7EB] =	sst s5  }
0x3a: {  	s11 =	sadd.s32 $0x1B900, s2;
	[smem:$0x7ED] =	sst s9  }
0x3b: {  	s12 =	sadd.s32 $0x1BC80, s2;
	[smem:$0x7EE] =	sst s11  }
0x3c: {  	s13 =	sadd.s32 $0xA80, s6;
	[smem:$0x7EF] =	sst s12  }
0x3d: {  	s14 =	sadd.s32 $0xE00, s6;
	[smem:$0x7F1] =	sst s13  }
0x3e: {  	s15 =	sadd.s32 $0x1180, s6;
	[smem:$0x7F2] =	sst s14  }
0x3f: {  	s16 =	sadd.s32 $0x1500, s6;
	[smem:$0x7F3] =	sst s15  }
0x40: {  	s17 =	sadd.s32 $0x1880, s6;
	[smem:$0x7F4] =	sst s16  }
0x41: {  	s18 =	sadd.s32 $0x1C00, s6;
	[smem:$0x7F5] =	sst s17  }
0x42: {  	s19 =	sadd.s32 $0x1F80, s6;
	[smem:$0x7F6] =	sst s18  }
0x43: {  	s8 =	sadd.s32 $0x1B200, s2;
	[smem:$0x7F7] =	sst s19  }
0x44: {  	s20 =	sadd.s32 $0x2300, s6;
	[smem:$0x7EC] =	sst s8  }
0x45: {  	s29 =	simm.s32 $0x64;
	s21 =	sadd.s32 $0x2680, s6;
	[smem:$0x7F8] =	sst s20  }
0x46: {  	s28 =	simm.s32 $0x6;
	s22 =	sadd.s32 $0x2A00, s6;
	[smem:$0x7F9] =	sst s21  }
0x47: {  	s30 =	simm.s32 $0x8;
	s23 =	sadd.s32 $0x2D80, s6;
	[smem:$0x7FA] =	sst s22  }
0x48: {  	s1 =	simm.s32 $0x0;
	s25 =	sadd.s32 $0x3100, s6;
	[smem:$0x7FB] =	sst s23  }
0x49: {  	s31 =	sadd.s32 $0x3480, s6;
	s18 =	simm.s32 $0x40;
	[smem:$0x7FC] =	sst s25  }
0x4a: {  	s19 =	simm.s32 $0x80;
	[smem:$0x7FD] =	sst s31;
	s25 =	simm.s32 $0x1  }
.LBB2_1:
0x4b: {  	[smem:$0x7D9] =	sst s1  }
0x4c: {  	s0 =	simm.s32 $0x0;
	s11 =	rddreg [dreg:$0x2];
	s12 =	simm.s32 $0x9  }
0x4d: {  	[tilespmem:s0], [sflag:$0x9] =	stream.linear.gather [hbm4b:s11+s0], $0x1A00, $0x38;
	[tilespmem:$0x1AA00] =	vst v63  }
0x4e: {  	_ =	swait.ge [sflag:s12], $0x1A00  }
0x4f: {  	[sflag:s12] =	ssyncset.done $0x0  }
0x50: {  	s1 =	simm.s32 $0x1A00;
	[sflag:s12] =	ssyncadd.s32 $0xFFFFE600  }
0x51: {  	[tilespmem:s1], [sflag:$0x1] =	stream.indirect.gather [hbm4b:s3+s29], $0x40, s0, s29, $0xb8;
	[tilespmem:$0x1AA00] =	vst v63  }
0x52: {  	s13 =	simm.s32 $0x68;
	s2 =	simm.s32 $0x3300  }
0x53: {  	[tilespmem:s2], [sflag:$0x1] =	stream.indirect.gather [hbm4b:s3+s29], $0x40, s13, s29, $0xb8;
	[tilespmem:$0x1AA00] =	vst v63  }
0x54: {  	s14 =	simm.s32 $0xD0;
	s6 =	simm.s32 $0x4C00  }
0x55: {  	[tilespmem:s6], [sflag:$0x1] =	stream.indirect.gather [hbm4b:s3+s29], $0x40, s14, s29, $0xb8;
	[tilespmem:$0x1AA00] =	vst v63  }
0x56: {  	s15 =	simm.s32 $0x138;
	s11 =	simm.s32 $0x6500  }
0x57: {  	[tilespmem:s11], [sflag:$0x1] =	stream.indirect.gather [hbm4b:s3+s29], $0x40, s15, s29, $0xb8;
	[tilespmem:$0x1AA00] =	vst v63  }
0x58: {  	s16 =	simm.s32 $0xD00;
	s12 =	simm.s32 $0xE200  }
0x59: {  	[tilespmem:s12], [sflag:$0x3] =	stream.indirect.gather [hbm4b:s3+s29], $0x40, s16, s29, $0xb8;
	[tilespmem:$0x1AA00] =	vst v63  }
0x5a: {  	s17 =	simm.s32 $0xD68;
	s14 =	simm.s32 $0xFB00  }
0x5b: {  	[tilespmem:s14], [sflag:$0x3] =	stream.indirect.gather [hbm4b:s3+s29], $0x40, s17, s29, $0xb8;
	[tilespmem:$0x1AA00] =	vst v63  }
0x5c: {  	s20 =	simm.s32 $0xDD0;
	s15 =	simm.s32 $0x11400  }
0x5d: {  	[tilespmem:s15], [sflag:$0x3] =	stream.indirect.gather [hbm4b:s3+s29], $0x40, s20, s29, $0xb8;
	[tilespmem:$0x1AA00] =	vst v63  }
0x5e: {  	s21 =	simm.s32 $0xE38;
	s8 =	simm.s32 $0x12D00  }
0x5f: {  	[tilespmem:s8], [sflag:$0x3] =	stream.indirect.gather [hbm4b:s3+s29], $0x40, s21, s29, $0xb8;
	[tilespmem:$0x1AA00] =	vst v63  }
0x60: {  	_ =	swait.ge [sflag:s25], $0x6400  }
0x61: {  	[sflag:s25] =	ssyncset.done $0x0  }
0x62: {  	s22 =	simm.s32 $0x1A0;
	s5 =	simm.s32 $0x7E00;
	[sflag:s25] =	ssyncadd.s32 $0xFFFF9C00  }
0x63: {  	[tilespmem:s5], [sflag:$0x2] =	stream.indirect.gather [hbm4b:s3+s29], $0x40, s22, s29, $0xb8;
	[tilespmem:$0x1AA00] =	vst v63  }
0x64: {  	s23 =	simm.s32 $0x208;
	s16 =	simm.s32 $0x9700  }
0x65: {  	[tilespmem:s16], [sflag:$0x2] =	stream.indirect.gather [hbm4b:s3+s29], $0x40, s23, s29, $0xb8;
	[tilespmem:$0x1AA00] =	vst v63  }
0x66: {  	s13 =	simm.s32 $0xB000;
	s25 =	simm.s32 $0x270  }
0x67: {  	[tilespmem:s13], [sflag:$0x2] =	stream.indirect.gather [hbm4b:s3+s29], $0x40, s25, s29, $0xb8;
	[tilespmem:$0x1AA00] =	vst v63  }
0x68: {  	s31 =	simm.s32 $0x2D8;
	s17 =	simm.s32 $0xC900;
	s9 =	rddreg [dreg:$0x3]  }
0x69: {  	[tilespmem:s17], [sflag:$0x2] =	stream.indirect.gather [hbm4b:s3+s29], $0x40, s31, s29, $0xb8;
	[tilespmem:$0x1AA00] =	vst v63  }
0x6a: {  	s20 =	rddreg [dreg:$0x4]  }
0x6b: {  	[hbm4b:s9+s18] =	stream.strided.scatter [tilespmem:s1], [sflag:$0x5], $0xC80, s19, s18, $0x38;
	[tilespmem:$0x1AA00] =	vst v63  }
0x6c: {  	s21 =	simm.s32 $0x2680;
	s22 =	sld [smem:$0x7F1]  }
0x6d: {  	[hbm4b:s20+s18] =	stream.strided.scatter [tilespmem:s21], [sflag:$0x5], $0xC80, s19, s18, $0x38;
	[tilespmem:$0x1AA00] =	vst v63  }
0x6e: {  	s21 =	rddreg [dreg:$0x5]  }
0x6f: {  	[hbm4b:s21+s18] =	stream.strided.scatter [tilespmem:s2], [sflag:$0x5], $0xC80, s19, s18, $0x38;
	[tilespmem:$0x1AA00] =	vst v63  }
0x70: {  	s23 =	simm.s32 $0x3F80;
	s25 =	sld [smem:$0x7F2]  }
0x71: {  	[hbm4b:s22+s18] =	stream.strided.scatter [tilespmem:s23], [sflag:$0x5], $0xC80, s19, s18, $0x38;
	[tilespmem:$0x1AA00] =	vst v63  }
0x72: {  	s31 =	sld [smem:$0x7F3]  }
0x73: {  	[hbm4b:s25+s18] =	stream.strided.scatter [tilespmem:s6], [sflag:$0x5], $0xC80, s19, s18, $0x38;
	[tilespmem:$0x1AA00] =	vst v63  }
0x74: {  	s9 =	simm.s32 $0x5880;
	s20 =	sld [smem:$0x7F4]  }
0x75: {  	[hbm4b:s31+s18] =	stream.strided.scatter [tilespmem:s9], [sflag:$0x5], $0xC80, s19, s18, $0x38;
	[tilespmem:$0x1AA00] =	vst v63  }
0x76: {  	s21 =	sld [smem:$0x7F5]  }
0x77: {  	[hbm4b:s20+s18] =	stream.strided.scatter [tilespmem:s11], [sflag:$0x5], $0xC80, s19, s18, $0x38;
	[tilespmem:$0x1AA00] =	vst v63  }
0x78: {  	s22 =	simm.s32 $0x7180;
	s23 =	simm.s32 $0x3  }
0x79: {  	[hbm4b:s21+s18] =	stream.strided.scatter [tilespmem:s22], [sflag:$0x5], $0xC80, s19, s18, $0x38;
	[tilespmem:$0x1AA00] =	vst v63  }
0x7a: {  	_ =	swait.ge [sflag:s23], $0x6400  }
0x7b: {  	[sflag:s23] =	ssyncset.done $0x0  }
0x7c: {  	s25 =	simm.s32 $0xEA0;
	s21 =	simm.s32 $0x14600;
	[sflag:s23] =	ssyncadd.s32 $0xFFFF9C00  }
0x7d: {  	[tilespmem:s21], [sflag:$0x4] =	stream.indirect.gather [hbm4b:s3+s29], $0x40, s25, s29, $0xb8;
	[tilespmem:$0x1AA00] =	vst v63  }
0x7e: {  	s31 =	simm.s32 $0xF08;
	s20 =	simm.s32 $0x15F00  }
0x7f: {  	[tilespmem:s20], [sflag:$0x4] =	stream.indirect.gather [hbm4b:s3+s29], $0x40, s31, s29, $0xb8;
	[tilespmem:$0x1AA00] =	vst v63  }
0x80: {  	s9 =	simm.s32 $0xF70;
	s22 =	simm.s32 $0x17800  }
0x81: {  	[tilespmem:s22], [sflag:$0x4] =	stream.indirect.gather [hbm4b:s3+s29], $0x40, s9, s29, $0xb8;
	[tilespmem:$0x1AA00] =	vst v63  }
0x82: {  	s23 =	simm.s32 $0xFD8;
	s9 =	simm.s32 $0x19100  }
0x83: {  	[tilespmem:s9], [sflag:$0x4] =	stream.indirect.gather [hbm4b:s3+s29], $0x40, s23, s29, $0xb8;
	[tilespmem:$0x1AA00] =	vst v63  }
0x84: {  	s25 =	rddreg [dreg:$0x6]  }
0x85: {  	[hbm4b:s25+s18] =	stream.strided.scatter [tilespmem:s12], [sflag:$0x7], $0xC80, s19, s18, $0x38;
	[tilespmem:$0x1AA00] =	vst v63  }
0x86: {  	s31 =	rddreg [dreg:$0x7];
	s23 =	simm.s32 $0xEE80  }
0x87: {  	[hbm4b:s31+s18] =	stream.strided.scatter [tilespmem:s23], [sflag:$0x7], $0xC80, s19, s18, $0x38;
	[tilespmem:$0x1AA00] =	vst v63  }
0x88: {  	s23 =	rddreg [dreg:$0x8]  }
0x89: {  	[hbm4b:s23+s18] =	stream.strided.scatter [tilespmem:s14], [sflag:$0x7], $0xC80, s19, s18, $0x38;
	[tilespmem:$0x1AA00] =	vst v63  }
0x8a: {  	s25 =	rddreg [dreg:$0x9];
	s31 =	simm.s32 $0x10780  }
0x8b: {  	[hbm4b:s25+s18] =	stream.strided.scatter [tilespmem:s31], [sflag:$0x7], $0xC80, s19, s18, $0x38;
	[tilespmem:$0x1AA00] =	vst v63  }
0x8c: {  	s23 =	rddreg [dreg:$0xa]  }
0x8d: {  	[hbm4b:s23+s18] =	stream.strided.scatter [tilespmem:s15], [sflag:$0x7], $0xC80, s19, s18, $0x38;
	[tilespmem:$0x1AA00] =	vst v63  }
0x8e: {  	s25 =	rddreg [dreg:$0xb];
	s31 =	simm.s32 $0x12080  }
0x8f: {  	[hbm4b:s25+s18] =	stream.strided.scatter [tilespmem:s31], [sflag:$0x7], $0xC80, s19, s18, $0x38;
	[tilespmem:$0x1AA00] =	vst v63  }
0x90: {  	s23 =	rddreg [dreg:$0xc]  }
0x91: {  	[hbm4b:s23+s18] =	stream.strided.scatter [tilespmem:s8], [sflag:$0x7], $0xC80, s19, s18, $0x38;
	[tilespmem:$0x1AA00] =	vst v63  }
0x92: {  	s25 =	rddreg [dreg:$0xd];
	s31 =	simm.s32 $0x13980;
	s23 =	simm.s32 $0x2  }
0x93: {  	[hbm4b:s25+s18] =	stream.strided.scatter [tilespmem:s31], [sflag:$0x7], $0xC80, s19, s18, $0x38;
	[tilespmem:$0x1AA00] =	vst v63  }
0x94: {  	_ =	swait.ge [sflag:s23], $0x6400  }
0x95: {  	[sflag:s23] =	ssyncset.done $0x0  }
0x96: {  	s25 =	simm.s32 $0x5;
	[sflag:s23] =	ssyncadd.s32 $0xFFFF9C00  }
0x97: {  	_ =	swait.ge [sflag:s25], $0x6400  }
0x98: {  	[sflag:s25] =	ssyncset.done $0x0  }
0x99: {  	s31 =	simm.s32 $0x340;
	[sflag:s25] =	ssyncadd.s32 $0xFFFF9C00  }
0x9a: {  	[tilespmem:s1], [sflag:$0x1] =	stream.indirect.gather [hbm4b:s3+s29], $0x40, s31, s29, $0xb8;
	[tilespmem:$0x1AA00] =	vst v63  }
0x9b: {  	s1 =	simm.s32 $0x3A8  }
0x9c: {  	[tilespmem:s2], [sflag:$0x1] =	stream.indirect.gather [hbm4b:s3+s29], $0x40, s1, s29, $0xb8;
	[tilespmem:$0x1AA00] =	vst v63  }
0x9d: {  	s2 =	simm.s32 $0x410  }
0x9e: {  	[tilespmem:s6], [sflag:$0x1] =	stream.indirect.gather [hbm4b:s3+s29], $0x40, s2, s29, $0xb8;
	[tilespmem:$0x1AA00] =	vst v63  }
0x9f: {  	s23 =	sld [smem:$0x7F6];
	s6 =	simm.s32 $0x478  }
0xa0: {  	[tilespmem:s11], [sflag:$0x1] =	stream.indirect.gather [hbm4b:s3+s29], $0x40, s6, s29, $0xb8;
	[tilespmem:$0x1AA00] =	vst v63  }
0xa1: {  	s25 =	sld [smem:$0x7F7]  }
0xa2: {  	[hbm4b:s23+s18] =	stream.strided.scatter [tilespmem:s5], [sflag:$0x6], $0xC80, s19, s18, $0x38;
	[tilespmem:$0x1AA00] =	vst v63  }
0xa3: {  	s31 =	simm.s32 $0x8A80;
	s1 =	sld [smem:$0x7F8]  }
0xa4: {  	[hbm4b:s25+s18] =	stream.strided.scatter [tilespmem:s31], [sflag:$0x6], $0xC80, s19, s18, $0x38;
	[tilespmem:$0x1AA00] =	vst v63  }
0xa5: {  	s2 =	sld [smem:$0x7F9]  }
0xa6: {  	[hbm4b:s1+s18] =	stream.strided.scatter [tilespmem:s16], [sflag:$0x6], $0xC80, s19, s18, $0x38;
	[tilespmem:$0x1AA00] =	vst v63  }
0xa7: {  	s6 =	sld [smem:$0x7FA];
	s5 =	simm.s32 $0xA380  }
0xa8: {  	[hbm4b:s2+s18] =	stream.strided.scatter [tilespmem:s5], [sflag:$0x6], $0xC80, s19, s18, $0x38;
	[tilespmem:$0x1AA00] =	vst v63  }
0xa9: {  	s11 =	sld [smem:$0x7FB]  }
0xaa: {  	[hbm4b:s6+s18] =	stream.strided.scatter [tilespmem:s13], [sflag:$0x6], $0xC80, s19, s18, $0x38;
	[tilespmem:$0x1AA00] =	vst v63  }
0xab: {  	s16 =	sld [smem:$0x7FC];
	s13 =	simm.s32 $0xBC80  }
0xac: {  	[hbm4b:s11+s18] =	stream.strided.scatter [tilespmem:s13], [sflag:$0x6], $0xC80, s19, s18, $0x38;
	[tilespmem:$0x1AA00] =	vst v63  }
0xad: {  	s23 =	sld [smem:$0x7FD]  }
0xae: {  	[hbm4b:s16+s18] =	stream.strided.scatter [tilespmem:s17], [sflag:$0x6], $0xC80, s19, s18, $0x38;
	[tilespmem:$0x1AA00] =	vst v63  }
0xaf: {  	s25 =	simm.s32 $0xD580;
	s31 =	simm.s32 $0x4  }
0xb0: {  	[hbm4b:s23+s18] =	stream.strided.scatter [tilespmem:s25], [sflag:$0x6], $0xC80, s19, s18, $0x38;
	[tilespmem:$0x1AA00] =	vst v63  }
0xb1: {  	_ =	swait.ge [sflag:s31], $0x6400  }
0xb2: {  	[sflag:s31] =	ssyncset.done $0x0  }
0xb3: {  	s1 =	simm.s32 $0x7;
	[sflag:s31] =	ssyncadd.s32 $0xFFFF9C00  }
0xb4: {  	_ =	swait.ge [sflag:s1], $0x6400  }
0xb5: {  	[sflag:s1] =	ssyncset.done $0x0  }
0xb6: {  	s2 =	simm.s32 $0x1040;
	[sflag:s1] =	ssyncadd.s32 $0xFFFF9C00  }
0xb7: {  	[tilespmem:s12], [sflag:$0x3] =	stream.indirect.gather [hbm4b:s3+s29], $0x40, s2, s29, $0xb8;
	[tilespmem:$0x1AA00] =	vst v63  }
0xb8: {  	s5 =	simm.s32 $0x10A8  }
0xb9: {  	[tilespmem:s14], [sflag:$0x3] =	stream.indirect.gather [hbm4b:s3+s29], $0x40, s5, s29, $0xb8;
	[tilespmem:$0x1AA00] =	vst v63  }
0xba: {  	s6 =	simm.s32 $0x1110  }
0xbb: {  	[tilespmem:s15], [sflag:$0x3] =	stream.indirect.gather [hbm4b:s3+s29], $0x40, s6, s29, $0xb8;
	[tilespmem:$0x1AA00] =	vst v63  }
0xbc: {  	s11 =	simm.s32 $0x1178  }
0xbd: {  	[tilespmem:s8], [sflag:$0x3] =	stream.indirect.gather [hbm4b:s3+s29], $0x40, s11, s29, $0xb8;
	[tilespmem:$0x1AA00] =	vst v63  }
0xbe: {  	s12 =	rddreg [dreg:$0xe]  }
0xbf: {  	[hbm4b:s12+s18] =	stream.strided.scatter [tilespmem:s21], [sflag:$0x8], $0xC80, s19, s18, $0x38;
	[tilespmem:$0x1AA00] =	vst v63  }
0xc0: {  	s13 =	rddreg [dreg:$0xf];
	s14 =	simm.s32 $0x15280  }
0xc1: {  	[hbm4b:s13+s18] =	stream.strided.scatter [tilespmem:s14], [sflag:$0x8], $0xC80, s19, s18, $0x38;
	[tilespmem:$0x1AA00] =	vst v63  }
0xc2: {  	s15 =	rddreg [dreg:$0x10]  }
0xc3: {  	[hbm4b:s15+s18] =	stream.strided.scatter [tilespmem:s20], [sflag:$0x8], $0xC80, s19, s18, $0x38;
	[tilespmem:$0x1AA00] =	vst v63  }
0xc4: {  	s17 =	simm.s32 $0x16B80;
	s16 =	rddreg [dreg:$0x11]  }
0xc5: {  	[hbm4b:s16+s18] =	stream.strided.scatter [tilespmem:s17], [sflag:$0x8], $0xC80, s19, s18, $0x38;
	[tilespmem:$0x1AA00] =	vst v63  }
0xc6: {  	s20 =	rddreg [dreg:$0x12]  }
0xc7: {  	[hbm4b:s20+s18] =	stream.strided.scatter [tilespmem:s22], [sflag:$0x8], $0xC80, s19, s18, $0x38;
	[tilespmem:$0x1AA00] =	vst v63  }
0xc8: {  	s21 =	rddreg [dreg:$0x13];
	s22 =	simm.s32 $0x18480  }
0xc9: {  	[hbm4b:s21+s18] =	stream.strided.scatter [tilespmem:s22], [sflag:$0x8], $0xC80, s19, s18, $0x38;
	[tilespmem:$0x1AA00] =	vst v63  }
0xca: {  	p0 =	por $0x1, $0x1;
	s23 =	rddreg [dreg:$0x14]  }
0xcb: {  	[hbm4b:s23+s18] =	stream.strided.scatter [tilespmem:s9], [sflag:$0x8], $0xC80, s19, s18, $0x38;
	[tilespmem:$0x1AA00] =	vst v63  }
0xcc: {  	s31 =	simm.s32 $0x19D80;
	s25 =	rddreg [dreg:$0x15];
	s1 =	simm.s32 $0x0  }
0xcd: {  	[hbm4b:s25+s18] =	stream.strided.scatter [tilespmem:s31], [sflag:$0x8], $0xC80, s19, s18, $0x38;
	[tilespmem:$0x1AA00] =	vst v63  }
.LBB2_2:
0xce: {  	s31 =	simm.s32 $0x1  }
0xcf: {  	_ =	swait.ge [sflag:s31], $0x6400  }
0xd0: {  	s0 =	sshll.u32 s1, $0x1;
	[sflag:s31] =	ssyncset.done $0x0  }
0xd1: {  	[sflag:s31] =	ssyncadd.s32 $0xFFFF9C00;
	s31 =	sadd.s32 $0x3, s0  }
0xd2: {  	_ =	swait.ge [sflag:s28], $0x6400;
	s0 =	smul.u32 $0x680, s31  }
0xd3: {  	[sflag:s28] =	ssyncset.done $0x0  }
0xd4: {  	s5 =	simm.s32 $0x7E00;
	[sflag:s28] =	ssyncadd.s32 $0xFFFF9C00;
	s0 =	sshra.s32 s0, $0x2  }
0xd5: {  	[tilespmem:s5], [sflag:$0x2] =	stream.indirect.gather [hbm4b:s3+s29], $0x40, s0, s29, $0xb8;
	[tilespmem:$0x1AA00] =	vst v63  }
0xd6: {  	s23 =	simm.s32 $0x9700;
	s14 =	sshll.u32 s1, $0x4;
	s2 =	sadd.s32 $0x68, s0  }
0xd7: {  	[tilespmem:s23], [sflag:$0x2] =	stream.indirect.gather [hbm4b:s3+s29], $0x40, s2, s29, $0xb8;
	[tilespmem:$0x1AA00] =	vst v63  }
0xd8: {  	s2 =	sadd.s32 $0x10, s14  }
0xd9: {  	s6 =	simm.s32 $0xB000;
	s13 =	sadd.s32 $0xD0, s0;
	s15 =	sor.u32 s26, s2  }
0xda: {  	[tilespmem:s6], [sflag:$0x2] =	stream.indirect.gather [hbm4b:s3+s29], $0x40, s13, s29, $0xb8;
	[tilespmem:$0x1AA00] =	vst v63  }
0xdb: {  	s21 =	simm.s32 $0xC900;
	s11 =	sadd.s32 $0x138, s0;
	s12 =	smul.u32 $0x380, s15  }
0xdc: {  	[tilespmem:s21], [sflag:$0x2] =	stream.indirect.gather [hbm4b:s3+s29], $0x40, s11, s29, $0xb8;
	[tilespmem:$0x1AA00] =	vst v63  }
0xdd: {  	s14 =	simm.s32 $0x1A00;
	s6 =	smul.u32 $0x1C00, s15;
	s16 =	sadd.s32 s4, s12  }
0xde: {  	[hbm4b:s16+s18] =	stream.strided.scatter [tilespmem:s14], [sflag:$0x5], $0xC80, s19, s18, $0x38;
	[tilespmem:$0x1AA00] =	vst v63  }
0xdf: {  	s8 =	simm.s32 $0x2680;
	s17 =	sadd.s32 s12, s24;
	s6 =	sshrl.u32 s6, $0x3  }
0xe0: {  	[hbm4b:s17+s18] =	stream.strided.scatter [tilespmem:s8], [sflag:$0x5], $0xC80, s19, s18, $0x38;
	[tilespmem:$0x1AA00] =	vst v63  }
0xe1: {  	s15 =	simm.s32 $0x3300;
	s20 =	sadd.s32 s12, s10;
	s6 =	sadd.s32 s4, s6  }
0xe2: {  	[hbm4b:s20+s18] =	stream.strided.scatter [tilespmem:s15], [sflag:$0x5], $0xC80, s19, s18, $0x38;
	[tilespmem:$0x1AA00] =	vst v63  }
0xe3: {  	s25 =	simm.s32 $0x3F80;
	s22 =	sadd.s32 $0xA80, s6  }
0xe4: {  	[hbm4b:s22+s18] =	stream.strided.scatter [tilespmem:s25], [sflag:$0x5], $0xC80, s19, s18, $0x38;
	[tilespmem:$0x1AA00] =	vst v63  }
0xe5: {  	s16 =	simm.s32 $0x4C00;
	s8 =	sadd.s32 $0xE00, s6  }
0xe6: {  	[hbm4b:s8+s18] =	stream.strided.scatter [tilespmem:s16], [sflag:$0x5], $0xC80, s19, s18, $0x38;
	[tilespmem:$0x1AA00] =	vst v63  }
0xe7: {  	s12 =	simm.s32 $0x5880;
	s9 =	sadd.s32 $0x1180, s6  }
0xe8: {  	[hbm4b:s9+s18] =	stream.strided.scatter [tilespmem:s12], [sflag:$0x5], $0xC80, s19, s18, $0x38;
	[tilespmem:$0x1AA00] =	vst v63  }
0xe9: {  	s13 =	sadd.s32 $0x1500, s6;
	s17 =	simm.s32 $0x6500  }
0xea: {  	[hbm4b:s13+s18] =	stream.strided.scatter [tilespmem:s17], [sflag:$0x5], $0xC80, s19, s18, $0x38;
	[tilespmem:$0x1AA00] =	vst v63  }
0xeb: {  	s6 =	sadd.s32 $0x1880, s6;
	s20 =	simm.s32 $0x7180;
	s22 =	simm.s32 $0x3  }
0xec: {  	[hbm4b:s6+s18] =	stream.strided.scatter [tilespmem:s20], [sflag:$0x5], $0xC80, s19, s18, $0x38;
	[tilespmem:$0x1AA00] =	vst v63  }
0xed: {  	_ =	swait.ge [sflag:s22], $0x6400  }
0xee: {  	[sflag:s22] =	ssyncset.done $0x0  }
0xef: {  	[sflag:s22] =	ssyncadd.s32 $0xFFFF9C00  }
0xf0: {  	_ =	swait.ge [sflag:s30], $0x6400  }
0xf1: {  	[sflag:s30] =	ssyncset.done $0x0  }
0xf2: {  	s25 =	sadd.s32 $0xD00, s0;
	s22 =	simm.s32 $0x14600;
	[sflag:s30] =	ssyncadd.s32 $0xFFFF9C00  }
0xf3: {  	[tilespmem:s22], [sflag:$0x4] =	stream.indirect.gather [hbm4b:s3+s29], $0x40, s25, s29, $0xb8;
	[tilespmem:$0x1AA00] =	vst v63  }
0xf4: {  	s8 =	sadd.s32 $0xD68, s0;
	s20 =	simm.s32 $0x15F00  }
0xf5: {  	[tilespmem:s20], [sflag:$0x4] =	stream.indirect.gather [hbm4b:s3+s29], $0x40, s8, s29, $0xb8;
	[tilespmem:$0x1AA00] =	vst v63  }
0xf6: {  	s2 =	sor.u32 s7, s2;
	s9 =	sadd.s32 $0xDD0, s0;
	s30 =	simm.s32 $0x17800  }
0xf7: {  	[tilespmem:s30], [sflag:$0x4] =	stream.indirect.gather [hbm4b:s3+s29], $0x40, s9, s29, $0xb8;
	[tilespmem:$0x1AA00] =	vst v63  }
0xf8: {  	s0 =	sadd.s32 $0xE38, s0;
	s6 =	smul.u32 $0x380, s2;
	s9 =	simm.s32 $0x19100  }
0xf9: {  	[tilespmem:s9], [sflag:$0x4] =	stream.indirect.gather [hbm4b:s3+s29], $0x40, s0, s29, $0xb8;
	[tilespmem:$0x1AA00] =	vst v63  }
0xfa: {  	s2 =	smul.u32 $0x1C00, s2;
	s11 =	sadd.s32 s4, s6;
	s25 =	simm.s32 $0xE200  }
0xfb: {  	[hbm4b:s11+s18] =	stream.strided.scatter [tilespmem:s25], [sflag:$0x7], $0xC80, s19, s18, $0x38;
	[tilespmem:$0x1AA00] =	vst v63  }
0xfc: {  	s13 =	simm.s32 $0xEE80;
	s12 =	sadd.s32 s6, s24;
	s8 =	sshrl.u32 s2, $0x3  }
0xfd: {  	[hbm4b:s12+s18] =	stream.strided.scatter [tilespmem:s13], [sflag:$0x7], $0xC80, s19, s18, $0x38;
	[tilespmem:$0x1AA00] =	vst v63  }
0xfe: {  	s6 =	sadd.s32 s6, s10;
	s0 =	sadd.s32 s4, s8;
	s12 =	simm.s32 $0xFB00  }
0xff: {  	[hbm4b:s6+s18] =	stream.strided.scatter [tilespmem:s12], [sflag:$0x7], $0xC80, s19, s18, $0x38;
	[tilespmem:$0x1AA00] =	vst v63  }
0x100: {  	s11 =	sadd.s32 $0xA80, s0;
	s13 =	simm.s32 $0x10780  }
0x101: {  	[hbm4b:s11+s18] =	stream.strided.scatter [tilespmem:s13], [sflag:$0x7], $0xC80, s19, s18, $0x38;
	[tilespmem:$0x1AA00] =	vst v63  }
0x102: {  	s8 =	simm.s32 $0x11400;
	s6 =	sadd.s32 $0xE00, s0  }
0x103: {  	[hbm4b:s6+s18] =	stream.strided.scatter [tilespmem:s8], [sflag:$0x7], $0xC80, s19, s18, $0x38;
	[tilespmem:$0x1AA00] =	vst v63  }
0x104: {  	s11 =	sadd.s32 $0x1180, s0;
	s13 =	simm.s32 $0x12080  }
0x105: {  	[hbm4b:s11+s18] =	stream.strided.scatter [tilespmem:s13], [sflag:$0x7], $0xC80, s19, s18, $0x38;
	[tilespmem:$0x1AA00] =	vst v63  }
0x106: {  	s28 =	simm.s32 $0x12D00;
	s11 =	sadd.s32 $0x1500, s0  }
0x107: {  	[hbm4b:s11+s18] =	stream.strided.scatter [tilespmem:s28], [sflag:$0x7], $0xC80, s19, s18, $0x38;
	[tilespmem:$0x1AA00] =	vst v63  }
0x108: {  	s6 =	simm.s32 $0x2;
	s0 =	sadd.s32 $0x1880, s0;
	s13 =	simm.s32 $0x13980  }
0x109: {  	[hbm4b:s0+s18] =	stream.strided.scatter [tilespmem:s13], [sflag:$0x7], $0xC80, s19, s18, $0x38;
	[tilespmem:$0x1AA00] =	vst v63  }
0x10a: {  	_ =	swait.ge [sflag:s6], $0x6400  }
0x10b: {  	[sflag:s6] =	ssyncset.done $0x0  }
0x10c: {  	s11 =	smul.u32 $0xD00, s1;
	s13 =	simm.s32 $0x5;
	[sflag:s6] =	ssyncadd.s32 $0xFFFF9C00  }
0x10d: {  	_ =	swait.ge [sflag:s13], $0x6400  }
0x10e: {  	s0 =	sshra.s32 s11, $0x2;
	[sflag:s13] =	ssyncset.done $0x0  }
0x10f: {  	s2 =	sadd.s32 $0x680, s0;
	[sflag:s13] =	ssyncadd.s32 $0xFFFF9C00  }
0x110: {  	[tilespmem:s14], [sflag:$0x1] =	stream.indirect.gather [hbm4b:s3+s29], $0x40, s2, s29, $0xb8;
	[tilespmem:$0x1AA00] =	vst v63  }
0x111: {  	s1 =	sshll.u32 s31, $0x3;
	s6 =	sadd.s32 $0x6E8, s0  }
0x112: {  	[tilespmem:s15], [sflag:$0x1] =	stream.indirect.gather [hbm4b:s3+s29], $0x40, s6, s29, $0xb8;
	[tilespmem:$0x1AA00] =	vst v63  }
0x113: {  	s11 =	sadd.s32 $0x750, s0;
	s2 =	sor.u32 s26, s1  }
0x114: {  	[tilespmem:s16], [sflag:$0x1] =	stream.indirect.gather [hbm4b:s3+s29], $0x40, s11, s29, $0xb8;
	[tilespmem:$0x1AA00] =	vst v63  }
0x115: {  	s11 =	smul.u32 $0x380, s2  }
0x116: {  	s31 =	sadd.s32 $0x7B8, s0;
	s2 =	smul.u32 $0x1C00, s2  }
0x117: {  	[tilespmem:s17], [sflag:$0x1] =	stream.indirect.gather [hbm4b:s3+s29], $0x40, s31, s29, $0xb8;
	[tilespmem:$0x1AA00] =	vst v63  }
0x118: {  	s31 =	sadd.s32 s4, s11;
	s2 =	sshrl.u32 s2, $0x3  }
0x119: {  	[hbm4b:s31+s18] =	stream.strided.scatter [tilespmem:s5], [sflag:$0x6], $0xC80, s19, s18, $0x38;
	[tilespmem:$0x1AA00] =	vst v63  }
0x11a: {  	s2 =	sadd.s32 s4, s2;
	s5 =	sadd.s32 s11, s24;
	s11 =	simm.s32 $0x8A80  }
0x11b: {  	[hbm4b:s5+s18] =	stream.strided.scatter [tilespmem:s11], [sflag:$0x6], $0xC80, s19, s18, $0x38;
	[tilespmem:$0x1AA00] =	vst v63  }
0x11c: {  	s17 =	sadd.s32 $0x700, s2  }
0x11d: {  	[hbm4b:s17+s18] =	stream.strided.scatter [tilespmem:s23], [sflag:$0x6], $0xC80, s19, s18, $0x38;
	[tilespmem:$0x1AA00] =	vst v63  }
0x11e: {  	s31 =	simm.s32 $0xA380;
	s23 =	sadd.s32 $0xA80, s2  }
0x11f: {  	[hbm4b:s23+s18] =	stream.strided.scatter [tilespmem:s31], [sflag:$0x6], $0xC80, s19, s18, $0x38;
	[tilespmem:$0x1AA00] =	vst v63  }
0x120: {  	s11 =	sadd.s32 $0xE00, s2;
	s17 =	simm.s32 $0xB000  }
0x121: {  	[hbm4b:s11+s18] =	stream.strided.scatter [tilespmem:s17], [sflag:$0x6], $0xC80, s19, s18, $0x38;
	[tilespmem:$0x1AA00] =	vst v63  }
0x122: {  	s23 =	sadd.s32 $0x1180, s2;
	s31 =	simm.s32 $0xBC80  }
0x123: {  	[hbm4b:s23+s18] =	stream.strided.scatter [tilespmem:s31], [sflag:$0x6], $0xC80, s19, s18, $0x38;
	[tilespmem:$0x1AA00] =	vst v63  }
0x124: {  	s11 =	sadd.s32 $0x1500, s2  }
0x125: {  	[hbm4b:s11+s18] =	stream.strided.scatter [tilespmem:s21], [sflag:$0x6], $0xC80, s19, s18, $0x38;
	[tilespmem:$0x1AA00] =	vst v63  }
0x126: {  	s2 =	sadd.s32 $0x1880, s2;
	s17 =	simm.s32 $0xD580;
	s21 =	simm.s32 $0x4  }
0x127: {  	[hbm4b:s2+s18] =	stream.strided.scatter [tilespmem:s17], [sflag:$0x6], $0xC80, s19, s18, $0x38;
	[tilespmem:$0x1AA00] =	vst v63  }
0x128: {  	_ =	swait.ge [sflag:s21], $0x6400  }
0x129: {  	[sflag:s21] =	ssyncset.done $0x0  }
0x12a: {  	s23 =	simm.s32 $0x7;
	[sflag:s21] =	ssyncadd.s32 $0xFFFF9C00  }
0x12b: {  	_ =	swait.ge [sflag:s23], $0x6400  }
0x12c: {  	[sflag:s23] =	ssyncset.done $0x0  }
0x12d: {  	s31 =	sadd.s32 $0x1380, s0;
	[sflag:s23] =	ssyncadd.s32 $0xFFFF9C00  }
0x12e: {  	[tilespmem:s25], [sflag:$0x3] =	stream.indirect.gather [hbm4b:s3+s29], $0x40, s31, s29, $0xb8;
	[tilespmem:$0x1AA00] =	vst v63  }
0x12f: {  	s1 =	sor.u32 s7, s1;
	s5 =	sadd.s32 $0x13E8, s0  }
0x130: {  	[tilespmem:s12], [sflag:$0x3] =	stream.indirect.gather [hbm4b:s3+s29], $0x40, s5, s29, $0xb8;
	[tilespmem:$0x1AA00] =	vst v63  }
0x131: {  	s21 =	smul.u32 $0x380, s1;
	s12 =	sadd.s32 $0x1450, s0  }
0x132: {  	[tilespmem:s8], [sflag:$0x3] =	stream.indirect.gather [hbm4b:s3+s29], $0x40, s12, s29, $0xb8;
	[tilespmem:$0x1AA00] =	vst v63  }
0x133: {  	p1 =	por p0, p0;
	s1 =	smul.u32 $0x1C00, s1;
	s0 =	sadd.s32 $0x14B8, s0  }
0x134: {  	[tilespmem:s28], [sflag:$0x3] =	stream.indirect.gather [hbm4b:s3+s29], $0x40, s0, s29, $0xb8;
	[tilespmem:$0x1AA00] =	vst v63  }
0x135: {  	p0 =	por $0x0, $0x0;
	s2 =	sshrl.u32 s1, $0x3;
	s23 =	sadd.s32 s4, s21  }
0x136: {  	[hbm4b:s23+s18] =	stream.strided.scatter [tilespmem:s22], [sflag:$0x8], $0xC80, s19, s18, $0x38;
	[tilespmem:$0x1AA00] =	vst v63  }
0x137: {  	s25 =	sadd.s32 s21, s24;
	s31 =	simm.s32 $0x15280;
	s0 =	sadd.s32 s4, s2  }
0x138: {  	[hbm4b:s25+s18] =	stream.strided.scatter [tilespmem:s31], [sflag:$0x8], $0xC80, s19, s18, $0x38;
	[tilespmem:$0x1AA00] =	vst v63  }
0x139: {  	s13 =	simm.s32 $0x1A00;
	s14 =	simm.s32 $0x3300;
	s5 =	sadd.s32 $0x700, s0  }
0x13a: {  	[hbm4b:s5+s18] =	stream.strided.scatter [tilespmem:s20], [sflag:$0x8], $0xC80, s19, s18, $0x38;
	[tilespmem:$0x1AA00] =	vst v63  }
0x13b: {  	s15 =	simm.s32 $0x4C00;
	s12 =	sadd.s32 $0xA80, s0;
	s20 =	simm.s32 $0x16B80  }
0x13c: {  	[hbm4b:s12+s18] =	stream.strided.scatter [tilespmem:s20], [sflag:$0x8], $0xC80, s19, s18, $0x38;
	[tilespmem:$0x1AA00] =	vst v63  }
0x13d: {  	s6 =	simm.s32 $0xE200;
	s16 =	simm.s32 $0x6500;
	s21 =	sadd.s32 $0xE00, s0  }
0x13e: {  	[hbm4b:s21+s18] =	stream.strided.scatter [tilespmem:s30], [sflag:$0x8], $0xC80, s19, s18, $0x38;
	[tilespmem:$0x1AA00] =	vst v63  }
0x13f: {  	s11 =	simm.s32 $0xFB00;
	s22 =	sadd.s32 $0x1180, s0;
	s23 =	simm.s32 $0x18480  }
0x140: {  	[hbm4b:s22+s18] =	stream.strided.scatter [tilespmem:s23], [sflag:$0x8], $0xC80, s19, s18, $0x38;
	[tilespmem:$0x1AA00] =	vst v63  }
.Ltmp0:
0x141: {  	s17 =	simm.s32 $0x11400;
	s1 =	simm.s32 $0x1;
	(pc) =	sbr.rel @p1 .LBB2_2-.Ltmp0, $4  }
0x142: {  	s8 =	simm.s32 $0x12D00;
	s28 =	simm.s32 $0x6;
	s25 =	sadd.s32 $0x1500, s0  }
0x143: {  	[hbm4b:s25+s18] =	stream.strided.scatter [tilespmem:s9], [sflag:$0x8], $0xC80, s19, s18, $0x38;
	[tilespmem:$0x1AA00] =	vst v63  }
0x144: {  	s0 =	sadd.s32 $0x1880, s0;
	s31 =	simm.s32 $0x19D80;
	s30 =	simm.s32 $0x8  }
0x145: {  	[hbm4b:s0+s18] =	stream.strided.scatter [tilespmem:s31], [sflag:$0x8], $0xC80, s19, s18, $0x38;
	[tilespmem:$0x1AA00] =	vst v63  }
0x146: {  	s25 =	simm.s32 $0x1  }
0x147: {  	_ =	swait.ge [sflag:s25], $0x6400  }
0x148: {  	[sflag:s25] =	ssyncset.done $0x0  }
0x149: {  	[sflag:s25] =	ssyncadd.s32 $0xFFFF9C00  }
0x14a: {  	_ =	swait.ge [sflag:s28], $0x6400  }
0x14b: {  	[sflag:s28] =	ssyncset.done $0x0  }
0x14c: {  	s1 =	simm.s32 $0x7E00;
	s0 =	simm.s32 $0xB60;
	[sflag:s28] =	ssyncadd.s32 $0xFFFF9C00  }
0x14d: {  	[tilespmem:s1], [sflag:$0x2] =	stream.indirect.gather [hbm4b:s3+s29], $0x40, s0, s29, $0xb8;
	[tilespmem:$0x1AA00] =	vst v63  }
0x14e: {  	s2 =	simm.s32 $0x9700;
	s21 =	simm.s32 $0xBC8  }
0x14f: {  	[tilespmem:s2], [sflag:$0x2] =	stream.indirect.gather [hbm4b:s3+s29], $0x40, s21, s29, $0xb8;
	[tilespmem:$0x1AA00] =	vst v63  }
0x150: {  	s5 =	simm.s32 $0xB000;
	s22 =	simm.s32 $0xC30  }
0x151: {  	[tilespmem:s5], [sflag:$0x2] =	stream.indirect.gather [hbm4b:s3+s29], $0x40, s22, s29, $0xb8;
	[tilespmem:$0x1AA00] =	vst v63  }
0x152: {  	s20 =	simm.s32 $0xC900;
	s23 =	simm.s32 $0xC98  }
0x153: {  	[tilespmem:s20], [sflag:$0x2] =	stream.indirect.gather [hbm4b:s3+s29], $0x40, s23, s29, $0xb8;
	[tilespmem:$0x1AA00] =	vst v63  }
0x154: {  	s31 =	rddreg [dreg:$0x16]  }
0x155: {  	[hbm4b:s31+s18] =	stream.strided.scatter [tilespmem:s13], [sflag:$0x5], $0xC80, s19, s18, $0x38;
	[tilespmem:$0x1AA00] =	vst v63  }
0x156: {  	s12 =	simm.s32 $0x2680;
	s9 =	rddreg [dreg:$0x17]  }
0x157: {  	[hbm4b:s9+s18] =	stream.strided.scatter [tilespmem:s12], [sflag:$0x5], $0xC80, s19, s18, $0x38;
	[tilespmem:$0x1AA00] =	vst v63  }
0x158: {  	s13 =	rddreg [dreg:$0x18]  }
0x159: {  	[hbm4b:s13+s18] =	stream.strided.scatter [tilespmem:s14], [sflag:$0x5], $0xC80, s19, s18, $0x38;
	[tilespmem:$0x1AA00] =	vst v63  }
0x15a: {  	s21 =	rddreg [dreg:$0x19];
	s22 =	simm.s32 $0x3F80  }
0x15b: {  	[hbm4b:s21+s18] =	stream.strided.scatter [tilespmem:s22], [sflag:$0x5], $0xC80, s19, s18, $0x38;
	[tilespmem:$0x1AA00] =	vst v63  }
0x15c: {  	s23 =	rddreg [dreg:$0x1a]  }
0x15d: {  	[hbm4b:s23+s18] =	stream.strided.scatter [tilespmem:s15], [sflag:$0x5], $0xC80, s19, s18, $0x38;
	[tilespmem:$0x1AA00] =	vst v63  }
0x15e: {  	s31 =	rddreg [dreg:$0x1b];
	s9 =	simm.s32 $0x5880  }
0x15f: {  	[hbm4b:s31+s18] =	stream.strided.scatter [tilespmem:s9], [sflag:$0x5], $0xC80, s19, s18, $0x38;
	[tilespmem:$0x1AA00] =	vst v63  }
0x160: {  	s13 =	rddreg [dreg:$0x1c]  }
0x161: {  	[hbm4b:s13+s18] =	stream.strided.scatter [tilespmem:s16], [sflag:$0x5], $0xC80, s19, s18, $0x38;
	[tilespmem:$0x1AA00] =	vst v63  }
0x162: {  	s14 =	rddreg [dreg:$0x1d];
	s15 =	simm.s32 $0x7180;
	s16 =	simm.s32 $0x3  }
0x163: {  	[hbm4b:s14+s18] =	stream.strided.scatter [tilespmem:s15], [sflag:$0x5], $0xC80, s19, s18, $0x38;
	[tilespmem:$0x1AA00] =	vst v63  }
0x164: {  	_ =	swait.ge [sflag:s16], $0x6400  }
0x165: {  	[sflag:s16] =	ssyncset.done $0x0  }
0x166: {  	[sflag:s16] =	ssyncadd.s32 $0xFFFF9C00  }
0x167: {  	_ =	swait.ge [sflag:s30], $0x6400  }
0x168: {  	[sflag:s30] =	ssyncset.done $0x0  }
0x169: {  	s12 =	simm.s32 $0x14600;
	s21 =	simm.s32 $0x1860;
	[sflag:s30] =	ssyncadd.s32 $0xFFFF9C00  }
0x16a: {  	[tilespmem:s12], [sflag:$0x4] =	stream.indirect.gather [hbm4b:s3+s29], $0x40, s21, s29, $0xb8;
	[tilespmem:$0x1AA00] =	vst v63  }
0x16b: {  	s22 =	simm.s32 $0x18C8;
	s14 =	simm.s32 $0x15F00  }
0x16c: {  	[tilespmem:s14], [sflag:$0x4] =	stream.indirect.gather [hbm4b:s3+s29], $0x40, s22, s29, $0xb8;
	[tilespmem:$0x1AA00] =	vst v63  }
0x16d: {  	s23 =	simm.s32 $0x1930;
	s15 =	simm.s32 $0x17800  }
0x16e: {  	[tilespmem:s15], [sflag:$0x4] =	stream.indirect.gather [hbm4b:s3+s29], $0x40, s23, s29, $0xb8;
	[tilespmem:$0x1AA00] =	vst v63  }
0x16f: {  	s9 =	simm.s32 $0x19100;
	s31 =	simm.s32 $0x1998;
	s13 =	rddreg [dreg:$0x1e]  }
0x170: {  	[tilespmem:s9], [sflag:$0x4] =	stream.indirect.gather [hbm4b:s3+s29], $0x40, s31, s29, $0xb8;
	[tilespmem:$0x1AA00] =	vst v63  }
0x171: {  	s16 =	rddreg [dreg:$0x1f]  }
0x172: {  	[hbm4b:s13+s18] =	stream.strided.scatter [tilespmem:s6], [sflag:$0x7], $0xC80, s19, s18, $0x38;
	[tilespmem:$0x1AA00] =	vst v63  }
0x173: {  	s21 =	simm.s32 $0xEE80;
	s22 =	sld [smem:$0x7DA]  }
0x174: {  	[hbm4b:s16+s18] =	stream.strided.scatter [tilespmem:s21], [sflag:$0x7], $0xC80, s19, s18, $0x38;
	[tilespmem:$0x1AA00] =	vst v63  }
0x175: {  	s23 =	sld [smem:$0x7DB]  }
0x176: {  	[hbm4b:s22+s18] =	stream.strided.scatter [tilespmem:s11], [sflag:$0x7], $0xC80, s19, s18, $0x38;
	[tilespmem:$0x1AA00] =	vst v63  }
0x177: {  	s31 =	simm.s32 $0x10780;
	s6 =	sld [smem:$0x7DC]  }
0x178: {  	[hbm4b:s23+s18] =	stream.strided.scatter [tilespmem:s31], [sflag:$0x7], $0xC80, s19, s18, $0x38;
	[tilespmem:$0x1AA00] =	vst v63  }
0x179: {  	s11 =	sld [smem:$0x7DD]  }
0x17a: {  	[hbm4b:s6+s18] =	stream.strided.scatter [tilespmem:s17], [sflag:$0x7], $0xC80, s19, s18, $0x38;
	[tilespmem:$0x1AA00] =	vst v63  }
0x17b: {  	s13 =	simm.s32 $0x12080;
	s16 =	sld [smem:$0x7DE]  }
0x17c: {  	[hbm4b:s11+s18] =	stream.strided.scatter [tilespmem:s13], [sflag:$0x7], $0xC80, s19, s18, $0x38;
	[tilespmem:$0x1AA00] =	vst v63  }
0x17d: {  	s17 =	sld [smem:$0x7DF]  }
0x17e: {  	[hbm4b:s16+s18] =	stream.strided.scatter [tilespmem:s8], [sflag:$0x7], $0xC80, s19, s18, $0x38;
	[tilespmem:$0x1AA00] =	vst v63  }
0x17f: {  	s21 =	simm.s32 $0x13980;
	s22 =	simm.s32 $0x2  }
0x180: {  	[hbm4b:s17+s18] =	stream.strided.scatter [tilespmem:s21], [sflag:$0x7], $0xC80, s19, s18, $0x38;
	[tilespmem:$0x1AA00] =	vst v63  }
0x181: {  	_ =	swait.ge [sflag:s22], $0x6400  }
0x182: {  	[sflag:s22] =	ssyncset.done $0x0  }
0x183: {  	s23 =	simm.s32 $0x5;
	[sflag:s22] =	ssyncadd.s32 $0xFFFF9C00  }
0x184: {  	_ =	swait.ge [sflag:s23], $0x6400  }
0x185: {  	s31 =	sld [smem:$0x7E0]  }
0x186: {  	[sflag:s23] =	ssyncset.done $0x0  }
0x187: {  	[sflag:s23] =	ssyncadd.s32 $0xFFFF9C00  }
0x188: {  	[hbm4b:s31+s18] =	stream.strided.scatter [tilespmem:s1], [sflag:$0x6], $0xC80, s19, s18, $0x38;
	[tilespmem:$0x1AA00] =	vst v63  }
0x189: {  	s1 =	sld [smem:$0x7E1];
	_ =	sdelay $0x1  }
0x18a: {  	s6 =	simm.s32 $0x8A80;
	s8 =	sld [smem:$0x7E2]  }
0x18b: {  	[hbm4b:s1+s18] =	stream.strided.scatter [tilespmem:s6], [sflag:$0x6], $0xC80, s19, s18, $0x38;
	[tilespmem:$0x1AA00] =	vst v63  }
0x18c: {  	s11 =	sld [smem:$0x7E3]  }
0x18d: {  	[hbm4b:s8+s18] =	stream.strided.scatter [tilespmem:s2], [sflag:$0x6], $0xC80, s19, s18, $0x38;
	[tilespmem:$0x1AA00] =	vst v63  }
0x18e: {  	s13 =	simm.s32 $0xA380;
	s16 =	sld [smem:$0x7E4]  }
0x18f: {  	[hbm4b:s11+s18] =	stream.strided.scatter [tilespmem:s13], [sflag:$0x6], $0xC80, s19, s18, $0x38;
	[tilespmem:$0x1AA00] =	vst v63  }
0x190: {  	s17 =	sld [smem:$0x7E5]  }
0x191: {  	[hbm4b:s16+s18] =	stream.strided.scatter [tilespmem:s5], [sflag:$0x6], $0xC80, s19, s18, $0x38;
	[tilespmem:$0x1AA00] =	vst v63  }
0x192: {  	s21 =	simm.s32 $0xBC80;
	s22 =	sld [smem:$0x7E6]  }
0x193: {  	[hbm4b:s17+s18] =	stream.strided.scatter [tilespmem:s21], [sflag:$0x6], $0xC80, s19, s18, $0x38;
	[tilespmem:$0x1AA00] =	vst v63  }
0x194: {  	s23 =	sld [smem:$0x7E7]  }
0x195: {  	[hbm4b:s22+s18] =	stream.strided.scatter [tilespmem:s20], [sflag:$0x6], $0xC80, s19, s18, $0x38;
	[tilespmem:$0x1AA00] =	vst v63  }
0x196: {  	s31 =	simm.s32 $0xD580  }
0x197: {  	[hbm4b:s23+s18] =	stream.strided.scatter [tilespmem:s31], [sflag:$0x6], $0xC80, s19, s18, $0x38;
	[tilespmem:$0x1AA00] =	vst v63  }
0x198: {  	_ =	swait.ge [sflag:s28], $0x6400  }
0x199: {  	[sflag:s28] =	ssyncset.done $0x0  }
0x19a: {  	s1 =	simm.s32 $0x4;
	[sflag:s28] =	ssyncadd.s32 $0xFFFF9C00  }
0x19b: {  	_ =	swait.ge [sflag:s1], $0x6400  }
0x19c: {  	[sflag:s1] =	ssyncset.done $0x0  }
0x19d: {  	s2 =	simm.s32 $0x7;
	[sflag:s1] =	ssyncadd.s32 $0xFFFF9C00  }
0x19e: {  	_ =	swait.ge [sflag:s2], $0x6400  }
0x19f: {  	s5 =	sld [smem:$0x7E8]  }
0x1a0: {  	[sflag:s2] =	ssyncset.done $0x0  }
0x1a1: {  	s6 =	sld [smem:$0x7E9];
	[sflag:s2] =	ssyncadd.s32 $0xFFFF9C00  }
0x1a2: {  	[hbm4b:s5+s18] =	stream.strided.scatter [tilespmem:s12], [sflag:$0x8], $0xC80, s19, s18, $0x38;
	[tilespmem:$0x1AA00] =	vst v63  }
0x1a3: {  	s8 =	simm.s32 $0x15280;
	s11 =	sld [smem:$0x7EA]  }
0x1a4: {  	[hbm4b:s6+s18] =	stream.strided.scatter [tilespmem:s8], [sflag:$0x8], $0xC80, s19, s18, $0x38;
	[tilespmem:$0x1AA00] =	vst v63  }
0x1a5: {  	s12 =	sld [smem:$0x7EB]  }
0x1a6: {  	[hbm4b:s11+s18] =	stream.strided.scatter [tilespmem:s14], [sflag:$0x8], $0xC80, s19, s18, $0x38;
	[tilespmem:$0x1AA00] =	vst v63  }
0x1a7: {  	s13 =	simm.s32 $0x16B80;
	s14 =	sld [smem:$0x7EC]  }
0x1a8: {  	[hbm4b:s12+s18] =	stream.strided.scatter [tilespmem:s13], [sflag:$0x8], $0xC80, s19, s18, $0x38;
	[tilespmem:$0x1AA00] =	vst v63  }
0x1a9: {  	s16 =	sld [smem:$0x7ED]  }
0x1aa: {  	[hbm4b:s14+s18] =	stream.strided.scatter [tilespmem:s15], [sflag:$0x8], $0xC80, s19, s18, $0x38;
	[tilespmem:$0x1AA00] =	vst v63  }
0x1ab: {  	s17 =	simm.s32 $0x18480;
	s20 =	sld [smem:$0x7EE]  }
0x1ac: {  	[hbm4b:s16+s18] =	stream.strided.scatter [tilespmem:s17], [sflag:$0x8], $0xC80, s19, s18, $0x38;
	[tilespmem:$0x1AA00] =	vst v63  }
0x1ad: {  	s21 =	sld [smem:$0x7EF]  }
0x1ae: {  	[hbm4b:s20+s18] =	stream.strided.scatter [tilespmem:s9], [sflag:$0x8], $0xC80, s19, s18, $0x38;
	[tilespmem:$0x1AA00] =	vst v63  }
0x1af: {  	s22 =	simm.s32 $0x19D80  }
0x1b0: {  	[hbm4b:s21+s18] =	stream.strided.scatter [tilespmem:s22], [sflag:$0x8], $0xC80, s19, s18, $0x38;
	[tilespmem:$0x1AA00] =	vst v63  }
0x1b1: {  	_ =	swait.ge [sflag:s30], $0x6400  }
0x1b2: {  	s23 =	sld [smem:$0x7D9]  }
0x1b3: {  	s31 =	sld [smem:$0x7F0];
	_ =	sdelay $0x1  }
0x1b4: {  	s1 =	sadd.s32 $0x1, s23  }
0x1b5: {  	p0 =	sne.s32 s1, s31  }
.Ltmp1:
0x1b6: {  	_ = 	snop;
	(pc) =	sbr.rel @p0 .LBB2_1-.Ltmp1, $3  }
0x1b7: {  	_ =	sdelay $0x1  }
0x1b8: {  	[sflag:s30] =	ssyncset.done $0x0  }
0x1b9: {  	[sflag:s30] =	ssyncadd.s32 $0xFFFF9C00  }
0x1ba: {  	_ =	sfence.sel $0x180000  }
0x1bb: {  	[bflag:$0x0] =	sbarrier.arrive $0xFFFF  }
0x1bc: {  	_ =	strace $0x90000047  }
0x1bd: {  	s0 =	stileid.u32;
	[bflag:$0x2] =	sbarrier.arrive $0xFFFF  }
0x1be: {  	p0 =	sne.s32 s0, $0x0;
	s0 =	rddreg [dreg:$0x1]  }
0x1bf: {  	s0 =	sadd.s32 @!p0 $0x100000, s0  }
0x1c0: {  	[sflag:s0] =	ssyncadd.tile.s32 @!p0 $0x1;
	_ =	shalt  }
.Lfunc_end2:
_tile_overlayer_lowered:
.L_overlay_start_2:
0x1c1: {  	(tag) =	ssettag $0x2  }
0x1c2: {  	s0 =	rddreg [dreg:$0x0];
	s2 =	stileid.u32  }
0x1c3: {  	s1 =	rddreg [dreg:$0x1];
	p0 =	sne.s32 s2, $0x0  }
0x1c4: {  	s3 =	rddreg [dreg:$0x2];
	[bflag:$0x3] =	sbarrier.arrive $0xFFFF;
	s2 =	simm.s32 @!p0 $0x1C09  }
0x1c5: {  	[timem:s3], [sflag:s2] =	dma.local @!p0 [hbm:s0], s1  }
0x1c6: {  	s0 =	simm.s32 @!p0 $0x9  }
0x1c7: {  	_ =	swait.ge @!p0 [sflag:s0], s1  }
0x1c8: {  	s1 =	ssub.s32 @!p0 $0x0, s1;
	[sflag:s0] =	ssyncset.done @!p0 $0x0  }
0x1c9: {  	[sflag:s0] =	ssyncadd.s32 @!p0 s1  }
0x1ca: {  	[bflag:$0x3] =	sbarrier.arrive $0xFFFF  }
0x1cb: {  	_ =	shalt  }

// kernel: sparse-core-data-format-call.cloned.1.call-start
scs
called_computation_lowered:
.L_overlay_start_0:
0x0: {  	s2 =	sld [smem:$0x3FD9]  }
0x1: {  	s3 =	sld [smem:$0x3FFE];
	_ =	sdelay $0x1  }
0x2: {  	s1 =	srdreg.scid  }
0x3: {  	s0 =	sand.u32 $0x1, s1  }
0x4: {  	s18 =	sshll.u32 s0, $0xA;
	s2 =	sadd.s32 s3, s2  }
0x5: {  	s2 =	sadd.s32 s2, s18  }
0x6: {  	[smem:$0x3FC6] =	sst s2  }
0x7: {  	_ = 	snop  }
0x8: {  	s2 =	sld [smem:$0x3FD0];
	(tm) =	ssettm $0x1  }
0x9: {  	s19 =	sld [smem:$0x3FFB];
	_ =	sdelay $0x3  }
0xa: {  	_ =	strace s19  }
0xb: {  	s3 =	sld [smem:$0x3FFC];
	_ =	sdelay $0x3  }
0xc: {  	_ =	strace s3  }
0xd: {  	s3 =	sld [smem:$0x3FFD];
	_ =	sdelay $0x3  }
0xe: {  	_ =	strace s3  }
0xf: {  	_ =	strace $0x8FFFFFFF  }
0x10: {  	s20 =	sld [smem:$0x3FDB];
	_ =	sdelay $0x1  }
0x11: {  	s4 =	simm.s32 $_scs_section_size  }
0x12: {  	s5 =	simm.s32 $_size__tile_overlayer_lowered;
	s6 =	simm.s32 $_tile_overlayer_lowered  }
0x13: {  	s23 =	simm.s32 $0x1BFF;
	s22 =	sshll.u32 s6, $0x1;
	s3 =	sadd.s32 s4, s20  }
0x14: {  	s7 =	simm.s32 $0x0;
	s21 =	sshll.u32 s5, $0x1;
	s5 =	sadd.s32 s22, s3  }
0x15: {  	[timem:s7], [sflag:s23] =	dma.local [hbm:s5], s21  }
0x16: {  	_ =	swait.ge [sflag:s23], s21  }
0x17: {  	s4 =	ssub.s32 $0x0, s21;
	[sflag:s23] =	ssyncset.done $0x0  }
0x18: {  	[sflag:s23] =	ssyncadd.s32 s4;
	_ =	sdelay $0x1  }
0x19: {  	s24 =	simm.s32 $0x1B8B  }
0x1a: {  	_ =	swait.ge [sflag:s24], $0x1  }
0x1b: {  	[sflag:s24] =	ssyncset.done $0x0  }
0x1c: {  	s26 =	simm.s32 $0x1B8E;
	s25 =	sld [smem:$0x3FFE];
	[sflag:s24] =	ssyncadd.s32 $0xFFFFFFFF  }
0x1d: {  	s27 =	simm.s32 $execute0_lowered;
	[smem:$0x3FD2] =	sst s26  }
0x1e: {  	s5 =	sshll.u32 s27, $0x1;
	_ =	strace $0x80000049;
	[dreg:$0x1] =	wrdreg $0xFFFFFFFF  }
0x1f: {  	s28 =	simm.s32 $_size_execute0_lowered;
	s3 =	sadd.s32 s3, s5;
	[dreg:$0x0] =	wrdreg $0x0  }
0x20: {  	s5 =	sshll.u32 s28, $0x1;
	[dreg:$0x2] =	wrdreg s3  }
0x21: {  	[dreg:$0x3] =	wrdreg s5  }
0x22: {  	[dreg:$0x4] =	wrdreg $0xC0  }
0x23: {  	_ =	task [dreg:s7], $0x5FFFF  }
0x24: {  	[dreg:$0x1] =	wrdreg $0xFFFFFFFF  }
0x25: {  	[dreg:$0x0] =	wrdreg $0x60  }
0x26: {  	[dreg:$0x2] =	wrdreg s25  }
0x27: {  	[dreg:$0x3] =	wrdreg s2  }
0x28: {  	[dreg:$0x4] =	wrdreg $0x9  }
0x29: {  	_ =	task.clear_ibuf [dreg:s7], $0x5FFFF;
	_ =	strace $0x90000049  }
0x2a: {  	s29 =	simm.s32 $0x9;
	_ =	strace $0x8000004B  }
0x2b: {  	_ =	swait.ge [sflag:s29], $0x1  }
0x2c: {  	[sflag:s29] =	ssyncadd.s32 $0xFFFFFFFF  }
0x2d: {  	_ =	strace $0x9000004B  }
0x2e: {  	_ =	sfence  }
0x2f: {  	s30 =	sld [smem:$0x0];
	_ =	sdelay $0x2  }
0x30: {  	s31 =	sshll.u32 s1, $0xD;
	s1 =	sshrl.u32 s1, $0x2  }
0x31: {  	s3 =	sand.u32 $0x4000, s31;
	s1 =	sadd.s32 s1, s30  }
0x32: {  	s0 =	sor.u32 s3, s0;
	s1 =	sshll.u32 s1, $0x11  }
0x33: {  	s0 =	sor.u32 s1, s0  }
0x34: {  	s0 =	sadd.s32 $0x8F2B, s0  }
0x35: {  	[sflag:s0] =	ssyncadd.remote.s32 $0x1  }
0x36: {  	_ =	sfence.sel $0xFFFF  }
0x37: {  	[dreg:$0x0] =	wrdreg $0xFFFFFFFF;
	(pc) =	sbr.abs _section_cstart, $3  }
0x38: {  	[dreg:$0x1] =	wrdreg $0xFFFFFFFF  }
0x39: {  	_ =	task.clear_ibuf [dreg:s7], $0x2FFFF;
	_ =	strace $0x9FFFFFFF  }
0x3a: {  	(tm) =	ssettm $0x7FFFFFFF  }
0x3b: {  	_ =	shalt  }
tec
execute0_lowered:
.L_overlay_start_1:
0x0: {  	(tag) =	ssettag $0x1  }
0x1: {  	s0 =	srdreg.scid  }
0x2: {  	s1 =	sshll.u32 s0, $0x4  }
0x3: {  	s0 =	stileid.u32;
	s1 =	sand.u32 $0x10, s1  }
0x4: {  	s1 =	sor.u32 s0, s1  }
0x5: {  	s6 =	rddreg [dreg:$0x0];
	s4 =	simm.s32 $0x1;
	s2 =	sshll.u32 s1, $0x7  }
0x6: {  	s7 =	simm.s32 $0x2;
	s12 =	simm.s32 $0x0;
	s1 =	ssub.s32 $0x1000, s2  }
0x7: {  	s8 =	simm.s32 $0x8000;
	s13 =	simm.s32 $0x0;
	s3 =	sand.u32 $0xF80, s1  }
0x8: {  	s9 =	simm.s32 $0x0;
	s5 =	sshrl.u32 s1, $0xC;
	p0 =	sne.s32 s3, $0x0  }
.Ltmp0:
0x9: {  	s1 =	rddreg [dreg:$0x2];
	s4 =	simm.s32 @!p0 $0x0;
	(pc) =	sbr.rel .LBB1_1-.Ltmp0, $4  }
0xa: {  	s11 =	simm.s32 $0x0;
	s3 =	rddreg [dreg:$0x1];
	s5 =	sadd.s32 s4, s5  }
0xb: {  	_ =	strace $0x8000004A;
	s4 =	simm.s32 $0x1;
	s5 =	smul.u32 $0x32, s5  }
0xc: {  	s6 =	sadd.s32 $0xCA600, s6;
	s10 =	smov.u32 s2;
	[sflag:s4] =	ssyncpa.u1 $0x0  }
0xd: {  	p0 =	por $0x0, $0x0;
	[sflag:s7] =	ssyncpa.u1 $0x0;
	s7 =	sor.u32 $0x1, s5  }
.LBB1_4:
0xe: {  	s16 =	sshll.u32 s13, $0x3;
	s17 =	sand.u32 $0x78, s13  }
0xf: {  	s30 =	sand.u32 $0x7E00, s13;
	s12 =	sshll.u32 s12, $0xF;
	s16 =	sand.u32 $0xC00, s16  }
0x10: {  	[tilespmem:s15+$0x810 ss:$0x81] =	vst.msk $0xffff, v2;
	s31 =	sand.u32 $0x7, s13;
	s16 =	sor.u32 s17, s16;
	s17 =	sadd.s32 s3, s30  }
0x11: {  	[tilespmem:s15+$0x1020 ss:$0x81] =	vst.msk $0xffff, v0;
	s13 =	sshll.u32 s31, $0x12;
	s12 =	sadd.s32 s12, s17;
	s16 =	sshrl.u32 s16, $0x3  }
0x12: {  	[tilespmem:s15+$0x0 ss:$0x81] =	vst.msk $0xffff, v1;
	s13 =	sor.u32 $0x400, s13;
	s12 =	sadd.s32 s16, s12  }
0x13: {  	[hbm4b:s12+s13] =	stream.strided.scatter [tilespmem:s14], [sflag:$0x2], $0x2000, s8, s13, $0x20;
	[tilespmem:$0x8080] =	vst v63  }
.LBB1_5:
0x14: {  	s14 =	sadd.s32 $0x1, s9  }
0x15: {  	s12 =	sadd.s32 $0x1000, s10;
	s16 =	smov.u32 s10;
	p2 =	sgt.s32 s14, $0x31  }
0x16: {  	s16 =	smov.u32 @p2 s12  }
0x17: {  	s14 =	simm.s32 @p2 $0x0;
	p2 =	sgt.s32 s16, $0xFFF  }
0x18: {  	s16 =	smov.u32 @p2 s2;
	p2 =	sne.s32 s11, s7  }
.Ltmp1:
0x19: {  	p1 =	slt.u32 s11, $0x2;
	(pc) =	sbr.rel @!p2 .LBB1_6-.Ltmp1, $4  }
0x1a: {  	s15 =	simm.s32 @!p1 $0x2  }
0x1b: {  	s13 =	smov.u32 s10;
	p0 =	por !p0, !p0;
	_ =	swait.ge @!p1 [sflag:s15], $0x2000  }
0x1c: {  	s12 =	smov.u32 s9;
	[sflag:s15] =	ssyncset.done @!p1 $0x0;
	s9 =	smov.u32 s14  }
0x1d: {  	s11 =	sadd.s32 $0x1, s11;
	[sflag:s15] =	ssyncadd.s32 @!p1 $0xFFFFE000;
	s10 =	smov.u32 s16  }
.LBB1_1:
0x1e: {  	p1 =	sge.u32 s11, s5  }
0x1f: {  	s14 =	sand.u32 @!p1 $0x1FFFFFF, s9  }
0x20: {  	s15 =	smulhi.u32 @!p1 $0x4924925, s14;
	_ =	sdelay $0x1  }
0x21: {  	s15 =	smul.u32 @!p1 $0x38, s15  }
0x22: {  	s16 =	sxor.u32 @!p1 $0xFFFFFFFF, s11;
	s17 =	smul.u32 @!p1 $0x380, s10  }
0x23: {  	s31 =	sadd.s32 $0xFFFFFFFF, s11;
	s16 =	sshll.u32 @!p1 s16, $0xD;
	s14 =	ssub.s32 @!p1 s14, s15  }
0x24: {  	s15 =	sand.u32 @!p1 $0x2000, s16;
	s16 =	sadd.s32 @!p1 s6, s17;
	s14 =	sshll.u32 @!p1 s14, $0x4  }
0x25: {  	s17 =	simm.s32 @!p1 $0x1C00;
	s14 =	sadd.s32 @!p1 s14, s16;
	s16 =	simm.s32 @!p1 $0x40  }
0x26: {  	[tilespmem:s15], [sflag:$0x1] =	stream.strided.gather @!p1 [hbm4b:s14+s16], $0x2000, s17, s16, $0x38;
	[tilespmem:$0x8080] =	vst v63  }
0x27: {  	p1 =	sge.u32 s31, s5  }
.Ltmp2:
0x28: {  	_ = 	snop;
	(pc) =	sbr.rel @p1 .LBB1_5-.Ltmp2, $1  }
0x29: {  	_ =	sdelay $0x3  }
0x2a: {  	s14 =	simm.s32 $0x1  }
0x2b: {  	_ =	swait.ge [sflag:s4], $0x2000;
	s14 =	simm.s32 @!p0 $0x0  }
0x2c: {  	[sflag:s4] =	ssyncset.done $0x0;
	s15 =	sshll.u32 s14, $0xD  }
0x2d: {  	[sflag:s4] =	ssyncadd.s32 $0xFFFFE000;
	s18 =	sor.u32 $0x20, s15  }
0x2e: {  	s14 =	smul.u32 $0x8100, s14;
	v3 =	vld [tilespmem:s18+$0x10]  }
0x2f: {  	s30 =	sand.u32 $0x1, s11;
	v2 =	vld [tilespmem:s18+$0xFFFFFFF0]  }
0x30: {  	s15 =	smul.u32 $0x8100, s30;
	s14 =	sshrl.u32 s14, $0x2;
	v0 =	vld [tilespmem:s18+$0x0]  }
0x31: {  	v1 =	vld [tilespmem:s18+$0xFFFFFFE0];
	s16 =	sor.u32 $0x4000, s14  }
0x32: {  	s31 =	sshrl.u32 s15, $0x2;
	s15 =	sadd.s32 $0x0, s16  }
0x33: {  	s17 =	simm.s32 $0x4;
	s18 =	sadd.s32 $0x40, s18;
	s14 =	sor.u32 $0x4000, s31;
	[tilespmem:s15+$0x1830 ss:$0x81] =	vst.msk $0xffff, v3  }
.LBB1_3:
0x34: {  	v3 =	vld [tilespmem:s18+$0x10];
	p1 =	sne.s32 s17, $0x1FC;
	[tilespmem:s15+$0x810 ss:$0x81] =	vst.msk $0xffff, v2;
	s19 =	smov.u32 s17;
	s17 =	sadd.s32 $0x4, s17  }
.Ltmp3:
0x35: {  	v2 =	vld [tilespmem:s18+$0xFFFFFFF0];
	[tilespmem:s15+$0x1020 ss:$0x81] =	vst.msk $0xffff, v0;
	(pc) =	sbr.rel @p1 .LBB1_3-.Ltmp3, $4  }
0x36: {  	v0 =	vld [tilespmem:s18+$0x0];
	[tilespmem:s15+$0x0 ss:$0x81] =	vst.msk $0xffff, v1  }
0x37: {  	s15 =	sshra.s32 s19, $0x2;
	v1 =	vld [tilespmem:s18+$0xFFFFFFE0]  }
0x38: {  	s15 =	sadd.s32 s15, s16  }
0x39: {  	s18 =	sadd.s32 $0x40, s18;
	[tilespmem:s15+$0x1830 ss:$0x81] =	vst.msk $0xffff, v3  }
.Ltmp4:
0x3a: {  	_ = 	snop;
	(pc) =	sbr.rel .LBB1_4-.Ltmp4, $1  }
0x3b: {  	_ =	sdelay $0x3  }
.LBB1_6:
0x3c: {  	_ =	sfence.sel $0x180000  }
0x3d: {  	s2 =	simm.s32 $0x1;
	[bflag:$0x0] =	sbarrier.arrive $0xFFFF  }
0x3e: {  	s31 =	simm.s32 $0x2;
	[sflag:s2] =	ssyncpa.u1 $0x1  }
0x3f: {  	[sflag:s31] =	ssyncpa.u1 $0x1  }
0x40: {  	p0 =	sne.s32 s0, $0x0;
	_ =	strace $0x9000004A  }
0x41: {  	s0 =	sadd.s32 @!p0 $0x100000, s1;
	[bflag:$0x2] =	sbarrier.arrive $0xFFFF  }
0x42: {  	[sflag:s0] =	ssyncadd.tile.s32 @!p0 $0x1;
	_ =	shalt  }
.Lfunc_end1:
_tile_overlayer_lowered:
.L_overlay_start_2:
0x43: {  	(tag) =	ssettag $0x2  }
0x44: {  	s0 =	rddreg [dreg:$0x0];
	s2 =	stileid.u32  }
0x45: {  	s1 =	rddreg [dreg:$0x1];
	p0 =	sne.s32 s2, $0x0  }
0x46: {  	s3 =	rddreg [dreg:$0x2];
	[bflag:$0x3] =	sbarrier.arrive $0xFFFF;
	s2 =	simm.s32 @!p0 $0x1C01  }
0x47: {  	[timem:s3], [sflag:s2] =	dma.local @!p0 [hbm:s0], s1  }
0x48: {  	s0 =	simm.s32 @!p0 $0x1  }
0x49: {  	_ =	swait.ge @!p0 [sflag:s0], s1  }
0x4a: {  	s1 =	ssub.s32 @!p0 $0x0, s1;
	[sflag:s0] =	ssyncset.done @!p0 $0x0  }
0x4b: {  	[sflag:s0] =	ssyncadd.s32 @!p0 s1  }
0x4c: {  	[bflag:$0x3] =	sbarrier.arrive $0xFFFF  }
0x4d: {  	_ =	shalt  }

</sc_bundles>
